<compile_context>
chip_gen: v7x
topology: tpu7x:2x2x1
jax: 0.10.2.dev20260603
libtpu: 0.0.44.dev20260713+nightly
codegen_flags: <defaults>
</compile_context>

<pallas_src>
import functools

import jax
import jax.numpy as jnp
from jax import lax
from jax.experimental import pallas as pl
from jax.experimental.pallas import tpu as pltpu
from jax.experimental.pallas import tpu_sc as plsc

N = 10000
E = 320000
D = 128

NC = 2
NS = 16
NW = NC * NS

N_PAD = 10240
ROWS_PER_TILE = N_PAD // NS
E_PAD = 327680
EROWS = E_PAD // 128
EROWS_PER_TILE = EROWS // NW
CHUNK_ROWS = 2
NCHUNK = EROWS_PER_TILE // CHUNK_ROWS
IDXBLK = 16
R0_ROWS = 144
R1_ROWS = 16

_mesh = plsc.VectorSubcoreMesh(core_axis_name="c", subcore_axis_name="s")


def _fill_rows(ref, nrows, ncols, value):
    lanes = 32 if ref.dtype == jnp.bfloat16 else 16

    @pl.loop(0, nrows)
    def _(i):
        for j in range(ncols // lanes):
            ref[i, pl.ds(j * lanes, lanes)] = jnp.full((lanes,), value, ref.dtype)


@functools.partial(
    pl.kernel,
    out_type=jax.ShapeDtypeStruct((NC, N_PAD, D), jnp.float32),
    mesh=_mesh,
    scratch_types=[
        pltpu.VMEM_SHARED((N_PAD, D), jnp.float32),
        pltpu.VMEM((CHUNK_ROWS * 128, D), jnp.float32),
        pltpu.VMEM((IDXBLK, 128), jnp.int32),
        pltpu.VMEM((IDXBLK, 128), jnp.int32),
        pltpu.SemaphoreType.DMA,
        pltpu.SemaphoreType.DMA,
    ],
)
def _deg_kernel(dst_hbm, out_hbm, acc, rows, didx0, didx1, sem0, sem1):
    cid = lax.axis_index("c")
    sid = lax.axis_index("s")
    wid = sid * NC + cid

    _fill_rows(rows, CHUNK_ROWS * 128, D, 0.0)
    base = sid * ROWS_PER_TILE
    zrows = CHUNK_ROWS * 128
    for t in range(ROWS_PER_TILE // zrows):
        pltpu.sync_copy(rows, acc.at[pl.ds(base + t * zrows, zrows)])
    rem = ROWS_PER_TILE % zrows
    if rem:
        pltpu.sync_copy(
            rows.at[pl.ds(0, rem)],
            acc.at[pl.ds(base + (ROWS_PER_TILE // zrows) * zrows, rem)],
        )
    _fill_rows(rows, 128, D, 1.0)
    plsc.subcore_barrier()

    ebase = wid * EROWS_PER_TILE
    ones = rows.at[pl.ds(0, 128)]
    didxs = (didx0, didx1)
    sems = (sem0, sem1)

    @pl.loop(0, EROWS_PER_TILE // IDXBLK)
    def _(b):
        p = lax.rem(b, 2)

        @pl.when(p == 0)
        def _():
            pltpu.sync_copy(dst_hbm.at[pl.ds(ebase + b * IDXBLK, IDXBLK)], didx0)
            sds = [pltpu.async_copy(ones, acc.at[didx0.at[j]], sem0, add=True)
                   for j in range(IDXBLK)]
            for sdj in sds:
                sdj.wait()

        @pl.when(p == 1)
        def _():
            pltpu.sync_copy(dst_hbm.at[pl.ds(ebase + b * IDXBLK, IDXBLK)], didx1)
            sds = [pltpu.async_copy(ones, acc.at[didx1.at[j]], sem1, add=True)
                   for j in range(IDXBLK)]
            for sdj in sds:
                sdj.wait()

    plsc.subcore_barrier()
    pltpu.sync_copy(
        acc.at[pl.ds(sid * ROWS_PER_TILE, ROWS_PER_TILE)],
        out_hbm.at[cid, pl.ds(sid * ROWS_PER_TILE, ROWS_PER_TILE)],
    )


def _agg_body(u_hbm, src_hbm, dst_hbm, out_hbm, acc, rows0, rows1,
              sidx, didx, g0, g1, s0, s1):
    cid = lax.axis_index("c")
    sid = lax.axis_index("s")
    wid = sid * NC + cid

    bufs = (rows0, rows1)
    gsems = (g0, g1)
    ssems = (s0, s1)

    _fill_rows(rows0, 128, rows0.shape[1], 0.0)
    base = sid * ROWS_PER_TILE
    for t in range(ROWS_PER_TILE // 128):
        pltpu.sync_copy(rows0, acc.at[pl.ds(base + t * 128, 128)])
    plsc.subcore_barrier()

    r_mine = jnp.where(cid == 0, R0_ROWS, R1_ROWS)
    ebase = jnp.where(
        cid == 0, sid * R0_ROWS, NS * R0_ROWS + sid * R1_ROWS
    )
    nblk = r_mine // IDXBLK

    @pl.loop(0, nblk)
    def _(b):
        rbase = ebase + b * IDXBLK
        pltpu.sync_copy(src_hbm.at[pl.ds(rbase, IDXBLK)], sidx)
        pltpu.sync_copy(dst_hbm.at[pl.ds(rbase, IDXBLK)], didx)
        gd = [None, None]
        sd = [None, None]
        gd[0] = pltpu.async_copy(u_hbm.at[sidx.at[0]], bufs[0], gsems[0])
        for j in range(IDXBLK):
            p = j % 2
            q = (j + 1) % 2
            gd[p].wait()
            if j + 1 < IDXBLK:
                if sd[q] is not None:
                    sd[q].wait()
                gd[q] = pltpu.async_copy(
                    u_hbm.at[sidx.at[j + 1]], bufs[q], gsems[q]
                )
            sd[p] = pltpu.async_copy(
                bufs[p], acc.at[didx.at[j]], ssems[p], add=True
            )
        sd[0].wait()
        sd[1].wait()

    plsc.subcore_barrier()
    pltpu.sync_copy(
        acc.at[pl.ds(sid * ROWS_PER_TILE, ROWS_PER_TILE)],
        out_hbm.at[cid, pl.ds(sid * ROWS_PER_TILE, ROWS_PER_TILE)],
    )


def _make_agg(dtype, width):
    return pl.kernel(
        _agg_body,
        out_type=jax.ShapeDtypeStruct((NC, N_PAD, width), dtype),
        mesh=_mesh,
        scratch_types=[
            pltpu.VMEM_SHARED((N_PAD, width), dtype),
            pltpu.VMEM((128, width), dtype),
            pltpu.VMEM((128, width), dtype),
            pltpu.VMEM((IDXBLK, 128), jnp.int32),
            pltpu.VMEM((IDXBLK, 128), jnp.int32),
            pltpu.SemaphoreType.DMA,
            pltpu.SemaphoreType.DMA,
            pltpu.SemaphoreType.DMA,
            pltpu.SemaphoreType.DMA,
        ],
    )


_agg_kernel = _make_agg(jnp.float32, D)


_BLK = 1024
_GRID = N_PAD // _BLK

_row_spec = pl.BlockSpec((_BLK, D), lambda i: (i, 0))
_col_spec = pl.BlockSpec((_BLK, 1), lambda i: (i, 0))
_mat_spec = pl.BlockSpec((D, D), lambda i: (0, 0))
_bias_spec = pl.BlockSpec((1, D), lambda i: (0, 0))


def _matmul_body(x_ref, w_ref, h_ref):
    h_ref[...] = jnp.dot(x_ref[...], w_ref[...],
                         preferred_element_type=jnp.float32)


_matmul = pl.pallas_call(
    _matmul_body,
    grid=(_GRID,),
    in_specs=[_row_spec, _mat_spec],
    out_specs=_row_spec,
    out_shape=jax.ShapeDtypeStruct((N_PAD, D), jnp.float32),
)


def _scale_body(h_ref, dp0_ref, dp1_ref, u_ref, dinv_ref):
    deg = jnp.maximum(dp0_ref[...] + dp1_ref[...] + 1.0, 1.0)
    dv = lax.rsqrt(deg)
    dinv_ref[...] = dv
    u_ref[...] = h_ref[...] * dv


_scale = pl.pallas_call(
    _scale_body,
    grid=(_GRID,),
    in_specs=[_row_spec, _col_spec, _col_spec],
    out_specs=[_row_spec, _col_spec],
    out_shape=[
        jax.ShapeDtypeStruct((N_PAD, D), jnp.float32),
        jax.ShapeDtypeStruct((N_PAD, 1), jnp.float32),
    ],
)


def _mid_body(a0_ref, a1_ref, u_ref, dv_ref, b_ref, w_ref, out_ref):
    dv = dv_ref[...]
    t = (a0_ref[...] + a1_ref[...] + u_ref[...]) * dv + b_ref[...]
    z = jnp.maximum(t, 0.0)
    out_ref[...] = jnp.dot(z, w_ref[...], preferred_element_type=jnp.float32) * dv


_mid = pl.pallas_call(
    _mid_body,
    grid=(_GRID,),
    in_specs=[_row_spec, _row_spec, _row_spec, _col_spec, _bias_spec, _mat_spec],
    out_specs=_row_spec,
    out_shape=jax.ShapeDtypeStruct((N_PAD, D), jnp.float32),
)


def _final_body(a0_ref, a1_ref, u_ref, dv_ref, b_ref, out_ref):
    t = (a0_ref[...] + a1_ref[...] + u_ref[...]) * dv_ref[...] + b_ref[...]
    out_ref[...] = jnp.maximum(t, 0.0)


_final = pl.pallas_call(
    _final_body,
    grid=(_GRID,),
    in_specs=[_row_spec, _row_spec, _row_spec, _col_spec, _bias_spec],
    out_specs=_row_spec,
    out_shape=jax.ShapeDtypeStruct((N_PAD, D), jnp.float32),
)


def kernel(x, edge_index, W0, b0, W1, b1):
    ei = jnp.concatenate(
        [edge_index, jnp.full((2, E_PAD - E), N, edge_index.dtype)], axis=1
    ).astype(jnp.int32)
    src2d = ei[0].reshape(EROWS, 128)
    dst2d = ei[1].reshape(EROWS, 128)
    x_pad = jnp.pad(x, ((0, N_PAD - N), (0, 0)))

    deg16 = _deg_kernel(dst2d)
    dp0 = deg16[0, :, 0:1]
    dp1 = deg16[1, :, 0:1]

    h0 = _matmul(x_pad, W0)
    u0, dinv = _scale(h0, dp0, dp1)
    agg0 = _agg_kernel(u0, src2d, dst2d)
    u1 = _mid(agg0[0], agg0[1], u0, dinv, b0.reshape(1, D), W1)
    agg1 = _agg_kernel(u1, src2d, dst2d)
    out = _final(agg1[0], agg1[1], u1, dinv, b1.reshape(1, D))
    return out[:N]

# --- scband reference (transcript-rebuilt; emitter-appended) ---
"""Pipeline reference for scband-grace-gconv-68539088109701 (READ-ONLY COPY).

The authoritative reference and input builder live on the scoring server;
editing this copy changes nothing except your own understanding.
"""

import jax, jax.numpy as jnp
import numpy as np

NUM_NODES = 10000
NUM_EDGES = 320000
IN_DIM = 128
HID_DIM = 128


def glorot(key, shape):
    fan_in, fan_out = shape[0], shape[1]
    limit = jnp.sqrt(6.0 / (fan_in + fan_out))
    return jax.random.uniform(key, shape, jnp.float32, -limit, limit)


def setup_inputs(seed: int = 0) -> dict:
    key = jax.random.key(seed)
    k_x, k_ei, k_w0, k_w1 = jax.random.split(key, 4)
    x = jax.random.normal(k_x, (NUM_NODES, IN_DIM), dtype=jnp.float32)
    edge_index = jax.random.randint(k_ei, (2, NUM_EDGES), 0, NUM_NODES, dtype=jnp.int64 if jax.config.jax_enable_x64 else jnp.int32).astype(jnp.int32)
    W0 = glorot(k_w0, (IN_DIM, HID_DIM))
    b0 = jnp.zeros((HID_DIM,), jnp.float32)
    W1 = glorot(k_w1, (HID_DIM, HID_DIM))
    b1 = jnp.zeros((HID_DIM,), jnp.float32)
    return {"x": x, "edge_index": edge_index, "W0": W0, "b0": b0, "W1": W1, "b1": b1}


def gcn_conv(x, src, dst, W, b, num_nodes):
    # PyG GCNConv: add self-loops, symmetric normalization, linear, scatter-add, bias
    loop = jnp.arange(num_nodes, dtype=src.dtype)
    src2 = jnp.concatenate([src, loop])
    dst2 = jnp.concatenate([dst, loop])
    ones = jnp.ones(src2.shape[0], dtype=x.dtype)
    deg = jnp.zeros((num_nodes,), x.dtype).at[dst2].add(ones)
    dinv = jnp.where(deg > 0, jax.lax.rsqrt(jnp.where(deg > 0, deg, 1.0)), 0.0)
    norm = dinv[src2] * dinv[dst2]
    h = x @ W
    msg = jnp.take(h, src2, axis=0) * norm[:, None]
    out = jnp.zeros((num_nodes, W.shape[1]), x.dtype).at[dst2].add(msg)
    return out + b


def reference(x, edge_index, W0, b0, W1, b1):
    src = edge_index[0]
    dst = edge_index[1]
    z = gcn_conv(x, src, dst, W0, b0, NUM_NODES)
    z = jax.nn.relu(z)
    z = gcn_conv(z, src, dst, W1, b1, NUM_NODES)
    z = jax.nn.relu(z)
    return z

if __name__ == "__main__":
    import jax
    _d = setup_inputs()
    print(jax.jit(kernel)(*tuple(_d.values())))

</pallas_src>

<mosaic_0001>
#map = affine_map<(d0, d1) -> (0, 0)>
#map1 = affine_map<(d0, d1) -> (0, 0, 0)>
module attributes {stable_mosaic.version = 14 : i64} {
  func.func @_agg_body(%arg0: i32, %arg1: i32, %arg2: memref<10240x128xf32, #tpu.memory_space<hbm>>, %arg3: memref<2560x128xi32, #tpu.memory_space<hbm>>, %arg4: memref<2560x128xi32, #tpu.memory_space<hbm>>, %arg5: memref<2x10240x128xf32, #tpu.memory_space<hbm>>, %arg6: memref<10240x128xf32, #tpu.memory_space<vmem_shared>>, %arg7: memref<128x128xf32, #tpu.memory_space<vmem>>, %arg8: memref<128x128xf32, #tpu.memory_space<vmem>>, %arg9: memref<16x128xi32, #tpu.memory_space<vmem>>, %arg10: memref<16x128xi32, #tpu.memory_space<vmem>>, %arg11: memref<!tpu.dma_semaphore, #tpu.memory_space<semaphore_mem>>, %arg12: memref<!tpu.dma_semaphore, #tpu.memory_space<semaphore_mem>>, %arg13: memref<!tpu.dma_semaphore, #tpu.memory_space<semaphore_mem>>, %arg14: memref<!tpu.dma_semaphore, #tpu.memory_space<semaphore_mem>>) attributes {dimension_semantics = [#tpu.dimension_semantics<core_parallel>, #tpu.dimension_semantics<subcore_parallel>], iteration_bounds = array<i64: 2, 16>, scalar_prefetch = 0 : i64, scratch_operands = 9 : i64, tpu.core_type = #tpu.core_type<sc_vector_subcore>, window_params = [{transform_indices = #map}, {transform_indices = #map}, {transform_indices = #map}, {transform_indices = #map1}]} {
    %mul3A = arith.constant 2 : i32
    %mul3A_0 = arith.muli %arg1, %mul3A : i32
    %add3A = arith.addi %mul3A_0, %arg0 : i32
    %scan3A = arith.constant 0 : i32
    %scan3A_1 = arith.constant 128 : i32
    %scan3A_2 = arith.addi %scan3A, %scan3A_1 : i32
    %scan3A_3 = arith.constant 1 : i32
    scf.for %scan3A_69 = %scan3A to %scan3A_2 step %scan3A_3  : i32 {
      %mul3A_70 = arith.constant 1 : i32
      %mul3A_71 = arith.muli %scan3A_69, %mul3A_70 : i32
      %add3A_72 = arith.constant 0 : i32
      %add3A_73 = arith.addi %add3A_72, %mul3A_71 : i32
      %broadcast_in_dim3A = arith.constant 0.000000e+00 : f32
      %broadcast_in_dim3A_74 = vector.broadcast %broadcast_in_dim3A : f32 to vector<16xf32>
      %swap3A = arith.index_cast %add3A_73 : i32 to index
      %swap3A_75 = arith.constant 0 : index
      %swap3A_76 = tpu.vector_load %arg7[%swap3A, %swap3A_75] {strides = array<i32>} : memref<128x128xf32, #tpu.memory_space<vmem>>, vector<1x16xf32>,
      %swap3A_77 = vector.shape_cast %swap3A_76 : vector<1x16xf32> to vector<16xf32>
      %swap3A_78 = vector.shape_cast %broadcast_in_dim3A_74 : vector<16xf32> to vector<1x16xf32>
      tpu.vector_store %arg7[%swap3A, %swap3A_75], %swap3A_78 {strides = array<i32>} : memref<128x128xf32, #tpu.memory_space<vmem>>, vector<1x16xf32>,
      %broadcast_in_dim3A_79 = arith.constant 0.000000e+00 : f32
      %broadcast_in_dim3A_80 = vector.broadcast %broadcast_in_dim3A_79 : f32 to vector<16xf32>
      %swap3A_81 = arith.index_cast %add3A_73 : i32 to index
      %swap3A_82 = arith.constant 16 : index
      %swap3A_83 = tpu.vector_load %arg7[%swap3A_81, %swap3A_82] {strides = array<i32>} : memref<128x128xf32, #tpu.memory_space<vmem>>, vector<1x16xf32>,
      %swap3A_84 = vector.shape_cast %swap3A_83 : vector<1x16xf32> to vector<16xf32>
      %swap3A_85 = vector.shape_cast %broadcast_in_dim3A_80 : vector<16xf32> to vector<1x16xf32>
      tpu.vector_store %arg7[%swap3A_81, %swap3A_82], %swap3A_85 {strides = array<i32>} : memref<128x128xf32, #tpu.memory_space<vmem>>, vector<1x16xf32>,
      %broadcast_in_dim3A_86 = arith.constant 0.000000e+00 : f32
      %broadcast_in_dim3A_87 = vector.broadcast %broadcast_in_dim3A_86 : f32 to vector<16xf32>
      %swap3A_88 = arith.index_cast %add3A_73 : i32 to index
      %swap3A_89 = arith.constant 32 : index
      %swap3A_90 = tpu.vector_load %arg7[%swap3A_88, %swap3A_89] {strides = array<i32>} : memref<128x128xf32, #tpu.memory_space<vmem>>, vector<1x16xf32>,
      %swap3A_91 = vector.shape_cast %swap3A_90 : vector<1x16xf32> to vector<16xf32>
      %swap3A_92 = vector.shape_cast %broadcast_in_dim3A_87 : vector<16xf32> to vector<1x16xf32>
      tpu.vector_store %arg7[%swap3A_88, %swap3A_89], %swap3A_92 {strides = array<i32>} : memref<128x128xf32, #tpu.memory_space<vmem>>, vector<1x16xf32>,
      %broadcast_in_dim3A_93 = arith.constant 0.000000e+00 : f32
      %broadcast_in_dim3A_94 = vector.broadcast %broadcast_in_dim3A_93 : f32 to vector<16xf32>
      %swap3A_95 = arith.index_cast %add3A_73 : i32 to index
      %swap3A_96 = arith.constant 48 : index
      %swap3A_97 = tpu.vector_load %arg7[%swap3A_95, %swap3A_96] {strides = array<i32>} : memref<128x128xf32, #tpu.memory_space<vmem>>, vector<1x16xf32>,
      %swap3A_98 = vector.shape_cast %swap3A_97 : vector<1x16xf32> to vector<16xf32>
      %swap3A_99 = vector.shape_cast %broadcast_in_dim3A_94 : vector<16xf32> to vector<1x16xf32>
      tpu.vector_store %arg7[%swap3A_95, %swap3A_96], %swap3A_99 {strides = array<i32>} : memref<128x128xf32, #tpu.memory_space<vmem>>, vector<1x16xf32>,
      %broadcast_in_dim3A_100 = arith.constant 0.000000e+00 : f32
      %broadcast_in_dim3A_101 = vector.broadcast %broadcast_in_dim3A_100 : f32 to vector<16xf32>
      %swap3A_102 = arith.index_cast %add3A_73 : i32 to index
      %swap3A_103 = arith.constant 64 : index
      %swap3A_104 = tpu.vector_load %arg7[%swap3A_102, %swap3A_103] {strides = array<i32>} : memref<128x128xf32, #tpu.memory_space<vmem>>, vector<1x16xf32>,
      %swap3A_105 = vector.shape_cast %swap3A_104 : vector<1x16xf32> to vector<16xf32>
      %swap3A_106 = vector.shape_cast %broadcast_in_dim3A_101 : vector<16xf32> to vector<1x16xf32>
      tpu.vector_store %arg7[%swap3A_102, %swap3A_103], %swap3A_106 {strides = array<i32>} : memref<128x128xf32, #tpu.memory_space<vmem>>, vector<1x16xf32>,
      %broadcast_in_dim3A_107 = arith.constant 0.000000e+00 : f32
      %broadcast_in_dim3A_108 = vector.broadcast %broadcast_in_dim3A_107 : f32 to vector<16xf32>
      %swap3A_109 = arith.index_cast %add3A_73 : i32 to index
      %swap3A_110 = arith.constant 80 : index
      %swap3A_111 = tpu.vector_load %arg7[%swap3A_109, %swap3A_110] {strides = array<i32>} : memref<128x128xf32, #tpu.memory_space<vmem>>, vector<1x16xf32>,
      %swap3A_112 = vector.shape_cast %swap3A_111 : vector<1x16xf32> to vector<16xf32>
      %swap3A_113 = vector.shape_cast %broadcast_in_dim3A_108 : vector<16xf32> to vector<1x16xf32>
      tpu.vector_store %arg7[%swap3A_109, %swap3A_110], %swap3A_113 {strides = array<i32>} : memref<128x128xf32, #tpu.memory_space<vmem>>, vector<1x16xf32>,
      %broadcast_in_dim3A_114 = arith.constant 0.000000e+00 : f32
      %broadcast_in_dim3A_115 = vector.broadcast %broadcast_in_dim3A_114 : f32 to vector<16xf32>
      %swap3A_116 = arith.index_cast %add3A_73 : i32 to index
      %swap3A_117 = arith.constant 96 : index
      %swap3A_118 = tpu.vector_load %arg7[%swap3A_116, %swap3A_117] {strides = array<i32>} : memref<128x128xf32, #tpu.memory_space<vmem>>, vector<1x16xf32>,
      %swap3A_119 = vector.shape_cast %swap3A_118 : vector<1x16xf32> to vector<16xf32>
      %swap3A_120 = vector.shape_cast %broadcast_in_dim3A_115 : vector<16xf32> to vector<1x16xf32>
      tpu.vector_store %arg7[%swap3A_116, %swap3A_117], %swap3A_120 {strides = array<i32>} : memref<128x128xf32, #tpu.memory_space<vmem>>, vector<1x16xf32>,
      %broadcast_in_dim3A_121 = arith.constant 0.000000e+00 : f32
      %broadcast_in_dim3A_122 = vector.broadcast %broadcast_in_dim3A_121 : f32 to vector<16xf32>
      %swap3A_123 = arith.index_cast %add3A_73 : i32 to index
      %swap3A_124 = arith.constant 112 : index
      %swap3A_125 = tpu.vector_load %arg7[%swap3A_123, %swap3A_124] {strides = array<i32>} : memref<128x128xf32, #tpu.memory_space<vmem>>, vector<1x16xf32>,
      %swap3A_126 = vector.shape_cast %swap3A_125 : vector<1x16xf32> to vector<16xf32>
      %swap3A_127 = vector.shape_cast %broadcast_in_dim3A_122 : vector<16xf32> to vector<1x16xf32>
      tpu.vector_store %arg7[%swap3A_123, %swap3A_124], %swap3A_127 {strides = array<i32>} : memref<128x128xf32, #tpu.memory_space<vmem>>, vector<1x16xf32>,
    }
    %scan3A_4 = arith.constant 128 : i32
    %mul3A_5 = arith.constant 640 : i32
    %mul3A_6 = arith.muli %arg1, %mul3A_5 : i32
    %add3A_7 = arith.constant 0 : i32
    %add3A_8 = arith.addi %mul3A_6, %add3A_7 : i32
    "tpu.region"() ({
      %run_scoped3A = tpu.sem_alloc : memref<!tpu.dma_semaphore, #tpu.memory_space<semaphore_mem>>
      %dma_start3A = arith.constant 0 : i32
      %dma_start3A_69 = tpu.memref_slice %arg6[%add3A_8, %dma_start3A] : memref<10240x128xf32, #tpu.memory_space<vmem_shared>> -> memref<128x128xf32, #tpu.memory_space<vmem_shared>>
      %dma_start3A_70 = arith.constant 0 : i32
      %dma_start3A_71 = tpu.memref_slice %arg6[%add3A_8, %dma_start3A_70] : memref<10240x128xf32, #tpu.memory_space<vmem_shared>> -> memref<128x128xf32, #tpu.memory_space<vmem_shared>>
      tpu.enqueue_dma source(%arg7 : memref<128x128xf32, #tpu.memory_space<vmem>>) target(%dma_start3A_71 : memref<128x128xf32, #tpu.memory_space<vmem_shared>>) target_semaphore(%run_scoped3A : memref<!tpu.dma_semaphore, #tpu.memory_space<semaphore_mem>>)
      %dma_wait3A = arith.constant 0 : i32
      %dma_wait3A_72 = tpu.memref_slice %arg6[%add3A_8, %dma_wait3A] : memref<10240x128xf32, #tpu.memory_space<vmem_shared>> -> memref<128x128xf32, #tpu.memory_space<vmem_shared>>
      %dma_wait3A_73 = arith.constant 0 : i32
      %dma_wait3A_74 = tpu.memref_slice %arg6[%add3A_8, %dma_wait3A_73] : memref<10240x128xf32, #tpu.memory_space<vmem_shared>> -> memref<128x128xf32, #tpu.memory_space<vmem_shared>>
      tpu.wait_dma2 semaphore(%run_scoped3A : memref<!tpu.dma_semaphore, #tpu.memory_space<semaphore_mem>>) src(%arg7 : memref<128x128xf32, #tpu.memory_space<vmem>>) dst(%dma_wait3A_74 : memref<128x128xf32, #tpu.memory_space<vmem_shared>>)
      tpu.yield
    }) : () -> ()
    %add3A_9 = arith.constant 128 : i32
    %add3A_10 = arith.addi %mul3A_6, %add3A_9 : i32
    "tpu.region"() ({
      %run_scoped3A = tpu.sem_alloc : memref<!tpu.dma_semaphore, #tpu.memory_space<semaphore_mem>>
      %dma_start3A = arith.constant 0 : i32
      %dma_start3A_69 = tpu.memref_slice %arg6[%add3A_10, %dma_start3A] : memref<10240x128xf32, #tpu.memory_space<vmem_shared>> -> memref<128x128xf32, #tpu.memory_space<vmem_shared>>
      %dma_start3A_70 = arith.constant 0 : i32
      %dma_start3A_71 = tpu.memref_slice %arg6[%add3A_10, %dma_start3A_70] : memref<10240x128xf32, #tpu.memory_space<vmem_shared>> -> memref<128x128xf32, #tpu.memory_space<vmem_shared>>
      tpu.enqueue_dma source(%arg7 : memref<128x128xf32, #tpu.memory_space<vmem>>) target(%dma_start3A_71 : memref<128x128xf32, #tpu.memory_space<vmem_shared>>) target_semaphore(%run_scoped3A : memref<!tpu.dma_semaphore, #tpu.memory_space<semaphore_mem>>)
      %dma_wait3A = arith.constant 0 : i32
      %dma_wait3A_72 = tpu.memref_slice %arg6[%add3A_10, %dma_wait3A] : memref<10240x128xf32, #tpu.memory_space<vmem_shared>> -> memref<128x128xf32, #tpu.memory_space<vmem_shared>>
      %dma_wait3A_73 = arith.constant 0 : i32
      %dma_wait3A_74 = tpu.memref_slice %arg6[%add3A_10, %dma_wait3A_73] : memref<10240x128xf32, #tpu.memory_space<vmem_shared>> -> memref<128x128xf32, #tpu.memory_space<vmem_shared>>
      tpu.wait_dma2 semaphore(%run_scoped3A : memref<!tpu.dma_semaphore, #tpu.memory_space<semaphore_mem>>) src(%arg7 : memref<128x128xf32, #tpu.memory_space<vmem>>) dst(%dma_wait3A_74 : memref<128x128xf32, #tpu.memory_space<vmem_shared>>)
      tpu.yield
    }) : () -> ()
    %add3A_11 = arith.constant 256 : i32
    %add3A_12 = arith.addi %mul3A_6, %add3A_11 : i32
    "tpu.region"() ({
      %run_scoped3A = tpu.sem_alloc : memref<!tpu.dma_semaphore, #tpu.memory_space<semaphore_mem>>
      %dma_start3A = arith.constant 0 : i32
      %dma_start3A_69 = tpu.memref_slice %arg6[%add3A_12, %dma_start3A] : memref<10240x128xf32, #tpu.memory_space<vmem_shared>> -> memref<128x128xf32, #tpu.memory_space<vmem_shared>>
      %dma_start3A_70 = arith.constant 0 : i32
      %dma_start3A_71 = tpu.memref_slice %arg6[%add3A_12, %dma_start3A_70] : memref<10240x128xf32, #tpu.memory_space<vmem_shared>> -> memref<128x128xf32, #tpu.memory_space<vmem_shared>>
      tpu.enqueue_dma source(%arg7 : memref<128x128xf32, #tpu.memory_space<vmem>>) target(%dma_start3A_71 : memref<128x128xf32, #tpu.memory_space<vmem_shared>>) target_semaphore(%run_scoped3A : memref<!tpu.dma_semaphore, #tpu.memory_space<semaphore_mem>>)
      %dma_wait3A = arith.constant 0 : i32
      %dma_wait3A_72 = tpu.memref_slice %arg6[%add3A_12, %dma_wait3A] : memref<10240x128xf32, #tpu.memory_space<vmem_shared>> -> memref<128x128xf32, #tpu.memory_space<vmem_shared>>
      %dma_wait3A_73 = arith.constant 0 : i32
      %dma_wait3A_74 = tpu.memref_slice %arg6[%add3A_12, %dma_wait3A_73] : memref<10240x128xf32, #tpu.memory_space<vmem_shared>> -> memref<128x128xf32, #tpu.memory_space<vmem_shared>>
      tpu.wait_dma2 semaphore(%run_scoped3A : memref<!tpu.dma_semaphore, #tpu.memory_space<semaphore_mem>>) src(%arg7 : memref<128x128xf32, #tpu.memory_space<vmem>>) dst(%dma_wait3A_74 : memref<128x128xf32, #tpu.memory_space<vmem_shared>>)
      tpu.yield
    }) : () -> ()
    %add3A_13 = arith.constant 384 : i32
    %add3A_14 = arith.addi %mul3A_6, %add3A_13 : i32
    "tpu.region"() ({
      %run_scoped3A = tpu.sem_alloc : memref<!tpu.dma_semaphore, #tpu.memory_space<semaphore_mem>>
      %dma_start3A = arith.constant 0 : i32
      %dma_start3A_69 = tpu.memref_slice %arg6[%add3A_14, %dma_start3A] : memref<10240x128xf32, #tpu.memory_space<vmem_shared>> -> memref<128x128xf32, #tpu.memory_space<vmem_shared>>
      %dma_start3A_70 = arith.constant 0 : i32
      %dma_start3A_71 = tpu.memref_slice %arg6[%add3A_14, %dma_start3A_70] : memref<10240x128xf32, #tpu.memory_space<vmem_shared>> -> memref<128x128xf32, #tpu.memory_space<vmem_shared>>
      tpu.enqueue_dma source(%arg7 : memref<128x128xf32, #tpu.memory_space<vmem>>) target(%dma_start3A_71 : memref<128x128xf32, #tpu.memory_space<vmem_shared>>) target_semaphore(%run_scoped3A : memref<!tpu.dma_semaphore, #tpu.memory_space<semaphore_mem>>)
      %dma_wait3A = arith.constant 0 : i32
      %dma_wait3A_72 = tpu.memref_slice %arg6[%add3A_14, %dma_wait3A] : memref<10240x128xf32, #tpu.memory_space<vmem_shared>> -> memref<128x128xf32, #tpu.memory_space<vmem_shared>>
      %dma_wait3A_73 = arith.constant 0 : i32
      %dma_wait3A_74 = tpu.memref_slice %arg6[%add3A_14, %dma_wait3A_73] : memref<10240x128xf32, #tpu.memory_space<vmem_shared>> -> memref<128x128xf32, #tpu.memory_space<vmem_shared>>
      tpu.wait_dma2 semaphore(%run_scoped3A : memref<!tpu.dma_semaphore, #tpu.memory_space<semaphore_mem>>) src(%arg7 : memref<128x128xf32, #tpu.memory_space<vmem>>) dst(%dma_wait3A_74 : memref<128x128xf32, #tpu.memory_space<vmem_shared>>)
      tpu.yield
    }) : () -> ()
    %add3A_15 = arith.constant 512 : i32
    %add3A_16 = arith.addi %mul3A_6, %add3A_15 : i32
    "tpu.region"() ({
      %run_scoped3A = tpu.sem_alloc : memref<!tpu.dma_semaphore, #tpu.memory_space<semaphore_mem>>
      %dma_start3A = arith.constant 0 : i32
      %dma_start3A_69 = tpu.memref_slice %arg6[%add3A_16, %dma_start3A] : memref<10240x128xf32, #tpu.memory_space<vmem_shared>> -> memref<128x128xf32, #tpu.memory_space<vmem_shared>>
      %dma_start3A_70 = arith.constant 0 : i32
      %dma_start3A_71 = tpu.memref_slice %arg6[%add3A_16, %dma_start3A_70] : memref<10240x128xf32, #tpu.memory_space<vmem_shared>> -> memref<128x128xf32, #tpu.memory_space<vmem_shared>>
      tpu.enqueue_dma source(%arg7 : memref<128x128xf32, #tpu.memory_space<vmem>>) target(%dma_start3A_71 : memref<128x128xf32, #tpu.memory_space<vmem_shared>>) target_semaphore(%run_scoped3A : memref<!tpu.dma_semaphore, #tpu.memory_space<semaphore_mem>>)
      %dma_wait3A = arith.constant 0 : i32
      %dma_wait3A_72 = tpu.memref_slice %arg6[%add3A_16, %dma_wait3A] : memref<10240x128xf32, #tpu.memory_space<vmem_shared>> -> memref<128x128xf32, #tpu.memory_space<vmem_shared>>
      %dma_wait3A_73 = arith.constant 0 : i32
      %dma_wait3A_74 = tpu.memref_slice %arg6[%add3A_16, %dma_wait3A_73] : memref<10240x128xf32, #tpu.memory_space<vmem_shared>> -> memref<128x128xf32, #tpu.memory_space<vmem_shared>>
      tpu.wait_dma2 semaphore(%run_scoped3A : memref<!tpu.dma_semaphore, #tpu.memory_space<semaphore_mem>>) src(%arg7 : memref<128x128xf32, #tpu.memory_space<vmem>>) dst(%dma_wait3A_74 : memref<128x128xf32, #tpu.memory_space<vmem_shared>>)
      tpu.yield
    }) : () -> ()
    %barrier3A = arith.constant 0 : index
    tpu.barrier barrier_id(%barrier3A)
    %eq3A = arith.constant 0 : i32
    %eq3A_17 = arith.cmpi eq, %arg0, %eq3A : i32
    %jit3A = arith.constant 144 : i32
    %jit3A_18 = arith.constant 16 : i32
    %select_n3A = arith.select %eq3A_17, %jit3A, %jit3A_18 : i32
    %eq3A_19 = arith.constant 0 : i32
    %eq3A_20 = arith.cmpi eq, %arg0, %eq3A_19 : i32
    %mul3A_21 = arith.constant 144 : i32
    %mul3A_22 = arith.muli %arg1, %mul3A_21 : i32
    %mul3A_23 = arith.constant 16 : i32
    %mul3A_24 = arith.muli %arg1, %mul3A_23 : i32
    %add3A_25 = arith.constant 2304 : i32
    %add3A_26 = arith.addi %add3A_25, %mul3A_24 : i32
    %select_n3A_27 = arith.select %eq3A_20, %mul3A_22, %add3A_26 : i32
    %jit3A_28 = arith.constant 16 : i32
    %div3A = arith.divsi %select_n3A, %jit3A_28 : i32
    %sign3A = arith.constant 0 : i32
    %sign3A_29 = arith.cmpi sgt, %select_n3A, %sign3A : i32
    %sign3A_30 = arith.extui %sign3A_29 : i1 to i32
    %sign3A_31 = arith.constant 0 : i32
    %sign3A_32 = arith.cmpi slt, %select_n3A, %sign3A_31 : i32
    %sign3A_33 = arith.extui %sign3A_32 : i1 to i32
    %sign3A_34 = arith.subi %sign3A_30, %sign3A_33 : i32
    %sign3A_35 = arith.constant 0 : i32
    %sign3A_36 = arith.cmpi sgt, %jit3A_28, %sign3A_35 : i32
    %sign3A_37 = arith.extui %sign3A_36 : i1 to i32
    %sign3A_38 = arith.constant 0 : i32
    %sign3A_39 = arith.cmpi slt, %jit3A_28, %sign3A_38 : i32
    %sign3A_40 = arith.extui %sign3A_39 : i1 to i32
    %sign3A_41 = arith.subi %sign3A_37, %sign3A_40 : i32
    %ne3A = arith.cmpi ne, %sign3A_34, %sign3A_41 : i32
    %rem3A = arith.remsi %select_n3A, %jit3A_28 : i32
    %ne3A_42 = arith.constant 0 : i32
    %ne3A_43 = arith.cmpi ne, %rem3A, %ne3A_42 : i32
    %and3A = arith.andi %ne3A, %ne3A_43 : i1
    %sub3A = arith.constant 1 : i32
    %sub3A_44 = arith.subi %div3A, %sub3A : i32
    %select_n3A_45 = arith.select %and3A, %sub3A_44, %div3A : i32
    %sub3A_46 = arith.constant 0 : i32
    %sub3A_47 = arith.subi %select_n3A_45, %sub3A_46 : i32
    %sub3A_48 = arith.constant 1 : i32
    %sub3A_49 = arith.constant 1 : i32
    %sub3A_50 = arith.subi %sub3A_48, %sub3A_49 : i32
    %add3A_51 = arith.addi %sub3A_47, %sub3A_50 : i32
    %div3A_52 = arith.constant 1 : i32
    %div3A_53 = arith.divsi %add3A_51, %div3A_52 : i32
    %while3A = arith.constant 1 : i32
    %while3A_54 = arith.constant 0 : i32
    %while3A_55 = arith.constant 0 : i32
    %while3A_56 = arith.subi %div3A_53, %while3A_55 : i32
    %while3A_57 = arith.addi %while3A_55, %while3A_56 : i32
    %while3A_58 = arith.constant 1 : i32
    %while3A_59 = arith.divsi %while3A_56, %while3A_58 : i32
    %while3A_60 = arith.muli %while3A_59, %while3A_58 : i32
    %while3A_61 = arith.addi %while3A_55, %while3A_60 : i32
    %while3A_62 = arith.constant 1 : i32
    scf.for %while3A_69 = %while3A_55 to %while3A_61 step %while3A_62  : i32 {
      %mul3A_70 = arith.muli %while3A_69, %while3A : i32
      %add3A_71 = arith.addi %while3A_54, %mul3A_70 : i32
      %mul3A_72 = arith.constant 16 : i32
      %mul3A_73 = arith.muli %add3A_71, %mul3A_72 : i32
      %add3A_74 = arith.addi %select_n3A_27, %mul3A_73 : i32
      "tpu.region"() ({
        %run_scoped3A = tpu.sem_alloc : memref<!tpu.dma_semaphore, #tpu.memory_space<semaphore_mem>>
        %dma_start3A_521 = arith.constant 0 : i32
        %dma_start3A_522 = tpu.memref_slice %arg3[%add3A_74, %dma_start3A_521] : memref<2560x128xi32, #tpu.memory_space<hbm>> -> memref<16x128xi32, #tpu.memory_space<hbm>>
        %dma_start3A_523 = arith.constant 0 : i32
        %dma_start3A_524 = tpu.memref_slice %arg3[%add3A_74, %dma_start3A_523] : memref<2560x128xi32, #tpu.memory_space<hbm>> -> memref<16x128xi32, #tpu.memory_space<hbm>>
        tpu.enqueue_dma source(%dma_start3A_524 : memref<16x128xi32, #tpu.memory_space<hbm>>) target(%arg9 : memref<16x128xi32, #tpu.memory_space<vmem>>) target_semaphore(%run_scoped3A : memref<!tpu.dma_semaphore, #tpu.memory_space<semaphore_mem>>)
        %dma_wait3A_525 = arith.constant 0 : i32
        %dma_wait3A_526 = tpu.memref_slice %arg3[%add3A_74, %dma_wait3A_525] : memref<2560x128xi32, #tpu.memory_space<hbm>> -> memref<16x128xi32, #tpu.memory_space<hbm>>
        %dma_wait3A_527 = arith.constant 0 : i32
        %dma_wait3A_528 = tpu.memref_slice %arg3[%add3A_74, %dma_wait3A_527] : memref<2560x128xi32, #tpu.memory_space<hbm>> -> memref<16x128xi32, #tpu.memory_space<hbm>>
        tpu.wait_dma2 semaphore(%run_scoped3A : memref<!tpu.dma_semaphore, #tpu.memory_space<semaphore_mem>>) src(%dma_wait3A_528 : memref<16x128xi32, #tpu.memory_space<hbm>>) dst(%arg9 : memref<16x128xi32, #tpu.memory_space<vmem>>)
        tpu.yield
      }) : () -> ()
      "tpu.region"() ({
        %run_scoped3A = tpu.sem_alloc : memref<!tpu.dma_semaphore, #tpu.memory_space<semaphore_mem>>
        %dma_start3A_521 = arith.constant 0 : i32
        %dma_start3A_522 = tpu.memref_slice %arg4[%add3A_74, %dma_start3A_521] : memref<2560x128xi32, #tpu.memory_space<hbm>> -> memref<16x128xi32, #tpu.memory_space<hbm>>
        %dma_start3A_523 = arith.constant 0 : i32
        %dma_start3A_524 = tpu.memref_slice %arg4[%add3A_74, %dma_start3A_523] : memref<2560x128xi32, #tpu.memory_space<hbm>> -> memref<16x128xi32, #tpu.memory_space<hbm>>
        tpu.enqueue_dma source(%dma_start3A_524 : memref<16x128xi32, #tpu.memory_space<hbm>>) target(%arg10 : memref<16x128xi32, #tpu.memory_space<vmem>>) target_semaphore(%run_scoped3A : memref<!tpu.dma_semaphore, #tpu.memory_space<semaphore_mem>>)
        %dma_wait3A_525 = arith.constant 0 : i32
        %dma_wait3A_526 = tpu.memref_slice %arg4[%add3A_74, %dma_wait3A_525] : memref<2560x128xi32, #tpu.memory_space<hbm>> -> memref<16x128xi32, #tpu.memory_space<hbm>>
        %dma_wait3A_527 = arith.constant 0 : i32
        %dma_wait3A_528 = tpu.memref_slice %arg4[%add3A_74, %dma_wait3A_527] : memref<2560x128xi32, #tpu.memory_space<hbm>> -> memref<16x128xi32, #tpu.memory_space<hbm>>
        tpu.wait_dma2 semaphore(%run_scoped3A : memref<!tpu.dma_semaphore, #tpu.memory_space<semaphore_mem>>) src(%dma_wait3A_528 : memref<16x128xi32, #tpu.memory_space<hbm>>) dst(%arg10 : memref<16x128xi32, #tpu.memory_space<vmem>>)
        tpu.yield
      }) : () -> ()
      %dma_start3A = arith.constant 0 : i32
      %dma_start3A_75 = arith.constant 0 : i32
      %dma_start3A_76 = tpu.memref_slice %arg9[%dma_start3A, %dma_start3A_75] : memref<16x128xi32, #tpu.memory_space<vmem>> -> memref<1x128xi32, #tpu.memory_space<vmem>>
      %dma_start3A_77 = tpu.memref_squeeze %dma_start3A_76 : memref<1x128xi32, #tpu.memory_space<vmem>> -> memref<128xi32, #tpu.memory_space<vmem>>
      %dma_start3A_78 = arith.constant 0 : i32
      %dma_start3A_79 = arith.constant 0 : i32
      %dma_start3A_80 = tpu.memref_slice %arg2[%dma_start3A_78, %dma_start3A_79] : memref<10240x128xf32, #tpu.memory_space<hbm>> -> memref<10240x128xf32, #tpu.memory_space<hbm>>
      tpu.enqueue_indirect_dma source(%dma_start3A_80 : memref<10240x128xf32, #tpu.memory_space<hbm>>) target(%arg7 : memref<128x128xf32, #tpu.memory_space<vmem>>) offsets(%dma_start3A_77 : memref<128xi32, #tpu.memory_space<vmem>>) semaphore(%arg11 : memref<!tpu.dma_semaphore, #tpu.memory_space<semaphore_mem>>)
      %dma_wait3A = arith.constant 0 : i32
      %dma_wait3A_81 = arith.constant 0 : i32
      %dma_wait3A_82 = tpu.memref_slice %arg9[%dma_wait3A, %dma_wait3A_81] : memref<16x128xi32, #tpu.memory_space<vmem>> -> memref<1x128xi32, #tpu.memory_space<vmem>>
      %dma_wait3A_83 = tpu.memref_squeeze %dma_wait3A_82 : memref<1x128xi32, #tpu.memory_space<vmem>> -> memref<128xi32, #tpu.memory_space<vmem>>
      %dma_wait3A_84 = arith.constant 0 : i32
      %dma_wait3A_85 = arith.constant 0 : i32
      %dma_wait3A_86 = tpu.memref_slice %arg2[%dma_wait3A_84, %dma_wait3A_85] : memref<10240x128xf32, #tpu.memory_space<hbm>> -> memref<10240x128xf32, #tpu.memory_space<hbm>>
      tpu.wait_indirect_dma semaphore(%arg11 : memref<!tpu.dma_semaphore, #tpu.memory_space<semaphore_mem>>) src(%dma_wait3A_86 : memref<10240x128xf32, #tpu.memory_space<hbm>>) dst(%arg7 : memref<128x128xf32, #tpu.memory_space<vmem>>)
      %dma_start3A_87 = arith.constant 1 : i32
      %dma_start3A_88 = arith.constant 0 : i32
      %dma_start3A_89 = tpu.memref_slice %arg9[%dma_start3A_87, %dma_start3A_88] : memref<16x128xi32, #tpu.memory_space<vmem>> -> memref<1x128xi32, #tpu.memory_space<vmem>>
      %dma_start3A_90 = tpu.memref_squeeze %dma_start3A_89 : memref<1x128xi32, #tpu.memory_space<vmem>> -> memref<128xi32, #tpu.memory_space<vmem>>
      %dma_start3A_91 = arith.constant 0 : i32
      %dma_start3A_92 = arith.constant 0 : i32
      %dma_start3A_93 = tpu.memref_slice %arg2[%dma_start3A_91, %dma_start3A_92] : memref<10240x128xf32, #tpu.memory_space<hbm>> -> memref<10240x128xf32, #tpu.memory_space<hbm>>
      tpu.enqueue_indirect_dma source(%dma_start3A_93 : memref<10240x128xf32, #tpu.memory_space<hbm>>) target(%arg8 : memref<128x128xf32, #tpu.memory_space<vmem>>) offsets(%dma_start3A_90 : memref<128xi32, #tpu.memory_space<vmem>>) semaphore(%arg12 : memref<!tpu.dma_semaphore, #tpu.memory_space<semaphore_mem>>)
      %dma_start3A_94 = arith.constant 0 : i32
      %dma_start3A_95 = arith.constant 0 : i32
      %dma_start3A_96 = tpu.memref_slice %arg10[%dma_start3A_94, %dma_start3A_95] : memref<16x128xi32, #tpu.memory_space<vmem>> -> memref<1x128xi32, #tpu.memory_space<vmem>>
      %dma_start3A_97 = tpu.memref_squeeze %dma_start3A_96 : memref<1x128xi32, #tpu.memory_space<vmem>> -> memref<128xi32, #tpu.memory_space<vmem>>
      %dma_start3A_98 = arith.constant 0 : i32
      %dma_start3A_99 = arith.constant 0 : i32
      %dma_start3A_100 = tpu.memref_slice %arg6[%dma_start3A_98, %dma_start3A_99] : memref<10240x128xf32, #tpu.memory_space<vmem_shared>> -> memref<10240x128xf32, #tpu.memory_space<vmem_shared>>
      tpu.enqueue_indirect_dma source(%arg7 : memref<128x128xf32, #tpu.memory_space<vmem>>) target(%dma_start3A_100 : memref<10240x128xf32, #tpu.memory_space<vmem_shared>>) offsets(%dma_start3A_97 : memref<128xi32, #tpu.memory_space<vmem>>) semaphore(%arg13 : memref<!tpu.dma_semaphore, #tpu.memory_space<semaphore_mem>>) {add = true}
      %dma_wait3A_101 = arith.constant 1 : i32
      %dma_wait3A_102 = arith.constant 0 : i32
      %dma_wait3A_103 = tpu.memref_slice %arg9[%dma_wait3A_101, %dma_wait3A_102] : memref<16x128xi32, #tpu.memory_space<vmem>> -> memref<1x128xi32, #tpu.memory_space<vmem>>
      %dma_wait3A_104 = tpu.memref_squeeze %dma_wait3A_103 : memref<1x128xi32, #tpu.memory_space<vmem>> -> memref<128xi32, #tpu.memory_space<vmem>>
      %dma_wait3A_105 = arith.constant 0 : i32
      %dma_wait3A_106 = arith.constant 0 : i32
      %dma_wait3A_107 = tpu.memref_slice %arg2[%dma_wait3A_105, %dma_wait3A_106] : memref<10240x128xf32, #tpu.memory_space<hbm>> -> memref<10240x128xf32, #tpu.memory_space<hbm>>
      tpu.wait_indirect_dma semaphore(%arg12 : memref<!tpu.dma_semaphore, #tpu.memory_space<semaphore_mem>>) src(%dma_wait3A_107 : memref<10240x128xf32, #tpu.memory_space<hbm>>) dst(%arg8 : memref<128x128xf32, #tpu.memory_space<vmem>>)
      %dma_wait3A_108 = arith.constant 0 : i32
      %dma_wait3A_109 = arith.constant 0 : i32
      %dma_wait3A_110 = tpu.memref_slice %arg10[%dma_wait3A_108, %dma_wait3A_109] : memref<16x128xi32, #tpu.memory_space<vmem>> -> memref<1x128xi32, #tpu.memory_space<vmem>>
      %dma_wait3A_111 = tpu.memref_squeeze %dma_wait3A_110 : memref<1x128xi32, #tpu.memory_space<vmem>> -> memref<128xi32, #tpu.memory_space<vmem>>
      %dma_wait3A_112 = arith.constant 0 : i32
      %dma_wait3A_113 = arith.constant 0 : i32
      %dma_wait3A_114 = tpu.memref_slice %arg6[%dma_wait3A_112, %dma_wait3A_113] : memref<10240x128xf32, #tpu.memory_space<vmem_shared>> -> memref<10240x128xf32, #tpu.memory_space<vmem_shared>>
      tpu.wait_indirect_dma semaphore(%arg13 : memref<!tpu.dma_semaphore, #tpu.memory_space<semaphore_mem>>) src(%arg7 : memref<128x128xf32, #tpu.memory_space<vmem>>) dst(%dma_wait3A_114 : memref<10240x128xf32, #tpu.memory_space<vmem_shared>>)
      %dma_start3A_115 = arith.constant 2 : i32
      %dma_start3A_116 = arith.constant 0 : i32
      %dma_start3A_117 = tpu.memref_slice %arg9[%dma_start3A_115, %dma_start3A_116] : memref<16x128xi32, #tpu.memory_space<vmem>> -> memref<1x128xi32, #tpu.memory_space<vmem>>
      %dma_start3A_118 = tpu.memref_squeeze %dma_start3A_117 : memref<1x128xi32, #tpu.memory_space<vmem>> -> memref<128xi32, #tpu.memory_space<vmem>>
      %dma_start3A_119 = arith.constant 0 : i32
      %dma_start3A_120 = arith.constant 0 : i32
      %dma_start3A_121 = tpu.memref_slice %arg2[%dma_start3A_119, %dma_start3A_120] : memref<10240x128xf32, #tpu.memory_space<hbm>> -> memref<10240x128xf32, #tpu.memory_space<hbm>>
      tpu.enqueue_indirect_dma source(%dma_start3A_121 : memref<10240x128xf32, #tpu.memory_space<hbm>>) target(%arg7 : memref<128x128xf32, #tpu.memory_space<vmem>>) offsets(%dma_start3A_118 : memref<128xi32, #tpu.memory_space<vmem>>) semaphore(%arg11 : memref<!tpu.dma_semaphore, #tpu.memory_space<semaphore_mem>>)
      %dma_start3A_122 = arith.constant 1 : i32
      %dma_start3A_123 = arith.constant 0 : i32
      %dma_start3A_124 = tpu.memref_slice %arg10[%dma_start3A_122, %dma_start3A_123] : memref<16x128xi32, #tpu.memory_space<vmem>> -> memref<1x128xi32, #tpu.memory_space<vmem>>
      %dma_start3A_125 = tpu.memref_squeeze %dma_start3A_124 : memref<1x128xi32, #tpu.memory_space<vmem>> -> memref<128xi32, #tpu.memory_space<vmem>>
      %dma_start3A_126 = arith.constant 0 : i32
      %dma_start3A_127 = arith.constant 0 : i32
      %dma_start3A_128 = tpu.memref_slice %arg6[%dma_start3A_126, %dma_start3A_127] : memref<10240x128xf32, #tpu.memory_space<vmem_shared>> -> memref<10240x128xf32, #tpu.memory_space<vmem_shared>>
      tpu.enqueue_indirect_dma source(%arg8 : memref<128x128xf32, #tpu.memory_space<vmem>>) target(%dma_start3A_128 : memref<10240x128xf32, #tpu.memory_space<vmem_shared>>) offsets(%dma_start3A_125 : memref<128xi32, #tpu.memory_space<vmem>>) semaphore(%arg14 : memref<!tpu.dma_semaphore, #tpu.memory_space<semaphore_mem>>) {add = true}
      %dma_wait3A_129 = arith.constant 2 : i32
      %dma_wait3A_130 = arith.constant 0 : i32
      %dma_wait3A_131 = tpu.memref_slice %arg9[%dma_wait3A_129, %dma_wait3A_130] : memref<16x128xi32, #tpu.memory_space<vmem>> -> memref<1x128xi32, #tpu.memory_space<vmem>>
      %dma_wait3A_132 = tpu.memref_squeeze %dma_wait3A_131 : memref<1x128xi32, #tpu.memory_space<vmem>> -> memref<128xi32, #tpu.memory_space<vmem>>
      %dma_wait3A_133 = arith.constant 0 : i32
      %dma_wait3A_134 = arith.constant 0 : i32
      %dma_wait3A_135 = tpu.memref_slice %arg2[%dma_wait3A_133, %dma_wait3A_134] : memref<10240x128xf32, #tpu.memory_space<hbm>> -> memref<10240x128xf32, #tpu.memory_space<hbm>>
      tpu.wait_indirect_dma semaphore(%arg11 : memref<!tpu.dma_semaphore, #tpu.memory_space<semaphore_mem>>) src(%dma_wait3A_135 : memref<10240x128xf32, #tpu.memory_space<hbm>>) dst(%arg7 : memref<128x128xf32, #tpu.memory_space<vmem>>)
      %dma_wait3A_136 = arith.constant 1 : i32
      %dma_wait3A_137 = arith.constant 0 : i32
      %dma_wait3A_138 = tpu.memref_slice %arg10[%dma_wait3A_136, %dma_wait3A_137] : memref<16x128xi32, #tpu.memory_space<vmem>> -> memref<1x128xi32, #tpu.memory_space<vmem>>
      %dma_wait3A_139 = tpu.memref_squeeze %dma_wait3A_138 : memref<1x128xi32, #tpu.memory_space<vmem>> -> memref<128xi32, #tpu.memory_space<vmem>>
      %dma_wait3A_140 = arith.constant 0 : i32
      %dma_wait3A_141 = arith.constant 0 : i32
      %dma_wait3A_142 = tpu.memref_slice %arg6[%dma_wait3A_140, %dma_wait3A_141] : memref<10240x128xf32, #tpu.memory_space<vmem_shared>> -> memref<10240x128xf32, #tpu.memory_space<vmem_shared>>
      tpu.wait_indirect_dma semaphore(%arg14 : memref<!tpu.dma_semaphore, #tpu.memory_space<semaphore_mem>>) src(%arg8 : memref<128x128xf32, #tpu.memory_space<vmem>>) dst(%dma_wait3A_142 : memref<10240x128xf32, #tpu.memory_space<vmem_shared>>)
      %dma_start3A_143 = arith.constant 3 : i32
      %dma_start3A_144 = arith.constant 0 : i32
      %dma_start3A_145 = tpu.memref_slice %arg9[%dma_start3A_143, %dma_start3A_144] : memref<16x128xi32, #tpu.memory_space<vmem>> -> memref<1x128xi32, #tpu.memory_space<vmem>>
      %dma_start3A_146 = tpu.memref_squeeze %dma_start3A_145 : memref<1x128xi32, #tpu.memory_space<vmem>> -> memref<128xi32, #tpu.memory_space<vmem>>
      %dma_start3A_147 = arith.constant 0 : i32
      %dma_start3A_148 = arith.constant 0 : i32
      %dma_start3A_149 = tpu.memref_slice %arg2[%dma_start3A_147, %dma_start3A_148] : memref<10240x128xf32, #tpu.memory_space<hbm>> -> memref<10240x128xf32, #tpu.memory_space<hbm>>
      tpu.enqueue_indirect_dma source(%dma_start3A_149 : memref<10240x128xf32, #tpu.memory_space<hbm>>) target(%arg8 : memref<128x128xf32, #tpu.memory_space<vmem>>) offsets(%dma_start3A_146 : memref<128xi32, #tpu.memory_space<vmem>>) semaphore(%arg12 : memref<!tpu.dma_semaphore, #tpu.memory_space<semaphore_mem>>)
      %dma_start3A_150 = arith.constant 2 : i32
      %dma_start3A_151 = arith.constant 0 : i32
      %dma_start3A_152 = tpu.memref_slice %arg10[%dma_start3A_150, %dma_start3A_151] : memref<16x128xi32, #tpu.memory_space<vmem>> -> memref<1x128xi32, #tpu.memory_space<vmem>>
      %dma_start3A_153 = tpu.memref_squeeze %dma_start3A_152 : memref<1x128xi32, #tpu.memory_space<vmem>> -> memref<128xi32, #tpu.memory_space<vmem>>
      %dma_start3A_154 = arith.constant 0 : i32
      %dma_start3A_155 = arith.constant 0 : i32
      %dma_start3A_156 = tpu.memref_slice %arg6[%dma_start3A_154, %dma_start3A_155] : memref<10240x128xf32, #tpu.memory_space<vmem_shared>> -> memref<10240x128xf32, #tpu.memory_space<vmem_shared>>
      tpu.enqueue_indirect_dma source(%arg7 : memref<128x128xf32, #tpu.memory_space<vmem>>) target(%dma_start3A_156 : memref<10240x128xf32, #tpu.memory_space<vmem_shared>>) offsets(%dma_start3A_153 : memref<128xi32, #tpu.memory_space<vmem>>) semaphore(%arg13 : memref<!tpu.dma_semaphore, #tpu.memory_space<semaphore_mem>>) {add = true}
      %dma_wait3A_157 = arith.constant 3 : i32
      %dma_wait3A_158 = arith.constant 0 : i32
      %dma_wait3A_159 = tpu.memref_slice %arg9[%dma_wait3A_157, %dma_wait3A_158] : memref<16x128xi32, #tpu.memory_space<vmem>> -> memref<1x128xi32, #tpu.memory_space<vmem>>
      %dma_wait3A_160 = tpu.memref_squeeze %dma_wait3A_159 : memref<1x128xi32, #tpu.memory_space<vmem>> -> memref<128xi32, #tpu.memory_space<vmem>>
      %dma_wait3A_161 = arith.constant 0 : i32
      %dma_wait3A_162 = arith.constant 0 : i32
      %dma_wait3A_163 = tpu.memref_slice %arg2[%dma_wait3A_161, %dma_wait3A_162] : memref<10240x128xf32, #tpu.memory_space<hbm>> -> memref<10240x128xf32, #tpu.memory_space<hbm>>
      tpu.wait_indirect_dma semaphore(%arg12 : memref<!tpu.dma_semaphore, #tpu.memory_space<semaphore_mem>>) src(%dma_wait3A_163 : memref<10240x128xf32, #tpu.memory_space<hbm>>) dst(%arg8 : memref<128x128xf32, #tpu.memory_space<vmem>>)
      %dma_wait3A_164 = arith.constant 2 : i32
      %dma_wait3A_165 = arith.constant 0 : i32
      %dma_wait3A_166 = tpu.memref_slice %arg10[%dma_wait3A_164, %dma_wait3A_165] : memref<16x128xi32, #tpu.memory_space<vmem>> -> memref<1x128xi32, #tpu.memory_space<vmem>>
      %dma_wait3A_167 = tpu.memref_squeeze %dma_wait3A_166 : memref<1x128xi32, #tpu.memory_space<vmem>> -> memref<128xi32, #tpu.memory_space<vmem>>
      %dma_wait3A_168 = arith.constant 0 : i32
      %dma_wait3A_169 = arith.constant 0 : i32
      %dma_wait3A_170 = tpu.memref_slice %arg6[%dma_wait3A_168, %dma_wait3A_169] : memref<10240x128xf32, #tpu.memory_space<vmem_shared>> -> memref<10240x128xf32, #tpu.memory_space<vmem_shared>>
      tpu.wait_indirect_dma semaphore(%arg13 : memref<!tpu.dma_semaphore, #tpu.memory_space<semaphore_mem>>) src(%arg7 : memref<128x128xf32, #tpu.memory_space<vmem>>) dst(%dma_wait3A_170 : memref<10240x128xf32, #tpu.memory_space<vmem_shared>>)
      %dma_start3A_171 = arith.constant 4 : i32
      %dma_start3A_172 = arith.constant 0 : i32
      %dma_start3A_173 = tpu.memref_slice %arg9[%dma_start3A_171, %dma_start3A_172] : memref<16x128xi32, #tpu.memory_space<vmem>> -> memref<1x128xi32, #tpu.memory_space<vmem>>
      %dma_start3A_174 = tpu.memref_squeeze %dma_start3A_173 : memref<1x128xi32, #tpu.memory_space<vmem>> -> memref<128xi32, #tpu.memory_space<vmem>>
      %dma_start3A_175 = arith.constant 0 : i32
      %dma_start3A_176 = arith.constant 0 : i32
      %dma_start3A_177 = tpu.memref_slice %arg2[%dma_start3A_175, %dma_start3A_176] : memref<10240x128xf32, #tpu.memory_space<hbm>> -> memref<10240x128xf32, #tpu.memory_space<hbm>>
      tpu.enqueue_indirect_dma source(%dma_start3A_177 : memref<10240x128xf32, #tpu.memory_space<hbm>>) target(%arg7 : memref<128x128xf32, #tpu.memory_space<vmem>>) offsets(%dma_start3A_174 : memref<128xi32, #tpu.memory_space<vmem>>) semaphore(%arg11 : memref<!tpu.dma_semaphore, #tpu.memory_space<semaphore_mem>>)
      %dma_start3A_178 = arith.constant 3 : i32
      %dma_start3A_179 = arith.constant 0 : i32
      %dma_start3A_180 = tpu.memref_slice %arg10[%dma_start3A_178, %dma_start3A_179] : memref<16x128xi32, #tpu.memory_space<vmem>> -> memref<1x128xi32, #tpu.memory_space<vmem>>
      %dma_start3A_181 = tpu.memref_squeeze %dma_start3A_180 : memref<1x128xi32, #tpu.memory_space<vmem>> -> memref<128xi32, #tpu.memory_space<vmem>>
      %dma_start3A_182 = arith.constant 0 : i32
      %dma_start3A_183 = arith.constant 0 : i32
      %dma_start3A_184 = tpu.memref_slice %arg6[%dma_start3A_182, %dma_start3A_183] : memref<10240x128xf32, #tpu.memory_space<vmem_shared>> -> memref<10240x128xf32, #tpu.memory_space<vmem_shared>>
      tpu.enqueue_indirect_dma source(%arg8 : memref<128x128xf32, #tpu.memory_space<vmem>>) target(%dma_start3A_184 : memref<10240x128xf32, #tpu.memory_space<vmem_shared>>) offsets(%dma_start3A_181 : memref<128xi32, #tpu.memory_space<vmem>>) semaphore(%arg14 : memref<!tpu.dma_semaphore, #tpu.memory_space<semaphore_mem>>) {add = true}
      %dma_wait3A_185 = arith.constant 4 : i32
      %dma_wait3A_186 = arith.constant 0 : i32
      %dma_wait3A_187 = tpu.memref_slice %arg9[%dma_wait3A_185, %dma_wait3A_186] : memref<16x128xi32, #tpu.memory_space<vmem>> -> memref<1x128xi32, #tpu.memory_space<vmem>>
      %dma_wait3A_188 = tpu.memref_squeeze %dma_wait3A_187 : memref<1x128xi32, #tpu.memory_space<vmem>> -> memref<128xi32, #tpu.memory_space<vmem>>
      %dma_wait3A_189 = arith.constant 0 : i32
      %dma_wait3A_190 = arith.constant 0 : i32
      %dma_wait3A_191 = tpu.memref_slice %arg2[%dma_wait3A_189, %dma_wait3A_190] : memref<10240x128xf32, #tpu.memory_space<hbm>> -> memref<10240x128xf32, #tpu.memory_space<hbm>>
      tpu.wait_indirect_dma semaphore(%arg11 : memref<!tpu.dma_semaphore, #tpu.memory_space<semaphore_mem>>) src(%dma_wait3A_191 : memref<10240x128xf32, #tpu.memory_space<hbm>>) dst(%arg7 : memref<128x128xf32, #tpu.memory_space<vmem>>)
      %dma_wait3A_192 = arith.constant 3 : i32
      %dma_wait3A_193 = arith.constant 0 : i32
      %dma_wait3A_194 = tpu.memref_slice %arg10[%dma_wait3A_192, %dma_wait3A_193] : memref<16x128xi32, #tpu.memory_space<vmem>> -> memref<1x128xi32, #tpu.memory_space<vmem>>
      %dma_wait3A_195 = tpu.memref_squeeze %dma_wait3A_194 : memref<1x128xi32, #tpu.memory_space<vmem>> -> memref<128xi32, #tpu.memory_space<vmem>>
      %dma_wait3A_196 = arith.constant 0 : i32
      %dma_wait3A_197 = arith.constant 0 : i32
      %dma_wait3A_198 = tpu.memref_slice %arg6[%dma_wait3A_196, %dma_wait3A_197] : memref<10240x128xf32, #tpu.memory_space<vmem_shared>> -> memref<10240x128xf32, #tpu.memory_space<vmem_shared>>
      tpu.wait_indirect_dma semaphore(%arg14 : memref<!tpu.dma_semaphore, #tpu.memory_space<semaphore_mem>>) src(%arg8 : memref<128x128xf32, #tpu.memory_space<vmem>>) dst(%dma_wait3A_198 : memref<10240x128xf32, #tpu.memory_space<vmem_shared>>)
      %dma_start3A_199 = arith.constant 5 : i32
      %dma_start3A_200 = arith.constant 0 : i32
      %dma_start3A_201 = tpu.memref_slice %arg9[%dma_start3A_199, %dma_start3A_200] : memref<16x128xi32, #tpu.memory_space<vmem>> -> memref<1x128xi32, #tpu.memory_space<vmem>>
      %dma_start3A_202 = tpu.memref_squeeze %dma_start3A_201 : memref<1x128xi32, #tpu.memory_space<vmem>> -> memref<128xi32, #tpu.memory_space<vmem>>
      %dma_start3A_203 = arith.constant 0 : i32
      %dma_start3A_204 = arith.constant 0 : i32
      %dma_start3A_205 = tpu.memref_slice %arg2[%dma_start3A_203, %dma_start3A_204] : memref<10240x128xf32, #tpu.memory_space<hbm>> -> memref<10240x128xf32, #tpu.memory_space<hbm>>
      tpu.enqueue_indirect_dma source(%dma_start3A_205 : memref<10240x128xf32, #tpu.memory_space<hbm>>) target(%arg8 : memref<128x128xf32, #tpu.memory_space<vmem>>) offsets(%dma_start3A_202 : memref<128xi32, #tpu.memory_space<vmem>>) semaphore(%arg12 : memref<!tpu.dma_semaphore, #tpu.memory_space<semaphore_mem>>)
      %dma_start3A_206 = arith.constant 4 : i32
      %dma_start3A_207 = arith.constant 0 : i32
      %dma_start3A_208 = tpu.memref_slice %arg10[%dma_start3A_206, %dma_start3A_207] : memref<16x128xi32, #tpu.memory_space<vmem>> -> memref<1x128xi32, #tpu.memory_space<vmem>>
      %dma_start3A_209 = tpu.memref_squeeze %dma_start3A_208 : memref<1x128xi32, #tpu.memory_space<vmem>> -> memref<128xi32, #tpu.memory_space<vmem>>
      %dma_start3A_210 = arith.constant 0 : i32
      %dma_start3A_211 = arith.constant 0 : i32
      %dma_start3A_212 = tpu.memref_slice %arg6[%dma_start3A_210, %dma_start3A_211] : memref<10240x128xf32, #tpu.memory_space<vmem_shared>> -> memref<10240x128xf32, #tpu.memory_space<vmem_shared>>
      tpu.enqueue_indirect_dma source(%arg7 : memref<128x128xf32, #tpu.memory_space<vmem>>) target(%dma_start3A_212 : memref<10240x128xf32, #tpu.memory_space<vmem_shared>>) offsets(%dma_start3A_209 : memref<128xi32, #tpu.memory_space<vmem>>) semaphore(%arg13 : memref<!tpu.dma_semaphore, #tpu.memory_space<semaphore_mem>>) {add = true}
      %dma_wait3A_213 = arith.constant 5 : i32
      %dma_wait3A_214 = arith.constant 0 : i32
      %dma_wait3A_215 = tpu.memref_slice %arg9[%dma_wait3A_213, %dma_wait3A_214] : memref<16x128xi32, #tpu.memory_space<vmem>> -> memref<1x128xi32, #tpu.memory_space<vmem>>
      %dma_wait3A_216 = tpu.memref_squeeze %dma_wait3A_215 : memref<1x128xi32, #tpu.memory_space<vmem>> -> memref<128xi32, #tpu.memory_space<vmem>>
      %dma_wait3A_217 = arith.constant 0 : i32
      %dma_wait3A_218 = arith.constant 0 : i32
      %dma_wait3A_219 = tpu.memref_slice %arg2[%dma_wait3A_217, %dma_wait3A_218] : memref<10240x128xf32, #tpu.memory_space<hbm>> -> memref<10240x128xf32, #tpu.memory_space<hbm>>
      tpu.wait_indirect_dma semaphore(%arg12 : memref<!tpu.dma_semaphore, #tpu.memory_space<semaphore_mem>>) src(%dma_wait3A_219 : memref<10240x128xf32, #tpu.memory_space<hbm>>) dst(%arg8 : memref<128x128xf32, #tpu.memory_space<vmem>>)
      %dma_wait3A_220 = arith.constant 4 : i32
      %dma_wait3A_221 = arith.constant 0 : i32
      %dma_wait3A_222 = tpu.memref_slice %arg10[%dma_wait3A_220, %dma_wait3A_221] : memref<16x128xi32, #tpu.memory_space<vmem>> -> memref<1x128xi32, #tpu.memory_space<vmem>>
      %dma_wait3A_223 = tpu.memref_squeeze %dma_wait3A_222 : memref<1x128xi32, #tpu.memory_space<vmem>> -> memref<128xi32, #tpu.memory_space<vmem>>
      %dma_wait3A_224 = arith.constant 0 : i32
      %dma_wait3A_225 = arith.constant 0 : i32
      %dma_wait3A_226 = tpu.memref_slice %arg6[%dma_wait3A_224, %dma_wait3A_225] : memref<10240x128xf32, #tpu.memory_space<vmem_shared>> -> memref<10240x128xf32, #tpu.memory_space<vmem_shared>>
      tpu.wait_indirect_dma semaphore(%arg13 : memref<!tpu.dma_semaphore, #tpu.memory_space<semaphore_mem>>) src(%arg7 : memref<128x128xf32, #tpu.memory_space<vmem>>) dst(%dma_wait3A_226 : memref<10240x128xf32, #tpu.memory_space<vmem_shared>>)
      %dma_start3A_227 = arith.constant 6 : i32
      %dma_start3A_228 = arith.constant 0 : i32
      %dma_start3A_229 = tpu.memref_slice %arg9[%dma_start3A_227, %dma_start3A_228] : memref<16x128xi32, #tpu.memory_space<vmem>> -> memref<1x128xi32, #tpu.memory_space<vmem>>
      %dma_start3A_230 = tpu.memref_squeeze %dma_start3A_229 : memref<1x128xi32, #tpu.memory_space<vmem>> -> memref<128xi32, #tpu.memory_space<vmem>>
      %dma_start3A_231 = arith.constant 0 : i32
      %dma_start3A_232 = arith.constant 0 : i32
      %dma_start3A_233 = tpu.memref_slice %arg2[%dma_start3A_231, %dma_start3A_232] : memref<10240x128xf32, #tpu.memory_space<hbm>> -> memref<10240x128xf32, #tpu.memory_space<hbm>>
      tpu.enqueue_indirect_dma source(%dma_start3A_233 : memref<10240x128xf32, #tpu.memory_space<hbm>>) target(%arg7 : memref<128x128xf32, #tpu.memory_space<vmem>>) offsets(%dma_start3A_230 : memref<128xi32, #tpu.memory_space<vmem>>) semaphore(%arg11 : memref<!tpu.dma_semaphore, #tpu.memory_space<semaphore_mem>>)
      %dma_start3A_234 = arith.constant 5 : i32
      %dma_start3A_235 = arith.constant 0 : i32
      %dma_start3A_236 = tpu.memref_slice %arg10[%dma_start3A_234, %dma_start3A_235] : memref<16x128xi32, #tpu.memory_space<vmem>> -> memref<1x128xi32, #tpu.memory_space<vmem>>
      %dma_start3A_237 = tpu.memref_squeeze %dma_start3A_236 : memref<1x128xi32, #tpu.memory_space<vmem>> -> memref<128xi32, #tpu.memory_space<vmem>>
      %dma_start3A_238 = arith.constant 0 : i32
      %dma_start3A_239 = arith.constant 0 : i32
      %dma_start3A_240 = tpu.memref_slice %arg6[%dma_start3A_238, %dma_start3A_239] : memref<10240x128xf32, #tpu.memory_space<vmem_shared>> -> memref<10240x128xf32, #tpu.memory_space<vmem_shared>>
      tpu.enqueue_indirect_dma source(%arg8 : memref<128x128xf32, #tpu.memory_space<vmem>>) target(%dma_start3A_240 : memref<10240x128xf32, #tpu.memory_space<vmem_shared>>) offsets(%dma_start3A_237 : memref<128xi32, #tpu.memory_space<vmem>>) semaphore(%arg14 : memref<!tpu.dma_semaphore, #tpu.memory_space<semaphore_mem>>) {add = true}
      %dma_wait3A_241 = arith.constant 6 : i32
      %dma_wait3A_242 = arith.constant 0 : i32
      %dma_wait3A_243 = tpu.memref_slice %arg9[%dma_wait3A_241, %dma_wait3A_242] : memref<16x128xi32, #tpu.memory_space<vmem>> -> memref<1x128xi32, #tpu.memory_space<vmem>>
      %dma_wait3A_244 = tpu.memref_squeeze %dma_wait3A_243 : memref<1x128xi32, #tpu.memory_space<vmem>> -> memref<128xi32, #tpu.memory_space<vmem>>
      %dma_wait3A_245 = arith.constant 0 : i32
      %dma_wait3A_246 = arith.constant 0 : i32
      %dma_wait3A_247 = tpu.memref_slice %arg2[%dma_wait3A_245, %dma_wait3A_246] : memref<10240x128xf32, #tpu.memory_space<hbm>> -> memref<10240x128xf32, #tpu.memory_space<hbm>>
      tpu.wait_indirect_dma semaphore(%arg11 : memref<!tpu.dma_semaphore, #tpu.memory_space<semaphore_mem>>) src(%dma_wait3A_247 : memref<10240x128xf32, #tpu.memory_space<hbm>>) dst(%arg7 : memref<128x128xf32, #tpu.memory_space<vmem>>)
      %dma_wait3A_248 = arith.constant 5 : i32
      %dma_wait3A_249 = arith.constant 0 : i32
      %dma_wait3A_250 = tpu.memref_slice %arg10[%dma_wait3A_248, %dma_wait3A_249] : memref<16x128xi32, #tpu.memory_space<vmem>> -> memref<1x128xi32, #tpu.memory_space<vmem>>
      %dma_wait3A_251 = tpu.memref_squeeze %dma_wait3A_250 : memref<1x128xi32, #tpu.memory_space<vmem>> -> memref<128xi32, #tpu.memory_space<vmem>>
      %dma_wait3A_252 = arith.constant 0 : i32
      %dma_wait3A_253 = arith.constant 0 : i32
      %dma_wait3A_254 = tpu.memref_slice %arg6[%dma_wait3A_252, %dma_wait3A_253] : memref<10240x128xf32, #tpu.memory_space<vmem_shared>> -> memref<10240x128xf32, #tpu.memory_space<vmem_shared>>
      tpu.wait_indirect_dma semaphore(%arg14 : memref<!tpu.dma_semaphore, #tpu.memory_space<semaphore_mem>>) src(%arg8 : memref<128x128xf32, #tpu.memory_space<vmem>>) dst(%dma_wait3A_254 : memref<10240x128xf32, #tpu.memory_space<vmem_shared>>)
      %dma_start3A_255 = arith.constant 7 : i32
      %dma_start3A_256 = arith.constant 0 : i32
      %dma_start3A_257 = tpu.memref_slice %arg9[%dma_start3A_255, %dma_start3A_256] : memref<16x128xi32, #tpu.memory_space<vmem>> -> memref<1x128xi32, #tpu.memory_space<vmem>>
      %dma_start3A_258 = tpu.memref_squeeze %dma_start3A_257 : memref<1x128xi32, #tpu.memory_space<vmem>> -> memref<128xi32, #tpu.memory_space<vmem>>
      %dma_start3A_259 = arith.constant 0 : i32
      %dma_start3A_260 = arith.constant 0 : i32
      %dma_start3A_261 = tpu.memref_slice %arg2[%dma_start3A_259, %dma_start3A_260] : memref<10240x128xf32, #tpu.memory_space<hbm>> -> memref<10240x128xf32, #tpu.memory_space<hbm>>
      tpu.enqueue_indirect_dma source(%dma_start3A_261 : memref<10240x128xf32, #tpu.memory_space<hbm>>) target(%arg8 : memref<128x128xf32, #tpu.memory_space<vmem>>) offsets(%dma_start3A_258 : memref<128xi32, #tpu.memory_space<vmem>>) semaphore(%arg12 : memref<!tpu.dma_semaphore, #tpu.memory_space<semaphore_mem>>)
      %dma_start3A_262 = arith.constant 6 : i32
      %dma_start3A_263 = arith.constant 0 : i32
      %dma_start3A_264 = tpu.memref_slice %arg10[%dma_start3A_262, %dma_start3A_263] : memref<16x128xi32, #tpu.memory_space<vmem>> -> memref<1x128xi32, #tpu.memory_space<vmem>>
      %dma_start3A_265 = tpu.memref_squeeze %dma_start3A_264 : memref<1x128xi32, #tpu.memory_space<vmem>> -> memref<128xi32, #tpu.memory_space<vmem>>
      %dma_start3A_266 = arith.constant 0 : i32
      %dma_start3A_267 = arith.constant 0 : i32
      %dma_start3A_268 = tpu.memref_slice %arg6[%dma_start3A_266, %dma_start3A_267] : memref<10240x128xf32, #tpu.memory_space<vmem_shared>> -> memref<10240x128xf32, #tpu.memory_space<vmem_shared>>
      tpu.enqueue_indirect_dma source(%arg7 : memref<128x128xf32, #tpu.memory_space<vmem>>) target(%dma_start3A_268 : memref<10240x128xf32, #tpu.memory_space<vmem_shared>>) offsets(%dma_start3A_265 : memref<128xi32, #tpu.memory_space<vmem>>) semaphore(%arg13 : memref<!tpu.dma_semaphore, #tpu.memory_space<semaphore_mem>>) {add = true}
      %dma_wait3A_269 = arith.constant 7 : i32
      %dma_wait3A_270 = arith.constant 0 : i32
      %dma_wait3A_271 = tpu.memref_slice %arg9[%dma_wait3A_269, %dma_wait3A_270] : memref<16x128xi32, #tpu.memory_space<vmem>> -> memref<1x128xi32, #tpu.memory_space<vmem>>
      %dma_wait3A_272 = tpu.memref_squeeze %dma_wait3A_271 : memref<1x128xi32, #tpu.memory_space<vmem>> -> memref<128xi32, #tpu.memory_space<vmem>>
      %dma_wait3A_273 = arith.constant 0 : i32
      %dma_wait3A_274 = arith.constant 0 : i32
      %dma_wait3A_275 = tpu.memref_slice %arg2[%dma_wait3A_273, %dma_wait3A_274] : memref<10240x128xf32, #tpu.memory_space<hbm>> -> memref<10240x128xf32, #tpu.memory_space<hbm>>
      tpu.wait_indirect_dma semaphore(%arg12 : memref<!tpu.dma_semaphore, #tpu.memory_space<semaphore_mem>>) src(%dma_wait3A_275 : memref<10240x128xf32, #tpu.memory_space<hbm>>) dst(%arg8 : memref<128x128xf32, #tpu.memory_space<vmem>>)
      %dma_wait3A_276 = arith.constant 6 : i32
      %dma_wait3A_277 = arith.constant 0 : i32
      %dma_wait3A_278 = tpu.memref_slice %arg10[%dma_wait3A_276, %dma_wait3A_277] : memref<16x128xi32, #tpu.memory_space<vmem>> -> memref<1x128xi32, #tpu.memory_space<vmem>>
      %dma_wait3A_279 = tpu.memref_squeeze %dma_wait3A_278 : memref<1x128xi32, #tpu.memory_space<vmem>> -> memref<128xi32, #tpu.memory_space<vmem>>
      %dma_wait3A_280 = arith.constant 0 : i32
      %dma_wait3A_281 = arith.constant 0 : i32
      %dma_wait3A_282 = tpu.memref_slice %arg6[%dma_wait3A_280, %dma_wait3A_281] : memref<10240x128xf32, #tpu.memory_space<vmem_shared>> -> memref<10240x128xf32, #tpu.memory_space<vmem_shared>>
      tpu.wait_indirect_dma semaphore(%arg13 : memref<!tpu.dma_semaphore, #tpu.memory_space<semaphore_mem>>) src(%arg7 : memref<128x128xf32, #tpu.memory_space<vmem>>) dst(%dma_wait3A_282 : memref<10240x128xf32, #tpu.memory_space<vmem_shared>>)
      %dma_start3A_283 = arith.constant 8 : i32
      %dma_start3A_284 = arith.constant 0 : i32
      %dma_start3A_285 = tpu.memref_slice %arg9[%dma_start3A_283, %dma_start3A_284] : memref<16x128xi32, #tpu.memory_space<vmem>> -> memref<1x128xi32, #tpu.memory_space<vmem>>
      %dma_start3A_286 = tpu.memref_squeeze %dma_start3A_285 : memref<1x128xi32, #tpu.memory_space<vmem>> -> memref<128xi32, #tpu.memory_space<vmem>>
      %dma_start3A_287 = arith.constant 0 : i32
      %dma_start3A_288 = arith.constant 0 : i32
      %dma_start3A_289 = tpu.memref_slice %arg2[%dma_start3A_287, %dma_start3A_288] : memref<10240x128xf32, #tpu.memory_space<hbm>> -> memref<10240x128xf32, #tpu.memory_space<hbm>>
      tpu.enqueue_indirect_dma source(%dma_start3A_289 : memref<10240x128xf32, #tpu.memory_space<hbm>>) target(%arg7 : memref<128x128xf32, #tpu.memory_space<vmem>>) offsets(%dma_start3A_286 : memref<128xi32, #tpu.memory_space<vmem>>) semaphore(%arg11 : memref<!tpu.dma_semaphore, #tpu.memory_space<semaphore_mem>>)
      %dma_start3A_290 = arith.constant 7 : i32
      %dma_start3A_291 = arith.constant 0 : i32
      %dma_start3A_292 = tpu.memref_slice %arg10[%dma_start3A_290, %dma_start3A_291] : memref<16x128xi32, #tpu.memory_space<vmem>> -> memref<1x128xi32, #tpu.memory_space<vmem>>
      %dma_start3A_293 = tpu.memref_squeeze %dma_start3A_292 : memref<1x128xi32, #tpu.memory_space<vmem>> -> memref<128xi32, #tpu.memory_space<vmem>>
      %dma_start3A_294 = arith.constant 0 : i32
      %dma_start3A_295 = arith.constant 0 : i32
      %dma_start3A_296 = tpu.memref_slice %arg6[%dma_start3A_294, %dma_start3A_295] : memref<10240x128xf32, #tpu.memory_space<vmem_shared>> -> memref<10240x128xf32, #tpu.memory_space<vmem_shared>>
      tpu.enqueue_indirect_dma source(%arg8 : memref<128x128xf32, #tpu.memory_space<vmem>>) target(%dma_start3A_296 : memref<10240x128xf32, #tpu.memory_space<vmem_shared>>) offsets(%dma_start3A_293 : memref<128xi32, #tpu.memory_space<vmem>>) semaphore(%arg14 : memref<!tpu.dma_semaphore, #tpu.memory_space<semaphore_mem>>) {add = true}
      %dma_wait3A_297 = arith.constant 8 : i32
      %dma_wait3A_298 = arith.constant 0 : i32
      %dma_wait3A_299 = tpu.memref_slice %arg9[%dma_wait3A_297, %dma_wait3A_298] : memref<16x128xi32, #tpu.memory_space<vmem>> -> memref<1x128xi32, #tpu.memory_space<vmem>>
      %dma_wait3A_300 = tpu.memref_squeeze %dma_wait3A_299 : memref<1x128xi32, #tpu.memory_space<vmem>> -> memref<128xi32, #tpu.memory_space<vmem>>
      %dma_wait3A_301 = arith.constant 0 : i32
      %dma_wait3A_302 = arith.constant 0 : i32
      %dma_wait3A_303 = tpu.memref_slice %arg2[%dma_wait3A_301, %dma_wait3A_302] : memref<10240x128xf32, #tpu.memory_space<hbm>> -> memref<10240x128xf32, #tpu.memory_space<hbm>>
      tpu.wait_indirect_dma semaphore(%arg11 : memref<!tpu.dma_semaphore, #tpu.memory_space<semaphore_mem>>) src(%dma_wait3A_303 : memref<10240x128xf32, #tpu.memory_space<hbm>>) dst(%arg7 : memref<128x128xf32, #tpu.memory_space<vmem>>)
      %dma_wait3A_304 = arith.constant 7 : i32
      %dma_wait3A_305 = arith.constant 0 : i32
      %dma_wait3A_306 = tpu.memref_slice %arg10[%dma_wait3A_304, %dma_wait3A_305] : memref<16x128xi32, #tpu.memory_space<vmem>> -> memref<1x128xi32, #tpu.memory_space<vmem>>
      %dma_wait3A_307 = tpu.memref_squeeze %dma_wait3A_306 : memref<1x128xi32, #tpu.memory_space<vmem>> -> memref<128xi32, #tpu.memory_space<vmem>>
      %dma_wait3A_308 = arith.constant 0 : i32
      %dma_wait3A_309 = arith.constant 0 : i32
      %dma_wait3A_310 = tpu.memref_slice %arg6[%dma_wait3A_308, %dma_wait3A_309] : memref<10240x128xf32, #tpu.memory_space<vmem_shared>> -> memref<10240x128xf32, #tpu.memory_space<vmem_shared>>
      tpu.wait_indirect_dma semaphore(%arg14 : memref<!tpu.dma_semaphore, #tpu.memory_space<semaphore_mem>>) src(%arg8 : memref<128x128xf32, #tpu.memory_space<vmem>>) dst(%dma_wait3A_310 : memref<10240x128xf32, #tpu.memory_space<vmem_shared>>)
      %dma_start3A_311 = arith.constant 9 : i32
      %dma_start3A_312 = arith.constant 0 : i32
      %dma_start3A_313 = tpu.memref_slice %arg9[%dma_start3A_311, %dma_start3A_312] : memref<16x128xi32, #tpu.memory_space<vmem>> -> memref<1x128xi32, #tpu.memory_space<vmem>>
      %dma_start3A_314 = tpu.memref_squeeze %dma_start3A_313 : memref<1x128xi32, #tpu.memory_space<vmem>> -> memref<128xi32, #tpu.memory_space<vmem>>
      %dma_start3A_315 = arith.constant 0 : i32
      %dma_start3A_316 = arith.constant 0 : i32
      %dma_start3A_317 = tpu.memref_slice %arg2[%dma_start3A_315, %dma_start3A_316] : memref<10240x128xf32, #tpu.memory_space<hbm>> -> memref<10240x128xf32, #tpu.memory_space<hbm>>
      tpu.enqueue_indirect_dma source(%dma_start3A_317 : memref<10240x128xf32, #tpu.memory_space<hbm>>) target(%arg8 : memref<128x128xf32, #tpu.memory_space<vmem>>) offsets(%dma_start3A_314 : memref<128xi32, #tpu.memory_space<vmem>>) semaphore(%arg12 : memref<!tpu.dma_semaphore, #tpu.memory_space<semaphore_mem>>)
      %dma_start3A_318 = arith.constant 8 : i32
      %dma_start3A_319 = arith.constant 0 : i32
      %dma_start3A_320 = tpu.memref_slice %arg10[%dma_start3A_318, %dma_start3A_319] : memref<16x128xi32, #tpu.memory_space<vmem>> -> memref<1x128xi32, #tpu.memory_space<vmem>>
      %dma_start3A_321 = tpu.memref_squeeze %dma_start3A_320 : memref<1x128xi32, #tpu.memory_space<vmem>> -> memref<128xi32, #tpu.memory_space<vmem>>
      %dma_start3A_322 = arith.constant 0 : i32
      %dma_start3A_323 = arith.constant 0 : i32
      %dma_start3A_324 = tpu.memref_slice %arg6[%dma_start3A_322, %dma_start3A_323] : memref<10240x128xf32, #tpu.memory_space<vmem_shared>> -> memref<10240x128xf32, #tpu.memory_space<vmem_shared>>
      tpu.enqueue_indirect_dma source(%arg7 : memref<128x128xf32, #tpu.memory_space<vmem>>) target(%dma_start3A_324 : memref<10240x128xf32, #tpu.memory_space<vmem_shared>>) offsets(%dma_start3A_321 : memref<128xi32, #tpu.memory_space<vmem>>) semaphore(%arg13 : memref<!tpu.dma_semaphore, #tpu.memory_space<semaphore_mem>>) {add = true}
      %dma_wait3A_325 = arith.constant 9 : i32
      %dma_wait3A_326 = arith.constant 0 : i32
      %dma_wait3A_327 = tpu.memref_slice %arg9[%dma_wait3A_325, %dma_wait3A_326] : memref<16x128xi32, #tpu.memory_space<vmem>> -> memref<1x128xi32, #tpu.memory_space<vmem>>
      %dma_wait3A_328 = tpu.memref_squeeze %dma_wait3A_327 : memref<1x128xi32, #tpu.memory_space<vmem>> -> memref<128xi32, #tpu.memory_space<vmem>>
      %dma_wait3A_329 = arith.constant 0 : i32
      %dma_wait3A_330 = arith.constant 0 : i32
      %dma_wait3A_331 = tpu.memref_slice %arg2[%dma_wait3A_329, %dma_wait3A_330] : memref<10240x128xf32, #tpu.memory_space<hbm>> -> memref<10240x128xf32, #tpu.memory_space<hbm>>
      tpu.wait_indirect_dma semaphore(%arg12 : memref<!tpu.dma_semaphore, #tpu.memory_space<semaphore_mem>>) src(%dma_wait3A_331 : memref<10240x128xf32, #tpu.memory_space<hbm>>) dst(%arg8 : memref<128x128xf32, #tpu.memory_space<vmem>>)
      %dma_wait3A_332 = arith.constant 8 : i32
      %dma_wait3A_333 = arith.constant 0 : i32
      %dma_wait3A_334 = tpu.memref_slice %arg10[%dma_wait3A_332, %dma_wait3A_333] : memref<16x128xi32, #tpu.memory_space<vmem>> -> memref<1x128xi32, #tpu.memory_space<vmem>>
      %dma_wait3A_335 = tpu.memref_squeeze %dma_wait3A_334 : memref<1x128xi32, #tpu.memory_space<vmem>> -> memref<128xi32, #tpu.memory_space<vmem>>
      %dma_wait3A_336 = arith.constant 0 : i32
      %dma_wait3A_337 = arith.constant 0 : i32
      %dma_wait3A_338 = tpu.memref_slice %arg6[%dma_wait3A_336, %dma_wait3A_337] : memref<10240x128xf32, #tpu.memory_space<vmem_shared>> -> memref<10240x128xf32, #tpu.memory_space<vmem_shared>>
      tpu.wait_indirect_dma semaphore(%arg13 : memref<!tpu.dma_semaphore, #tpu.memory_space<semaphore_mem>>) src(%arg7 : memref<128x128xf32, #tpu.memory_space<vmem>>) dst(%dma_wait3A_338 : memref<10240x128xf32, #tpu.memory_space<vmem_shared>>)
      %dma_start3A_339 = arith.constant 10 : i32
      %dma_start3A_340 = arith.constant 0 : i32
      %dma_start3A_341 = tpu.memref_slice %arg9[%dma_start3A_339, %dma_start3A_340] : memref<16x128xi32, #tpu.memory_space<vmem>> -> memref<1x128xi32, #tpu.memory_space<vmem>>
      %dma_start3A_342 = tpu.memref_squeeze %dma_start3A_341 : memref<1x128xi32, #tpu.memory_space<vmem>> -> memref<128xi32, #tpu.memory_space<vmem>>
      %dma_start3A_343 = arith.constant 0 : i32
      %dma_start3A_344 = arith.constant 0 : i32
      %dma_start3A_345 = tpu.memref_slice %arg2[%dma_start3A_343, %dma_start3A_344] : memref<10240x128xf32, #tpu.memory_space<hbm>> -> memref<10240x128xf32, #tpu.memory_space<hbm>>
      tpu.enqueue_indirect_dma source(%dma_start3A_345 : memref<10240x128xf32, #tpu.memory_space<hbm>>) target(%arg7 : memref<128x128xf32, #tpu.memory_space<vmem>>) offsets(%dma_start3A_342 : memref<128xi32, #tpu.memory_space<vmem>>) semaphore(%arg11 : memref<!tpu.dma_semaphore, #tpu.memory_space<semaphore_mem>>)
      %dma_start3A_346 = arith.constant 9 : i32
      %dma_start3A_347 = arith.constant 0 : i32
      %dma_start3A_348 = tpu.memref_slice %arg10[%dma_start3A_346, %dma_start3A_347] : memref<16x128xi32, #tpu.memory_space<vmem>> -> memref<1x128xi32, #tpu.memory_space<vmem>>
      %dma_start3A_349 = tpu.memref_squeeze %dma_start3A_348 : memref<1x128xi32, #tpu.memory_space<vmem>> -> memref<128xi32, #tpu.memory_space<vmem>>
      %dma_start3A_350 = arith.constant 0 : i32
      %dma_start3A_351 = arith.constant 0 : i32
      %dma_start3A_352 = tpu.memref_slice %arg6[%dma_start3A_350, %dma_start3A_351] : memref<10240x128xf32, #tpu.memory_space<vmem_shared>> -> memref<10240x128xf32, #tpu.memory_space<vmem_shared>>
      tpu.enqueue_indirect_dma source(%arg8 : memref<128x128xf32, #tpu.memory_space<vmem>>) target(%dma_start3A_352 : memref<10240x128xf32, #tpu.memory_space<vmem_shared>>) offsets(%dma_start3A_349 : memref<128xi32, #tpu.memory_space<vmem>>) semaphore(%arg14 : memref<!tpu.dma_semaphore, #tpu.memory_space<semaphore_mem>>) {add = true}
      %dma_wait3A_353 = arith.constant 10 : i32
      %dma_wait3A_354 = arith.constant 0 : i32
      %dma_wait3A_355 = tpu.memref_slice %arg9[%dma_wait3A_353, %dma_wait3A_354] : memref<16x128xi32, #tpu.memory_space<vmem>> -> memref<1x128xi32, #tpu.memory_space<vmem>>
      %dma_wait3A_356 = tpu.memref_squeeze %dma_wait3A_355 : memref<1x128xi32, #tpu.memory_space<vmem>> -> memref<128xi32, #tpu.memory_space<vmem>>
      %dma_wait3A_357 = arith.constant 0 : i32
      %dma_wait3A_358 = arith.constant 0 : i32
      %dma_wait3A_359 = tpu.memref_slice %arg2[%dma_wait3A_357, %dma_wait3A_358] : memref<10240x128xf32, #tpu.memory_space<hbm>> -> memref<10240x128xf32, #tpu.memory_space<hbm>>
      tpu.wait_indirect_dma semaphore(%arg11 : memref<!tpu.dma_semaphore, #tpu.memory_space<semaphore_mem>>) src(%dma_wait3A_359 : memref<10240x128xf32, #tpu.memory_space<hbm>>) dst(%arg7 : memref<128x128xf32, #tpu.memory_space<vmem>>)
      %dma_wait3A_360 = arith.constant 9 : i32
      %dma_wait3A_361 = arith.constant 0 : i32
      %dma_wait3A_362 = tpu.memref_slice %arg10[%dma_wait3A_360, %dma_wait3A_361] : memref<16x128xi32, #tpu.memory_space<vmem>> -> memref<1x128xi32, #tpu.memory_space<vmem>>
      %dma_wait3A_363 = tpu.memref_squeeze %dma_wait3A_362 : memref<1x128xi32, #tpu.memory_space<vmem>> -> memref<128xi32, #tpu.memory_space<vmem>>
      %dma_wait3A_364 = arith.constant 0 : i32
      %dma_wait3A_365 = arith.constant 0 : i32
      %dma_wait3A_366 = tpu.memref_slice %arg6[%dma_wait3A_364, %dma_wait3A_365] : memref<10240x128xf32, #tpu.memory_space<vmem_shared>> -> memref<10240x128xf32, #tpu.memory_space<vmem_shared>>
      tpu.wait_indirect_dma semaphore(%arg14 : memref<!tpu.dma_semaphore, #tpu.memory_space<semaphore_mem>>) src(%arg8 : memref<128x128xf32, #tpu.memory_space<vmem>>) dst(%dma_wait3A_366 : memref<10240x128xf32, #tpu.memory_space<vmem_shared>>)
      %dma_start3A_367 = arith.constant 11 : i32
      %dma_start3A_368 = arith.constant 0 : i32
      %dma_start3A_369 = tpu.memref_slice %arg9[%dma_start3A_367, %dma_start3A_368] : memref<16x128xi32, #tpu.memory_space<vmem>> -> memref<1x128xi32, #tpu.memory_space<vmem>>
      %dma_start3A_370 = tpu.memref_squeeze %dma_start3A_369 : memref<1x128xi32, #tpu.memory_space<vmem>> -> memref<128xi32, #tpu.memory_space<vmem>>
      %dma_start3A_371 = arith.constant 0 : i32
      %dma_start3A_372 = arith.constant 0 : i32
      %dma_start3A_373 = tpu.memref_slice %arg2[%dma_start3A_371, %dma_start3A_372] : memref<10240x128xf32, #tpu.memory_space<hbm>> -> memref<10240x128xf32, #tpu.memory_space<hbm>>
      tpu.enqueue_indirect_dma source(%dma_start3A_373 : memref<10240x128xf32, #tpu.memory_space<hbm>>) target(%arg8 : memref<128x128xf32, #tpu.memory_space<vmem>>) offsets(%dma_start3A_370 : memref<128xi32, #tpu.memory_space<vmem>>) semaphore(%arg12 : memref<!tpu.dma_semaphore, #tpu.memory_space<semaphore_mem>>)
      %dma_start3A_374 = arith.constant 10 : i32
      %dma_start3A_375 = arith.constant 0 : i32
      %dma_start3A_376 = tpu.memref_slice %arg10[%dma_start3A_374, %dma_start3A_375] : memref<16x128xi32, #tpu.memory_space<vmem>> -> memref<1x128xi32, #tpu.memory_space<vmem>>
      %dma_start3A_377 = tpu.memref_squeeze %dma_start3A_376 : memref<1x128xi32, #tpu.memory_space<vmem>> -> memref<128xi32, #tpu.memory_space<vmem>>
      %dma_start3A_378 = arith.constant 0 : i32
      %dma_start3A_379 = arith.constant 0 : i32
      %dma_start3A_380 = tpu.memref_slice %arg6[%dma_start3A_378, %dma_start3A_379] : memref<10240x128xf32, #tpu.memory_space<vmem_shared>> -> memref<10240x128xf32, #tpu.memory_space<vmem_shared>>
      tpu.enqueue_indirect_dma source(%arg7 : memref<128x128xf32, #tpu.memory_space<vmem>>) target(%dma_start3A_380 : memref<10240x128xf32, #tpu.memory_space<vmem_shared>>) offsets(%dma_start3A_377 : memref<128xi32, #tpu.memory_space<vmem>>) semaphore(%arg13 : memref<!tpu.dma_semaphore, #tpu.memory_space<semaphore_mem>>) {add = true}
      %dma_wait3A_381 = arith.constant 11 : i32
      %dma_wait3A_382 = arith.constant 0 : i32
      %dma_wait3A_383 = tpu.memref_slice %arg9[%dma_wait3A_381, %dma_wait3A_382] : memref<16x128xi32, #tpu.memory_space<vmem>> -> memref<1x128xi32, #tpu.memory_space<vmem>>
      %dma_wait3A_384 = tpu.memref_squeeze %dma_wait3A_383 : memref<1x128xi32, #tpu.memory_space<vmem>> -> memref<128xi32, #tpu.memory_space<vmem>>
      %dma_wait3A_385 = arith.constant 0 : i32
      %dma_wait3A_386 = arith.constant 0 : i32
      %dma_wait3A_387 = tpu.memref_slice %arg2[%dma_wait3A_385, %dma_wait3A_386] : memref<10240x128xf32, #tpu.memory_space<hbm>> -> memref<10240x128xf32, #tpu.memory_space<hbm>>
      tpu.wait_indirect_dma semaphore(%arg12 : memref<!tpu.dma_semaphore, #tpu.memory_space<semaphore_mem>>) src(%dma_wait3A_387 : memref<10240x128xf32, #tpu.memory_space<hbm>>) dst(%arg8 : memref<128x128xf32, #tpu.memory_space<vmem>>)
      %dma_wait3A_388 = arith.constant 10 : i32
      %dma_wait3A_389 = arith.constant 0 : i32
      %dma_wait3A_390 = tpu.memref_slice %arg10[%dma_wait3A_388, %dma_wait3A_389] : memref<16x128xi32, #tpu.memory_space<vmem>> -> memref<1x128xi32, #tpu.memory_space<vmem>>
      %dma_wait3A_391 = tpu.memref_squeeze %dma_wait3A_390 : memref<1x128xi32, #tpu.memory_space<vmem>> -> memref<128xi32, #tpu.memory_space<vmem>>
      %dma_wait3A_392 = arith.constant 0 : i32
      %dma_wait3A_393 = arith.constant 0 : i32
      %dma_wait3A_394 = tpu.memref_slice %arg6[%dma_wait3A_392, %dma_wait3A_393] : memref<10240x128xf32, #tpu.memory_space<vmem_shared>> -> memref<10240x128xf32, #tpu.memory_space<vmem_shared>>
      tpu.wait_indirect_dma semaphore(%arg13 : memref<!tpu.dma_semaphore, #tpu.memory_space<semaphore_mem>>) src(%arg7 : memref<128x128xf32, #tpu.memory_space<vmem>>) dst(%dma_wait3A_394 : memref<10240x128xf32, #tpu.memory_space<vmem_shared>>)
      %dma_start3A_395 = arith.constant 12 : i32
      %dma_start3A_396 = arith.constant 0 : i32
      %dma_start3A_397 = tpu.memref_slice %arg9[%dma_start3A_395, %dma_start3A_396] : memref<16x128xi32, #tpu.memory_space<vmem>> -> memref<1x128xi32, #tpu.memory_space<vmem>>
      %dma_start3A_398 = tpu.memref_squeeze %dma_start3A_397 : memref<1x128xi32, #tpu.memory_space<vmem>> -> memref<128xi32, #tpu.memory_space<vmem>>
      %dma_start3A_399 = arith.constant 0 : i32
      %dma_start3A_400 = arith.constant 0 : i32
      %dma_start3A_401 = tpu.memref_slice %arg2[%dma_start3A_399, %dma_start3A_400] : memref<10240x128xf32, #tpu.memory_space<hbm>> -> memref<10240x128xf32, #tpu.memory_space<hbm>>
      tpu.enqueue_indirect_dma source(%dma_start3A_401 : memref<10240x128xf32, #tpu.memory_space<hbm>>) target(%arg7 : memref<128x128xf32, #tpu.memory_space<vmem>>) offsets(%dma_start3A_398 : memref<128xi32, #tpu.memory_space<vmem>>) semaphore(%arg11 : memref<!tpu.dma_semaphore, #tpu.memory_space<semaphore_mem>>)
      %dma_start3A_402 = arith.constant 11 : i32
      %dma_start3A_403 = arith.constant 0 : i32
      %dma_start3A_404 = tpu.memref_slice %arg10[%dma_start3A_402, %dma_start3A_403] : memref<16x128xi32, #tpu.memory_space<vmem>> -> memref<1x128xi32, #tpu.memory_space<vmem>>
      %dma_start3A_405 = tpu.memref_squeeze %dma_start3A_404 : memref<1x128xi32, #tpu.memory_space<vmem>> -> memref<128xi32, #tpu.memory_space<vmem>>
      %dma_start3A_406 = arith.constant 0 : i32
      %dma_start3A_407 = arith.constant 0 : i32
      %dma_start3A_408 = tpu.memref_slice %arg6[%dma_start3A_406, %dma_start3A_407] : memref<10240x128xf32, #tpu.memory_space<vmem_shared>> -> memref<10240x128xf32, #tpu.memory_space<vmem_shared>>
      tpu.enqueue_indirect_dma source(%arg8 : memref<128x128xf32, #tpu.memory_space<vmem>>) target(%dma_start3A_408 : memref<10240x128xf32, #tpu.memory_space<vmem_shared>>) offsets(%dma_start3A_405 : memref<128xi32, #tpu.memory_space<vmem>>) semaphore(%arg14 : memref<!tpu.dma_semaphore, #tpu.memory_space<semaphore_mem>>) {add = true}
      %dma_wait3A_409 = arith.constant 12 : i32
      %dma_wait3A_410 = arith.constant 0 : i32
      %dma_wait3A_411 = tpu.memref_slice %arg9[%dma_wait3A_409, %dma_wait3A_410] : memref<16x128xi32, #tpu.memory_space<vmem>> -> memref<1x128xi32, #tpu.memory_space<vmem>>
      %dma_wait3A_412 = tpu.memref_squeeze %dma_wait3A_411 : memref<1x128xi32, #tpu.memory_space<vmem>> -> memref<128xi32, #tpu.memory_space<vmem>>
      %dma_wait3A_413 = arith.constant 0 : i32
      %dma_wait3A_414 = arith.constant 0 : i32
      %dma_wait3A_415 = tpu.memref_slice %arg2[%dma_wait3A_413, %dma_wait3A_414] : memref<10240x128xf32, #tpu.memory_space<hbm>> -> memref<10240x128xf32, #tpu.memory_space<hbm>>
      tpu.wait_indirect_dma semaphore(%arg11 : memref<!tpu.dma_semaphore, #tpu.memory_space<semaphore_mem>>) src(%dma_wait3A_415 : memref<10240x128xf32, #tpu.memory_space<hbm>>) dst(%arg7 : memref<128x128xf32, #tpu.memory_space<vmem>>)
      %dma_wait3A_416 = arith.constant 11 : i32
      %dma_wait3A_417 = arith.constant 0 : i32
      %dma_wait3A_418 = tpu.memref_slice %arg10[%dma_wait3A_416, %dma_wait3A_417] : memref<16x128xi32, #tpu.memory_space<vmem>> -> memref<1x128xi32, #tpu.memory_space<vmem>>
      %dma_wait3A_419 = tpu.memref_squeeze %dma_wait3A_418 : memref<1x128xi32, #tpu.memory_space<vmem>> -> memref<128xi32, #tpu.memory_space<vmem>>
      %dma_wait3A_420 = arith.constant 0 : i32
      %dma_wait3A_421 = arith.constant 0 : i32
      %dma_wait3A_422 = tpu.memref_slice %arg6[%dma_wait3A_420, %dma_wait3A_421] : memref<10240x128xf32, #tpu.memory_space<vmem_shared>> -> memref<10240x128xf32, #tpu.memory_space<vmem_shared>>
      tpu.wait_indirect_dma semaphore(%arg14 : memref<!tpu.dma_semaphore, #tpu.memory_space<semaphore_mem>>) src(%arg8 : memref<128x128xf32, #tpu.memory_space<vmem>>) dst(%dma_wait3A_422 : memref<10240x128xf32, #tpu.memory_space<vmem_shared>>)
      %dma_start3A_423 = arith.constant 13 : i32
      %dma_start3A_424 = arith.constant 0 : i32
      %dma_start3A_425 = tpu.memref_slice %arg9[%dma_start3A_423, %dma_start3A_424] : memref<16x128xi32, #tpu.memory_space<vmem>> -> memref<1x128xi32, #tpu.memory_space<vmem>>
      %dma_start3A_426 = tpu.memref_squeeze %dma_start3A_425 : memref<1x128xi32, #tpu.memory_space<vmem>> -> memref<128xi32, #tpu.memory_space<vmem>>
      %dma_start3A_427 = arith.constant 0 : i32
      %dma_start3A_428 = arith.constant 0 : i32
      %dma_start3A_429 = tpu.memref_slice %arg2[%dma_start3A_427, %dma_start3A_428] : memref<10240x128xf32, #tpu.memory_space<hbm>> -> memref<10240x128xf32, #tpu.memory_space<hbm>>
      tpu.enqueue_indirect_dma source(%dma_start3A_429 : memref<10240x128xf32, #tpu.memory_space<hbm>>) target(%arg8 : memref<128x128xf32, #tpu.memory_space<vmem>>) offsets(%dma_start3A_426 : memref<128xi32, #tpu.memory_space<vmem>>) semaphore(%arg12 : memref<!tpu.dma_semaphore, #tpu.memory_space<semaphore_mem>>)
      %dma_start3A_430 = arith.constant 12 : i32
      %dma_start3A_431 = arith.constant 0 : i32
      %dma_start3A_432 = tpu.memref_slice %arg10[%dma_start3A_430, %dma_start3A_431] : memref<16x128xi32, #tpu.memory_space<vmem>> -> memref<1x128xi32, #tpu.memory_space<vmem>>
      %dma_start3A_433 = tpu.memref_squeeze %dma_start3A_432 : memref<1x128xi32, #tpu.memory_space<vmem>> -> memref<128xi32, #tpu.memory_space<vmem>>
      %dma_start3A_434 = arith.constant 0 : i32
      %dma_start3A_435 = arith.constant 0 : i32
      %dma_start3A_436 = tpu.memref_slice %arg6[%dma_start3A_434, %dma_start3A_435] : memref<10240x128xf32, #tpu.memory_space<vmem_shared>> -> memref<10240x128xf32, #tpu.memory_space<vmem_shared>>
      tpu.enqueue_indirect_dma source(%arg7 : memref<128x128xf32, #tpu.memory_space<vmem>>) target(%dma_start3A_436 : memref<10240x128xf32, #tpu.memory_space<vmem_shared>>) offsets(%dma_start3A_433 : memref<128xi32, #tpu.memory_space<vmem>>) semaphore(%arg13 : memref<!tpu.dma_semaphore, #tpu.memory_space<semaphore_mem>>) {add = true}
      %dma_wait3A_437 = arith.constant 13 : i32
      %dma_wait3A_438 = arith.constant 0 : i32
      %dma_wait3A_439 = tpu.memref_slice %arg9[%dma_wait3A_437, %dma_wait3A_438] : memref<16x128xi32, #tpu.memory_space<vmem>> -> memref<1x128xi32, #tpu.memory_space<vmem>>
      %dma_wait3A_440 = tpu.memref_squeeze %dma_wait3A_439 : memref<1x128xi32, #tpu.memory_space<vmem>> -> memref<128xi32, #tpu.memory_space<vmem>>
      %dma_wait3A_441 = arith.constant 0 : i32
      %dma_wait3A_442 = arith.constant 0 : i32
      %dma_wait3A_443 = tpu.memref_slice %arg2[%dma_wait3A_441, %dma_wait3A_442] : memref<10240x128xf32, #tpu.memory_space<hbm>> -> memref<10240x128xf32, #tpu.memory_space<hbm>>
      tpu.wait_indirect_dma semaphore(%arg12 : memref<!tpu.dma_semaphore, #tpu.memory_space<semaphore_mem>>) src(%dma_wait3A_443 : memref<10240x128xf32, #tpu.memory_space<hbm>>) dst(%arg8 : memref<128x128xf32, #tpu.memory_space<vmem>>)
      %dma_wait3A_444 = arith.constant 12 : i32
      %dma_wait3A_445 = arith.constant 0 : i32
      %dma_wait3A_446 = tpu.memref_slice %arg10[%dma_wait3A_444, %dma_wait3A_445] : memref<16x128xi32, #tpu.memory_space<vmem>> -> memref<1x128xi32, #tpu.memory_space<vmem>>
      %dma_wait3A_447 = tpu.memref_squeeze %dma_wait3A_446 : memref<1x128xi32, #tpu.memory_space<vmem>> -> memref<128xi32, #tpu.memory_space<vmem>>
      %dma_wait3A_448 = arith.constant 0 : i32
      %dma_wait3A_449 = arith.constant 0 : i32
      %dma_wait3A_450 = tpu.memref_slice %arg6[%dma_wait3A_448, %dma_wait3A_449] : memref<10240x128xf32, #tpu.memory_space<vmem_shared>> -> memref<10240x128xf32, #tpu.memory_space<vmem_shared>>
      tpu.wait_indirect_dma semaphore(%arg13 : memref<!tpu.dma_semaphore, #tpu.memory_space<semaphore_mem>>) src(%arg7 : memref<128x128xf32, #tpu.memory_space<vmem>>) dst(%dma_wait3A_450 : memref<10240x128xf32, #tpu.memory_space<vmem_shared>>)
      %dma_start3A_451 = arith.constant 14 : i32
      %dma_start3A_452 = arith.constant 0 : i32
      %dma_start3A_453 = tpu.memref_slice %arg9[%dma_start3A_451, %dma_start3A_452] : memref<16x128xi32, #tpu.memory_space<vmem>> -> memref<1x128xi32, #tpu.memory_space<vmem>>
      %dma_start3A_454 = tpu.memref_squeeze %dma_start3A_453 : memref<1x128xi32, #tpu.memory_space<vmem>> -> memref<128xi32, #tpu.memory_space<vmem>>
      %dma_start3A_455 = arith.constant 0 : i32
      %dma_start3A_456 = arith.constant 0 : i32
      %dma_start3A_457 = tpu.memref_slice %arg2[%dma_start3A_455, %dma_start3A_456] : memref<10240x128xf32, #tpu.memory_space<hbm>> -> memref<10240x128xf32, #tpu.memory_space<hbm>>
      tpu.enqueue_indirect_dma source(%dma_start3A_457 : memref<10240x128xf32, #tpu.memory_space<hbm>>) target(%arg7 : memref<128x128xf32, #tpu.memory_space<vmem>>) offsets(%dma_start3A_454 : memref<128xi32, #tpu.memory_space<vmem>>) semaphore(%arg11 : memref<!tpu.dma_semaphore, #tpu.memory_space<semaphore_mem>>)
      %dma_start3A_458 = arith.constant 13 : i32
      %dma_start3A_459 = arith.constant 0 : i32
      %dma_start3A_460 = tpu.memref_slice %arg10[%dma_start3A_458, %dma_start3A_459] : memref<16x128xi32, #tpu.memory_space<vmem>> -> memref<1x128xi32, #tpu.memory_space<vmem>>
      %dma_start3A_461 = tpu.memref_squeeze %dma_start3A_460 : memref<1x128xi32, #tpu.memory_space<vmem>> -> memref<128xi32, #tpu.memory_space<vmem>>
      %dma_start3A_462 = arith.constant 0 : i32
      %dma_start3A_463 = arith.constant 0 : i32
      %dma_start3A_464 = tpu.memref_slice %arg6[%dma_start3A_462, %dma_start3A_463] : memref<10240x128xf32, #tpu.memory_space<vmem_shared>> -> memref<10240x128xf32, #tpu.memory_space<vmem_shared>>
      tpu.enqueue_indirect_dma source(%arg8 : memref<128x128xf32, #tpu.memory_space<vmem>>) target(%dma_start3A_464 : memref<10240x128xf32, #tpu.memory_space<vmem_shared>>) offsets(%dma_start3A_461 : memref<128xi32, #tpu.memory_space<vmem>>) semaphore(%arg14 : memref<!tpu.dma_semaphore, #tpu.memory_space<semaphore_mem>>) {add = true}
      %dma_wait3A_465 = arith.constant 14 : i32
      %dma_wait3A_466 = arith.constant 0 : i32
      %dma_wait3A_467 = tpu.memref_slice %arg9[%dma_wait3A_465, %dma_wait3A_466] : memref<16x128xi32, #tpu.memory_space<vmem>> -> memref<1x128xi32, #tpu.memory_space<vmem>>
      %dma_wait3A_468 = tpu.memref_squeeze %dma_wait3A_467 : memref<1x128xi32, #tpu.memory_space<vmem>> -> memref<128xi32, #tpu.memory_space<vmem>>
      %dma_wait3A_469 = arith.constant 0 : i32
      %dma_wait3A_470 = arith.constant 0 : i32
      %dma_wait3A_471 = tpu.memref_slice %arg2[%dma_wait3A_469, %dma_wait3A_470] : memref<10240x128xf32, #tpu.memory_space<hbm>> -> memref<10240x128xf32, #tpu.memory_space<hbm>>
      tpu.wait_indirect_dma semaphore(%arg11 : memref<!tpu.dma_semaphore, #tpu.memory_space<semaphore_mem>>) src(%dma_wait3A_471 : memref<10240x128xf32, #tpu.memory_space<hbm>>) dst(%arg7 : memref<128x128xf32, #tpu.memory_space<vmem>>)
      %dma_wait3A_472 = arith.constant 13 : i32
      %dma_wait3A_473 = arith.constant 0 : i32
      %dma_wait3A_474 = tpu.memref_slice %arg10[%dma_wait3A_472, %dma_wait3A_473] : memref<16x128xi32, #tpu.memory_space<vmem>> -> memref<1x128xi32, #tpu.memory_space<vmem>>
      %dma_wait3A_475 = tpu.memref_squeeze %dma_wait3A_474 : memref<1x128xi32, #tpu.memory_space<vmem>> -> memref<128xi32, #tpu.memory_space<vmem>>
      %dma_wait3A_476 = arith.constant 0 : i32
      %dma_wait3A_477 = arith.constant 0 : i32
      %dma_wait3A_478 = tpu.memref_slice %arg6[%dma_wait3A_476, %dma_wait3A_477] : memref<10240x128xf32, #tpu.memory_space<vmem_shared>> -> memref<10240x128xf32, #tpu.memory_space<vmem_shared>>
      tpu.wait_indirect_dma semaphore(%arg14 : memref<!tpu.dma_semaphore, #tpu.memory_space<semaphore_mem>>) src(%arg8 : memref<128x128xf32, #tpu.memory_space<vmem>>) dst(%dma_wait3A_478 : memref<10240x128xf32, #tpu.memory_space<vmem_shared>>)
      %dma_start3A_479 = arith.constant 15 : i32
      %dma_start3A_480 = arith.constant 0 : i32
      %dma_start3A_481 = tpu.memref_slice %arg9[%dma_start3A_479, %dma_start3A_480] : memref<16x128xi32, #tpu.memory_space<vmem>> -> memref<1x128xi32, #tpu.memory_space<vmem>>
      %dma_start3A_482 = tpu.memref_squeeze %dma_start3A_481 : memref<1x128xi32, #tpu.memory_space<vmem>> -> memref<128xi32, #tpu.memory_space<vmem>>
      %dma_start3A_483 = arith.constant 0 : i32
      %dma_start3A_484 = arith.constant 0 : i32
      %dma_start3A_485 = tpu.memref_slice %arg2[%dma_start3A_483, %dma_start3A_484] : memref<10240x128xf32, #tpu.memory_space<hbm>> -> memref<10240x128xf32, #tpu.memory_space<hbm>>
      tpu.enqueue_indirect_dma source(%dma_start3A_485 : memref<10240x128xf32, #tpu.memory_space<hbm>>) target(%arg8 : memref<128x128xf32, #tpu.memory_space<vmem>>) offsets(%dma_start3A_482 : memref<128xi32, #tpu.memory_space<vmem>>) semaphore(%arg12 : memref<!tpu.dma_semaphore, #tpu.memory_space<semaphore_mem>>)
      %dma_start3A_486 = arith.constant 14 : i32
      %dma_start3A_487 = arith.constant 0 : i32
      %dma_start3A_488 = tpu.memref_slice %arg10[%dma_start3A_486, %dma_start3A_487] : memref<16x128xi32, #tpu.memory_space<vmem>> -> memref<1x128xi32, #tpu.memory_space<vmem>>
      %dma_start3A_489 = tpu.memref_squeeze %dma_start3A_488 : memref<1x128xi32, #tpu.memory_space<vmem>> -> memref<128xi32, #tpu.memory_space<vmem>>
      %dma_start3A_490 = arith.constant 0 : i32
      %dma_start3A_491 = arith.constant 0 : i32
      %dma_start3A_492 = tpu.memref_slice %arg6[%dma_start3A_490, %dma_start3A_491] : memref<10240x128xf32, #tpu.memory_space<vmem_shared>> -> memref<10240x128xf32, #tpu.memory_space<vmem_shared>>
      tpu.enqueue_indirect_dma source(%arg7 : memref<128x128xf32, #tpu.memory_space<vmem>>) target(%dma_start3A_492 : memref<10240x128xf32, #tpu.memory_space<vmem_shared>>) offsets(%dma_start3A_489 : memref<128xi32, #tpu.memory_space<vmem>>) semaphore(%arg13 : memref<!tpu.dma_semaphore, #tpu.memory_space<semaphore_mem>>) {add = true}
      %dma_wait3A_493 = arith.constant 15 : i32
      %dma_wait3A_494 = arith.constant 0 : i32
      %dma_wait3A_495 = tpu.memref_slice %arg9[%dma_wait3A_493, %dma_wait3A_494] : memref<16x128xi32, #tpu.memory_space<vmem>> -> memref<1x128xi32, #tpu.memory_space<vmem>>
      %dma_wait3A_496 = tpu.memref_squeeze %dma_wait3A_495 : memref<1x128xi32, #tpu.memory_space<vmem>> -> memref<128xi32, #tpu.memory_space<vmem>>
      %dma_wait3A_497 = arith.constant 0 : i32
      %dma_wait3A_498 = arith.constant 0 : i32
      %dma_wait3A_499 = tpu.memref_slice %arg2[%dma_wait3A_497, %dma_wait3A_498] : memref<10240x128xf32, #tpu.memory_space<hbm>> -> memref<10240x128xf32, #tpu.memory_space<hbm>>
      tpu.wait_indirect_dma semaphore(%arg12 : memref<!tpu.dma_semaphore, #tpu.memory_space<semaphore_mem>>) src(%dma_wait3A_499 : memref<10240x128xf32, #tpu.memory_space<hbm>>) dst(%arg8 : memref<128x128xf32, #tpu.memory_space<vmem>>)
      %dma_start3A_500 = arith.constant 15 : i32
      %dma_start3A_501 = arith.constant 0 : i32
      %dma_start3A_502 = tpu.memref_slice %arg10[%dma_start3A_500, %dma_start3A_501] : memref<16x128xi32, #tpu.memory_space<vmem>> -> memref<1x128xi32, #tpu.memory_space<vmem>>
      %dma_start3A_503 = tpu.memref_squeeze %dma_start3A_502 : memref<1x128xi32, #tpu.memory_space<vmem>> -> memref<128xi32, #tpu.memory_space<vmem>>
      %dma_start3A_504 = arith.constant 0 : i32
      %dma_start3A_505 = arith.constant 0 : i32
      %dma_start3A_506 = tpu.memref_slice %arg6[%dma_start3A_504, %dma_start3A_505] : memref<10240x128xf32, #tpu.memory_space<vmem_shared>> -> memref<10240x128xf32, #tpu.memory_space<vmem_shared>>
      tpu.enqueue_indirect_dma source(%arg8 : memref<128x128xf32, #tpu.memory_space<vmem>>) target(%dma_start3A_506 : memref<10240x128xf32, #tpu.memory_space<vmem_shared>>) offsets(%dma_start3A_503 : memref<128xi32, #tpu.memory_space<vmem>>) semaphore(%arg14 : memref<!tpu.dma_semaphore, #tpu.memory_space<semaphore_mem>>) {add = true}
      %dma_wait3A_507 = arith.constant 14 : i32
      %dma_wait3A_508 = arith.constant 0 : i32
      %dma_wait3A_509 = tpu.memref_slice %arg10[%dma_wait3A_507, %dma_wait3A_508] : memref<16x128xi32, #tpu.memory_space<vmem>> -> memref<1x128xi32, #tpu.memory_space<vmem>>
      %dma_wait3A_510 = tpu.memref_squeeze %dma_wait3A_509 : memref<1x128xi32, #tpu.memory_space<vmem>> -> memref<128xi32, #tpu.memory_space<vmem>>
      %dma_wait3A_511 = arith.constant 0 : i32
      %dma_wait3A_512 = arith.constant 0 : i32
      %dma_wait3A_513 = tpu.memref_slice %arg6[%dma_wait3A_511, %dma_wait3A_512] : memref<10240x128xf32, #tpu.memory_space<vmem_shared>> -> memref<10240x128xf32, #tpu.memory_space<vmem_shared>>
      tpu.wait_indirect_dma semaphore(%arg13 : memref<!tpu.dma_semaphore, #tpu.memory_space<semaphore_mem>>) src(%arg7 : memref<128x128xf32, #tpu.memory_space<vmem>>) dst(%dma_wait3A_513 : memref<10240x128xf32, #tpu.memory_space<vmem_shared>>)
      %dma_wait3A_514 = arith.constant 15 : i32
      %dma_wait3A_515 = arith.constant 0 : i32
      %dma_wait3A_516 = tpu.memref_slice %arg10[%dma_wait3A_514, %dma_wait3A_515] : memref<16x128xi32, #tpu.memory_space<vmem>> -> memref<1x128xi32, #tpu.memory_space<vmem>>
      %dma_wait3A_517 = tpu.memref_squeeze %dma_wait3A_516 : memref<1x128xi32, #tpu.memory_space<vmem>> -> memref<128xi32, #tpu.memory_space<vmem>>
      %dma_wait3A_518 = arith.constant 0 : i32
      %dma_wait3A_519 = arith.constant 0 : i32
      %dma_wait3A_520 = tpu.memref_slice %arg6[%dma_wait3A_518, %dma_wait3A_519] : memref<10240x128xf32, #tpu.memory_space<vmem_shared>> -> memref<10240x128xf32, #tpu.memory_space<vmem_shared>>
      tpu.wait_indirect_dma semaphore(%arg14 : memref<!tpu.dma_semaphore, #tpu.memory_space<semaphore_mem>>) src(%arg8 : memref<128x128xf32, #tpu.memory_space<vmem>>) dst(%dma_wait3A_520 : memref<10240x128xf32, #tpu.memory_space<vmem_shared>>)
    }
    %while3A_63 = arith.constant 1 : i32
    scf.for %while3A_69 = %while3A_61 to %while3A_57 step %while3A_63  : i32 {
      %mul3A_70 = arith.muli %while3A_69, %while3A : i32
      %add3A_71 = arith.addi %while3A_54, %mul3A_70 : i32
      %mul3A_72 = arith.constant 16 : i32
      %mul3A_73 = arith.muli %add3A_71, %mul3A_72 : i32
      %add3A_74 = arith.addi %select_n3A_27, %mul3A_73 : i32
      "tpu.region"() ({
        %run_scoped3A = tpu.sem_alloc : memref<!tpu.dma_semaphore, #tpu.memory_space<semaphore_mem>>
        %dma_start3A_521 = arith.constant 0 : i32
        %dma_start3A_522 = tpu.memref_slice %arg3[%add3A_74, %dma_start3A_521] : memref<2560x128xi32, #tpu.memory_space<hbm>> -> memref<16x128xi32, #tpu.memory_space<hbm>>
        %dma_start3A_523 = arith.constant 0 : i32
        %dma_start3A_524 = tpu.memref_slice %arg3[%add3A_74, %dma_start3A_523] : memref<2560x128xi32, #tpu.memory_space<hbm>> -> memref<16x128xi32, #tpu.memory_space<hbm>>
        tpu.enqueue_dma source(%dma_start3A_524 : memref<16x128xi32, #tpu.memory_space<hbm>>) target(%arg9 : memref<16x128xi32, #tpu.memory_space<vmem>>) target_semaphore(%run_scoped3A : memref<!tpu.dma_semaphore, #tpu.memory_space<semaphore_mem>>)
        %dma_wait3A_525 = arith.constant 0 : i32
        %dma_wait3A_526 = tpu.memref_slice %arg3[%add3A_74, %dma_wait3A_525] : memref<2560x128xi32, #tpu.memory_space<hbm>> -> memref<16x128xi32, #tpu.memory_space<hbm>>
        %dma_wait3A_527 = arith.constant 0 : i32
        %dma_wait3A_528 = tpu.memref_slice %arg3[%add3A_74, %dma_wait3A_527] : memref<2560x128xi32, #tpu.memory_space<hbm>> -> memref<16x128xi32, #tpu.memory_space<hbm>>
        tpu.wait_dma2 semaphore(%run_scoped3A : memref<!tpu.dma_semaphore, #tpu.memory_space<semaphore_mem>>) src(%dma_wait3A_528 : memref<16x128xi32, #tpu.memory_space<hbm>>) dst(%arg9 : memref<16x128xi32, #tpu.memory_space<vmem>>)
        tpu.yield
      }) : () -> ()
      "tpu.region"() ({
        %run_scoped3A = tpu.sem_alloc : memref<!tpu.dma_semaphore, #tpu.memory_space<semaphore_mem>>
        %dma_start3A_521 = arith.constant 0 : i32
        %dma_start3A_522 = tpu.memref_slice %arg4[%add3A_74, %dma_start3A_521] : memref<2560x128xi32, #tpu.memory_space<hbm>> -> memref<16x128xi32, #tpu.memory_space<hbm>>
        %dma_start3A_523 = arith.constant 0 : i32
        %dma_start3A_524 = tpu.memref_slice %arg4[%add3A_74, %dma_start3A_523] : memref<2560x128xi32, #tpu.memory_space<hbm>> -> memref<16x128xi32, #tpu.memory_space<hbm>>
        tpu.enqueue_dma source(%dma_start3A_524 : memref<16x128xi32, #tpu.memory_space<hbm>>) target(%arg10 : memref<16x128xi32, #tpu.memory_space<vmem>>) target_semaphore(%run_scoped3A : memref<!tpu.dma_semaphore, #tpu.memory_space<semaphore_mem>>)
        %dma_wait3A_525 = arith.constant 0 : i32
        %dma_wait3A_526 = tpu.memref_slice %arg4[%add3A_74, %dma_wait3A_525] : memref<2560x128xi32, #tpu.memory_space<hbm>> -> memref<16x128xi32, #tpu.memory_space<hbm>>
        %dma_wait3A_527 = arith.constant 0 : i32
        %dma_wait3A_528 = tpu.memref_slice %arg4[%add3A_74, %dma_wait3A_527] : memref<2560x128xi32, #tpu.memory_space<hbm>> -> memref<16x128xi32, #tpu.memory_space<hbm>>
        tpu.wait_dma2 semaphore(%run_scoped3A : memref<!tpu.dma_semaphore, #tpu.memory_space<semaphore_mem>>) src(%dma_wait3A_528 : memref<16x128xi32, #tpu.memory_space<hbm>>) dst(%arg10 : memref<16x128xi32, #tpu.memory_space<vmem>>)
        tpu.yield
      }) : () -> ()
      %dma_start3A = arith.constant 0 : i32
      %dma_start3A_75 = arith.constant 0 : i32
      %dma_start3A_76 = tpu.memref_slice %arg9[%dma_start3A, %dma_start3A_75] : memref<16x128xi32, #tpu.memory_space<vmem>> -> memref<1x128xi32, #tpu.memory_space<vmem>>
      %dma_start3A_77 = tpu.memref_squeeze %dma_start3A_76 : memref<1x128xi32, #tpu.memory_space<vmem>> -> memref<128xi32, #tpu.memory_space<vmem>>
      %dma_start3A_78 = arith.constant 0 : i32
      %dma_start3A_79 = arith.constant 0 : i32
      %dma_start3A_80 = tpu.memref_slice %arg2[%dma_start3A_78, %dma_start3A_79] : memref<10240x128xf32, #tpu.memory_space<hbm>> -> memref<10240x128xf32, #tpu.memory_space<hbm>>
      tpu.enqueue_indirect_dma source(%dma_start3A_80 : memref<10240x128xf32, #tpu.memory_space<hbm>>) target(%arg7 : memref<128x128xf32, #tpu.memory_space<vmem>>) offsets(%dma_start3A_77 : memref<128xi32, #tpu.memory_space<vmem>>) semaphore(%arg11 : memref<!tpu.dma_semaphore, #tpu.memory_space<semaphore_mem>>)
      %dma_wait3A = arith.constant 0 : i32
      %dma_wait3A_81 = arith.constant 0 : i32
      %dma_wait3A_82 = tpu.memref_slice %arg9[%dma_wait3A, %dma_wait3A_81] : memref<16x128xi32, #tpu.memory_space<vmem>> -> memref<1x128xi32, #tpu.memory_space<vmem>>
      %dma_wait3A_83 = tpu.memref_squeeze %dma_wait3A_82 : memref<1x128xi32, #tpu.memory_space<vmem>> -> memref<128xi32, #tpu.memory_space<vmem>>
      %dma_wait3A_84 = arith.constant 0 : i32
      %dma_wait3A_85 = arith.constant 0 : i32
      %dma_wait3A_86 = tpu.memref_slice %arg2[%dma_wait3A_84, %dma_wait3A_85] : memref<10240x128xf32, #tpu.memory_space<hbm>> -> memref<10240x128xf32, #tpu.memory_space<hbm>>
      tpu.wait_indirect_dma semaphore(%arg11 : memref<!tpu.dma_semaphore, #tpu.memory_space<semaphore_mem>>) src(%dma_wait3A_86 : memref<10240x128xf32, #tpu.memory_space<hbm>>) dst(%arg7 : memref<128x128xf32, #tpu.memory_space<vmem>>)
      %dma_start3A_87 = arith.constant 1 : i32
      %dma_start3A_88 = arith.constant 0 : i32
      %dma_start3A_89 = tpu.memref_slice %arg9[%dma_start3A_87, %dma_start3A_88] : memref<16x128xi32, #tpu.memory_space<vmem>> -> memref<1x128xi32, #tpu.memory_space<vmem>>
      %dma_start3A_90 = tpu.memref_squeeze %dma_start3A_89 : memref<1x128xi32, #tpu.memory_space<vmem>> -> memref<128xi32, #tpu.memory_space<vmem>>
      %dma_start3A_91 = arith.constant 0 : i32
      %dma_start3A_92 = arith.constant 0 : i32
      %dma_start3A_93 = tpu.memref_slice %arg2[%dma_start3A_91, %dma_start3A_92] : memref<10240x128xf32, #tpu.memory_space<hbm>> -> memref<10240x128xf32, #tpu.memory_space<hbm>>
      tpu.enqueue_indirect_dma source(%dma_start3A_93 : memref<10240x128xf32, #tpu.memory_space<hbm>>) target(%arg8 : memref<128x128xf32, #tpu.memory_space<vmem>>) offsets(%dma_start3A_90 : memref<128xi32, #tpu.memory_space<vmem>>) semaphore(%arg12 : memref<!tpu.dma_semaphore, #tpu.memory_space<semaphore_mem>>)
      %dma_start3A_94 = arith.constant 0 : i32
      %dma_start3A_95 = arith.constant 0 : i32
      %dma_start3A_96 = tpu.memref_slice %arg10[%dma_start3A_94, %dma_start3A_95] : memref<16x128xi32, #tpu.memory_space<vmem>> -> memref<1x128xi32, #tpu.memory_space<vmem>>
      %dma_start3A_97 = tpu.memref_squeeze %dma_start3A_96 : memref<1x128xi32, #tpu.memory_space<vmem>> -> memref<128xi32, #tpu.memory_space<vmem>>
      %dma_start3A_98 = arith.constant 0 : i32
      %dma_start3A_99 = arith.constant 0 : i32
      %dma_start3A_100 = tpu.memref_slice %arg6[%dma_start3A_98, %dma_start3A_99] : memref<10240x128xf32, #tpu.memory_space<vmem_shared>> -> memref<10240x128xf32, #tpu.memory_space<vmem_shared>>
      tpu.enqueue_indirect_dma source(%arg7 : memref<128x128xf32, #tpu.memory_space<vmem>>) target(%dma_start3A_100 : memref<10240x128xf32, #tpu.memory_space<vmem_shared>>) offsets(%dma_start3A_97 : memref<128xi32, #tpu.memory_space<vmem>>) semaphore(%arg13 : memref<!tpu.dma_semaphore, #tpu.memory_space<semaphore_mem>>) {add = true}
      %dma_wait3A_101 = arith.constant 1 : i32
      %dma_wait3A_102 = arith.constant 0 : i32
      %dma_wait3A_103 = tpu.memref_slice %arg9[%dma_wait3A_101, %dma_wait3A_102] : memref<16x128xi32, #tpu.memory_space<vmem>> -> memref<1x128xi32, #tpu.memory_space<vmem>>
      %dma_wait3A_104 = tpu.memref_squeeze %dma_wait3A_103 : memref<1x128xi32, #tpu.memory_space<vmem>> -> memref<128xi32, #tpu.memory_space<vmem>>
      %dma_wait3A_105 = arith.constant 0 : i32
      %dma_wait3A_106 = arith.constant 0 : i32
      %dma_wait3A_107 = tpu.memref_slice %arg2[%dma_wait3A_105, %dma_wait3A_106] : memref<10240x128xf32, #tpu.memory_space<hbm>> -> memref<10240x128xf32, #tpu.memory_space<hbm>>
      tpu.wait_indirect_dma semaphore(%arg12 : memref<!tpu.dma_semaphore, #tpu.memory_space<semaphore_mem>>) src(%dma_wait3A_107 : memref<10240x128xf32, #tpu.memory_space<hbm>>) dst(%arg8 : memref<128x128xf32, #tpu.memory_space<vmem>>)
      %dma_wait3A_108 = arith.constant 0 : i32
      %dma_wait3A_109 = arith.constant 0 : i32
      %dma_wait3A_110 = tpu.memref_slice %arg10[%dma_wait3A_108, %dma_wait3A_109] : memref<16x128xi32, #tpu.memory_space<vmem>> -> memref<1x128xi32, #tpu.memory_space<vmem>>
      %dma_wait3A_111 = tpu.memref_squeeze %dma_wait3A_110 : memref<1x128xi32, #tpu.memory_space<vmem>> -> memref<128xi32, #tpu.memory_space<vmem>>
      %dma_wait3A_112 = arith.constant 0 : i32
      %dma_wait3A_113 = arith.constant 0 : i32
      %dma_wait3A_114 = tpu.memref_slice %arg6[%dma_wait3A_112, %dma_wait3A_113] : memref<10240x128xf32, #tpu.memory_space<vmem_shared>> -> memref<10240x128xf32, #tpu.memory_space<vmem_shared>>
      tpu.wait_indirect_dma semaphore(%arg13 : memref<!tpu.dma_semaphore, #tpu.memory_space<semaphore_mem>>) src(%arg7 : memref<128x128xf32, #tpu.memory_space<vmem>>) dst(%dma_wait3A_114 : memref<10240x128xf32, #tpu.memory_space<vmem_shared>>)
      %dma_start3A_115 = arith.constant 2 : i32
      %dma_start3A_116 = arith.constant 0 : i32
      %dma_start3A_117 = tpu.memref_slice %arg9[%dma_start3A_115, %dma_start3A_116] : memref<16x128xi32, #tpu.memory_space<vmem>> -> memref<1x128xi32, #tpu.memory_space<vmem>>
      %dma_start3A_118 = tpu.memref_squeeze %dma_start3A_117 : memref<1x128xi32, #tpu.memory_space<vmem>> -> memref<128xi32, #tpu.memory_space<vmem>>
      %dma_start3A_119 = arith.constant 0 : i32
      %dma_start3A_120 = arith.constant 0 : i32
      %dma_start3A_121 = tpu.memref_slice %arg2[%dma_start3A_119, %dma_start3A_120] : memref<10240x128xf32, #tpu.memory_space<hbm>> -> memref<10240x128xf32, #tpu.memory_space<hbm>>
      tpu.enqueue_indirect_dma source(%dma_start3A_121 : memref<10240x128xf32, #tpu.memory_space<hbm>>) target(%arg7 : memref<128x128xf32, #tpu.memory_space<vmem>>) offsets(%dma_start3A_118 : memref<128xi32, #tpu.memory_space<vmem>>) semaphore(%arg11 : memref<!tpu.dma_semaphore, #tpu.memory_space<semaphore_mem>>)
      %dma_start3A_122 = arith.constant 1 : i32
      %dma_start3A_123 = arith.constant 0 : i32
      %dma_start3A_124 = tpu.memref_slice %arg10[%dma_start3A_122, %dma_start3A_123] : memref<16x128xi32, #tpu.memory_space<vmem>> -> memref<1x128xi32, #tpu.memory_space<vmem>>
      %dma_start3A_125 = tpu.memref_squeeze %dma_start3A_124 : memref<1x128xi32, #tpu.memory_space<vmem>> -> memref<128xi32, #tpu.memory_space<vmem>>
      %dma_start3A_126 = arith.constant 0 : i32
      %dma_start3A_127 = arith.constant 0 : i32
      %dma_start3A_128 = tpu.memref_slice %arg6[%dma_start3A_126, %dma_start3A_127] : memref<10240x128xf32, #tpu.memory_space<vmem_shared>> -> memref<10240x128xf32, #tpu.memory_space<vmem_shared>>
      tpu.enqueue_indirect_dma source(%arg8 : memref<128x128xf32, #tpu.memory_space<vmem>>) target(%dma_start3A_128 : memref<10240x128xf32, #tpu.memory_space<vmem_shared>>) offsets(%dma_start3A_125 : memref<128xi32, #tpu.memory_space<vmem>>) semaphore(%arg14 : memref<!tpu.dma_semaphore, #tpu.memory_space<semaphore_mem>>) {add = true}
      %dma_wait3A_129 = arith.constant 2 : i32
      %dma_wait3A_130 = arith.constant 0 : i32
      %dma_wait3A_131 = tpu.memref_slice %arg9[%dma_wait3A_129, %dma_wait3A_130] : memref<16x128xi32, #tpu.memory_space<vmem>> -> memref<1x128xi32, #tpu.memory_space<vmem>>
      %dma_wait3A_132 = tpu.memref_squeeze %dma_wait3A_131 : memref<1x128xi32, #tpu.memory_space<vmem>> -> memref<128xi32, #tpu.memory_space<vmem>>
      %dma_wait3A_133 = arith.constant 0 : i32
      %dma_wait3A_134 = arith.constant 0 : i32
      %dma_wait3A_135 = tpu.memref_slice %arg2[%dma_wait3A_133, %dma_wait3A_134] : memref<10240x128xf32, #tpu.memory_space<hbm>> -> memref<10240x128xf32, #tpu.memory_space<hbm>>
      tpu.wait_indirect_dma semaphore(%arg11 : memref<!tpu.dma_semaphore, #tpu.memory_space<semaphore_mem>>) src(%dma_wait3A_135 : memref<10240x128xf32, #tpu.memory_space<hbm>>) dst(%arg7 : memref<128x128xf32, #tpu.memory_space<vmem>>)
      %dma_wait3A_136 = arith.constant 1 : i32
      %dma_wait3A_137 = arith.constant 0 : i32
      %dma_wait3A_138 = tpu.memref_slice %arg10[%dma_wait3A_136, %dma_wait3A_137] : memref<16x128xi32, #tpu.memory_space<vmem>> -> memref<1x128xi32, #tpu.memory_space<vmem>>
      %dma_wait3A_139 = tpu.memref_squeeze %dma_wait3A_138 : memref<1x128xi32, #tpu.memory_space<vmem>> -> memref<128xi32, #tpu.memory_space<vmem>>
      %dma_wait3A_140 = arith.constant 0 : i32
      %dma_wait3A_141 = arith.constant 0 : i32
      %dma_wait3A_142 = tpu.memref_slice %arg6[%dma_wait3A_140, %dma_wait3A_141] : memref<10240x128xf32, #tpu.memory_space<vmem_shared>> -> memref<10240x128xf32, #tpu.memory_space<vmem_shared>>
      tpu.wait_indirect_dma semaphore(%arg14 : memref<!tpu.dma_semaphore, #tpu.memory_space<semaphore_mem>>) src(%arg8 : memref<128x128xf32, #tpu.memory_space<vmem>>) dst(%dma_wait3A_142 : memref<10240x128xf32, #tpu.memory_space<vmem_shared>>)
      %dma_start3A_143 = arith.constant 3 : i32
      %dma_start3A_144 = arith.constant 0 : i32
      %dma_start3A_145 = tpu.memref_slice %arg9[%dma_start3A_143, %dma_start3A_144] : memref<16x128xi32, #tpu.memory_space<vmem>> -> memref<1x128xi32, #tpu.memory_space<vmem>>
      %dma_start3A_146 = tpu.memref_squeeze %dma_start3A_145 : memref<1x128xi32, #tpu.memory_space<vmem>> -> memref<128xi32, #tpu.memory_space<vmem>>
      %dma_start3A_147 = arith.constant 0 : i32
      %dma_start3A_148 = arith.constant 0 : i32
      %dma_start3A_149 = tpu.memref_slice %arg2[%dma_start3A_147, %dma_start3A_148] : memref<10240x128xf32, #tpu.memory_space<hbm>> -> memref<10240x128xf32, #tpu.memory_space<hbm>>
      tpu.enqueue_indirect_dma source(%dma_start3A_149 : memref<10240x128xf32, #tpu.memory_space<hbm>>) target(%arg8 : memref<128x128xf32, #tpu.memory_space<vmem>>) offsets(%dma_start3A_146 : memref<128xi32, #tpu.memory_space<vmem>>) semaphore(%arg12 : memref<!tpu.dma_semaphore, #tpu.memory_space<semaphore_mem>>)
      %dma_start3A_150 = arith.constant 2 : i32
      %dma_start3A_151 = arith.constant 0 : i32
      %dma_start3A_152 = tpu.memref_slice %arg10[%dma_start3A_150, %dma_start3A_151] : memref<16x128xi32, #tpu.memory_space<vmem>> -> memref<1x128xi32, #tpu.memory_space<vmem>>
      %dma_start3A_153 = tpu.memref_squeeze %dma_start3A_152 : memref<1x128xi32, #tpu.memory_space<vmem>> -> memref<128xi32, #tpu.memory_space<vmem>>
      %dma_start3A_154 = arith.constant 0 : i32
      %dma_start3A_155 = arith.constant 0 : i32
      %dma_start3A_156 = tpu.memref_slice %arg6[%dma_start3A_154, %dma_start3A_155] : memref<10240x128xf32, #tpu.memory_space<vmem_shared>> -> memref<10240x128xf32, #tpu.memory_space<vmem_shared>>
      tpu.enqueue_indirect_dma source(%arg7 : memref<128x128xf32, #tpu.memory_space<vmem>>) target(%dma_start3A_156 : memref<10240x128xf32, #tpu.memory_space<vmem_shared>>) offsets(%dma_start3A_153 : memref<128xi32, #tpu.memory_space<vmem>>) semaphore(%arg13 : memref<!tpu.dma_semaphore, #tpu.memory_space<semaphore_mem>>) {add = true}
      %dma_wait3A_157 = arith.constant 3 : i32
      %dma_wait3A_158 = arith.constant 0 : i32
      %dma_wait3A_159 = tpu.memref_slice %arg9[%dma_wait3A_157, %dma_wait3A_158] : memref<16x128xi32, #tpu.memory_space<vmem>> -> memref<1x128xi32, #tpu.memory_space<vmem>>
      %dma_wait3A_160 = tpu.memref_squeeze %dma_wait3A_159 : memref<1x128xi32, #tpu.memory_space<vmem>> -> memref<128xi32, #tpu.memory_space<vmem>>
      %dma_wait3A_161 = arith.constant 0 : i32
      %dma_wait3A_162 = arith.constant 0 : i32
      %dma_wait3A_163 = tpu.memref_slice %arg2[%dma_wait3A_161, %dma_wait3A_162] : memref<10240x128xf32, #tpu.memory_space<hbm>> -> memref<10240x128xf32, #tpu.memory_space<hbm>>
      tpu.wait_indirect_dma semaphore(%arg12 : memref<!tpu.dma_semaphore, #tpu.memory_space<semaphore_mem>>) src(%dma_wait3A_163 : memref<10240x128xf32, #tpu.memory_space<hbm>>) dst(%arg8 : memref<128x128xf32, #tpu.memory_space<vmem>>)
      %dma_wait3A_164 = arith.constant 2 : i32
      %dma_wait3A_165 = arith.constant 0 : i32
      %dma_wait3A_166 = tpu.memref_slice %arg10[%dma_wait3A_164, %dma_wait3A_165] : memref<16x128xi32, #tpu.memory_space<vmem>> -> memref<1x128xi32, #tpu.memory_space<vmem>>
      %dma_wait3A_167 = tpu.memref_squeeze %dma_wait3A_166 : memref<1x128xi32, #tpu.memory_space<vmem>> -> memref<128xi32, #tpu.memory_space<vmem>>
      %dma_wait3A_168 = arith.constant 0 : i32
      %dma_wait3A_169 = arith.constant 0 : i32
      %dma_wait3A_170 = tpu.memref_slice %arg6[%dma_wait3A_168, %dma_wait3A_169] : memref<10240x128xf32, #tpu.memory_space<vmem_shared>> -> memref<10240x128xf32, #tpu.memory_space<vmem_shared>>
      tpu.wait_indirect_dma semaphore(%arg13 : memref<!tpu.dma_semaphore, #tpu.memory_space<semaphore_mem>>) src(%arg7 : memref<128x128xf32, #tpu.memory_space<vmem>>) dst(%dma_wait3A_170 : memref<10240x128xf32, #tpu.memory_space<vmem_shared>>)
      %dma_start3A_171 = arith.constant 4 : i32
      %dma_start3A_172 = arith.constant 0 : i32
      %dma_start3A_173 = tpu.memref_slice %arg9[%dma_start3A_171, %dma_start3A_172] : memref<16x128xi32, #tpu.memory_space<vmem>> -> memref<1x128xi32, #tpu.memory_space<vmem>>
      %dma_start3A_174 = tpu.memref_squeeze %dma_start3A_173 : memref<1x128xi32, #tpu.memory_space<vmem>> -> memref<128xi32, #tpu.memory_space<vmem>>
      %dma_start3A_175 = arith.constant 0 : i32
      %dma_start3A_176 = arith.constant 0 : i32
      %dma_start3A_177 = tpu.memref_slice %arg2[%dma_start3A_175, %dma_start3A_176] : memref<10240x128xf32, #tpu.memory_space<hbm>> -> memref<10240x128xf32, #tpu.memory_space<hbm>>
      tpu.enqueue_indirect_dma source(%dma_start3A_177 : memref<10240x128xf32, #tpu.memory_space<hbm>>) target(%arg7 : memref<128x128xf32, #tpu.memory_space<vmem>>) offsets(%dma_start3A_174 : memref<128xi32, #tpu.memory_space<vmem>>) semaphore(%arg11 : memref<!tpu.dma_semaphore, #tpu.memory_space<semaphore_mem>>)
      %dma_start3A_178 = arith.constant 3 : i32
      %dma_start3A_179 = arith.constant 0 : i32
      %dma_start3A_180 = tpu.memref_slice %arg10[%dma_start3A_178, %dma_start3A_179] : memref<16x128xi32, #tpu.memory_space<vmem>> -> memref<1x128xi32, #tpu.memory_space<vmem>>
      %dma_start3A_181 = tpu.memref_squeeze %dma_start3A_180 : memref<1x128xi32, #tpu.memory_space<vmem>> -> memref<128xi32, #tpu.memory_space<vmem>>
      %dma_start3A_182 = arith.constant 0 : i32
      %dma_start3A_183 = arith.constant 0 : i32
      %dma_start3A_184 = tpu.memref_slice %arg6[%dma_start3A_182, %dma_start3A_183] : memref<10240x128xf32, #tpu.memory_space<vmem_shared>> -> memref<10240x128xf32, #tpu.memory_space<vmem_shared>>
      tpu.enqueue_indirect_dma source(%arg8 : memref<128x128xf32, #tpu.memory_space<vmem>>) target(%dma_start3A_184 : memref<10240x128xf32, #tpu.memory_space<vmem_shared>>) offsets(%dma_start3A_181 : memref<128xi32, #tpu.memory_space<vmem>>) semaphore(%arg14 : memref<!tpu.dma_semaphore, #tpu.memory_space<semaphore_mem>>) {add = true}
      %dma_wait3A_185 = arith.constant 4 : i32
      %dma_wait3A_186 = arith.constant 0 : i32
      %dma_wait3A_187 = tpu.memref_slice %arg9[%dma_wait3A_185, %dma_wait3A_186] : memref<16x128xi32, #tpu.memory_space<vmem>> -> memref<1x128xi32, #tpu.memory_space<vmem>>
      %dma_wait3A_188 = tpu.memref_squeeze %dma_wait3A_187 : memref<1x128xi32, #tpu.memory_space<vmem>> -> memref<128xi32, #tpu.memory_space<vmem>>
      %dma_wait3A_189 = arith.constant 0 : i32
      %dma_wait3A_190 = arith.constant 0 : i32
      %dma_wait3A_191 = tpu.memref_slice %arg2[%dma_wait3A_189, %dma_wait3A_190] : memref<10240x128xf32, #tpu.memory_space<hbm>> -> memref<10240x128xf32, #tpu.memory_space<hbm>>
      tpu.wait_indirect_dma semaphore(%arg11 : memref<!tpu.dma_semaphore, #tpu.memory_space<semaphore_mem>>) src(%dma_wait3A_191 : memref<10240x128xf32, #tpu.memory_space<hbm>>) dst(%arg7 : memref<128x128xf32, #tpu.memory_space<vmem>>)
      %dma_wait3A_192 = arith.constant 3 : i32
      %dma_wait3A_193 = arith.constant 0 : i32
      %dma_wait3A_194 = tpu.memref_slice %arg10[%dma_wait3A_192, %dma_wait3A_193] : memref<16x128xi32, #tpu.memory_space<vmem>> -> memref<1x128xi32, #tpu.memory_space<vmem>>
      %dma_wait3A_195 = tpu.memref_squeeze %dma_wait3A_194 : memref<1x128xi32, #tpu.memory_space<vmem>> -> memref<128xi32, #tpu.memory_space<vmem>>
      %dma_wait3A_196 = arith.constant 0 : i32
      %dma_wait3A_197 = arith.constant 0 : i32
      %dma_wait3A_198 = tpu.memref_slice %arg6[%dma_wait3A_196, %dma_wait3A_197] : memref<10240x128xf32, #tpu.memory_space<vmem_shared>> -> memref<10240x128xf32, #tpu.memory_space<vmem_shared>>
      tpu.wait_indirect_dma semaphore(%arg14 : memref<!tpu.dma_semaphore, #tpu.memory_space<semaphore_mem>>) src(%arg8 : memref<128x128xf32, #tpu.memory_space<vmem>>) dst(%dma_wait3A_198 : memref<10240x128xf32, #tpu.memory_space<vmem_shared>>)
      %dma_start3A_199 = arith.constant 5 : i32
      %dma_start3A_200 = arith.constant 0 : i32
      %dma_start3A_201 = tpu.memref_slice %arg9[%dma_start3A_199, %dma_start3A_200] : memref<16x128xi32, #tpu.memory_space<vmem>> -> memref<1x128xi32, #tpu.memory_space<vmem>>
      %dma_start3A_202 = tpu.memref_squeeze %dma_start3A_201 : memref<1x128xi32, #tpu.memory_space<vmem>> -> memref<128xi32, #tpu.memory_space<vmem>>
      %dma_start3A_203 = arith.constant 0 : i32
      %dma_start3A_204 = arith.constant 0 : i32
      %dma_start3A_205 = tpu.memref_slice %arg2[%dma_start3A_203, %dma_start3A_204] : memref<10240x128xf32, #tpu.memory_space<hbm>> -> memref<10240x128xf32, #tpu.memory_space<hbm>>
      tpu.enqueue_indirect_dma source(%dma_start3A_205 : memref<10240x128xf32, #tpu.memory_space<hbm>>) target(%arg8 : memref<128x128xf32, #tpu.memory_space<vmem>>) offsets(%dma_start3A_202 : memref<128xi32, #tpu.memory_space<vmem>>) semaphore(%arg12 : memref<!tpu.dma_semaphore, #tpu.memory_space<semaphore_mem>>)
      %dma_start3A_206 = arith.constant 4 : i32
      %dma_start3A_207 = arith.constant 0 : i32
      %dma_start3A_208 = tpu.memref_slice %arg10[%dma_start3A_206, %dma_start3A_207] : memref<16x128xi32, #tpu.memory_space<vmem>> -> memref<1x128xi32, #tpu.memory_space<vmem>>
      %dma_start3A_209 = tpu.memref_squeeze %dma_start3A_208 : memref<1x128xi32, #tpu.memory_space<vmem>> -> memref<128xi32, #tpu.memory_space<vmem>>
      %dma_start3A_210 = arith.constant 0 : i32
      %dma_start3A_211 = arith.constant 0 : i32
      %dma_start3A_212 = tpu.memref_slice %arg6[%dma_start3A_210, %dma_start3A_211] : memref<10240x128xf32, #tpu.memory_space<vmem_shared>> -> memref<10240x128xf32, #tpu.memory_space<vmem_shared>>
      tpu.enqueue_indirect_dma source(%arg7 : memref<128x128xf32, #tpu.memory_space<vmem>>) target(%dma_start3A_212 : memref<10240x128xf32, #tpu.memory_space<vmem_shared>>) offsets(%dma_start3A_209 : memref<128xi32, #tpu.memory_space<vmem>>) semaphore(%arg13 : memref<!tpu.dma_semaphore, #tpu.memory_space<semaphore_mem>>) {add = true}
      %dma_wait3A_213 = arith.constant 5 : i32
      %dma_wait3A_214 = arith.constant 0 : i32
      %dma_wait3A_215 = tpu.memref_slice %arg9[%dma_wait3A_213, %dma_wait3A_214] : memref<16x128xi32, #tpu.memory_space<vmem>> -> memref<1x128xi32, #tpu.memory_space<vmem>>
      %dma_wait3A_216 = tpu.memref_squeeze %dma_wait3A_215 : memref<1x128xi32, #tpu.memory_space<vmem>> -> memref<128xi32, #tpu.memory_space<vmem>>
      %dma_wait3A_217 = arith.constant 0 : i32
      %dma_wait3A_218 = arith.constant 0 : i32
      %dma_wait3A_219 = tpu.memref_slice %arg2[%dma_wait3A_217, %dma_wait3A_218] : memref<10240x128xf32, #tpu.memory_space<hbm>> -> memref<10240x128xf32, #tpu.memory_space<hbm>>
      tpu.wait_indirect_dma semaphore(%arg12 : memref<!tpu.dma_semaphore, #tpu.memory_space<semaphore_mem>>) src(%dma_wait3A_219 : memref<10240x128xf32, #tpu.memory_space<hbm>>) dst(%arg8 : memref<128x128xf32, #tpu.memory_space<vmem>>)
      %dma_wait3A_220 = arith.constant 4 : i32
      %dma_wait3A_221 = arith.constant 0 : i32
      %dma_wait3A_222 = tpu.memref_slice %arg10[%dma_wait3A_220, %dma_wait3A_221] : memref<16x128xi32, #tpu.memory_space<vmem>> -> memref<1x128xi32, #tpu.memory_space<vmem>>
      %dma_wait3A_223 = tpu.memref_squeeze %dma_wait3A_222 : memref<1x128xi32, #tpu.memory_space<vmem>> -> memref<128xi32, #tpu.memory_space<vmem>>
      %dma_wait3A_224 = arith.constant 0 : i32
      %dma_wait3A_225 = arith.constant 0 : i32
      %dma_wait3A_226 = tpu.memref_slice %arg6[%dma_wait3A_224, %dma_wait3A_225] : memref<10240x128xf32, #tpu.memory_space<vmem_shared>> -> memref<10240x128xf32, #tpu.memory_space<vmem_shared>>
      tpu.wait_indirect_dma semaphore(%arg13 : memref<!tpu.dma_semaphore, #tpu.memory_space<semaphore_mem>>) src(%arg7 : memref<128x128xf32, #tpu.memory_space<vmem>>) dst(%dma_wait3A_226 : memref<10240x128xf32, #tpu.memory_space<vmem_shared>>)
      %dma_start3A_227 = arith.constant 6 : i32
      %dma_start3A_228 = arith.constant 0 : i32
      %dma_start3A_229 = tpu.memref_slice %arg9[%dma_start3A_227, %dma_start3A_228] : memref<16x128xi32, #tpu.memory_space<vmem>> -> memref<1x128xi32, #tpu.memory_space<vmem>>
      %dma_start3A_230 = tpu.memref_squeeze %dma_start3A_229 : memref<1x128xi32, #tpu.memory_space<vmem>> -> memref<128xi32, #tpu.memory_space<vmem>>
      %dma_start3A_231 = arith.constant 0 : i32
      %dma_start3A_232 = arith.constant 0 : i32
      %dma_start3A_233 = tpu.memref_slice %arg2[%dma_start3A_231, %dma_start3A_232] : memref<10240x128xf32, #tpu.memory_space<hbm>> -> memref<10240x128xf32, #tpu.memory_space<hbm>>
      tpu.enqueue_indirect_dma source(%dma_start3A_233 : memref<10240x128xf32, #tpu.memory_space<hbm>>) target(%arg7 : memref<128x128xf32, #tpu.memory_space<vmem>>) offsets(%dma_start3A_230 : memref<128xi32, #tpu.memory_space<vmem>>) semaphore(%arg11 : memref<!tpu.dma_semaphore, #tpu.memory_space<semaphore_mem>>)
      %dma_start3A_234 = arith.constant 5 : i32
      %dma_start3A_235 = arith.constant 0 : i32
      %dma_start3A_236 = tpu.memref_slice %arg10[%dma_start3A_234, %dma_start3A_235] : memref<16x128xi32, #tpu.memory_space<vmem>> -> memref<1x128xi32, #tpu.memory_space<vmem>>
      %dma_start3A_237 = tpu.memref_squeeze %dma_start3A_236 : memref<1x128xi32, #tpu.memory_space<vmem>> -> memref<128xi32, #tpu.memory_space<vmem>>
      %dma_start3A_238 = arith.constant 0 : i32
      %dma_start3A_239 = arith.constant 0 : i32
      %dma_start3A_240 = tpu.memref_slice %arg6[%dma_start3A_238, %dma_start3A_239] : memref<10240x128xf32, #tpu.memory_space<vmem_shared>> -> memref<10240x128xf32, #tpu.memory_space<vmem_shared>>
      tpu.enqueue_indirect_dma source(%arg8 : memref<128x128xf32, #tpu.memory_space<vmem>>) target(%dma_start3A_240 : memref<10240x128xf32, #tpu.memory_space<vmem_shared>>) offsets(%dma_start3A_237 : memref<128xi32, #tpu.memory_space<vmem>>) semaphore(%arg14 : memref<!tpu.dma_semaphore, #tpu.memory_space<semaphore_mem>>) {add = true}
      %dma_wait3A_241 = arith.constant 6 : i32
      %dma_wait3A_242 = arith.constant 0 : i32
      %dma_wait3A_243 = tpu.memref_slice %arg9[%dma_wait3A_241, %dma_wait3A_242] : memref<16x128xi32, #tpu.memory_space<vmem>> -> memref<1x128xi32, #tpu.memory_space<vmem>>
      %dma_wait3A_244 = tpu.memref_squeeze %dma_wait3A_243 : memref<1x128xi32, #tpu.memory_space<vmem>> -> memref<128xi32, #tpu.memory_space<vmem>>
      %dma_wait3A_245 = arith.constant 0 : i32
      %dma_wait3A_246 = arith.constant 0 : i32
      %dma_wait3A_247 = tpu.memref_slice %arg2[%dma_wait3A_245, %dma_wait3A_246] : memref<10240x128xf32, #tpu.memory_space<hbm>> -> memref<10240x128xf32, #tpu.memory_space<hbm>>
      tpu.wait_indirect_dma semaphore(%arg11 : memref<!tpu.dma_semaphore, #tpu.memory_space<semaphore_mem>>) src(%dma_wait3A_247 : memref<10240x128xf32, #tpu.memory_space<hbm>>) dst(%arg7 : memref<128x128xf32, #tpu.memory_space<vmem>>)
      %dma_wait3A_248 = arith.constant 5 : i32
      %dma_wait3A_249 = arith.constant 0 : i32
      %dma_wait3A_250 = tpu.memref_slice %arg10[%dma_wait3A_248, %dma_wait3A_249] : memref<16x128xi32, #tpu.memory_space<vmem>> -> memref<1x128xi32, #tpu.memory_space<vmem>>
      %dma_wait3A_251 = tpu.memref_squeeze %dma_wait3A_250 : memref<1x128xi32, #tpu.memory_space<vmem>> -> memref<128xi32, #tpu.memory_space<vmem>>
      %dma_wait3A_252 = arith.constant 0 : i32
      %dma_wait3A_253 = arith.constant 0 : i32
      %dma_wait3A_254 = tpu.memref_slice %arg6[%dma_wait3A_252, %dma_wait3A_253] : memref<10240x128xf32, #tpu.memory_space<vmem_shared>> -> memref<10240x128xf32, #tpu.memory_space<vmem_shared>>
      tpu.wait_indirect_dma semaphore(%arg14 : memref<!tpu.dma_semaphore, #tpu.memory_space<semaphore_mem>>) src(%arg8 : memref<128x128xf32, #tpu.memory_space<vmem>>) dst(%dma_wait3A_254 : memref<10240x128xf32, #tpu.memory_space<vmem_shared>>)
      %dma_start3A_255 = arith.constant 7 : i32
      %dma_start3A_256 = arith.constant 0 : i32
      %dma_start3A_257 = tpu.memref_slice %arg9[%dma_start3A_255, %dma_start3A_256] : memref<16x128xi32, #tpu.memory_space<vmem>> -> memref<1x128xi32, #tpu.memory_space<vmem>>
      %dma_start3A_258 = tpu.memref_squeeze %dma_start3A_257 : memref<1x128xi32, #tpu.memory_space<vmem>> -> memref<128xi32, #tpu.memory_space<vmem>>
      %dma_start3A_259 = arith.constant 0 : i32
      %dma_start3A_260 = arith.constant 0 : i32
      %dma_start3A_261 = tpu.memref_slice %arg2[%dma_start3A_259, %dma_start3A_260] : memref<10240x128xf32, #tpu.memory_space<hbm>> -> memref<10240x128xf32, #tpu.memory_space<hbm>>
      tpu.enqueue_indirect_dma source(%dma_start3A_261 : memref<10240x128xf32, #tpu.memory_space<hbm>>) target(%arg8 : memref<128x128xf32, #tpu.memory_space<vmem>>) offsets(%dma_start3A_258 : memref<128xi32, #tpu.memory_space<vmem>>) semaphore(%arg12 : memref<!tpu.dma_semaphore, #tpu.memory_space<semaphore_mem>>)
      %dma_start3A_262 = arith.constant 6 : i32
      %dma_start3A_263 = arith.constant 0 : i32
      %dma_start3A_264 = tpu.memref_slice %arg10[%dma_start3A_262, %dma_start3A_263] : memref<16x128xi32, #tpu.memory_space<vmem>> -> memref<1x128xi32, #tpu.memory_space<vmem>>
      %dma_start3A_265 = tpu.memref_squeeze %dma_start3A_264 : memref<1x128xi32, #tpu.memory_space<vmem>> -> memref<128xi32, #tpu.memory_space<vmem>>
      %dma_start3A_266 = arith.constant 0 : i32
      %dma_start3A_267 = arith.constant 0 : i32
      %dma_start3A_268 = tpu.memref_slice %arg6[%dma_start3A_266, %dma_start3A_267] : memref<10240x128xf32, #tpu.memory_space<vmem_shared>> -> memref<10240x128xf32, #tpu.memory_space<vmem_shared>>
      tpu.enqueue_indirect_dma source(%arg7 : memref<128x128xf32, #tpu.memory_space<vmem>>) target(%dma_start3A_268 : memref<10240x128xf32, #tpu.memory_space<vmem_shared>>) offsets(%dma_start3A_265 : memref<128xi32, #tpu.memory_space<vmem>>) semaphore(%arg13 : memref<!tpu.dma_semaphore, #tpu.memory_space<semaphore_mem>>) {add = true}
      %dma_wait3A_269 = arith.constant 7 : i32
      %dma_wait3A_270 = arith.constant 0 : i32
      %dma_wait3A_271 = tpu.memref_slice %arg9[%dma_wait3A_269, %dma_wait3A_270] : memref<16x128xi32, #tpu.memory_space<vmem>> -> memref<1x128xi32, #tpu.memory_space<vmem>>
      %dma_wait3A_272 = tpu.memref_squeeze %dma_wait3A_271 : memref<1x128xi32, #tpu.memory_space<vmem>> -> memref<128xi32, #tpu.memory_space<vmem>>
      %dma_wait3A_273 = arith.constant 0 : i32
      %dma_wait3A_274 = arith.constant 0 : i32
      %dma_wait3A_275 = tpu.memref_slice %arg2[%dma_wait3A_273, %dma_wait3A_274] : memref<10240x128xf32, #tpu.memory_space<hbm>> -> memref<10240x128xf32, #tpu.memory_space<hbm>>
      tpu.wait_indirect_dma semaphore(%arg12 : memref<!tpu.dma_semaphore, #tpu.memory_space<semaphore_mem>>) src(%dma_wait3A_275 : memref<10240x128xf32, #tpu.memory_space<hbm>>) dst(%arg8 : memref<128x128xf32, #tpu.memory_space<vmem>>)
      %dma_wait3A_276 = arith.constant 6 : i32
      %dma_wait3A_277 = arith.constant 0 : i32
      %dma_wait3A_278 = tpu.memref_slice %arg10[%dma_wait3A_276, %dma_wait3A_277] : memref<16x128xi32, #tpu.memory_space<vmem>> -> memref<1x128xi32, #tpu.memory_space<vmem>>
      %dma_wait3A_279 = tpu.memref_squeeze %dma_wait3A_278 : memref<1x128xi32, #tpu.memory_space<vmem>> -> memref<128xi32, #tpu.memory_space<vmem>>
      %dma_wait3A_280 = arith.constant 0 : i32
      %dma_wait3A_281 = arith.constant 0 : i32
      %dma_wait3A_282 = tpu.memref_slice %arg6[%dma_wait3A_280, %dma_wait3A_281] : memref<10240x128xf32, #tpu.memory_space<vmem_shared>> -> memref<10240x128xf32, #tpu.memory_space<vmem_shared>>
      tpu.wait_indirect_dma semaphore(%arg13 : memref<!tpu.dma_semaphore, #tpu.memory_space<semaphore_mem>>) src(%arg7 : memref<128x128xf32, #tpu.memory_space<vmem>>) dst(%dma_wait3A_282 : memref<10240x128xf32, #tpu.memory_space<vmem_shared>>)
      %dma_start3A_283 = arith.constant 8 : i32
      %dma_start3A_284 = arith.constant 0 : i32
      %dma_start3A_285 = tpu.memref_slice %arg9[%dma_start3A_283, %dma_start3A_284] : memref<16x128xi32, #tpu.memory_space<vmem>> -> memref<1x128xi32, #tpu.memory_space<vmem>>
      %dma_start3A_286 = tpu.memref_squeeze %dma_start3A_285 : memref<1x128xi32, #tpu.memory_space<vmem>> -> memref<128xi32, #tpu.memory_space<vmem>>
      %dma_start3A_287 = arith.constant 0 : i32
      %dma_start3A_288 = arith.constant 0 : i32
      %dma_start3A_289 = tpu.memref_slice %arg2[%dma_start3A_287, %dma_start3A_288] : memref<10240x128xf32, #tpu.memory_space<hbm>> -> memref<10240x128xf32, #tpu.memory_space<hbm>>
      tpu.enqueue_indirect_dma source(%dma_start3A_289 : memref<10240x128xf32, #tpu.memory_space<hbm>>) target(%arg7 : memref<128x128xf32, #tpu.memory_space<vmem>>) offsets(%dma_start3A_286 : memref<128xi32, #tpu.memory_space<vmem>>) semaphore(%arg11 : memref<!tpu.dma_semaphore, #tpu.memory_space<semaphore_mem>>)
      %dma_start3A_290 = arith.constant 7 : i32
      %dma_start3A_291 = arith.constant 0 : i32
      %dma_start3A_292 = tpu.memref_slice %arg10[%dma_start3A_290, %dma_start3A_291] : memref<16x128xi32, #tpu.memory_space<vmem>> -> memref<1x128xi32, #tpu.memory_space<vmem>>
      %dma_start3A_293 = tpu.memref_squeeze %dma_start3A_292 : memref<1x128xi32, #tpu.memory_space<vmem>> -> memref<128xi32, #tpu.memory_space<vmem>>
      %dma_start3A_294 = arith.constant 0 : i32
      %dma_start3A_295 = arith.constant 0 : i32
      %dma_start3A_296 = tpu.memref_slice %arg6[%dma_start3A_294, %dma_start3A_295] : memref<10240x128xf32, #tpu.memory_space<vmem_shared>> -> memref<10240x128xf32, #tpu.memory_space<vmem_shared>>
      tpu.enqueue_indirect_dma source(%arg8 : memref<128x128xf32, #tpu.memory_space<vmem>>) target(%dma_start3A_296 : memref<10240x128xf32, #tpu.memory_space<vmem_shared>>) offsets(%dma_start3A_293 : memref<128xi32, #tpu.memory_space<vmem>>) semaphore(%arg14 : memref<!tpu.dma_semaphore, #tpu.memory_space<semaphore_mem>>) {add = true}
      %dma_wait3A_297 = arith.constant 8 : i32
      %dma_wait3A_298 = arith.constant 0 : i32
      %dma_wait3A_299 = tpu.memref_slice %arg9[%dma_wait3A_297, %dma_wait3A_298] : memref<16x128xi32, #tpu.memory_space<vmem>> -> memref<1x128xi32, #tpu.memory_space<vmem>>
      %dma_wait3A_300 = tpu.memref_squeeze %dma_wait3A_299 : memref<1x128xi32, #tpu.memory_space<vmem>> -> memref<128xi32, #tpu.memory_space<vmem>>
      %dma_wait3A_301 = arith.constant 0 : i32
      %dma_wait3A_302 = arith.constant 0 : i32
      %dma_wait3A_303 = tpu.memref_slice %arg2[%dma_wait3A_301, %dma_wait3A_302] : memref<10240x128xf32, #tpu.memory_space<hbm>> -> memref<10240x128xf32, #tpu.memory_space<hbm>>
      tpu.wait_indirect_dma semaphore(%arg11 : memref<!tpu.dma_semaphore, #tpu.memory_space<semaphore_mem>>) src(%dma_wait3A_303 : memref<10240x128xf32, #tpu.memory_space<hbm>>) dst(%arg7 : memref<128x128xf32, #tpu.memory_space<vmem>>)
      %dma_wait3A_304 = arith.constant 7 : i32
      %dma_wait3A_305 = arith.constant 0 : i32
      %dma_wait3A_306 = tpu.memref_slice %arg10[%dma_wait3A_304, %dma_wait3A_305] : memref<16x128xi32, #tpu.memory_space<vmem>> -> memref<1x128xi32, #tpu.memory_space<vmem>>
      %dma_wait3A_307 = tpu.memref_squeeze %dma_wait3A_306 : memref<1x128xi32, #tpu.memory_space<vmem>> -> memref<128xi32, #tpu.memory_space<vmem>>
      %dma_wait3A_308 = arith.constant 0 : i32
      %dma_wait3A_309 = arith.constant 0 : i32
      %dma_wait3A_310 = tpu.memref_slice %arg6[%dma_wait3A_308, %dma_wait3A_309] : memref<10240x128xf32, #tpu.memory_space<vmem_shared>> -> memref<10240x128xf32, #tpu.memory_space<vmem_shared>>
      tpu.wait_indirect_dma semaphore(%arg14 : memref<!tpu.dma_semaphore, #tpu.memory_space<semaphore_mem>>) src(%arg8 : memref<128x128xf32, #tpu.memory_space<vmem>>) dst(%dma_wait3A_310 : memref<10240x128xf32, #tpu.memory_space<vmem_shared>>)
      %dma_start3A_311 = arith.constant 9 : i32
      %dma_start3A_312 = arith.constant 0 : i32
      %dma_start3A_313 = tpu.memref_slice %arg9[%dma_start3A_311, %dma_start3A_312] : memref<16x128xi32, #tpu.memory_space<vmem>> -> memref<1x128xi32, #tpu.memory_space<vmem>>
      %dma_start3A_314 = tpu.memref_squeeze %dma_start3A_313 : memref<1x128xi32, #tpu.memory_space<vmem>> -> memref<128xi32, #tpu.memory_space<vmem>>
      %dma_start3A_315 = arith.constant 0 : i32
      %dma_start3A_316 = arith.constant 0 : i32
      %dma_start3A_317 = tpu.memref_slice %arg2[%dma_start3A_315, %dma_start3A_316] : memref<10240x128xf32, #tpu.memory_space<hbm>> -> memref<10240x128xf32, #tpu.memory_space<hbm>>
      tpu.enqueue_indirect_dma source(%dma_start3A_317 : memref<10240x128xf32, #tpu.memory_space<hbm>>) target(%arg8 : memref<128x128xf32, #tpu.memory_space<vmem>>) offsets(%dma_start3A_314 : memref<128xi32, #tpu.memory_space<vmem>>) semaphore(%arg12 : memref<!tpu.dma_semaphore, #tpu.memory_space<semaphore_mem>>)
      %dma_start3A_318 = arith.constant 8 : i32
      %dma_start3A_319 = arith.constant 0 : i32
      %dma_start3A_320 = tpu.memref_slice %arg10[%dma_start3A_318, %dma_start3A_319] : memref<16x128xi32, #tpu.memory_space<vmem>> -> memref<1x128xi32, #tpu.memory_space<vmem>>
      %dma_start3A_321 = tpu.memref_squeeze %dma_start3A_320 : memref<1x128xi32, #tpu.memory_space<vmem>> -> memref<128xi32, #tpu.memory_space<vmem>>
      %dma_start3A_322 = arith.constant 0 : i32
      %dma_start3A_323 = arith.constant 0 : i32
      %dma_start3A_324 = tpu.memref_slice %arg6[%dma_start3A_322, %dma_start3A_323] : memref<10240x128xf32, #tpu.memory_space<vmem_shared>> -> memref<10240x128xf32, #tpu.memory_space<vmem_shared>>
      tpu.enqueue_indirect_dma source(%arg7 : memref<128x128xf32, #tpu.memory_space<vmem>>) target(%dma_start3A_324 : memref<10240x128xf32, #tpu.memory_space<vmem_shared>>) offsets(%dma_start3A_321 : memref<128xi32, #tpu.memory_space<vmem>>) semaphore(%arg13 : memref<!tpu.dma_semaphore, #tpu.memory_space<semaphore_mem>>) {add = true}
      %dma_wait3A_325 = arith.constant 9 : i32
      %dma_wait3A_326 = arith.constant 0 : i32
      %dma_wait3A_327 = tpu.memref_slice %arg9[%dma_wait3A_325, %dma_wait3A_326] : memref<16x128xi32, #tpu.memory_space<vmem>> -> memref<1x128xi32, #tpu.memory_space<vmem>>
      %dma_wait3A_328 = tpu.memref_squeeze %dma_wait3A_327 : memref<1x128xi32, #tpu.memory_space<vmem>> -> memref<128xi32, #tpu.memory_space<vmem>>
      %dma_wait3A_329 = arith.constant 0 : i32
      %dma_wait3A_330 = arith.constant 0 : i32
      %dma_wait3A_331 = tpu.memref_slice %arg2[%dma_wait3A_329, %dma_wait3A_330] : memref<10240x128xf32, #tpu.memory_space<hbm>> -> memref<10240x128xf32, #tpu.memory_space<hbm>>
      tpu.wait_indirect_dma semaphore(%arg12 : memref<!tpu.dma_semaphore, #tpu.memory_space<semaphore_mem>>) src(%dma_wait3A_331 : memref<10240x128xf32, #tpu.memory_space<hbm>>) dst(%arg8 : memref<128x128xf32, #tpu.memory_space<vmem>>)
      %dma_wait3A_332 = arith.constant 8 : i32
      %dma_wait3A_333 = arith.constant 0 : i32
      %dma_wait3A_334 = tpu.memref_slice %arg10[%dma_wait3A_332, %dma_wait3A_333] : memref<16x128xi32, #tpu.memory_space<vmem>> -> memref<1x128xi32, #tpu.memory_space<vmem>>
      %dma_wait3A_335 = tpu.memref_squeeze %dma_wait3A_334 : memref<1x128xi32, #tpu.memory_space<vmem>> -> memref<128xi32, #tpu.memory_space<vmem>>
      %dma_wait3A_336 = arith.constant 0 : i32
      %dma_wait3A_337 = arith.constant 0 : i32
      %dma_wait3A_338 = tpu.memref_slice %arg6[%dma_wait3A_336, %dma_wait3A_337] : memref<10240x128xf32, #tpu.memory_space<vmem_shared>> -> memref<10240x128xf32, #tpu.memory_space<vmem_shared>>
      tpu.wait_indirect_dma semaphore(%arg13 : memref<!tpu.dma_semaphore, #tpu.memory_space<semaphore_mem>>) src(%arg7 : memref<128x128xf32, #tpu.memory_space<vmem>>) dst(%dma_wait3A_338 : memref<10240x128xf32, #tpu.memory_space<vmem_shared>>)
      %dma_start3A_339 = arith.constant 10 : i32
      %dma_start3A_340 = arith.constant 0 : i32
      %dma_start3A_341 = tpu.memref_slice %arg9[%dma_start3A_339, %dma_start3A_340] : memref<16x128xi32, #tpu.memory_space<vmem>> -> memref<1x128xi32, #tpu.memory_space<vmem>>
      %dma_start3A_342 = tpu.memref_squeeze %dma_start3A_341 : memref<1x128xi32, #tpu.memory_space<vmem>> -> memref<128xi32, #tpu.memory_space<vmem>>
      %dma_start3A_343 = arith.constant 0 : i32
      %dma_start3A_344 = arith.constant 0 : i32
      %dma_start3A_345 = tpu.memref_slice %arg2[%dma_start3A_343, %dma_start3A_344] : memref<10240x128xf32, #tpu.memory_space<hbm>> -> memref<10240x128xf32, #tpu.memory_space<hbm>>
      tpu.enqueue_indirect_dma source(%dma_start3A_345 : memref<10240x128xf32, #tpu.memory_space<hbm>>) target(%arg7 : memref<128x128xf32, #tpu.memory_space<vmem>>) offsets(%dma_start3A_342 : memref<128xi32, #tpu.memory_space<vmem>>) semaphore(%arg11 : memref<!tpu.dma_semaphore, #tpu.memory_space<semaphore_mem>>)
      %dma_start3A_346 = arith.constant 9 : i32
      %dma_start3A_347 = arith.constant 0 : i32
      %dma_start3A_348 = tpu.memref_slice %arg10[%dma_start3A_346, %dma_start3A_347] : memref<16x128xi32, #tpu.memory_space<vmem>> -> memref<1x128xi32, #tpu.memory_space<vmem>>
      %dma_start3A_349 = tpu.memref_squeeze %dma_start3A_348 : memref<1x128xi32, #tpu.memory_space<vmem>> -> memref<128xi32, #tpu.memory_space<vmem>>
      %dma_start3A_350 = arith.constant 0 : i32
      %dma_start3A_351 = arith.constant 0 : i32
      %dma_start3A_352 = tpu.memref_slice %arg6[%dma_start3A_350, %dma_start3A_351] : memref<10240x128xf32, #tpu.memory_space<vmem_shared>> -> memref<10240x128xf32, #tpu.memory_space<vmem_shared>>
      tpu.enqueue_indirect_dma source(%arg8 : memref<128x128xf32, #tpu.memory_space<vmem>>) target(%dma_start3A_352 : memref<10240x128xf32, #tpu.memory_space<vmem_shared>>) offsets(%dma_start3A_349 : memref<128xi32, #tpu.memory_space<vmem>>) semaphore(%arg14 : memref<!tpu.dma_semaphore, #tpu.memory_space<semaphore_mem>>) {add = true}
      %dma_wait3A_353 = arith.constant 10 : i32
      %dma_wait3A_354 = arith.constant 0 : i32
      %dma_wait3A_355 = tpu.memref_slice %arg9[%dma_wait3A_353, %dma_wait3A_354] : memref<16x128xi32, #tpu.memory_space<vmem>> -> memref<1x128xi32, #tpu.memory_space<vmem>>
      %dma_wait3A_356 = tpu.memref_squeeze %dma_wait3A_355 : memref<1x128xi32, #tpu.memory_space<vmem>> -> memref<128xi32, #tpu.memory_space<vmem>>
      %dma_wait3A_357 = arith.constant 0 : i32
      %dma_wait3A_358 = arith.constant 0 : i32
      %dma_wait3A_359 = tpu.memref_slice %arg2[%dma_wait3A_357, %dma_wait3A_358] : memref<10240x128xf32, #tpu.memory_space<hbm>> -> memref<10240x128xf32, #tpu.memory_space<hbm>>
      tpu.wait_indirect_dma semaphore(%arg11 : memref<!tpu.dma_semaphore, #tpu.memory_space<semaphore_mem>>) src(%dma_wait3A_359 : memref<10240x128xf32, #tpu.memory_space<hbm>>) dst(%arg7 : memref<128x128xf32, #tpu.memory_space<vmem>>)
      %dma_wait3A_360 = arith.constant 9 : i32
      %dma_wait3A_361 = arith.constant 0 : i32
      %dma_wait3A_362 = tpu.memref_slice %arg10[%dma_wait3A_360, %dma_wait3A_361] : memref<16x128xi32, #tpu.memory_space<vmem>> -> memref<1x128xi32, #tpu.memory_space<vmem>>
      %dma_wait3A_363 = tpu.memref_squeeze %dma_wait3A_362 : memref<1x128xi32, #tpu.memory_space<vmem>> -> memref<128xi32, #tpu.memory_space<vmem>>
      %dma_wait3A_364 = arith.constant 0 : i32
      %dma_wait3A_365 = arith.constant 0 : i32
      %dma_wait3A_366 = tpu.memref_slice %arg6[%dma_wait3A_364, %dma_wait3A_365] : memref<10240x128xf32, #tpu.memory_space<vmem_shared>> -> memref<10240x128xf32, #tpu.memory_space<vmem_shared>>
      tpu.wait_indirect_dma semaphore(%arg14 : memref<!tpu.dma_semaphore, #tpu.memory_space<semaphore_mem>>) src(%arg8 : memref<128x128xf32, #tpu.memory_space<vmem>>) dst(%dma_wait3A_366 : memref<10240x128xf32, #tpu.memory_space<vmem_shared>>)
      %dma_start3A_367 = arith.constant 11 : i32
      %dma_start3A_368 = arith.constant 0 : i32
      %dma_start3A_369 = tpu.memref_slice %arg9[%dma_start3A_367, %dma_start3A_368] : memref<16x128xi32, #tpu.memory_space<vmem>> -> memref<1x128xi32, #tpu.memory_space<vmem>>
      %dma_start3A_370 = tpu.memref_squeeze %dma_start3A_369 : memref<1x128xi32, #tpu.memory_space<vmem>> -> memref<128xi32, #tpu.memory_space<vmem>>
      %dma_start3A_371 = arith.constant 0 : i32
      %dma_start3A_372 = arith.constant 0 : i32
      %dma_start3A_373 = tpu.memref_slice %arg2[%dma_start3A_371, %dma_start3A_372] : memref<10240x128xf32, #tpu.memory_space<hbm>> -> memref<10240x128xf32, #tpu.memory_space<hbm>>
      tpu.enqueue_indirect_dma source(%dma_start3A_373 : memref<10240x128xf32, #tpu.memory_space<hbm>>) target(%arg8 : memref<128x128xf32, #tpu.memory_space<vmem>>) offsets(%dma_start3A_370 : memref<128xi32, #tpu.memory_space<vmem>>) semaphore(%arg12 : memref<!tpu.dma_semaphore, #tpu.memory_space<semaphore_mem>>)
      %dma_start3A_374 = arith.constant 10 : i32
      %dma_start3A_375 = arith.constant 0 : i32
      %dma_start3A_376 = tpu.memref_slice %arg10[%dma_start3A_374, %dma_start3A_375] : memref<16x128xi32, #tpu.memory_space<vmem>> -> memref<1x128xi32, #tpu.memory_space<vmem>>
      %dma_start3A_377 = tpu.memref_squeeze %dma_start3A_376 : memref<1x128xi32, #tpu.memory_space<vmem>> -> memref<128xi32, #tpu.memory_space<vmem>>
      %dma_start3A_378 = arith.constant 0 : i32
      %dma_start3A_379 = arith.constant 0 : i32
      %dma_start3A_380 = tpu.memref_slice %arg6[%dma_start3A_378, %dma_start3A_379] : memref<10240x128xf32, #tpu.memory_space<vmem_shared>> -> memref<10240x128xf32, #tpu.memory_space<vmem_shared>>
      tpu.enqueue_indirect_dma source(%arg7 : memref<128x128xf32, #tpu.memory_space<vmem>>) target(%dma_start3A_380 : memref<10240x128xf32, #tpu.memory_space<vmem_shared>>) offsets(%dma_start3A_377 : memref<128xi32, #tpu.memory_space<vmem>>) semaphore(%arg13 : memref<!tpu.dma_semaphore, #tpu.memory_space<semaphore_mem>>) {add = true}
      %dma_wait3A_381 = arith.constant 11 : i32
      %dma_wait3A_382 = arith.constant 0 : i32
      %dma_wait3A_383 = tpu.memref_slice %arg9[%dma_wait3A_381, %dma_wait3A_382] : memref<16x128xi32, #tpu.memory_space<vmem>> -> memref<1x128xi32, #tpu.memory_space<vmem>>
      %dma_wait3A_384 = tpu.memref_squeeze %dma_wait3A_383 : memref<1x128xi32, #tpu.memory_space<vmem>> -> memref<128xi32, #tpu.memory_space<vmem>>
      %dma_wait3A_385 = arith.constant 0 : i32
      %dma_wait3A_386 = arith.constant 0 : i32
      %dma_wait3A_387 = tpu.memref_slice %arg2[%dma_wait3A_385, %dma_wait3A_386] : memref<10240x128xf32, #tpu.memory_space<hbm>> -> memref<10240x128xf32, #tpu.memory_space<hbm>>
      tpu.wait_indirect_dma semaphore(%arg12 : memref<!tpu.dma_semaphore, #tpu.memory_space<semaphore_mem>>) src(%dma_wait3A_387 : memref<10240x128xf32, #tpu.memory_space<hbm>>) dst(%arg8 : memref<128x128xf32, #tpu.memory_space<vmem>>)
      %dma_wait3A_388 = arith.constant 10 : i32
      %dma_wait3A_389 = arith.constant 0 : i32
      %dma_wait3A_390 = tpu.memref_slice %arg10[%dma_wait3A_388, %dma_wait3A_389] : memref<16x128xi32, #tpu.memory_space<vmem>> -> memref<1x128xi32, #tpu.memory_space<vmem>>
      %dma_wait3A_391 = tpu.memref_squeeze %dma_wait3A_390 : memref<1x128xi32, #tpu.memory_space<vmem>> -> memref<128xi32, #tpu.memory_space<vmem>>
      %dma_wait3A_392 = arith.constant 0 : i32
      %dma_wait3A_393 = arith.constant 0 : i32
      %dma_wait3A_394 = tpu.memref_slice %arg6[%dma_wait3A_392, %dma_wait3A_393] : memref<10240x128xf32, #tpu.memory_space<vmem_shared>> -> memref<10240x128xf32, #tpu.memory_space<vmem_shared>>
      tpu.wait_indirect_dma semaphore(%arg13 : memref<!tpu.dma_semaphore, #tpu.memory_space<semaphore_mem>>) src(%arg7 : memref<128x128xf32, #tpu.memory_space<vmem>>) dst(%dma_wait3A_394 : memref<10240x128xf32, #tpu.memory_space<vmem_shared>>)
      %dma_start3A_395 = arith.constant 12 : i32
      %dma_start3A_396 = arith.constant 0 : i32
      %dma_start3A_397 = tpu.memref_slice %arg9[%dma_start3A_395, %dma_start3A_396] : memref<16x128xi32, #tpu.memory_space<vmem>> -> memref<1x128xi32, #tpu.memory_space<vmem>>
      %dma_start3A_398 = tpu.memref_squeeze %dma_start3A_397 : memref<1x128xi32, #tpu.memory_space<vmem>> -> memref<128xi32, #tpu.memory_space<vmem>>
      %dma_start3A_399 = arith.constant 0 : i32
      %dma_start3A_400 = arith.constant 0 : i32
      %dma_start3A_401 = tpu.memref_slice %arg2[%dma_start3A_399, %dma_start3A_400] : memref<10240x128xf32, #tpu.memory_space<hbm>> -> memref<10240x128xf32, #tpu.memory_space<hbm>>
      tpu.enqueue_indirect_dma source(%dma_start3A_401 : memref<10240x128xf32, #tpu.memory_space<hbm>>) target(%arg7 : memref<128x128xf32, #tpu.memory_space<vmem>>) offsets(%dma_start3A_398 : memref<128xi32, #tpu.memory_space<vmem>>) semaphore(%arg11 : memref<!tpu.dma_semaphore, #tpu.memory_space<semaphore_mem>>)
      %dma_start3A_402 = arith.constant 11 : i32
      %dma_start3A_403 = arith.constant 0 : i32
      %dma_start3A_404 = tpu.memref_slice %arg10[%dma_start3A_402, %dma_start3A_403] : memref<16x128xi32, #tpu.memory_space<vmem>> -> memref<1x128xi32, #tpu.memory_space<vmem>>
      %dma_start3A_405 = tpu.memref_squeeze %dma_start3A_404 : memref<1x128xi32, #tpu.memory_space<vmem>> -> memref<128xi32, #tpu.memory_space<vmem>>
      %dma_start3A_406 = arith.constant 0 : i32
      %dma_start3A_407 = arith.constant 0 : i32
      %dma_start3A_408 = tpu.memref_slice %arg6[%dma_start3A_406, %dma_start3A_407] : memref<10240x128xf32, #tpu.memory_space<vmem_shared>> -> memref<10240x128xf32, #tpu.memory_space<vmem_shared>>
      tpu.enqueue_indirect_dma source(%arg8 : memref<128x128xf32, #tpu.memory_space<vmem>>) target(%dma_start3A_408 : memref<10240x128xf32, #tpu.memory_space<vmem_shared>>) offsets(%dma_start3A_405 : memref<128xi32, #tpu.memory_space<vmem>>) semaphore(%arg14 : memref<!tpu.dma_semaphore, #tpu.memory_space<semaphore_mem>>) {add = true}
      %dma_wait3A_409 = arith.constant 12 : i32
      %dma_wait3A_410 = arith.constant 0 : i32
      %dma_wait3A_411 = tpu.memref_slice %arg9[%dma_wait3A_409, %dma_wait3A_410] : memref<16x128xi32, #tpu.memory_space<vmem>> -> memref<1x128xi32, #tpu.memory_space<vmem>>
      %dma_wait3A_412 = tpu.memref_squeeze %dma_wait3A_411 : memref<1x128xi32, #tpu.memory_space<vmem>> -> memref<128xi32, #tpu.memory_space<vmem>>
      %dma_wait3A_413 = arith.constant 0 : i32
      %dma_wait3A_414 = arith.constant 0 : i32
      %dma_wait3A_415 = tpu.memref_slice %arg2[%dma_wait3A_413, %dma_wait3A_414] : memref<10240x128xf32, #tpu.memory_space<hbm>> -> memref<10240x128xf32, #tpu.memory_space<hbm>>
      tpu.wait_indirect_dma semaphore(%arg11 : memref<!tpu.dma_semaphore, #tpu.memory_space<semaphore_mem>>) src(%dma_wait3A_415 : memref<10240x128xf32, #tpu.memory_space<hbm>>) dst(%arg7 : memref<128x128xf32, #tpu.memory_space<vmem>>)
      %dma_wait3A_416 = arith.constant 11 : i32
      %dma_wait3A_417 = arith.constant 0 : i32
      %dma_wait3A_418 = tpu.memref_slice %arg10[%dma_wait3A_416, %dma_wait3A_417] : memref<16x128xi32, #tpu.memory_space<vmem>> -> memref<1x128xi32, #tpu.memory_space<vmem>>
      %dma_wait3A_419 = tpu.memref_squeeze %dma_wait3A_418 : memref<1x128xi32, #tpu.memory_space<vmem>> -> memref<128xi32, #tpu.memory_space<vmem>>
      %dma_wait3A_420 = arith.constant 0 : i32
      %dma_wait3A_421 = arith.constant 0 : i32
      %dma_wait3A_422 = tpu.memref_slice %arg6[%dma_wait3A_420, %dma_wait3A_421] : memref<10240x128xf32, #tpu.memory_space<vmem_shared>> -> memref<10240x128xf32, #tpu.memory_space<vmem_shared>>
      tpu.wait_indirect_dma semaphore(%arg14 : memref<!tpu.dma_semaphore, #tpu.memory_space<semaphore_mem>>) src(%arg8 : memref<128x128xf32, #tpu.memory_space<vmem>>) dst(%dma_wait3A_422 : memref<10240x128xf32, #tpu.memory_space<vmem_shared>>)
      %dma_start3A_423 = arith.constant 13 : i32
      %dma_start3A_424 = arith.constant 0 : i32
      %dma_start3A_425 = tpu.memref_slice %arg9[%dma_start3A_423, %dma_start3A_424] : memref<16x128xi32, #tpu.memory_space<vmem>> -> memref<1x128xi32, #tpu.memory_space<vmem>>
      %dma_start3A_426 = tpu.memref_squeeze %dma_start3A_425 : memref<1x128xi32, #tpu.memory_space<vmem>> -> memref<128xi32, #tpu.memory_space<vmem>>
      %dma_start3A_427 = arith.constant 0 : i32
      %dma_start3A_428 = arith.constant 0 : i32
      %dma_start3A_429 = tpu.memref_slice %arg2[%dma_start3A_427, %dma_start3A_428] : memref<10240x128xf32, #tpu.memory_space<hbm>> -> memref<10240x128xf32, #tpu.memory_space<hbm>>
      tpu.enqueue_indirect_dma source(%dma_start3A_429 : memref<10240x128xf32, #tpu.memory_space<hbm>>) target(%arg8 : memref<128x128xf32, #tpu.memory_space<vmem>>) offsets(%dma_start3A_426 : memref<128xi32, #tpu.memory_space<vmem>>) semaphore(%arg12 : memref<!tpu.dma_semaphore, #tpu.memory_space<semaphore_mem>>)
      %dma_start3A_430 = arith.constant 12 : i32
      %dma_start3A_431 = arith.constant 0 : i32
      %dma_start3A_432 = tpu.memref_slice %arg10[%dma_start3A_430, %dma_start3A_431] : memref<16x128xi32, #tpu.memory_space<vmem>> -> memref<1x128xi32, #tpu.memory_space<vmem>>
      %dma_start3A_433 = tpu.memref_squeeze %dma_start3A_432 : memref<1x128xi32, #tpu.memory_space<vmem>> -> memref<128xi32, #tpu.memory_space<vmem>>
      %dma_start3A_434 = arith.constant 0 : i32
      %dma_start3A_435 = arith.constant 0 : i32
      %dma_start3A_436 = tpu.memref_slice %arg6[%dma_start3A_434, %dma_start3A_435] : memref<10240x128xf32, #tpu.memory_space<vmem_shared>> -> memref<10240x128xf32, #tpu.memory_space<vmem_shared>>
      tpu.enqueue_indirect_dma source(%arg7 : memref<128x128xf32, #tpu.memory_space<vmem>>) target(%dma_start3A_436 : memref<10240x128xf32, #tpu.memory_space<vmem_shared>>) offsets(%dma_start3A_433 : memref<128xi32, #tpu.memory_space<vmem>>) semaphore(%arg13 : memref<!tpu.dma_semaphore, #tpu.memory_space<semaphore_mem>>) {add = true}
      %dma_wait3A_437 = arith.constant 13 : i32
      %dma_wait3A_438 = arith.constant 0 : i32
      %dma_wait3A_439 = tpu.memref_slice %arg9[%dma_wait3A_437, %dma_wait3A_438] : memref<16x128xi32, #tpu.memory_space<vmem>> -> memref<1x128xi32, #tpu.memory_space<vmem>>
      %dma_wait3A_440 = tpu.memref_squeeze %dma_wait3A_439 : memref<1x128xi32, #tpu.memory_space<vmem>> -> memref<128xi32, #tpu.memory_space<vmem>>
      %dma_wait3A_441 = arith.constant 0 : i32
      %dma_wait3A_442 = arith.constant 0 : i32
      %dma_wait3A_443 = tpu.memref_slice %arg2[%dma_wait3A_441, %dma_wait3A_442] : memref<10240x128xf32, #tpu.memory_space<hbm>> -> memref<10240x128xf32, #tpu.memory_space<hbm>>
      tpu.wait_indirect_dma semaphore(%arg12 : memref<!tpu.dma_semaphore, #tpu.memory_space<semaphore_mem>>) src(%dma_wait3A_443 : memref<10240x128xf32, #tpu.memory_space<hbm>>) dst(%arg8 : memref<128x128xf32, #tpu.memory_space<vmem>>)
      %dma_wait3A_444 = arith.constant 12 : i32
      %dma_wait3A_445 = arith.constant 0 : i32
      %dma_wait3A_446 = tpu.memref_slice %arg10[%dma_wait3A_444, %dma_wait3A_445] : memref<16x128xi32, #tpu.memory_space<vmem>> -> memref<1x128xi32, #tpu.memory_space<vmem>>
      %dma_wait3A_447 = tpu.memref_squeeze %dma_wait3A_446 : memref<1x128xi32, #tpu.memory_space<vmem>> -> memref<128xi32, #tpu.memory_space<vmem>>
      %dma_wait3A_448 = arith.constant 0 : i32
      %dma_wait3A_449 = arith.constant 0 : i32
      %dma_wait3A_450 = tpu.memref_slice %arg6[%dma_wait3A_448, %dma_wait3A_449] : memref<10240x128xf32, #tpu.memory_space<vmem_shared>> -> memref<10240x128xf32, #tpu.memory_space<vmem_shared>>
      tpu.wait_indirect_dma semaphore(%arg13 : memref<!tpu.dma_semaphore, #tpu.memory_space<semaphore_mem>>) src(%arg7 : memref<128x128xf32, #tpu.memory_space<vmem>>) dst(%dma_wait3A_450 : memref<10240x128xf32, #tpu.memory_space<vmem_shared>>)
      %dma_start3A_451 = arith.constant 14 : i32
      %dma_start3A_452 = arith.constant 0 : i32
      %dma_start3A_453 = tpu.memref_slice %arg9[%dma_start3A_451, %dma_start3A_452] : memref<16x128xi32, #tpu.memory_space<vmem>> -> memref<1x128xi32, #tpu.memory_space<vmem>>
      %dma_start3A_454 = tpu.memref_squeeze %dma_start3A_453 : memref<1x128xi32, #tpu.memory_space<vmem>> -> memref<128xi32, #tpu.memory_space<vmem>>
      %dma_start3A_455 = arith.constant 0 : i32
      %dma_start3A_456 = arith.constant 0 : i32
      %dma_start3A_457 = tpu.memref_slice %arg2[%dma_start3A_455, %dma_start3A_456] : memref<10240x128xf32, #tpu.memory_space<hbm>> -> memref<10240x128xf32, #tpu.memory_space<hbm>>
      tpu.enqueue_indirect_dma source(%dma_start3A_457 : memref<10240x128xf32, #tpu.memory_space<hbm>>) target(%arg7 : memref<128x128xf32, #tpu.memory_space<vmem>>) offsets(%dma_start3A_454 : memref<128xi32, #tpu.memory_space<vmem>>) semaphore(%arg11 : memref<!tpu.dma_semaphore, #tpu.memory_space<semaphore_mem>>)
      %dma_start3A_458 = arith.constant 13 : i32
      %dma_start3A_459 = arith.constant 0 : i32
      %dma_start3A_460 = tpu.memref_slice %arg10[%dma_start3A_458, %dma_start3A_459] : memref<16x128xi32, #tpu.memory_space<vmem>> -> memref<1x128xi32, #tpu.memory_space<vmem>>
      %dma_start3A_461 = tpu.memref_squeeze %dma_start3A_460 : memref<1x128xi32, #tpu.memory_space<vmem>> -> memref<128xi32, #tpu.memory_space<vmem>>
      %dma_start3A_462 = arith.constant 0 : i32
      %dma_start3A_463 = arith.constant 0 : i32
      %dma_start3A_464 = tpu.memref_slice %arg6[%dma_start3A_462, %dma_start3A_463] : memref<10240x128xf32, #tpu.memory_space<vmem_shared>> -> memref<10240x128xf32, #tpu.memory_space<vmem_shared>>
      tpu.enqueue_indirect_dma source(%arg8 : memref<128x128xf32, #tpu.memory_space<vmem>>) target(%dma_start3A_464 : memref<10240x128xf32, #tpu.memory_space<vmem_shared>>) offsets(%dma_start3A_461 : memref<128xi32, #tpu.memory_space<vmem>>) semaphore(%arg14 : memref<!tpu.dma_semaphore, #tpu.memory_space<semaphore_mem>>) {add = true}
      %dma_wait3A_465 = arith.constant 14 : i32
      %dma_wait3A_466 = arith.constant 0 : i32
      %dma_wait3A_467 = tpu.memref_slice %arg9[%dma_wait3A_465, %dma_wait3A_466] : memref<16x128xi32, #tpu.memory_space<vmem>> -> memref<1x128xi32, #tpu.memory_space<vmem>>
      %dma_wait3A_468 = tpu.memref_squeeze %dma_wait3A_467 : memref<1x128xi32, #tpu.memory_space<vmem>> -> memref<128xi32, #tpu.memory_space<vmem>>
      %dma_wait3A_469 = arith.constant 0 : i32
      %dma_wait3A_470 = arith.constant 0 : i32
      %dma_wait3A_471 = tpu.memref_slice %arg2[%dma_wait3A_469, %dma_wait3A_470] : memref<10240x128xf32, #tpu.memory_space<hbm>> -> memref<10240x128xf32, #tpu.memory_space<hbm>>
      tpu.wait_indirect_dma semaphore(%arg11 : memref<!tpu.dma_semaphore, #tpu.memory_space<semaphore_mem>>) src(%dma_wait3A_471 : memref<10240x128xf32, #tpu.memory_space<hbm>>) dst(%arg7 : memref<128x128xf32, #tpu.memory_space<vmem>>)
      %dma_wait3A_472 = arith.constant 13 : i32
      %dma_wait3A_473 = arith.constant 0 : i32
      %dma_wait3A_474 = tpu.memref_slice %arg10[%dma_wait3A_472, %dma_wait3A_473] : memref<16x128xi32, #tpu.memory_space<vmem>> -> memref<1x128xi32, #tpu.memory_space<vmem>>
      %dma_wait3A_475 = tpu.memref_squeeze %dma_wait3A_474 : memref<1x128xi32, #tpu.memory_space<vmem>> -> memref<128xi32, #tpu.memory_space<vmem>>
      %dma_wait3A_476 = arith.constant 0 : i32
      %dma_wait3A_477 = arith.constant 0 : i32
      %dma_wait3A_478 = tpu.memref_slice %arg6[%dma_wait3A_476, %dma_wait3A_477] : memref<10240x128xf32, #tpu.memory_space<vmem_shared>> -> memref<10240x128xf32, #tpu.memory_space<vmem_shared>>
      tpu.wait_indirect_dma semaphore(%arg14 : memref<!tpu.dma_semaphore, #tpu.memory_space<semaphore_mem>>) src(%arg8 : memref<128x128xf32, #tpu.memory_space<vmem>>) dst(%dma_wait3A_478 : memref<10240x128xf32, #tpu.memory_space<vmem_shared>>)
      %dma_start3A_479 = arith.constant 15 : i32
      %dma_start3A_480 = arith.constant 0 : i32
      %dma_start3A_481 = tpu.memref_slice %arg9[%dma_start3A_479, %dma_start3A_480] : memref<16x128xi32, #tpu.memory_space<vmem>> -> memref<1x128xi32, #tpu.memory_space<vmem>>
      %dma_start3A_482 = tpu.memref_squeeze %dma_start3A_481 : memref<1x128xi32, #tpu.memory_space<vmem>> -> memref<128xi32, #tpu.memory_space<vmem>>
      %dma_start3A_483 = arith.constant 0 : i32
      %dma_start3A_484 = arith.constant 0 : i32
      %dma_start3A_485 = tpu.memref_slice %arg2[%dma_start3A_483, %dma_start3A_484] : memref<10240x128xf32, #tpu.memory_space<hbm>> -> memref<10240x128xf32, #tpu.memory_space<hbm>>
      tpu.enqueue_indirect_dma source(%dma_start3A_485 : memref<10240x128xf32, #tpu.memory_space<hbm>>) target(%arg8 : memref<128x128xf32, #tpu.memory_space<vmem>>) offsets(%dma_start3A_482 : memref<128xi32, #tpu.memory_space<vmem>>) semaphore(%arg12 : memref<!tpu.dma_semaphore, #tpu.memory_space<semaphore_mem>>)
      %dma_start3A_486 = arith.constant 14 : i32
      %dma_start3A_487 = arith.constant 0 : i32
      %dma_start3A_488 = tpu.memref_slice %arg10[%dma_start3A_486, %dma_start3A_487] : memref<16x128xi32, #tpu.memory_space<vmem>> -> memref<1x128xi32, #tpu.memory_space<vmem>>
      %dma_start3A_489 = tpu.memref_squeeze %dma_start3A_488 : memref<1x128xi32, #tpu.memory_space<vmem>> -> memref<128xi32, #tpu.memory_space<vmem>>
      %dma_start3A_490 = arith.constant 0 : i32
      %dma_start3A_491 = arith.constant 0 : i32
      %dma_start3A_492 = tpu.memref_slice %arg6[%dma_start3A_490, %dma_start3A_491] : memref<10240x128xf32, #tpu.memory_space<vmem_shared>> -> memref<10240x128xf32, #tpu.memory_space<vmem_shared>>
      tpu.enqueue_indirect_dma source(%arg7 : memref<128x128xf32, #tpu.memory_space<vmem>>) target(%dma_start3A_492 : memref<10240x128xf32, #tpu.memory_space<vmem_shared>>) offsets(%dma_start3A_489 : memref<128xi32, #tpu.memory_space<vmem>>) semaphore(%arg13 : memref<!tpu.dma_semaphore, #tpu.memory_space<semaphore_mem>>) {add = true}
      %dma_wait3A_493 = arith.constant 15 : i32
      %dma_wait3A_494 = arith.constant 0 : i32
      %dma_wait3A_495 = tpu.memref_slice %arg9[%dma_wait3A_493, %dma_wait3A_494] : memref<16x128xi32, #tpu.memory_space<vmem>> -> memref<1x128xi32, #tpu.memory_space<vmem>>
      %dma_wait3A_496 = tpu.memref_squeeze %dma_wait3A_495 : memref<1x128xi32, #tpu.memory_space<vmem>> -> memref<128xi32, #tpu.memory_space<vmem>>
      %dma_wait3A_497 = arith.constant 0 : i32
      %dma_wait3A_498 = arith.constant 0 : i32
      %dma_wait3A_499 = tpu.memref_slice %arg2[%dma_wait3A_497, %dma_wait3A_498] : memref<10240x128xf32, #tpu.memory_space<hbm>> -> memref<10240x128xf32, #tpu.memory_space<hbm>>
      tpu.wait_indirect_dma semaphore(%arg12 : memref<!tpu.dma_semaphore, #tpu.memory_space<semaphore_mem>>) src(%dma_wait3A_499 : memref<10240x128xf32, #tpu.memory_space<hbm>>) dst(%arg8 : memref<128x128xf32, #tpu.memory_space<vmem>>)
      %dma_start3A_500 = arith.constant 15 : i32
      %dma_start3A_501 = arith.constant 0 : i32
      %dma_start3A_502 = tpu.memref_slice %arg10[%dma_start3A_500, %dma_start3A_501] : memref<16x128xi32, #tpu.memory_space<vmem>> -> memref<1x128xi32, #tpu.memory_space<vmem>>
      %dma_start3A_503 = tpu.memref_squeeze %dma_start3A_502 : memref<1x128xi32, #tpu.memory_space<vmem>> -> memref<128xi32, #tpu.memory_space<vmem>>
      %dma_start3A_504 = arith.constant 0 : i32
      %dma_start3A_505 = arith.constant 0 : i32
      %dma_start3A_506 = tpu.memref_slice %arg6[%dma_start3A_504, %dma_start3A_505] : memref<10240x128xf32, #tpu.memory_space<vmem_shared>> -> memref<10240x128xf32, #tpu.memory_space<vmem_shared>>
      tpu.enqueue_indirect_dma source(%arg8 : memref<128x128xf32, #tpu.memory_space<vmem>>) target(%dma_start3A_506 : memref<10240x128xf32, #tpu.memory_space<vmem_shared>>) offsets(%dma_start3A_503 : memref<128xi32, #tpu.memory_space<vmem>>) semaphore(%arg14 : memref<!tpu.dma_semaphore, #tpu.memory_space<semaphore_mem>>) {add = true}
      %dma_wait3A_507 = arith.constant 14 : i32
      %dma_wait3A_508 = arith.constant 0 : i32
      %dma_wait3A_509 = tpu.memref_slice %arg10[%dma_wait3A_507, %dma_wait3A_508] : memref<16x128xi32, #tpu.memory_space<vmem>> -> memref<1x128xi32, #tpu.memory_space<vmem>>
      %dma_wait3A_510 = tpu.memref_squeeze %dma_wait3A_509 : memref<1x128xi32, #tpu.memory_space<vmem>> -> memref<128xi32, #tpu.memory_space<vmem>>
      %dma_wait3A_511 = arith.constant 0 : i32
      %dma_wait3A_512 = arith.constant 0 : i32
      %dma_wait3A_513 = tpu.memref_slice %arg6[%dma_wait3A_511, %dma_wait3A_512] : memref<10240x128xf32, #tpu.memory_space<vmem_shared>> -> memref<10240x128xf32, #tpu.memory_space<vmem_shared>>
      tpu.wait_indirect_dma semaphore(%arg13 : memref<!tpu.dma_semaphore, #tpu.memory_space<semaphore_mem>>) src(%arg7 : memref<128x128xf32, #tpu.memory_space<vmem>>) dst(%dma_wait3A_513 : memref<10240x128xf32, #tpu.memory_space<vmem_shared>>)
      %dma_wait3A_514 = arith.constant 15 : i32
      %dma_wait3A_515 = arith.constant 0 : i32
      %dma_wait3A_516 = tpu.memref_slice %arg10[%dma_wait3A_514, %dma_wait3A_515] : memref<16x128xi32, #tpu.memory_space<vmem>> -> memref<1x128xi32, #tpu.memory_space<vmem>>
      %dma_wait3A_517 = tpu.memref_squeeze %dma_wait3A_516 : memref<1x128xi32, #tpu.memory_space<vmem>> -> memref<128xi32, #tpu.memory_space<vmem>>
      %dma_wait3A_518 = arith.constant 0 : i32
      %dma_wait3A_519 = arith.constant 0 : i32
      %dma_wait3A_520 = tpu.memref_slice %arg6[%dma_wait3A_518, %dma_wait3A_519] : memref<10240x128xf32, #tpu.memory_space<vmem_shared>> -> memref<10240x128xf32, #tpu.memory_space<vmem_shared>>
      tpu.wait_indirect_dma semaphore(%arg14 : memref<!tpu.dma_semaphore, #tpu.memory_space<semaphore_mem>>) src(%arg8 : memref<128x128xf32, #tpu.memory_space<vmem>>) dst(%dma_wait3A_520 : memref<10240x128xf32, #tpu.memory_space<vmem_shared>>)
    }
    %barrier3A_64 = arith.constant 0 : index
    tpu.barrier barrier_id(%barrier3A_64)
    %mul3A_65 = arith.constant 640 : i32
    %mul3A_66 = arith.muli %arg1, %mul3A_65 : i32
    %mul3A_67 = arith.constant 640 : i32
    %mul3A_68 = arith.muli %arg1, %mul3A_67 : i32
    "tpu.region"() ({
      %run_scoped3A = tpu.sem_alloc : memref<!tpu.dma_semaphore, #tpu.memory_space<semaphore_mem>>
      %dma_start3A = arith.constant 0 : i32
      %dma_start3A_69 = tpu.memref_slice %arg5[%arg0, %mul3A_68, %dma_start3A] : memref<2x10240x128xf32, #tpu.memory_space<hbm>> -> memref<1x640x128xf32, #tpu.memory_space<hbm>>
      %dma_start3A_70 = tpu.memref_squeeze %dma_start3A_69 : memref<1x640x128xf32, #tpu.memory_space<hbm>> -> memref<640x128xf32, #tpu.memory_space<hbm>>
      %dma_start3A_71 = arith.constant 0 : i32
      %dma_start3A_72 = tpu.memref_slice %arg6[%mul3A_66, %dma_start3A_71] : memref<10240x128xf32, #tpu.memory_space<vmem_shared>> -> memref<640x128xf32, #tpu.memory_space<vmem_shared>>
      tpu.enqueue_dma source(%dma_start3A_72 : memref<640x128xf32, #tpu.memory_space<vmem_shared>>) target(%dma_start3A_70 : memref<640x128xf32, #tpu.memory_space<hbm>>) target_semaphore(%run_scoped3A : memref<!tpu.dma_semaphore, #tpu.memory_space<semaphore_mem>>)
      %dma_wait3A = arith.constant 0 : i32
      %dma_wait3A_73 = tpu.memref_slice %arg5[%arg0, %mul3A_68, %dma_wait3A] : memref<2x10240x128xf32, #tpu.memory_space<hbm>> -> memref<1x640x128xf32, #tpu.memory_space<hbm>>
      %dma_wait3A_74 = tpu.memref_squeeze %dma_wait3A_73 : memref<1x640x128xf32, #tpu.memory_space<hbm>> -> memref<640x128xf32, #tpu.memory_space<hbm>>
      %dma_wait3A_75 = arith.constant 0 : i32
      %dma_wait3A_76 = tpu.memref_slice %arg6[%mul3A_66, %dma_wait3A_75] : memref<10240x128xf32, #tpu.memory_space<vmem_shared>> -> memref<640x128xf32, #tpu.memory_space<vmem_shared>>
      tpu.wait_dma2 semaphore(%run_scoped3A : memref<!tpu.dma_semaphore, #tpu.memory_space<semaphore_mem>>) src(%dma_wait3A_76 : memref<640x128xf32, #tpu.memory_space<vmem_shared>>) dst(%dma_wait3A_74 : memref<640x128xf32, #tpu.memory_space<hbm>>)
      tpu.yield
    }) : () -> ()
    return
  }
}

#map = affine_map<(d0, d1) -> (0, 0)>
#map1 = affine_map<(d0, d1) -> (0, 0, 0)>
module attributes {stable_mosaic.version = 14 : i64} {
  func.func @_deg_kernel(%arg0: i32, %arg1: i32, %arg2: memref<2560x128xi32, #tpu.memory_space<hbm>>, %arg3: memref<2x10240x128xf32, #tpu.memory_space<hbm>>, %arg4: memref<10240x128xf32, #tpu.memory_space<vmem_shared>>, %arg5: memref<256x128xf32, #tpu.memory_space<vmem>>, %arg6: memref<16x128xi32, #tpu.memory_space<vmem>>, %arg7: memref<16x128xi32, #tpu.memory_space<vmem>>, %arg8: memref<!tpu.dma_semaphore, #tpu.memory_space<semaphore_mem>>, %arg9: memref<!tpu.dma_semaphore, #tpu.memory_space<semaphore_mem>>) attributes {dimension_semantics = [#tpu.dimension_semantics<core_parallel>, #tpu.dimension_semantics<subcore_parallel>], iteration_bounds = array<i64: 2, 16>, scalar_prefetch = 0 : i64, scratch_operands = 6 : i64, tpu.core_type = #tpu.core_type<sc_vector_subcore>, window_params = [{transform_indices = #map}, {transform_indices = #map1}]} {
    %mul3A = arith.constant 2 : i32
    %mul3A_0 = arith.muli %arg1, %mul3A : i32
    %add3A = arith.addi %mul3A_0, %arg0 : i32
    %scan3A = arith.constant 0 : i32
    %scan3A_1 = arith.constant 256 : i32
    %scan3A_2 = arith.addi %scan3A, %scan3A_1 : i32
    %scan3A_3 = arith.constant 1 : i32
    scf.for %scan3A_30 = %scan3A to %scan3A_2 step %scan3A_3  : i32 {
      %mul3A_31 = arith.constant 1 : i32
      %mul3A_32 = arith.muli %scan3A_30, %mul3A_31 : i32
      %add3A_33 = arith.constant 0 : i32
      %add3A_34 = arith.addi %add3A_33, %mul3A_32 : i32
      %broadcast_in_dim3A = arith.constant 0.000000e+00 : f32
      %broadcast_in_dim3A_35 = vector.broadcast %broadcast_in_dim3A : f32 to vector<16xf32>
      %swap3A = arith.index_cast %add3A_34 : i32 to index
      %swap3A_36 = arith.constant 0 : index
      %swap3A_37 = tpu.vector_load %arg5[%swap3A, %swap3A_36] {strides = array<i32>} : memref<256x128xf32, #tpu.memory_space<vmem>>, vector<1x16xf32>,
      %swap3A_38 = vector.shape_cast %swap3A_37 : vector<1x16xf32> to vector<16xf32>
      %swap3A_39 = vector.shape_cast %broadcast_in_dim3A_35 : vector<16xf32> to vector<1x16xf32>
      tpu.vector_store %arg5[%swap3A, %swap3A_36], %swap3A_39 {strides = array<i32>} : memref<256x128xf32, #tpu.memory_space<vmem>>, vector<1x16xf32>,
      %broadcast_in_dim3A_40 = arith.constant 0.000000e+00 : f32
      %broadcast_in_dim3A_41 = vector.broadcast %broadcast_in_dim3A_40 : f32 to vector<16xf32>
      %swap3A_42 = arith.index_cast %add3A_34 : i32 to index
      %swap3A_43 = arith.constant 16 : index
      %swap3A_44 = tpu.vector_load %arg5[%swap3A_42, %swap3A_43] {strides = array<i32>} : memref<256x128xf32, #tpu.memory_space<vmem>>, vector<1x16xf32>,
      %swap3A_45 = vector.shape_cast %swap3A_44 : vector<1x16xf32> to vector<16xf32>
      %swap3A_46 = vector.shape_cast %broadcast_in_dim3A_41 : vector<16xf32> to vector<1x16xf32>
      tpu.vector_store %arg5[%swap3A_42, %swap3A_43], %swap3A_46 {strides = array<i32>} : memref<256x128xf32, #tpu.memory_space<vmem>>, vector<1x16xf32>,
      %broadcast_in_dim3A_47 = arith.constant 0.000000e+00 : f32
      %broadcast_in_dim3A_48 = vector.broadcast %broadcast_in_dim3A_47 : f32 to vector<16xf32>
      %swap3A_49 = arith.index_cast %add3A_34 : i32 to index
      %swap3A_50 = arith.constant 32 : index
      %swap3A_51 = tpu.vector_load %arg5[%swap3A_49, %swap3A_50] {strides = array<i32>} : memref<256x128xf32, #tpu.memory_space<vmem>>, vector<1x16xf32>,
      %swap3A_52 = vector.shape_cast %swap3A_51 : vector<1x16xf32> to vector<16xf32>
      %swap3A_53 = vector.shape_cast %broadcast_in_dim3A_48 : vector<16xf32> to vector<1x16xf32>
      tpu.vector_store %arg5[%swap3A_49, %swap3A_50], %swap3A_53 {strides = array<i32>} : memref<256x128xf32, #tpu.memory_space<vmem>>, vector<1x16xf32>,
      %broadcast_in_dim3A_54 = arith.constant 0.000000e+00 : f32
      %broadcast_in_dim3A_55 = vector.broadcast %broadcast_in_dim3A_54 : f32 to vector<16xf32>
      %swap3A_56 = arith.index_cast %add3A_34 : i32 to index
      %swap3A_57 = arith.constant 48 : index
      %swap3A_58 = tpu.vector_load %arg5[%swap3A_56, %swap3A_57] {strides = array<i32>} : memref<256x128xf32, #tpu.memory_space<vmem>>, vector<1x16xf32>,
      %swap3A_59 = vector.shape_cast %swap3A_58 : vector<1x16xf32> to vector<16xf32>
      %swap3A_60 = vector.shape_cast %broadcast_in_dim3A_55 : vector<16xf32> to vector<1x16xf32>
      tpu.vector_store %arg5[%swap3A_56, %swap3A_57], %swap3A_60 {strides = array<i32>} : memref<256x128xf32, #tpu.memory_space<vmem>>, vector<1x16xf32>,
      %broadcast_in_dim3A_61 = arith.constant 0.000000e+00 : f32
      %broadcast_in_dim3A_62 = vector.broadcast %broadcast_in_dim3A_61 : f32 to vector<16xf32>
      %swap3A_63 = arith.index_cast %add3A_34 : i32 to index
      %swap3A_64 = arith.constant 64 : index
      %swap3A_65 = tpu.vector_load %arg5[%swap3A_63, %swap3A_64] {strides = array<i32>} : memref<256x128xf32, #tpu.memory_space<vmem>>, vector<1x16xf32>,
      %swap3A_66 = vector.shape_cast %swap3A_65 : vector<1x16xf32> to vector<16xf32>
      %swap3A_67 = vector.shape_cast %broadcast_in_dim3A_62 : vector<16xf32> to vector<1x16xf32>
      tpu.vector_store %arg5[%swap3A_63, %swap3A_64], %swap3A_67 {strides = array<i32>} : memref<256x128xf32, #tpu.memory_space<vmem>>, vector<1x16xf32>,
      %broadcast_in_dim3A_68 = arith.constant 0.000000e+00 : f32
      %broadcast_in_dim3A_69 = vector.broadcast %broadcast_in_dim3A_68 : f32 to vector<16xf32>
      %swap3A_70 = arith.index_cast %add3A_34 : i32 to index
      %swap3A_71 = arith.constant 80 : index
      %swap3A_72 = tpu.vector_load %arg5[%swap3A_70, %swap3A_71] {strides = array<i32>} : memref<256x128xf32, #tpu.memory_space<vmem>>, vector<1x16xf32>,
      %swap3A_73 = vector.shape_cast %swap3A_72 : vector<1x16xf32> to vector<16xf32>
      %swap3A_74 = vector.shape_cast %broadcast_in_dim3A_69 : vector<16xf32> to vector<1x16xf32>
      tpu.vector_store %arg5[%swap3A_70, %swap3A_71], %swap3A_74 {strides = array<i32>} : memref<256x128xf32, #tpu.memory_space<vmem>>, vector<1x16xf32>,
      %broadcast_in_dim3A_75 = arith.constant 0.000000e+00 : f32
      %broadcast_in_dim3A_76 = vector.broadcast %broadcast_in_dim3A_75 : f32 to vector<16xf32>
      %swap3A_77 = arith.index_cast %add3A_34 : i32 to index
      %swap3A_78 = arith.constant 96 : index
      %swap3A_79 = tpu.vector_load %arg5[%swap3A_77, %swap3A_78] {strides = array<i32>} : memref<256x128xf32, #tpu.memory_space<vmem>>, vector<1x16xf32>,
      %swap3A_80 = vector.shape_cast %swap3A_79 : vector<1x16xf32> to vector<16xf32>
      %swap3A_81 = vector.shape_cast %broadcast_in_dim3A_76 : vector<16xf32> to vector<1x16xf32>
      tpu.vector_store %arg5[%swap3A_77, %swap3A_78], %swap3A_81 {strides = array<i32>} : memref<256x128xf32, #tpu.memory_space<vmem>>, vector<1x16xf32>,
      %broadcast_in_dim3A_82 = arith.constant 0.000000e+00 : f32
      %broadcast_in_dim3A_83 = vector.broadcast %broadcast_in_dim3A_82 : f32 to vector<16xf32>
      %swap3A_84 = arith.index_cast %add3A_34 : i32 to index
      %swap3A_85 = arith.constant 112 : index
      %swap3A_86 = tpu.vector_load %arg5[%swap3A_84, %swap3A_85] {strides = array<i32>} : memref<256x128xf32, #tpu.memory_space<vmem>>, vector<1x16xf32>,
      %swap3A_87 = vector.shape_cast %swap3A_86 : vector<1x16xf32> to vector<16xf32>
      %swap3A_88 = vector.shape_cast %broadcast_in_dim3A_83 : vector<16xf32> to vector<1x16xf32>
      tpu.vector_store %arg5[%swap3A_84, %swap3A_85], %swap3A_88 {strides = array<i32>} : memref<256x128xf32, #tpu.memory_space<vmem>>, vector<1x16xf32>,
    }
    %scan3A_4 = arith.constant 256 : i32
    %mul3A_5 = arith.constant 640 : i32
    %mul3A_6 = arith.muli %arg1, %mul3A_5 : i32
    %add3A_7 = arith.constant 0 : i32
    %add3A_8 = arith.addi %mul3A_6, %add3A_7 : i32
    "tpu.region"() ({
      %run_scoped3A = tpu.sem_alloc : memref<!tpu.dma_semaphore, #tpu.memory_space<semaphore_mem>>
      %dma_start3A = arith.constant 0 : i32
      %dma_start3A_30 = tpu.memref_slice %arg4[%add3A_8, %dma_start3A] : memref<10240x128xf32, #tpu.memory_space<vmem_shared>> -> memref<256x128xf32, #tpu.memory_space<vmem_shared>>
      %dma_start3A_31 = arith.constant 0 : i32
      %dma_start3A_32 = tpu.memref_slice %arg4[%add3A_8, %dma_start3A_31] : memref<10240x128xf32, #tpu.memory_space<vmem_shared>> -> memref<256x128xf32, #tpu.memory_space<vmem_shared>>
      tpu.enqueue_dma source(%arg5 : memref<256x128xf32, #tpu.memory_space<vmem>>) target(%dma_start3A_32 : memref<256x128xf32, #tpu.memory_space<vmem_shared>>) target_semaphore(%run_scoped3A : memref<!tpu.dma_semaphore, #tpu.memory_space<semaphore_mem>>)
      %dma_wait3A = arith.constant 0 : i32
      %dma_wait3A_33 = tpu.memref_slice %arg4[%add3A_8, %dma_wait3A] : memref<10240x128xf32, #tpu.memory_space<vmem_shared>> -> memref<256x128xf32, #tpu.memory_space<vmem_shared>>
      %dma_wait3A_34 = arith.constant 0 : i32
      %dma_wait3A_35 = tpu.memref_slice %arg4[%add3A_8, %dma_wait3A_34] : memref<10240x128xf32, #tpu.memory_space<vmem_shared>> -> memref<256x128xf32, #tpu.memory_space<vmem_shared>>
      tpu.wait_dma2 semaphore(%run_scoped3A : memref<!tpu.dma_semaphore, #tpu.memory_space<semaphore_mem>>) src(%arg5 : memref<256x128xf32, #tpu.memory_space<vmem>>) dst(%dma_wait3A_35 : memref<256x128xf32, #tpu.memory_space<vmem_shared>>)
      tpu.yield
    }) : () -> ()
    %add3A_9 = arith.constant 256 : i32
    %add3A_10 = arith.addi %mul3A_6, %add3A_9 : i32
    "tpu.region"() ({
      %run_scoped3A = tpu.sem_alloc : memref<!tpu.dma_semaphore, #tpu.memory_space<semaphore_mem>>
      %dma_start3A = arith.constant 0 : i32
      %dma_start3A_30 = tpu.memref_slice %arg4[%add3A_10, %dma_start3A] : memref<10240x128xf32, #tpu.memory_space<vmem_shared>> -> memref<256x128xf32, #tpu.memory_space<vmem_shared>>
      %dma_start3A_31 = arith.constant 0 : i32
      %dma_start3A_32 = tpu.memref_slice %arg4[%add3A_10, %dma_start3A_31] : memref<10240x128xf32, #tpu.memory_space<vmem_shared>> -> memref<256x128xf32, #tpu.memory_space<vmem_shared>>
      tpu.enqueue_dma source(%arg5 : memref<256x128xf32, #tpu.memory_space<vmem>>) target(%dma_start3A_32 : memref<256x128xf32, #tpu.memory_space<vmem_shared>>) target_semaphore(%run_scoped3A : memref<!tpu.dma_semaphore, #tpu.memory_space<semaphore_mem>>)
      %dma_wait3A = arith.constant 0 : i32
      %dma_wait3A_33 = tpu.memref_slice %arg4[%add3A_10, %dma_wait3A] : memref<10240x128xf32, #tpu.memory_space<vmem_shared>> -> memref<256x128xf32, #tpu.memory_space<vmem_shared>>
      %dma_wait3A_34 = arith.constant 0 : i32
      %dma_wait3A_35 = tpu.memref_slice %arg4[%add3A_10, %dma_wait3A_34] : memref<10240x128xf32, #tpu.memory_space<vmem_shared>> -> memref<256x128xf32, #tpu.memory_space<vmem_shared>>
      tpu.wait_dma2 semaphore(%run_scoped3A : memref<!tpu.dma_semaphore, #tpu.memory_space<semaphore_mem>>) src(%arg5 : memref<256x128xf32, #tpu.memory_space<vmem>>) dst(%dma_wait3A_35 : memref<256x128xf32, #tpu.memory_space<vmem_shared>>)
      tpu.yield
    }) : () -> ()
    %add3A_11 = arith.constant 512 : i32
    %add3A_12 = arith.addi %mul3A_6, %add3A_11 : i32
    "tpu.region"() ({
      %run_scoped3A = tpu.sem_alloc : memref<!tpu.dma_semaphore, #tpu.memory_space<semaphore_mem>>
      %dma_start3A = arith.constant 0 : i32
      %dma_start3A_30 = arith.constant 0 : i32
      %dma_start3A_31 = tpu.memref_slice %arg5[%dma_start3A, %dma_start3A_30] : memref<256x128xf32, #tpu.memory_space<vmem>> -> memref<128x128xf32, #tpu.memory_space<vmem>>
      %dma_start3A_32 = arith.constant 0 : i32
      %dma_start3A_33 = tpu.memref_slice %arg4[%add3A_12, %dma_start3A_32] : memref<10240x128xf32, #tpu.memory_space<vmem_shared>> -> memref<128x128xf32, #tpu.memory_space<vmem_shared>>
      %dma_start3A_34 = arith.constant 0 : i32
      %dma_start3A_35 = tpu.memref_slice %arg4[%add3A_12, %dma_start3A_34] : memref<10240x128xf32, #tpu.memory_space<vmem_shared>> -> memref<128x128xf32, #tpu.memory_space<vmem_shared>>
      %dma_start3A_36 = arith.constant 0 : i32
      %dma_start3A_37 = arith.constant 0 : i32
      %dma_start3A_38 = tpu.memref_slice %arg5[%dma_start3A_36, %dma_start3A_37] : memref<256x128xf32, #tpu.memory_space<vmem>> -> memref<128x128xf32, #tpu.memory_space<vmem>>
      tpu.enqueue_dma source(%dma_start3A_38 : memref<128x128xf32, #tpu.memory_space<vmem>>) target(%dma_start3A_35 : memref<128x128xf32, #tpu.memory_space<vmem_shared>>) target_semaphore(%run_scoped3A : memref<!tpu.dma_semaphore, #tpu.memory_space<semaphore_mem>>)
      %dma_wait3A = arith.constant 0 : i32
      %dma_wait3A_39 = arith.constant 0 : i32
      %dma_wait3A_40 = tpu.memref_slice %arg5[%dma_wait3A, %dma_wait3A_39] : memref<256x128xf32, #tpu.memory_space<vmem>> -> memref<128x128xf32, #tpu.memory_space<vmem>>
      %dma_wait3A_41 = arith.constant 0 : i32
      %dma_wait3A_42 = tpu.memref_slice %arg4[%add3A_12, %dma_wait3A_41] : memref<10240x128xf32, #tpu.memory_space<vmem_shared>> -> memref<128x128xf32, #tpu.memory_space<vmem_shared>>
      %dma_wait3A_43 = arith.constant 0 : i32
      %dma_wait3A_44 = tpu.memref_slice %arg4[%add3A_12, %dma_wait3A_43] : memref<10240x128xf32, #tpu.memory_space<vmem_shared>> -> memref<128x128xf32, #tpu.memory_space<vmem_shared>>
      %dma_wait3A_45 = arith.constant 0 : i32
      %dma_wait3A_46 = arith.constant 0 : i32
      %dma_wait3A_47 = tpu.memref_slice %arg5[%dma_wait3A_45, %dma_wait3A_46] : memref<256x128xf32, #tpu.memory_space<vmem>> -> memref<128x128xf32, #tpu.memory_space<vmem>>
      tpu.wait_dma2 semaphore(%run_scoped3A : memref<!tpu.dma_semaphore, #tpu.memory_space<semaphore_mem>>) src(%dma_wait3A_47 : memref<128x128xf32, #tpu.memory_space<vmem>>) dst(%dma_wait3A_44 : memref<128x128xf32, #tpu.memory_space<vmem_shared>>)
      tpu.yield
    }) : () -> ()
    %scan3A_13 = arith.constant 0 : i32
    %scan3A_14 = arith.constant 128 : i32
    %scan3A_15 = arith.addi %scan3A_13, %scan3A_14 : i32
    %scan3A_16 = arith.constant 1 : i32
    scf.for %scan3A_30 = %scan3A_13 to %scan3A_15 step %scan3A_16  : i32 {
      %mul3A_31 = arith.constant 1 : i32
      %mul3A_32 = arith.muli %scan3A_30, %mul3A_31 : i32
      %add3A_33 = arith.constant 0 : i32
      %add3A_34 = arith.addi %add3A_33, %mul3A_32 : i32
      %broadcast_in_dim3A = arith.constant 1.000000e+00 : f32
      %broadcast_in_dim3A_35 = vector.broadcast %broadcast_in_dim3A : f32 to vector<16xf32>
      %swap3A = arith.index_cast %add3A_34 : i32 to index
      %swap3A_36 = arith.constant 0 : index
      %swap3A_37 = tpu.vector_load %arg5[%swap3A, %swap3A_36] {strides = array<i32>} : memref<256x128xf32, #tpu.memory_space<vmem>>, vector<1x16xf32>,
      %swap3A_38 = vector.shape_cast %swap3A_37 : vector<1x16xf32> to vector<16xf32>
      %swap3A_39 = vector.shape_cast %broadcast_in_dim3A_35 : vector<16xf32> to vector<1x16xf32>
      tpu.vector_store %arg5[%swap3A, %swap3A_36], %swap3A_39 {strides = array<i32>} : memref<256x128xf32, #tpu.memory_space<vmem>>, vector<1x16xf32>,
      %broadcast_in_dim3A_40 = arith.constant 1.000000e+00 : f32
      %broadcast_in_dim3A_41 = vector.broadcast %broadcast_in_dim3A_40 : f32 to vector<16xf32>
      %swap3A_42 = arith.index_cast %add3A_34 : i32 to index
      %swap3A_43 = arith.constant 16 : index
      %swap3A_44 = tpu.vector_load %arg5[%swap3A_42, %swap3A_43] {strides = array<i32>} : memref<256x128xf32, #tpu.memory_space<vmem>>, vector<1x16xf32>,
      %swap3A_45 = vector.shape_cast %swap3A_44 : vector<1x16xf32> to vector<16xf32>
      %swap3A_46 = vector.shape_cast %broadcast_in_dim3A_41 : vector<16xf32> to vector<1x16xf32>
      tpu.vector_store %arg5[%swap3A_42, %swap3A_43], %swap3A_46 {strides = array<i32>} : memref<256x128xf32, #tpu.memory_space<vmem>>, vector<1x16xf32>,
      %broadcast_in_dim3A_47 = arith.constant 1.000000e+00 : f32
      %broadcast_in_dim3A_48 = vector.broadcast %broadcast_in_dim3A_47 : f32 to vector<16xf32>
      %swap3A_49 = arith.index_cast %add3A_34 : i32 to index
      %swap3A_50 = arith.constant 32 : index
      %swap3A_51 = tpu.vector_load %arg5[%swap3A_49, %swap3A_50] {strides = array<i32>} : memref<256x128xf32, #tpu.memory_space<vmem>>, vector<1x16xf32>,
      %swap3A_52 = vector.shape_cast %swap3A_51 : vector<1x16xf32> to vector<16xf32>
      %swap3A_53 = vector.shape_cast %broadcast_in_dim3A_48 : vector<16xf32> to vector<1x16xf32>
      tpu.vector_store %arg5[%swap3A_49, %swap3A_50], %swap3A_53 {strides = array<i32>} : memref<256x128xf32, #tpu.memory_space<vmem>>, vector<1x16xf32>,
      %broadcast_in_dim3A_54 = arith.constant 1.000000e+00 : f32
      %broadcast_in_dim3A_55 = vector.broadcast %broadcast_in_dim3A_54 : f32 to vector<16xf32>
      %swap3A_56 = arith.index_cast %add3A_34 : i32 to index
      %swap3A_57 = arith.constant 48 : index
      %swap3A_58 = tpu.vector_load %arg5[%swap3A_56, %swap3A_57] {strides = array<i32>} : memref<256x128xf32, #tpu.memory_space<vmem>>, vector<1x16xf32>,
      %swap3A_59 = vector.shape_cast %swap3A_58 : vector<1x16xf32> to vector<16xf32>
      %swap3A_60 = vector.shape_cast %broadcast_in_dim3A_55 : vector<16xf32> to vector<1x16xf32>
      tpu.vector_store %arg5[%swap3A_56, %swap3A_57], %swap3A_60 {strides = array<i32>} : memref<256x128xf32, #tpu.memory_space<vmem>>, vector<1x16xf32>,
      %broadcast_in_dim3A_61 = arith.constant 1.000000e+00 : f32
      %broadcast_in_dim3A_62 = vector.broadcast %broadcast_in_dim3A_61 : f32 to vector<16xf32>
      %swap3A_63 = arith.index_cast %add3A_34 : i32 to index
      %swap3A_64 = arith.constant 64 : index
      %swap3A_65 = tpu.vector_load %arg5[%swap3A_63, %swap3A_64] {strides = array<i32>} : memref<256x128xf32, #tpu.memory_space<vmem>>, vector<1x16xf32>,
      %swap3A_66 = vector.shape_cast %swap3A_65 : vector<1x16xf32> to vector<16xf32>
      %swap3A_67 = vector.shape_cast %broadcast_in_dim3A_62 : vector<16xf32> to vector<1x16xf32>
      tpu.vector_store %arg5[%swap3A_63, %swap3A_64], %swap3A_67 {strides = array<i32>} : memref<256x128xf32, #tpu.memory_space<vmem>>, vector<1x16xf32>,
      %broadcast_in_dim3A_68 = arith.constant 1.000000e+00 : f32
      %broadcast_in_dim3A_69 = vector.broadcast %broadcast_in_dim3A_68 : f32 to vector<16xf32>
      %swap3A_70 = arith.index_cast %add3A_34 : i32 to index
      %swap3A_71 = arith.constant 80 : index
      %swap3A_72 = tpu.vector_load %arg5[%swap3A_70, %swap3A_71] {strides = array<i32>} : memref<256x128xf32, #tpu.memory_space<vmem>>, vector<1x16xf32>,
      %swap3A_73 = vector.shape_cast %swap3A_72 : vector<1x16xf32> to vector<16xf32>
      %swap3A_74 = vector.shape_cast %broadcast_in_dim3A_69 : vector<16xf32> to vector<1x16xf32>
      tpu.vector_store %arg5[%swap3A_70, %swap3A_71], %swap3A_74 {strides = array<i32>} : memref<256x128xf32, #tpu.memory_space<vmem>>, vector<1x16xf32>,
      %broadcast_in_dim3A_75 = arith.constant 1.000000e+00 : f32
      %broadcast_in_dim3A_76 = vector.broadcast %broadcast_in_dim3A_75 : f32 to vector<16xf32>
      %swap3A_77 = arith.index_cast %add3A_34 : i32 to index
      %swap3A_78 = arith.constant 96 : index
      %swap3A_79 = tpu.vector_load %arg5[%swap3A_77, %swap3A_78] {strides = array<i32>} : memref<256x128xf32, #tpu.memory_space<vmem>>, vector<1x16xf32>,
      %swap3A_80 = vector.shape_cast %swap3A_79 : vector<1x16xf32> to vector<16xf32>
      %swap3A_81 = vector.shape_cast %broadcast_in_dim3A_76 : vector<16xf32> to vector<1x16xf32>
      tpu.vector_store %arg5[%swap3A_77, %swap3A_78], %swap3A_81 {strides = array<i32>} : memref<256x128xf32, #tpu.memory_space<vmem>>, vector<1x16xf32>,
      %broadcast_in_dim3A_82 = arith.constant 1.000000e+00 : f32
      %broadcast_in_dim3A_83 = vector.broadcast %broadcast_in_dim3A_82 : f32 to vector<16xf32>
      %swap3A_84 = arith.index_cast %add3A_34 : i32 to index
      %swap3A_85 = arith.constant 112 : index
      %swap3A_86 = tpu.vector_load %arg5[%swap3A_84, %swap3A_85] {strides = array<i32>} : memref<256x128xf32, #tpu.memory_space<vmem>>, vector<1x16xf32>,
      %swap3A_87 = vector.shape_cast %swap3A_86 : vector<1x16xf32> to vector<16xf32>
      %swap3A_88 = vector.shape_cast %broadcast_in_dim3A_83 : vector<16xf32> to vector<1x16xf32>
      tpu.vector_store %arg5[%swap3A_84, %swap3A_85], %swap3A_88 {strides = array<i32>} : memref<256x128xf32, #tpu.memory_space<vmem>>, vector<1x16xf32>,
    }
    %scan3A_17 = arith.constant 128 : i32
    %barrier3A = arith.constant 0 : index
    tpu.barrier barrier_id(%barrier3A)
    %mul3A_18 = arith.constant 80 : i32
    %mul3A_19 = arith.muli %add3A, %mul3A_18 : i32
    %scan3A_20 = arith.constant 0 : i32
    %scan3A_21 = arith.constant 5 : i32
    %scan3A_22 = arith.addi %scan3A_20, %scan3A_21 : i32
    %scan3A_23 = arith.constant 1 : i32
    scf.for %scan3A_30 = %scan3A_20 to %scan3A_22 step %scan3A_23  : i32 {
      %mul3A_31 = arith.constant 1 : i32
      %mul3A_32 = arith.muli %scan3A_30, %mul3A_31 : i32
      %add3A_33 = arith.constant 0 : i32
      %add3A_34 = arith.addi %add3A_33, %mul3A_32 : i32
      %rem3A = arith.constant 2 : i32
      %rem3A_35 = arith.remsi %add3A_34, %rem3A : i32
      %eq3A = arith.constant 0 : i32
      %eq3A_36 = arith.cmpi eq, %rem3A_35, %eq3A : i32
      %convert_element_type3A = arith.extui %eq3A_36 : i1 to i32
      %cond3A = arith.constant 0 : i32
      %cond3A_37 = arith.cmpi ne, %convert_element_type3A, %cond3A : i32
      scf.if %cond3A_37 {
        %mul3A_43 = arith.constant 16 : i32
        %mul3A_44 = arith.muli %add3A_34, %mul3A_43 : i32
        %add3A_45 = arith.addi %mul3A_19, %mul3A_44 : i32
        "tpu.region"() ({
          %run_scoped3A = tpu.sem_alloc : memref<!tpu.dma_semaphore, #tpu.memory_space<semaphore_mem>>
          %dma_start3A_364 = arith.constant 0 : i32
          %dma_start3A_365 = tpu.memref_slice %arg2[%add3A_45, %dma_start3A_364] : memref<2560x128xi32, #tpu.memory_space<hbm>> -> memref<16x128xi32, #tpu.memory_space<hbm>>
          %dma_start3A_366 = arith.constant 0 : i32
          %dma_start3A_367 = tpu.memref_slice %arg2[%add3A_45, %dma_start3A_366] : memref<2560x128xi32, #tpu.memory_space<hbm>> -> memref<16x128xi32, #tpu.memory_space<hbm>>
          tpu.enqueue_dma source(%dma_start3A_367 : memref<16x128xi32, #tpu.memory_space<hbm>>) target(%arg6 : memref<16x128xi32, #tpu.memory_space<vmem>>) target_semaphore(%run_scoped3A : memref<!tpu.dma_semaphore, #tpu.memory_space<semaphore_mem>>)
          %dma_wait3A_368 = arith.constant 0 : i32
          %dma_wait3A_369 = tpu.memref_slice %arg2[%add3A_45, %dma_wait3A_368] : memref<2560x128xi32, #tpu.memory_space<hbm>> -> memref<16x128xi32, #tpu.memory_space<hbm>>
          %dma_wait3A_370 = arith.constant 0 : i32
          %dma_wait3A_371 = tpu.memref_slice %arg2[%add3A_45, %dma_wait3A_370] : memref<2560x128xi32, #tpu.memory_space<hbm>> -> memref<16x128xi32, #tpu.memory_space<hbm>>
          tpu.wait_dma2 semaphore(%run_scoped3A : memref<!tpu.dma_semaphore, #tpu.memory_space<semaphore_mem>>) src(%dma_wait3A_371 : memref<16x128xi32, #tpu.memory_space<hbm>>) dst(%arg6 : memref<16x128xi32, #tpu.memory_space<vmem>>)
          tpu.yield
        }) : () -> ()
        %dma_start3A = arith.constant 0 : i32
        %dma_start3A_46 = arith.constant 0 : i32
        %dma_start3A_47 = arith.constant 0 : i32
        %dma_start3A_48 = tpu.memref_slice %arg5[%dma_start3A_46, %dma_start3A_47] : memref<256x128xf32, #tpu.memory_space<vmem>> -> memref<128x128xf32, #tpu.memory_space<vmem>>
        %dma_start3A_49 = arith.constant 0 : i32
        %dma_start3A_50 = tpu.memref_slice %arg6[%dma_start3A, %dma_start3A_49] : memref<16x128xi32, #tpu.memory_space<vmem>> -> memref<1x128xi32, #tpu.memory_space<vmem>>
        %dma_start3A_51 = tpu.memref_squeeze %dma_start3A_50 : memref<1x128xi32, #tpu.memory_space<vmem>> -> memref<128xi32, #tpu.memory_space<vmem>>
        %dma_start3A_52 = arith.constant 0 : i32
        %dma_start3A_53 = arith.constant 0 : i32
        %dma_start3A_54 = tpu.memref_slice %arg4[%dma_start3A_52, %dma_start3A_53] : memref<10240x128xf32, #tpu.memory_space<vmem_shared>> -> memref<10240x128xf32, #tpu.memory_space<vmem_shared>>
        tpu.enqueue_indirect_dma source(%dma_start3A_48 : memref<128x128xf32, #tpu.memory_space<vmem>>) target(%dma_start3A_54 : memref<10240x128xf32, #tpu.memory_space<vmem_shared>>) offsets(%dma_start3A_51 : memref<128xi32, #tpu.memory_space<vmem>>) semaphore(%arg8 : memref<!tpu.dma_semaphore, #tpu.memory_space<semaphore_mem>>) {add = true}
        %dma_start3A_55 = arith.constant 1 : i32
        %dma_start3A_56 = arith.constant 0 : i32
        %dma_start3A_57 = arith.constant 0 : i32
        %dma_start3A_58 = tpu.memref_slice %arg5[%dma_start3A_56, %dma_start3A_57] : memref<256x128xf32, #tpu.memory_space<vmem>> -> memref<128x128xf32, #tpu.memory_space<vmem>>
        %dma_start3A_59 = arith.constant 0 : i32
        %dma_start3A_60 = tpu.memref_slice %arg6[%dma_start3A_55, %dma_start3A_59] : memref<16x128xi32, #tpu.memory_space<vmem>> -> memref<1x128xi32, #tpu.memory_space<vmem>>
        %dma_start3A_61 = tpu.memref_squeeze %dma_start3A_60 : memref<1x128xi32, #tpu.memory_space<vmem>> -> memref<128xi32, #tpu.memory_space<vmem>>
        %dma_start3A_62 = arith.constant 0 : i32
        %dma_start3A_63 = arith.constant 0 : i32
        %dma_start3A_64 = tpu.memref_slice %arg4[%dma_start3A_62, %dma_start3A_63] : memref<10240x128xf32, #tpu.memory_space<vmem_shared>> -> memref<10240x128xf32, #tpu.memory_space<vmem_shared>>
        tpu.enqueue_indirect_dma source(%dma_start3A_58 : memref<128x128xf32, #tpu.memory_space<vmem>>) target(%dma_start3A_64 : memref<10240x128xf32, #tpu.memory_space<vmem_shared>>) offsets(%dma_start3A_61 : memref<128xi32, #tpu.memory_space<vmem>>) semaphore(%arg8 : memref<!tpu.dma_semaphore, #tpu.memory_space<semaphore_mem>>) {add = true}
        %dma_start3A_65 = arith.constant 2 : i32
        %dma_start3A_66 = arith.constant 0 : i32
        %dma_start3A_67 = arith.constant 0 : i32
        %dma_start3A_68 = tpu.memref_slice %arg5[%dma_start3A_66, %dma_start3A_67] : memref<256x128xf32, #tpu.memory_space<vmem>> -> memref<128x128xf32, #tpu.memory_space<vmem>>
        %dma_start3A_69 = arith.constant 0 : i32
        %dma_start3A_70 = tpu.memref_slice %arg6[%dma_start3A_65, %dma_start3A_69] : memref<16x128xi32, #tpu.memory_space<vmem>> -> memref<1x128xi32, #tpu.memory_space<vmem>>
        %dma_start3A_71 = tpu.memref_squeeze %dma_start3A_70 : memref<1x128xi32, #tpu.memory_space<vmem>> -> memref<128xi32, #tpu.memory_space<vmem>>
        %dma_start3A_72 = arith.constant 0 : i32
        %dma_start3A_73 = arith.constant 0 : i32
        %dma_start3A_74 = tpu.memref_slice %arg4[%dma_start3A_72, %dma_start3A_73] : memref<10240x128xf32, #tpu.memory_space<vmem_shared>> -> memref<10240x128xf32, #tpu.memory_space<vmem_shared>>
        tpu.enqueue_indirect_dma source(%dma_start3A_68 : memref<128x128xf32, #tpu.memory_space<vmem>>) target(%dma_start3A_74 : memref<10240x128xf32, #tpu.memory_space<vmem_shared>>) offsets(%dma_start3A_71 : memref<128xi32, #tpu.memory_space<vmem>>) semaphore(%arg8 : memref<!tpu.dma_semaphore, #tpu.memory_space<semaphore_mem>>) {add = true}
        %dma_start3A_75 = arith.constant 3 : i32
        %dma_start3A_76 = arith.constant 0 : i32
        %dma_start3A_77 = arith.constant 0 : i32
        %dma_start3A_78 = tpu.memref_slice %arg5[%dma_start3A_76, %dma_start3A_77] : memref<256x128xf32, #tpu.memory_space<vmem>> -> memref<128x128xf32, #tpu.memory_space<vmem>>
        %dma_start3A_79 = arith.constant 0 : i32
        %dma_start3A_80 = tpu.memref_slice %arg6[%dma_start3A_75, %dma_start3A_79] : memref<16x128xi32, #tpu.memory_space<vmem>> -> memref<1x128xi32, #tpu.memory_space<vmem>>
        %dma_start3A_81 = tpu.memref_squeeze %dma_start3A_80 : memref<1x128xi32, #tpu.memory_space<vmem>> -> memref<128xi32, #tpu.memory_space<vmem>>
        %dma_start3A_82 = arith.constant 0 : i32
        %dma_start3A_83 = arith.constant 0 : i32
        %dma_start3A_84 = tpu.memref_slice %arg4[%dma_start3A_82, %dma_start3A_83] : memref<10240x128xf32, #tpu.memory_space<vmem_shared>> -> memref<10240x128xf32, #tpu.memory_space<vmem_shared>>
        tpu.enqueue_indirect_dma source(%dma_start3A_78 : memref<128x128xf32, #tpu.memory_space<vmem>>) target(%dma_start3A_84 : memref<10240x128xf32, #tpu.memory_space<vmem_shared>>) offsets(%dma_start3A_81 : memref<128xi32, #tpu.memory_space<vmem>>) semaphore(%arg8 : memref<!tpu.dma_semaphore, #tpu.memory_space<semaphore_mem>>) {add = true}
        %dma_start3A_85 = arith.constant 4 : i32
        %dma_start3A_86 = arith.constant 0 : i32
        %dma_start3A_87 = arith.constant 0 : i32
        %dma_start3A_88 = tpu.memref_slice %arg5[%dma_start3A_86, %dma_start3A_87] : memref<256x128xf32, #tpu.memory_space<vmem>> -> memref<128x128xf32, #tpu.memory_space<vmem>>
        %dma_start3A_89 = arith.constant 0 : i32
        %dma_start3A_90 = tpu.memref_slice %arg6[%dma_start3A_85, %dma_start3A_89] : memref<16x128xi32, #tpu.memory_space<vmem>> -> memref<1x128xi32, #tpu.memory_space<vmem>>
        %dma_start3A_91 = tpu.memref_squeeze %dma_start3A_90 : memref<1x128xi32, #tpu.memory_space<vmem>> -> memref<128xi32, #tpu.memory_space<vmem>>
        %dma_start3A_92 = arith.constant 0 : i32
        %dma_start3A_93 = arith.constant 0 : i32
        %dma_start3A_94 = tpu.memref_slice %arg4[%dma_start3A_92, %dma_start3A_93] : memref<10240x128xf32, #tpu.memory_space<vmem_shared>> -> memref<10240x128xf32, #tpu.memory_space<vmem_shared>>
        tpu.enqueue_indirect_dma source(%dma_start3A_88 : memref<128x128xf32, #tpu.memory_space<vmem>>) target(%dma_start3A_94 : memref<10240x128xf32, #tpu.memory_space<vmem_shared>>) offsets(%dma_start3A_91 : memref<128xi32, #tpu.memory_space<vmem>>) semaphore(%arg8 : memref<!tpu.dma_semaphore, #tpu.memory_space<semaphore_mem>>) {add = true}
        %dma_start3A_95 = arith.constant 5 : i32
        %dma_start3A_96 = arith.constant 0 : i32
        %dma_start3A_97 = arith.constant 0 : i32
        %dma_start3A_98 = tpu.memref_slice %arg5[%dma_start3A_96, %dma_start3A_97] : memref<256x128xf32, #tpu.memory_space<vmem>> -> memref<128x128xf32, #tpu.memory_space<vmem>>
        %dma_start3A_99 = arith.constant 0 : i32
        %dma_start3A_100 = tpu.memref_slice %arg6[%dma_start3A_95, %dma_start3A_99] : memref<16x128xi32, #tpu.memory_space<vmem>> -> memref<1x128xi32, #tpu.memory_space<vmem>>
        %dma_start3A_101 = tpu.memref_squeeze %dma_start3A_100 : memref<1x128xi32, #tpu.memory_space<vmem>> -> memref<128xi32, #tpu.memory_space<vmem>>
        %dma_start3A_102 = arith.constant 0 : i32
        %dma_start3A_103 = arith.constant 0 : i32
        %dma_start3A_104 = tpu.memref_slice %arg4[%dma_start3A_102, %dma_start3A_103] : memref<10240x128xf32, #tpu.memory_space<vmem_shared>> -> memref<10240x128xf32, #tpu.memory_space<vmem_shared>>
        tpu.enqueue_indirect_dma source(%dma_start3A_98 : memref<128x128xf32, #tpu.memory_space<vmem>>) target(%dma_start3A_104 : memref<10240x128xf32, #tpu.memory_space<vmem_shared>>) offsets(%dma_start3A_101 : memref<128xi32, #tpu.memory_space<vmem>>) semaphore(%arg8 : memref<!tpu.dma_semaphore, #tpu.memory_space<semaphore_mem>>) {add = true}
        %dma_start3A_105 = arith.constant 6 : i32
        %dma_start3A_106 = arith.constant 0 : i32
        %dma_start3A_107 = arith.constant 0 : i32
        %dma_start3A_108 = tpu.memref_slice %arg5[%dma_start3A_106, %dma_start3A_107] : memref<256x128xf32, #tpu.memory_space<vmem>> -> memref<128x128xf32, #tpu.memory_space<vmem>>
        %dma_start3A_109 = arith.constant 0 : i32
        %dma_start3A_110 = tpu.memref_slice %arg6[%dma_start3A_105, %dma_start3A_109] : memref<16x128xi32, #tpu.memory_space<vmem>> -> memref<1x128xi32, #tpu.memory_space<vmem>>
        %dma_start3A_111 = tpu.memref_squeeze %dma_start3A_110 : memref<1x128xi32, #tpu.memory_space<vmem>> -> memref<128xi32, #tpu.memory_space<vmem>>
        %dma_start3A_112 = arith.constant 0 : i32
        %dma_start3A_113 = arith.constant 0 : i32
        %dma_start3A_114 = tpu.memref_slice %arg4[%dma_start3A_112, %dma_start3A_113] : memref<10240x128xf32, #tpu.memory_space<vmem_shared>> -> memref<10240x128xf32, #tpu.memory_space<vmem_shared>>
        tpu.enqueue_indirect_dma source(%dma_start3A_108 : memref<128x128xf32, #tpu.memory_space<vmem>>) target(%dma_start3A_114 : memref<10240x128xf32, #tpu.memory_space<vmem_shared>>) offsets(%dma_start3A_111 : memref<128xi32, #tpu.memory_space<vmem>>) semaphore(%arg8 : memref<!tpu.dma_semaphore, #tpu.memory_space<semaphore_mem>>) {add = true}
        %dma_start3A_115 = arith.constant 7 : i32
        %dma_start3A_116 = arith.constant 0 : i32
        %dma_start3A_117 = arith.constant 0 : i32
        %dma_start3A_118 = tpu.memref_slice %arg5[%dma_start3A_116, %dma_start3A_117] : memref<256x128xf32, #tpu.memory_space<vmem>> -> memref<128x128xf32, #tpu.memory_space<vmem>>
        %dma_start3A_119 = arith.constant 0 : i32
        %dma_start3A_120 = tpu.memref_slice %arg6[%dma_start3A_115, %dma_start3A_119] : memref<16x128xi32, #tpu.memory_space<vmem>> -> memref<1x128xi32, #tpu.memory_space<vmem>>
        %dma_start3A_121 = tpu.memref_squeeze %dma_start3A_120 : memref<1x128xi32, #tpu.memory_space<vmem>> -> memref<128xi32, #tpu.memory_space<vmem>>
        %dma_start3A_122 = arith.constant 0 : i32
        %dma_start3A_123 = arith.constant 0 : i32
        %dma_start3A_124 = tpu.memref_slice %arg4[%dma_start3A_122, %dma_start3A_123] : memref<10240x128xf32, #tpu.memory_space<vmem_shared>> -> memref<10240x128xf32, #tpu.memory_space<vmem_shared>>
        tpu.enqueue_indirect_dma source(%dma_start3A_118 : memref<128x128xf32, #tpu.memory_space<vmem>>) target(%dma_start3A_124 : memref<10240x128xf32, #tpu.memory_space<vmem_shared>>) offsets(%dma_start3A_121 : memref<128xi32, #tpu.memory_space<vmem>>) semaphore(%arg8 : memref<!tpu.dma_semaphore, #tpu.memory_space<semaphore_mem>>) {add = true}
        %dma_start3A_125 = arith.constant 8 : i32
        %dma_start3A_126 = arith.constant 0 : i32
        %dma_start3A_127 = arith.constant 0 : i32
        %dma_start3A_128 = tpu.memref_slice %arg5[%dma_start3A_126, %dma_start3A_127] : memref<256x128xf32, #tpu.memory_space<vmem>> -> memref<128x128xf32, #tpu.memory_space<vmem>>
        %dma_start3A_129 = arith.constant 0 : i32
        %dma_start3A_130 = tpu.memref_slice %arg6[%dma_start3A_125, %dma_start3A_129] : memref<16x128xi32, #tpu.memory_space<vmem>> -> memref<1x128xi32, #tpu.memory_space<vmem>>
        %dma_start3A_131 = tpu.memref_squeeze %dma_start3A_130 : memref<1x128xi32, #tpu.memory_space<vmem>> -> memref<128xi32, #tpu.memory_space<vmem>>
        %dma_start3A_132 = arith.constant 0 : i32
        %dma_start3A_133 = arith.constant 0 : i32
        %dma_start3A_134 = tpu.memref_slice %arg4[%dma_start3A_132, %dma_start3A_133] : memref<10240x128xf32, #tpu.memory_space<vmem_shared>> -> memref<10240x128xf32, #tpu.memory_space<vmem_shared>>
        tpu.enqueue_indirect_dma source(%dma_start3A_128 : memref<128x128xf32, #tpu.memory_space<vmem>>) target(%dma_start3A_134 : memref<10240x128xf32, #tpu.memory_space<vmem_shared>>) offsets(%dma_start3A_131 : memref<128xi32, #tpu.memory_space<vmem>>) semaphore(%arg8 : memref<!tpu.dma_semaphore, #tpu.memory_space<semaphore_mem>>) {add = true}
        %dma_start3A_135 = arith.constant 9 : i32
        %dma_start3A_136 = arith.constant 0 : i32
        %dma_start3A_137 = arith.constant 0 : i32
        %dma_start3A_138 = tpu.memref_slice %arg5[%dma_start3A_136, %dma_start3A_137] : memref<256x128xf32, #tpu.memory_space<vmem>> -> memref<128x128xf32, #tpu.memory_space<vmem>>
        %dma_start3A_139 = arith.constant 0 : i32
        %dma_start3A_140 = tpu.memref_slice %arg6[%dma_start3A_135, %dma_start3A_139] : memref<16x128xi32, #tpu.memory_space<vmem>> -> memref<1x128xi32, #tpu.memory_space<vmem>>
        %dma_start3A_141 = tpu.memref_squeeze %dma_start3A_140 : memref<1x128xi32, #tpu.memory_space<vmem>> -> memref<128xi32, #tpu.memory_space<vmem>>
        %dma_start3A_142 = arith.constant 0 : i32
        %dma_start3A_143 = arith.constant 0 : i32
        %dma_start3A_144 = tpu.memref_slice %arg4[%dma_start3A_142, %dma_start3A_143] : memref<10240x128xf32, #tpu.memory_space<vmem_shared>> -> memref<10240x128xf32, #tpu.memory_space<vmem_shared>>
        tpu.enqueue_indirect_dma source(%dma_start3A_138 : memref<128x128xf32, #tpu.memory_space<vmem>>) target(%dma_start3A_144 : memref<10240x128xf32, #tpu.memory_space<vmem_shared>>) offsets(%dma_start3A_141 : memref<128xi32, #tpu.memory_space<vmem>>) semaphore(%arg8 : memref<!tpu.dma_semaphore, #tpu.memory_space<semaphore_mem>>) {add = true}
        %dma_start3A_145 = arith.constant 10 : i32
        %dma_start3A_146 = arith.constant 0 : i32
        %dma_start3A_147 = arith.constant 0 : i32
        %dma_start3A_148 = tpu.memref_slice %arg5[%dma_start3A_146, %dma_start3A_147] : memref<256x128xf32, #tpu.memory_space<vmem>> -> memref<128x128xf32, #tpu.memory_space<vmem>>
        %dma_start3A_149 = arith.constant 0 : i32
        %dma_start3A_150 = tpu.memref_slice %arg6[%dma_start3A_145, %dma_start3A_149] : memref<16x128xi32, #tpu.memory_space<vmem>> -> memref<1x128xi32, #tpu.memory_space<vmem>>
        %dma_start3A_151 = tpu.memref_squeeze %dma_start3A_150 : memref<1x128xi32, #tpu.memory_space<vmem>> -> memref<128xi32, #tpu.memory_space<vmem>>
        %dma_start3A_152 = arith.constant 0 : i32
        %dma_start3A_153 = arith.constant 0 : i32
        %dma_start3A_154 = tpu.memref_slice %arg4[%dma_start3A_152, %dma_start3A_153] : memref<10240x128xf32, #tpu.memory_space<vmem_shared>> -> memref<10240x128xf32, #tpu.memory_space<vmem_shared>>
        tpu.enqueue_indirect_dma source(%dma_start3A_148 : memref<128x128xf32, #tpu.memory_space<vmem>>) target(%dma_start3A_154 : memref<10240x128xf32, #tpu.memory_space<vmem_shared>>) offsets(%dma_start3A_151 : memref<128xi32, #tpu.memory_space<vmem>>) semaphore(%arg8 : memref<!tpu.dma_semaphore, #tpu.memory_space<semaphore_mem>>) {add = true}
        %dma_start3A_155 = arith.constant 11 : i32
        %dma_start3A_156 = arith.constant 0 : i32
        %dma_start3A_157 = arith.constant 0 : i32
        %dma_start3A_158 = tpu.memref_slice %arg5[%dma_start3A_156, %dma_start3A_157] : memref<256x128xf32, #tpu.memory_space<vmem>> -> memref<128x128xf32, #tpu.memory_space<vmem>>
        %dma_start3A_159 = arith.constant 0 : i32
        %dma_start3A_160 = tpu.memref_slice %arg6[%dma_start3A_155, %dma_start3A_159] : memref<16x128xi32, #tpu.memory_space<vmem>> -> memref<1x128xi32, #tpu.memory_space<vmem>>
        %dma_start3A_161 = tpu.memref_squeeze %dma_start3A_160 : memref<1x128xi32, #tpu.memory_space<vmem>> -> memref<128xi32, #tpu.memory_space<vmem>>
        %dma_start3A_162 = arith.constant 0 : i32
        %dma_start3A_163 = arith.constant 0 : i32
        %dma_start3A_164 = tpu.memref_slice %arg4[%dma_start3A_162, %dma_start3A_163] : memref<10240x128xf32, #tpu.memory_space<vmem_shared>> -> memref<10240x128xf32, #tpu.memory_space<vmem_shared>>
        tpu.enqueue_indirect_dma source(%dma_start3A_158 : memref<128x128xf32, #tpu.memory_space<vmem>>) target(%dma_start3A_164 : memref<10240x128xf32, #tpu.memory_space<vmem_shared>>) offsets(%dma_start3A_161 : memref<128xi32, #tpu.memory_space<vmem>>) semaphore(%arg8 : memref<!tpu.dma_semaphore, #tpu.memory_space<semaphore_mem>>) {add = true}
        %dma_start3A_165 = arith.constant 12 : i32
        %dma_start3A_166 = arith.constant 0 : i32
        %dma_start3A_167 = arith.constant 0 : i32
        %dma_start3A_168 = tpu.memref_slice %arg5[%dma_start3A_166, %dma_start3A_167] : memref<256x128xf32, #tpu.memory_space<vmem>> -> memref<128x128xf32, #tpu.memory_space<vmem>>
        %dma_start3A_169 = arith.constant 0 : i32
        %dma_start3A_170 = tpu.memref_slice %arg6[%dma_start3A_165, %dma_start3A_169] : memref<16x128xi32, #tpu.memory_space<vmem>> -> memref<1x128xi32, #tpu.memory_space<vmem>>
        %dma_start3A_171 = tpu.memref_squeeze %dma_start3A_170 : memref<1x128xi32, #tpu.memory_space<vmem>> -> memref<128xi32, #tpu.memory_space<vmem>>
        %dma_start3A_172 = arith.constant 0 : i32
        %dma_start3A_173 = arith.constant 0 : i32
        %dma_start3A_174 = tpu.memref_slice %arg4[%dma_start3A_172, %dma_start3A_173] : memref<10240x128xf32, #tpu.memory_space<vmem_shared>> -> memref<10240x128xf32, #tpu.memory_space<vmem_shared>>
        tpu.enqueue_indirect_dma source(%dma_start3A_168 : memref<128x128xf32, #tpu.memory_space<vmem>>) target(%dma_start3A_174 : memref<10240x128xf32, #tpu.memory_space<vmem_shared>>) offsets(%dma_start3A_171 : memref<128xi32, #tpu.memory_space<vmem>>) semaphore(%arg8 : memref<!tpu.dma_semaphore, #tpu.memory_space<semaphore_mem>>) {add = true}
        %dma_start3A_175 = arith.constant 13 : i32
        %dma_start3A_176 = arith.constant 0 : i32
        %dma_start3A_177 = arith.constant 0 : i32
        %dma_start3A_178 = tpu.memref_slice %arg5[%dma_start3A_176, %dma_start3A_177] : memref<256x128xf32, #tpu.memory_space<vmem>> -> memref<128x128xf32, #tpu.memory_space<vmem>>
        %dma_start3A_179 = arith.constant 0 : i32
        %dma_start3A_180 = tpu.memref_slice %arg6[%dma_start3A_175, %dma_start3A_179] : memref<16x128xi32, #tpu.memory_space<vmem>> -> memref<1x128xi32, #tpu.memory_space<vmem>>
        %dma_start3A_181 = tpu.memref_squeeze %dma_start3A_180 : memref<1x128xi32, #tpu.memory_space<vmem>> -> memref<128xi32, #tpu.memory_space<vmem>>
        %dma_start3A_182 = arith.constant 0 : i32
        %dma_start3A_183 = arith.constant 0 : i32
        %dma_start3A_184 = tpu.memref_slice %arg4[%dma_start3A_182, %dma_start3A_183] : memref<10240x128xf32, #tpu.memory_space<vmem_shared>> -> memref<10240x128xf32, #tpu.memory_space<vmem_shared>>
        tpu.enqueue_indirect_dma source(%dma_start3A_178 : memref<128x128xf32, #tpu.memory_space<vmem>>) target(%dma_start3A_184 : memref<10240x128xf32, #tpu.memory_space<vmem_shared>>) offsets(%dma_start3A_181 : memref<128xi32, #tpu.memory_space<vmem>>) semaphore(%arg8 : memref<!tpu.dma_semaphore, #tpu.memory_space<semaphore_mem>>) {add = true}
        %dma_start3A_185 = arith.constant 14 : i32
        %dma_start3A_186 = arith.constant 0 : i32
        %dma_start3A_187 = arith.constant 0 : i32
        %dma_start3A_188 = tpu.memref_slice %arg5[%dma_start3A_186, %dma_start3A_187] : memref<256x128xf32, #tpu.memory_space<vmem>> -> memref<128x128xf32, #tpu.memory_space<vmem>>
        %dma_start3A_189 = arith.constant 0 : i32
        %dma_start3A_190 = tpu.memref_slice %arg6[%dma_start3A_185, %dma_start3A_189] : memref<16x128xi32, #tpu.memory_space<vmem>> -> memref<1x128xi32, #tpu.memory_space<vmem>>
        %dma_start3A_191 = tpu.memref_squeeze %dma_start3A_190 : memref<1x128xi32, #tpu.memory_space<vmem>> -> memref<128xi32, #tpu.memory_space<vmem>>
        %dma_start3A_192 = arith.constant 0 : i32
        %dma_start3A_193 = arith.constant 0 : i32
        %dma_start3A_194 = tpu.memref_slice %arg4[%dma_start3A_192, %dma_start3A_193] : memref<10240x128xf32, #tpu.memory_space<vmem_shared>> -> memref<10240x128xf32, #tpu.memory_space<vmem_shared>>
        tpu.enqueue_indirect_dma source(%dma_start3A_188 : memref<128x128xf32, #tpu.memory_space<vmem>>) target(%dma_start3A_194 : memref<10240x128xf32, #tpu.memory_space<vmem_shared>>) offsets(%dma_start3A_191 : memref<128xi32, #tpu.memory_space<vmem>>) semaphore(%arg8 : memref<!tpu.dma_semaphore, #tpu.memory_space<semaphore_mem>>) {add = true}
        %dma_start3A_195 = arith.constant 15 : i32
        %dma_start3A_196 = arith.constant 0 : i32
        %dma_start3A_197 = arith.constant 0 : i32
        %dma_start3A_198 = tpu.memref_slice %arg5[%dma_start3A_196, %dma_start3A_197] : memref<256x128xf32, #tpu.memory_space<vmem>> -> memref<128x128xf32, #tpu.memory_space<vmem>>
        %dma_start3A_199 = arith.constant 0 : i32
        %dma_start3A_200 = tpu.memref_slice %arg6[%dma_start3A_195, %dma_start3A_199] : memref<16x128xi32, #tpu.memory_space<vmem>> -> memref<1x128xi32, #tpu.memory_space<vmem>>
        %dma_start3A_201 = tpu.memref_squeeze %dma_start3A_200 : memref<1x128xi32, #tpu.memory_space<vmem>> -> memref<128xi32, #tpu.memory_space<vmem>>
        %dma_start3A_202 = arith.constant 0 : i32
        %dma_start3A_203 = arith.constant 0 : i32
        %dma_start3A_204 = tpu.memref_slice %arg4[%dma_start3A_202, %dma_start3A_203] : memref<10240x128xf32, #tpu.memory_space<vmem_shared>> -> memref<10240x128xf32, #tpu.memory_space<vmem_shared>>
        tpu.enqueue_indirect_dma source(%dma_start3A_198 : memref<128x128xf32, #tpu.memory_space<vmem>>) target(%dma_start3A_204 : memref<10240x128xf32, #tpu.memory_space<vmem_shared>>) offsets(%dma_start3A_201 : memref<128xi32, #tpu.memory_space<vmem>>) semaphore(%arg8 : memref<!tpu.dma_semaphore, #tpu.memory_space<semaphore_mem>>) {add = true}
        %dma_wait3A = arith.constant 0 : i32
        %dma_wait3A_205 = arith.constant 0 : i32
        %dma_wait3A_206 = arith.constant 0 : i32
        %dma_wait3A_207 = tpu.memref_slice %arg5[%dma_wait3A_205, %dma_wait3A_206] : memref<256x128xf32, #tpu.memory_space<vmem>> -> memref<128x128xf32, #tpu.memory_space<vmem>>
        %dma_wait3A_208 = arith.constant 0 : i32
        %dma_wait3A_209 = tpu.memref_slice %arg6[%dma_wait3A, %dma_wait3A_208] : memref<16x128xi32, #tpu.memory_space<vmem>> -> memref<1x128xi32, #tpu.memory_space<vmem>>
        %dma_wait3A_210 = tpu.memref_squeeze %dma_wait3A_209 : memref<1x128xi32, #tpu.memory_space<vmem>> -> memref<128xi32, #tpu.memory_space<vmem>>
        %dma_wait3A_211 = arith.constant 0 : i32
        %dma_wait3A_212 = arith.constant 0 : i32
        %dma_wait3A_213 = tpu.memref_slice %arg4[%dma_wait3A_211, %dma_wait3A_212] : memref<10240x128xf32, #tpu.memory_space<vmem_shared>> -> memref<10240x128xf32, #tpu.memory_space<vmem_shared>>
        tpu.wait_indirect_dma semaphore(%arg8 : memref<!tpu.dma_semaphore, #tpu.memory_space<semaphore_mem>>) src(%dma_wait3A_207 : memref<128x128xf32, #tpu.memory_space<vmem>>) dst(%dma_wait3A_213 : memref<10240x128xf32, #tpu.memory_space<vmem_shared>>)
        %dma_wait3A_214 = arith.constant 1 : i32
        %dma_wait3A_215 = arith.constant 0 : i32
        %dma_wait3A_216 = arith.constant 0 : i32
        %dma_wait3A_217 = tpu.memref_slice %arg5[%dma_wait3A_215, %dma_wait3A_216] : memref<256x128xf32, #tpu.memory_space<vmem>> -> memref<128x128xf32, #tpu.memory_space<vmem>>
        %dma_wait3A_218 = arith.constant 0 : i32
        %dma_wait3A_219 = tpu.memref_slice %arg6[%dma_wait3A_214, %dma_wait3A_218] : memref<16x128xi32, #tpu.memory_space<vmem>> -> memref<1x128xi32, #tpu.memory_space<vmem>>
        %dma_wait3A_220 = tpu.memref_squeeze %dma_wait3A_219 : memref<1x128xi32, #tpu.memory_space<vmem>> -> memref<128xi32, #tpu.memory_space<vmem>>
        %dma_wait3A_221 = arith.constant 0 : i32
        %dma_wait3A_222 = arith.constant 0 : i32
        %dma_wait3A_223 = tpu.memref_slice %arg4[%dma_wait3A_221, %dma_wait3A_222] : memref<10240x128xf32, #tpu.memory_space<vmem_shared>> -> memref<10240x128xf32, #tpu.memory_space<vmem_shared>>
        tpu.wait_indirect_dma semaphore(%arg8 : memref<!tpu.dma_semaphore, #tpu.memory_space<semaphore_mem>>) src(%dma_wait3A_217 : memref<128x128xf32, #tpu.memory_space<vmem>>) dst(%dma_wait3A_223 : memref<10240x128xf32, #tpu.memory_space<vmem_shared>>)
        %dma_wait3A_224 = arith.constant 2 : i32
        %dma_wait3A_225 = arith.constant 0 : i32
        %dma_wait3A_226 = arith.constant 0 : i32
        %dma_wait3A_227 = tpu.memref_slice %arg5[%dma_wait3A_225, %dma_wait3A_226] : memref<256x128xf32, #tpu.memory_space<vmem>> -> memref<128x128xf32, #tpu.memory_space<vmem>>
        %dma_wait3A_228 = arith.constant 0 : i32
        %dma_wait3A_229 = tpu.memref_slice %arg6[%dma_wait3A_224, %dma_wait3A_228] : memref<16x128xi32, #tpu.memory_space<vmem>> -> memref<1x128xi32, #tpu.memory_space<vmem>>
        %dma_wait3A_230 = tpu.memref_squeeze %dma_wait3A_229 : memref<1x128xi32, #tpu.memory_space<vmem>> -> memref<128xi32, #tpu.memory_space<vmem>>
        %dma_wait3A_231 = arith.constant 0 : i32
        %dma_wait3A_232 = arith.constant 0 : i32
        %dma_wait3A_233 = tpu.memref_slice %arg4[%dma_wait3A_231, %dma_wait3A_232] : memref<10240x128xf32, #tpu.memory_space<vmem_shared>> -> memref<10240x128xf32, #tpu.memory_space<vmem_shared>>
        tpu.wait_indirect_dma semaphore(%arg8 : memref<!tpu.dma_semaphore, #tpu.memory_space<semaphore_mem>>) src(%dma_wait3A_227 : memref<128x128xf32, #tpu.memory_space<vmem>>) dst(%dma_wait3A_233 : memref<10240x128xf32, #tpu.memory_space<vmem_shared>>)
        %dma_wait3A_234 = arith.constant 3 : i32
        %dma_wait3A_235 = arith.constant 0 : i32
        %dma_wait3A_236 = arith.constant 0 : i32
        %dma_wait3A_237 = tpu.memref_slice %arg5[%dma_wait3A_235, %dma_wait3A_236] : memref<256x128xf32, #tpu.memory_space<vmem>> -> memref<128x128xf32, #tpu.memory_space<vmem>>
        %dma_wait3A_238 = arith.constant 0 : i32
        %dma_wait3A_239 = tpu.memref_slice %arg6[%dma_wait3A_234, %dma_wait3A_238] : memref<16x128xi32, #tpu.memory_space<vmem>> -> memref<1x128xi32, #tpu.memory_space<vmem>>
        %dma_wait3A_240 = tpu.memref_squeeze %dma_wait3A_239 : memref<1x128xi32, #tpu.memory_space<vmem>> -> memref<128xi32, #tpu.memory_space<vmem>>
        %dma_wait3A_241 = arith.constant 0 : i32
        %dma_wait3A_242 = arith.constant 0 : i32
        %dma_wait3A_243 = tpu.memref_slice %arg4[%dma_wait3A_241, %dma_wait3A_242] : memref<10240x128xf32, #tpu.memory_space<vmem_shared>> -> memref<10240x128xf32, #tpu.memory_space<vmem_shared>>
        tpu.wait_indirect_dma semaphore(%arg8 : memref<!tpu.dma_semaphore, #tpu.memory_space<semaphore_mem>>) src(%dma_wait3A_237 : memref<128x128xf32, #tpu.memory_space<vmem>>) dst(%dma_wait3A_243 : memref<10240x128xf32, #tpu.memory_space<vmem_shared>>)
        %dma_wait3A_244 = arith.constant 4 : i32
        %dma_wait3A_245 = arith.constant 0 : i32
        %dma_wait3A_246 = arith.constant 0 : i32
        %dma_wait3A_247 = tpu.memref_slice %arg5[%dma_wait3A_245, %dma_wait3A_246] : memref<256x128xf32, #tpu.memory_space<vmem>> -> memref<128x128xf32, #tpu.memory_space<vmem>>
        %dma_wait3A_248 = arith.constant 0 : i32
        %dma_wait3A_249 = tpu.memref_slice %arg6[%dma_wait3A_244, %dma_wait3A_248] : memref<16x128xi32, #tpu.memory_space<vmem>> -> memref<1x128xi32, #tpu.memory_space<vmem>>
        %dma_wait3A_250 = tpu.memref_squeeze %dma_wait3A_249 : memref<1x128xi32, #tpu.memory_space<vmem>> -> memref<128xi32, #tpu.memory_space<vmem>>
        %dma_wait3A_251 = arith.constant 0 : i32
        %dma_wait3A_252 = arith.constant 0 : i32
        %dma_wait3A_253 = tpu.memref_slice %arg4[%dma_wait3A_251, %dma_wait3A_252] : memref<10240x128xf32, #tpu.memory_space<vmem_shared>> -> memref<10240x128xf32, #tpu.memory_space<vmem_shared>>
        tpu.wait_indirect_dma semaphore(%arg8 : memref<!tpu.dma_semaphore, #tpu.memory_space<semaphore_mem>>) src(%dma_wait3A_247 : memref<128x128xf32, #tpu.memory_space<vmem>>) dst(%dma_wait3A_253 : memref<10240x128xf32, #tpu.memory_space<vmem_shared>>)
        %dma_wait3A_254 = arith.constant 5 : i32
        %dma_wait3A_255 = arith.constant 0 : i32
        %dma_wait3A_256 = arith.constant 0 : i32
        %dma_wait3A_257 = tpu.memref_slice %arg5[%dma_wait3A_255, %dma_wait3A_256] : memref<256x128xf32, #tpu.memory_space<vmem>> -> memref<128x128xf32, #tpu.memory_space<vmem>>
        %dma_wait3A_258 = arith.constant 0 : i32
        %dma_wait3A_259 = tpu.memref_slice %arg6[%dma_wait3A_254, %dma_wait3A_258] : memref<16x128xi32, #tpu.memory_space<vmem>> -> memref<1x128xi32, #tpu.memory_space<vmem>>
        %dma_wait3A_260 = tpu.memref_squeeze %dma_wait3A_259 : memref<1x128xi32, #tpu.memory_space<vmem>> -> memref<128xi32, #tpu.memory_space<vmem>>
        %dma_wait3A_261 = arith.constant 0 : i32
        %dma_wait3A_262 = arith.constant 0 : i32
        %dma_wait3A_263 = tpu.memref_slice %arg4[%dma_wait3A_261, %dma_wait3A_262] : memref<10240x128xf32, #tpu.memory_space<vmem_shared>> -> memref<10240x128xf32, #tpu.memory_space<vmem_shared>>
        tpu.wait_indirect_dma semaphore(%arg8 : memref<!tpu.dma_semaphore, #tpu.memory_space<semaphore_mem>>) src(%dma_wait3A_257 : memref<128x128xf32, #tpu.memory_space<vmem>>) dst(%dma_wait3A_263 : memref<10240x128xf32, #tpu.memory_space<vmem_shared>>)
        %dma_wait3A_264 = arith.constant 6 : i32
        %dma_wait3A_265 = arith.constant 0 : i32
        %dma_wait3A_266 = arith.constant 0 : i32
        %dma_wait3A_267 = tpu.memref_slice %arg5[%dma_wait3A_265, %dma_wait3A_266] : memref<256x128xf32, #tpu.memory_space<vmem>> -> memref<128x128xf32, #tpu.memory_space<vmem>>
        %dma_wait3A_268 = arith.constant 0 : i32
        %dma_wait3A_269 = tpu.memref_slice %arg6[%dma_wait3A_264, %dma_wait3A_268] : memref<16x128xi32, #tpu.memory_space<vmem>> -> memref<1x128xi32, #tpu.memory_space<vmem>>
        %dma_wait3A_270 = tpu.memref_squeeze %dma_wait3A_269 : memref<1x128xi32, #tpu.memory_space<vmem>> -> memref<128xi32, #tpu.memory_space<vmem>>
        %dma_wait3A_271 = arith.constant 0 : i32
        %dma_wait3A_272 = arith.constant 0 : i32
        %dma_wait3A_273 = tpu.memref_slice %arg4[%dma_wait3A_271, %dma_wait3A_272] : memref<10240x128xf32, #tpu.memory_space<vmem_shared>> -> memref<10240x128xf32, #tpu.memory_space<vmem_shared>>
        tpu.wait_indirect_dma semaphore(%arg8 : memref<!tpu.dma_semaphore, #tpu.memory_space<semaphore_mem>>) src(%dma_wait3A_267 : memref<128x128xf32, #tpu.memory_space<vmem>>) dst(%dma_wait3A_273 : memref<10240x128xf32, #tpu.memory_space<vmem_shared>>)
        %dma_wait3A_274 = arith.constant 7 : i32
        %dma_wait3A_275 = arith.constant 0 : i32
        %dma_wait3A_276 = arith.constant 0 : i32
        %dma_wait3A_277 = tpu.memref_slice %arg5[%dma_wait3A_275, %dma_wait3A_276] : memref<256x128xf32, #tpu.memory_space<vmem>> -> memref<128x128xf32, #tpu.memory_space<vmem>>
        %dma_wait3A_278 = arith.constant 0 : i32
        %dma_wait3A_279 = tpu.memref_slice %arg6[%dma_wait3A_274, %dma_wait3A_278] : memref<16x128xi32, #tpu.memory_space<vmem>> -> memref<1x128xi32, #tpu.memory_space<vmem>>
        %dma_wait3A_280 = tpu.memref_squeeze %dma_wait3A_279 : memref<1x128xi32, #tpu.memory_space<vmem>> -> memref<128xi32, #tpu.memory_space<vmem>>
        %dma_wait3A_281 = arith.constant 0 : i32
        %dma_wait3A_282 = arith.constant 0 : i32
        %dma_wait3A_283 = tpu.memref_slice %arg4[%dma_wait3A_281, %dma_wait3A_282] : memref<10240x128xf32, #tpu.memory_space<vmem_shared>> -> memref<10240x128xf32, #tpu.memory_space<vmem_shared>>
        tpu.wait_indirect_dma semaphore(%arg8 : memref<!tpu.dma_semaphore, #tpu.memory_space<semaphore_mem>>) src(%dma_wait3A_277 : memref<128x128xf32, #tpu.memory_space<vmem>>) dst(%dma_wait3A_283 : memref<10240x128xf32, #tpu.memory_space<vmem_shared>>)
        %dma_wait3A_284 = arith.constant 8 : i32
        %dma_wait3A_285 = arith.constant 0 : i32
        %dma_wait3A_286 = arith.constant 0 : i32
        %dma_wait3A_287 = tpu.memref_slice %arg5[%dma_wait3A_285, %dma_wait3A_286] : memref<256x128xf32, #tpu.memory_space<vmem>> -> memref<128x128xf32, #tpu.memory_space<vmem>>
        %dma_wait3A_288 = arith.constant 0 : i32
        %dma_wait3A_289 = tpu.memref_slice %arg6[%dma_wait3A_284, %dma_wait3A_288] : memref<16x128xi32, #tpu.memory_space<vmem>> -> memref<1x128xi32, #tpu.memory_space<vmem>>
        %dma_wait3A_290 = tpu.memref_squeeze %dma_wait3A_289 : memref<1x128xi32, #tpu.memory_space<vmem>> -> memref<128xi32, #tpu.memory_space<vmem>>
        %dma_wait3A_291 = arith.constant 0 : i32
        %dma_wait3A_292 = arith.constant 0 : i32
        %dma_wait3A_293 = tpu.memref_slice %arg4[%dma_wait3A_291, %dma_wait3A_292] : memref<10240x128xf32, #tpu.memory_space<vmem_shared>> -> memref<10240x128xf32, #tpu.memory_space<vmem_shared>>
        tpu.wait_indirect_dma semaphore(%arg8 : memref<!tpu.dma_semaphore, #tpu.memory_space<semaphore_mem>>) src(%dma_wait3A_287 : memref<128x128xf32, #tpu.memory_space<vmem>>) dst(%dma_wait3A_293 : memref<10240x128xf32, #tpu.memory_space<vmem_shared>>)
        %dma_wait3A_294 = arith.constant 9 : i32
        %dma_wait3A_295 = arith.constant 0 : i32
        %dma_wait3A_296 = arith.constant 0 : i32
        %dma_wait3A_297 = tpu.memref_slice %arg5[%dma_wait3A_295, %dma_wait3A_296] : memref<256x128xf32, #tpu.memory_space<vmem>> -> memref<128x128xf32, #tpu.memory_space<vmem>>
        %dma_wait3A_298 = arith.constant 0 : i32
        %dma_wait3A_299 = tpu.memref_slice %arg6[%dma_wait3A_294, %dma_wait3A_298] : memref<16x128xi32, #tpu.memory_space<vmem>> -> memref<1x128xi32, #tpu.memory_space<vmem>>
        %dma_wait3A_300 = tpu.memref_squeeze %dma_wait3A_299 : memref<1x128xi32, #tpu.memory_space<vmem>> -> memref<128xi32, #tpu.memory_space<vmem>>
        %dma_wait3A_301 = arith.constant 0 : i32
        %dma_wait3A_302 = arith.constant 0 : i32
        %dma_wait3A_303 = tpu.memref_slice %arg4[%dma_wait3A_301, %dma_wait3A_302] : memref<10240x128xf32, #tpu.memory_space<vmem_shared>> -> memref<10240x128xf32, #tpu.memory_space<vmem_shared>>
        tpu.wait_indirect_dma semaphore(%arg8 : memref<!tpu.dma_semaphore, #tpu.memory_space<semaphore_mem>>) src(%dma_wait3A_297 : memref<128x128xf32, #tpu.memory_space<vmem>>) dst(%dma_wait3A_303 : memref<10240x128xf32, #tpu.memory_space<vmem_shared>>)
        %dma_wait3A_304 = arith.constant 10 : i32
        %dma_wait3A_305 = arith.constant 0 : i32
        %dma_wait3A_306 = arith.constant 0 : i32
        %dma_wait3A_307 = tpu.memref_slice %arg5[%dma_wait3A_305, %dma_wait3A_306] : memref<256x128xf32, #tpu.memory_space<vmem>> -> memref<128x128xf32, #tpu.memory_space<vmem>>
        %dma_wait3A_308 = arith.constant 0 : i32
        %dma_wait3A_309 = tpu.memref_slice %arg6[%dma_wait3A_304, %dma_wait3A_308] : memref<16x128xi32, #tpu.memory_space<vmem>> -> memref<1x128xi32, #tpu.memory_space<vmem>>
        %dma_wait3A_310 = tpu.memref_squeeze %dma_wait3A_309 : memref<1x128xi32, #tpu.memory_space<vmem>> -> memref<128xi32, #tpu.memory_space<vmem>>
        %dma_wait3A_311 = arith.constant 0 : i32
        %dma_wait3A_312 = arith.constant 0 : i32
        %dma_wait3A_313 = tpu.memref_slice %arg4[%dma_wait3A_311, %dma_wait3A_312] : memref<10240x128xf32, #tpu.memory_space<vmem_shared>> -> memref<10240x128xf32, #tpu.memory_space<vmem_shared>>
        tpu.wait_indirect_dma semaphore(%arg8 : memref<!tpu.dma_semaphore, #tpu.memory_space<semaphore_mem>>) src(%dma_wait3A_307 : memref<128x128xf32, #tpu.memory_space<vmem>>) dst(%dma_wait3A_313 : memref<10240x128xf32, #tpu.memory_space<vmem_shared>>)
        %dma_wait3A_314 = arith.constant 11 : i32
        %dma_wait3A_315 = arith.constant 0 : i32
        %dma_wait3A_316 = arith.constant 0 : i32
        %dma_wait3A_317 = tpu.memref_slice %arg5[%dma_wait3A_315, %dma_wait3A_316] : memref<256x128xf32, #tpu.memory_space<vmem>> -> memref<128x128xf32, #tpu.memory_space<vmem>>
        %dma_wait3A_318 = arith.constant 0 : i32
        %dma_wait3A_319 = tpu.memref_slice %arg6[%dma_wait3A_314, %dma_wait3A_318] : memref<16x128xi32, #tpu.memory_space<vmem>> -> memref<1x128xi32, #tpu.memory_space<vmem>>
        %dma_wait3A_320 = tpu.memref_squeeze %dma_wait3A_319 : memref<1x128xi32, #tpu.memory_space<vmem>> -> memref<128xi32, #tpu.memory_space<vmem>>
        %dma_wait3A_321 = arith.constant 0 : i32
        %dma_wait3A_322 = arith.constant 0 : i32
        %dma_wait3A_323 = tpu.memref_slice %arg4[%dma_wait3A_321, %dma_wait3A_322] : memref<10240x128xf32, #tpu.memory_space<vmem_shared>> -> memref<10240x128xf32, #tpu.memory_space<vmem_shared>>
        tpu.wait_indirect_dma semaphore(%arg8 : memref<!tpu.dma_semaphore, #tpu.memory_space<semaphore_mem>>) src(%dma_wait3A_317 : memref<128x128xf32, #tpu.memory_space<vmem>>) dst(%dma_wait3A_323 : memref<10240x128xf32, #tpu.memory_space<vmem_shared>>)
        %dma_wait3A_324 = arith.constant 12 : i32
        %dma_wait3A_325 = arith.constant 0 : i32
        %dma_wait3A_326 = arith.constant 0 : i32
        %dma_wait3A_327 = tpu.memref_slice %arg5[%dma_wait3A_325, %dma_wait3A_326] : memref<256x128xf32, #tpu.memory_space<vmem>> -> memref<128x128xf32, #tpu.memory_space<vmem>>
        %dma_wait3A_328 = arith.constant 0 : i32
        %dma_wait3A_329 = tpu.memref_slice %arg6[%dma_wait3A_324, %dma_wait3A_328] : memref<16x128xi32, #tpu.memory_space<vmem>> -> memref<1x128xi32, #tpu.memory_space<vmem>>
        %dma_wait3A_330 = tpu.memref_squeeze %dma_wait3A_329 : memref<1x128xi32, #tpu.memory_space<vmem>> -> memref<128xi32, #tpu.memory_space<vmem>>
        %dma_wait3A_331 = arith.constant 0 : i32
        %dma_wait3A_332 = arith.constant 0 : i32
        %dma_wait3A_333 = tpu.memref_slice %arg4[%dma_wait3A_331, %dma_wait3A_332] : memref<10240x128xf32, #tpu.memory_space<vmem_shared>> -> memref<10240x128xf32, #tpu.memory_space<vmem_shared>>
        tpu.wait_indirect_dma semaphore(%arg8 : memref<!tpu.dma_semaphore, #tpu.memory_space<semaphore_mem>>) src(%dma_wait3A_327 : memref<128x128xf32, #tpu.memory_space<vmem>>) dst(%dma_wait3A_333 : memref<10240x128xf32, #tpu.memory_space<vmem_shared>>)
        %dma_wait3A_334 = arith.constant 13 : i32
        %dma_wait3A_335 = arith.constant 0 : i32
        %dma_wait3A_336 = arith.constant 0 : i32
        %dma_wait3A_337 = tpu.memref_slice %arg5[%dma_wait3A_335, %dma_wait3A_336] : memref<256x128xf32, #tpu.memory_space<vmem>> -> memref<128x128xf32, #tpu.memory_space<vmem>>
        %dma_wait3A_338 = arith.constant 0 : i32
        %dma_wait3A_339 = tpu.memref_slice %arg6[%dma_wait3A_334, %dma_wait3A_338] : memref<16x128xi32, #tpu.memory_space<vmem>> -> memref<1x128xi32, #tpu.memory_space<vmem>>
        %dma_wait3A_340 = tpu.memref_squeeze %dma_wait3A_339 : memref<1x128xi32, #tpu.memory_space<vmem>> -> memref<128xi32, #tpu.memory_space<vmem>>
        %dma_wait3A_341 = arith.constant 0 : i32
        %dma_wait3A_342 = arith.constant 0 : i32
        %dma_wait3A_343 = tpu.memref_slice %arg4[%dma_wait3A_341, %dma_wait3A_342] : memref<10240x128xf32, #tpu.memory_space<vmem_shared>> -> memref<10240x128xf32, #tpu.memory_space<vmem_shared>>
        tpu.wait_indirect_dma semaphore(%arg8 : memref<!tpu.dma_semaphore, #tpu.memory_space<semaphore_mem>>) src(%dma_wait3A_337 : memref<128x128xf32, #tpu.memory_space<vmem>>) dst(%dma_wait3A_343 : memref<10240x128xf32, #tpu.memory_space<vmem_shared>>)
        %dma_wait3A_344 = arith.constant 14 : i32
        %dma_wait3A_345 = arith.constant 0 : i32
        %dma_wait3A_346 = arith.constant 0 : i32
        %dma_wait3A_347 = tpu.memref_slice %arg5[%dma_wait3A_345, %dma_wait3A_346] : memref<256x128xf32, #tpu.memory_space<vmem>> -> memref<128x128xf32, #tpu.memory_space<vmem>>
        %dma_wait3A_348 = arith.constant 0 : i32
        %dma_wait3A_349 = tpu.memref_slice %arg6[%dma_wait3A_344, %dma_wait3A_348] : memref<16x128xi32, #tpu.memory_space<vmem>> -> memref<1x128xi32, #tpu.memory_space<vmem>>
        %dma_wait3A_350 = tpu.memref_squeeze %dma_wait3A_349 : memref<1x128xi32, #tpu.memory_space<vmem>> -> memref<128xi32, #tpu.memory_space<vmem>>
        %dma_wait3A_351 = arith.constant 0 : i32
        %dma_wait3A_352 = arith.constant 0 : i32
        %dma_wait3A_353 = tpu.memref_slice %arg4[%dma_wait3A_351, %dma_wait3A_352] : memref<10240x128xf32, #tpu.memory_space<vmem_shared>> -> memref<10240x128xf32, #tpu.memory_space<vmem_shared>>
        tpu.wait_indirect_dma semaphore(%arg8 : memref<!tpu.dma_semaphore, #tpu.memory_space<semaphore_mem>>) src(%dma_wait3A_347 : memref<128x128xf32, #tpu.memory_space<vmem>>) dst(%dma_wait3A_353 : memref<10240x128xf32, #tpu.memory_space<vmem_shared>>)
        %dma_wait3A_354 = arith.constant 15 : i32
        %dma_wait3A_355 = arith.constant 0 : i32
        %dma_wait3A_356 = arith.constant 0 : i32
        %dma_wait3A_357 = tpu.memref_slice %arg5[%dma_wait3A_355, %dma_wait3A_356] : memref<256x128xf32, #tpu.memory_space<vmem>> -> memref<128x128xf32, #tpu.memory_space<vmem>>
        %dma_wait3A_358 = arith.constant 0 : i32
        %dma_wait3A_359 = tpu.memref_slice %arg6[%dma_wait3A_354, %dma_wait3A_358] : memref<16x128xi32, #tpu.memory_space<vmem>> -> memref<1x128xi32, #tpu.memory_space<vmem>>
        %dma_wait3A_360 = tpu.memref_squeeze %dma_wait3A_359 : memref<1x128xi32, #tpu.memory_space<vmem>> -> memref<128xi32, #tpu.memory_space<vmem>>
        %dma_wait3A_361 = arith.constant 0 : i32
        %dma_wait3A_362 = arith.constant 0 : i32
        %dma_wait3A_363 = tpu.memref_slice %arg4[%dma_wait3A_361, %dma_wait3A_362] : memref<10240x128xf32, #tpu.memory_space<vmem_shared>> -> memref<10240x128xf32, #tpu.memory_space<vmem_shared>>
        tpu.wait_indirect_dma semaphore(%arg8 : memref<!tpu.dma_semaphore, #tpu.memory_space<semaphore_mem>>) src(%dma_wait3A_357 : memref<128x128xf32, #tpu.memory_space<vmem>>) dst(%dma_wait3A_363 : memref<10240x128xf32, #tpu.memory_space<vmem_shared>>)
      } else {
      }
      %eq3A_38 = arith.constant 1 : i32
      %eq3A_39 = arith.cmpi eq, %rem3A_35, %eq3A_38 : i32
      %convert_element_type3A_40 = arith.extui %eq3A_39 : i1 to i32
      %cond3A_41 = arith.constant 0 : i32
      %cond3A_42 = arith.cmpi ne, %convert_element_type3A_40, %cond3A_41 : i32
      scf.if %cond3A_42 {
        %mul3A_43 = arith.constant 16 : i32
        %mul3A_44 = arith.muli %add3A_34, %mul3A_43 : i32
        %add3A_45 = arith.addi %mul3A_19, %mul3A_44 : i32
        "tpu.region"() ({
          %run_scoped3A = tpu.sem_alloc : memref<!tpu.dma_semaphore, #tpu.memory_space<semaphore_mem>>
          %dma_start3A_364 = arith.constant 0 : i32
          %dma_start3A_365 = tpu.memref_slice %arg2[%add3A_45, %dma_start3A_364] : memref<2560x128xi32, #tpu.memory_space<hbm>> -> memref<16x128xi32, #tpu.memory_space<hbm>>
          %dma_start3A_366 = arith.constant 0 : i32
          %dma_start3A_367 = tpu.memref_slice %arg2[%add3A_45, %dma_start3A_366] : memref<2560x128xi32, #tpu.memory_space<hbm>> -> memref<16x128xi32, #tpu.memory_space<hbm>>
          tpu.enqueue_dma source(%dma_start3A_367 : memref<16x128xi32, #tpu.memory_space<hbm>>) target(%arg7 : memref<16x128xi32, #tpu.memory_space<vmem>>) target_semaphore(%run_scoped3A : memref<!tpu.dma_semaphore, #tpu.memory_space<semaphore_mem>>)
          %dma_wait3A_368 = arith.constant 0 : i32
          %dma_wait3A_369 = tpu.memref_slice %arg2[%add3A_45, %dma_wait3A_368] : memref<2560x128xi32, #tpu.memory_space<hbm>> -> memref<16x128xi32, #tpu.memory_space<hbm>>
          %dma_wait3A_370 = arith.constant 0 : i32
          %dma_wait3A_371 = tpu.memref_slice %arg2[%add3A_45, %dma_wait3A_370] : memref<2560x128xi32, #tpu.memory_space<hbm>> -> memref<16x128xi32, #tpu.memory_space<hbm>>
          tpu.wait_dma2 semaphore(%run_scoped3A : memref<!tpu.dma_semaphore, #tpu.memory_space<semaphore_mem>>) src(%dma_wait3A_371 : memref<16x128xi32, #tpu.memory_space<hbm>>) dst(%arg7 : memref<16x128xi32, #tpu.memory_space<vmem>>)
          tpu.yield
        }) : () -> ()
        %dma_start3A = arith.constant 0 : i32
        %dma_start3A_46 = arith.constant 0 : i32
        %dma_start3A_47 = arith.constant 0 : i32
        %dma_start3A_48 = tpu.memref_slice %arg5[%dma_start3A_46, %dma_start3A_47] : memref<256x128xf32, #tpu.memory_space<vmem>> -> memref<128x128xf32, #tpu.memory_space<vmem>>
        %dma_start3A_49 = arith.constant 0 : i32
        %dma_start3A_50 = tpu.memref_slice %arg7[%dma_start3A, %dma_start3A_49] : memref<16x128xi32, #tpu.memory_space<vmem>> -> memref<1x128xi32, #tpu.memory_space<vmem>>
        %dma_start3A_51 = tpu.memref_squeeze %dma_start3A_50 : memref<1x128xi32, #tpu.memory_space<vmem>> -> memref<128xi32, #tpu.memory_space<vmem>>
        %dma_start3A_52 = arith.constant 0 : i32
        %dma_start3A_53 = arith.constant 0 : i32
        %dma_start3A_54 = tpu.memref_slice %arg4[%dma_start3A_52, %dma_start3A_53] : memref<10240x128xf32, #tpu.memory_space<vmem_shared>> -> memref<10240x128xf32, #tpu.memory_space<vmem_shared>>
        tpu.enqueue_indirect_dma source(%dma_start3A_48 : memref<128x128xf32, #tpu.memory_space<vmem>>) target(%dma_start3A_54 : memref<10240x128xf32, #tpu.memory_space<vmem_shared>>) offsets(%dma_start3A_51 : memref<128xi32, #tpu.memory_space<vmem>>) semaphore(%arg9 : memref<!tpu.dma_semaphore, #tpu.memory_space<semaphore_mem>>) {add = true}
        %dma_start3A_55 = arith.constant 1 : i32
        %dma_start3A_56 = arith.constant 0 : i32
        %dma_start3A_57 = arith.constant 0 : i32
        %dma_start3A_58 = tpu.memref_slice %arg5[%dma_start3A_56, %dma_start3A_57] : memref<256x128xf32, #tpu.memory_space<vmem>> -> memref<128x128xf32, #tpu.memory_space<vmem>>
        %dma_start3A_59 = arith.constant 0 : i32
        %dma_start3A_60 = tpu.memref_slice %arg7[%dma_start3A_55, %dma_start3A_59] : memref<16x128xi32, #tpu.memory_space<vmem>> -> memref<1x128xi32, #tpu.memory_space<vmem>>
        %dma_start3A_61 = tpu.memref_squeeze %dma_start3A_60 : memref<1x128xi32, #tpu.memory_space<vmem>> -> memref<128xi32, #tpu.memory_space<vmem>>
        %dma_start3A_62 = arith.constant 0 : i32
        %dma_start3A_63 = arith.constant 0 : i32
        %dma_start3A_64 = tpu.memref_slice %arg4[%dma_start3A_62, %dma_start3A_63] : memref<10240x128xf32, #tpu.memory_space<vmem_shared>> -> memref<10240x128xf32, #tpu.memory_space<vmem_shared>>
        tpu.enqueue_indirect_dma source(%dma_start3A_58 : memref<128x128xf32, #tpu.memory_space<vmem>>) target(%dma_start3A_64 : memref<10240x128xf32, #tpu.memory_space<vmem_shared>>) offsets(%dma_start3A_61 : memref<128xi32, #tpu.memory_space<vmem>>) semaphore(%arg9 : memref<!tpu.dma_semaphore, #tpu.memory_space<semaphore_mem>>) {add = true}
        %dma_start3A_65 = arith.constant 2 : i32
        %dma_start3A_66 = arith.constant 0 : i32
        %dma_start3A_67 = arith.constant 0 : i32
        %dma_start3A_68 = tpu.memref_slice %arg5[%dma_start3A_66, %dma_start3A_67] : memref<256x128xf32, #tpu.memory_space<vmem>> -> memref<128x128xf32, #tpu.memory_space<vmem>>
        %dma_start3A_69 = arith.constant 0 : i32
        %dma_start3A_70 = tpu.memref_slice %arg7[%dma_start3A_65, %dma_start3A_69] : memref<16x128xi32, #tpu.memory_space<vmem>> -> memref<1x128xi32, #tpu.memory_space<vmem>>
        %dma_start3A_71 = tpu.memref_squeeze %dma_start3A_70 : memref<1x128xi32, #tpu.memory_space<vmem>> -> memref<128xi32, #tpu.memory_space<vmem>>
        %dma_start3A_72 = arith.constant 0 : i32
        %dma_start3A_73 = arith.constant 0 : i32
        %dma_start3A_74 = tpu.memref_slice %arg4[%dma_start3A_72, %dma_start3A_73] : memref<10240x128xf32, #tpu.memory_space<vmem_shared>> -> memref<10240x128xf32, #tpu.memory_space<vmem_shared>>
        tpu.enqueue_indirect_dma source(%dma_start3A_68 : memref<128x128xf32, #tpu.memory_space<vmem>>) target(%dma_start3A_74 : memref<10240x128xf32, #tpu.memory_space<vmem_shared>>) offsets(%dma_start3A_71 : memref<128xi32, #tpu.memory_space<vmem>>) semaphore(%arg9 : memref<!tpu.dma_semaphore, #tpu.memory_space<semaphore_mem>>) {add = true}
        %dma_start3A_75 = arith.constant 3 : i32
        %dma_start3A_76 = arith.constant 0 : i32
        %dma_start3A_77 = arith.constant 0 : i32
        %dma_start3A_78 = tpu.memref_slice %arg5[%dma_start3A_76, %dma_start3A_77] : memref<256x128xf32, #tpu.memory_space<vmem>> -> memref<128x128xf32, #tpu.memory_space<vmem>>
        %dma_start3A_79 = arith.constant 0 : i32
        %dma_start3A_80 = tpu.memref_slice %arg7[%dma_start3A_75, %dma_start3A_79] : memref<16x128xi32, #tpu.memory_space<vmem>> -> memref<1x128xi32, #tpu.memory_space<vmem>>
        %dma_start3A_81 = tpu.memref_squeeze %dma_start3A_80 : memref<1x128xi32, #tpu.memory_space<vmem>> -> memref<128xi32, #tpu.memory_space<vmem>>
        %dma_start3A_82 = arith.constant 0 : i32
        %dma_start3A_83 = arith.constant 0 : i32
        %dma_start3A_84 = tpu.memref_slice %arg4[%dma_start3A_82, %dma_start3A_83] : memref<10240x128xf32, #tpu.memory_space<vmem_shared>> -> memref<10240x128xf32, #tpu.memory_space<vmem_shared>>
        tpu.enqueue_indirect_dma source(%dma_start3A_78 : memref<128x128xf32, #tpu.memory_space<vmem>>) target(%dma_start3A_84 : memref<10240x128xf32, #tpu.memory_space<vmem_shared>>) offsets(%dma_start3A_81 : memref<128xi32, #tpu.memory_space<vmem>>) semaphore(%arg9 : memref<!tpu.dma_semaphore, #tpu.memory_space<semaphore_mem>>) {add = true}
        %dma_start3A_85 = arith.constant 4 : i32
        %dma_start3A_86 = arith.constant 0 : i32
        %dma_start3A_87 = arith.constant 0 : i32
        %dma_start3A_88 = tpu.memref_slice %arg5[%dma_start3A_86, %dma_start3A_87] : memref<256x128xf32, #tpu.memory_space<vmem>> -> memref<128x128xf32, #tpu.memory_space<vmem>>
        %dma_start3A_89 = arith.constant 0 : i32
        %dma_start3A_90 = tpu.memref_slice %arg7[%dma_start3A_85, %dma_start3A_89] : memref<16x128xi32, #tpu.memory_space<vmem>> -> memref<1x128xi32, #tpu.memory_space<vmem>>
        %dma_start3A_91 = tpu.memref_squeeze %dma_start3A_90 : memref<1x128xi32, #tpu.memory_space<vmem>> -> memref<128xi32, #tpu.memory_space<vmem>>
        %dma_start3A_92 = arith.constant 0 : i32
        %dma_start3A_93 = arith.constant 0 : i32
        %dma_start3A_94 = tpu.memref_slice %arg4[%dma_start3A_92, %dma_start3A_93] : memref<10240x128xf32, #tpu.memory_space<vmem_shared>> -> memref<10240x128xf32, #tpu.memory_space<vmem_shared>>
        tpu.enqueue_indirect_dma source(%dma_start3A_88 : memref<128x128xf32, #tpu.memory_space<vmem>>) target(%dma_start3A_94 : memref<10240x128xf32, #tpu.memory_space<vmem_shared>>) offsets(%dma_start3A_91 : memref<128xi32, #tpu.memory_space<vmem>>) semaphore(%arg9 : memref<!tpu.dma_semaphore, #tpu.memory_space<semaphore_mem>>) {add = true}
        %dma_start3A_95 = arith.constant 5 : i32
        %dma_start3A_96 = arith.constant 0 : i32
        %dma_start3A_97 = arith.constant 0 : i32
        %dma_start3A_98 = tpu.memref_slice %arg5[%dma_start3A_96, %dma_start3A_97] : memref<256x128xf32, #tpu.memory_space<vmem>> -> memref<128x128xf32, #tpu.memory_space<vmem>>
        %dma_start3A_99 = arith.constant 0 : i32
        %dma_start3A_100 = tpu.memref_slice %arg7[%dma_start3A_95, %dma_start3A_99] : memref<16x128xi32, #tpu.memory_space<vmem>> -> memref<1x128xi32, #tpu.memory_space<vmem>>
        %dma_start3A_101 = tpu.memref_squeeze %dma_start3A_100 : memref<1x128xi32, #tpu.memory_space<vmem>> -> memref<128xi32, #tpu.memory_space<vmem>>
        %dma_start3A_102 = arith.constant 0 : i32
        %dma_start3A_103 = arith.constant 0 : i32
        %dma_start3A_104 = tpu.memref_slice %arg4[%dma_start3A_102, %dma_start3A_103] : memref<10240x128xf32, #tpu.memory_space<vmem_shared>> -> memref<10240x128xf32, #tpu.memory_space<vmem_shared>>
        tpu.enqueue_indirect_dma source(%dma_start3A_98 : memref<128x128xf32, #tpu.memory_space<vmem>>) target(%dma_start3A_104 : memref<10240x128xf32, #tpu.memory_space<vmem_shared>>) offsets(%dma_start3A_101 : memref<128xi32, #tpu.memory_space<vmem>>) semaphore(%arg9 : memref<!tpu.dma_semaphore, #tpu.memory_space<semaphore_mem>>) {add = true}
        %dma_start3A_105 = arith.constant 6 : i32
        %dma_start3A_106 = arith.constant 0 : i32
        %dma_start3A_107 = arith.constant 0 : i32
        %dma_start3A_108 = tpu.memref_slice %arg5[%dma_start3A_106, %dma_start3A_107] : memref<256x128xf32, #tpu.memory_space<vmem>> -> memref<128x128xf32, #tpu.memory_space<vmem>>
        %dma_start3A_109 = arith.constant 0 : i32
        %dma_start3A_110 = tpu.memref_slice %arg7[%dma_start3A_105, %dma_start3A_109] : memref<16x128xi32, #tpu.memory_space<vmem>> -> memref<1x128xi32, #tpu.memory_space<vmem>>
        %dma_start3A_111 = tpu.memref_squeeze %dma_start3A_110 : memref<1x128xi32, #tpu.memory_space<vmem>> -> memref<128xi32, #tpu.memory_space<vmem>>
        %dma_start3A_112 = arith.constant 0 : i32
        %dma_start3A_113 = arith.constant 0 : i32
        %dma_start3A_114 = tpu.memref_slice %arg4[%dma_start3A_112, %dma_start3A_113] : memref<10240x128xf32, #tpu.memory_space<vmem_shared>> -> memref<10240x128xf32, #tpu.memory_space<vmem_shared>>
        tpu.enqueue_indirect_dma source(%dma_start3A_108 : memref<128x128xf32, #tpu.memory_space<vmem>>) target(%dma_start3A_114 : memref<10240x128xf32, #tpu.memory_space<vmem_shared>>) offsets(%dma_start3A_111 : memref<128xi32, #tpu.memory_space<vmem>>) semaphore(%arg9 : memref<!tpu.dma_semaphore, #tpu.memory_space<semaphore_mem>>) {add = true}
        %dma_start3A_115 = arith.constant 7 : i32
        %dma_start3A_116 = arith.constant 0 : i32
        %dma_start3A_117 = arith.constant 0 : i32
        %dma_start3A_118 = tpu.memref_slice %arg5[%dma_start3A_116, %dma_start3A_117] : memref<256x128xf32, #tpu.memory_space<vmem>> -> memref<128x128xf32, #tpu.memory_space<vmem>>
        %dma_start3A_119 = arith.constant 0 : i32
        %dma_start3A_120 = tpu.memref_slice %arg7[%dma_start3A_115, %dma_start3A_119] : memref<16x128xi32, #tpu.memory_space<vmem>> -> memref<1x128xi32, #tpu.memory_space<vmem>>
        %dma_start3A_121 = tpu.memref_squeeze %dma_start3A_120 : memref<1x128xi32, #tpu.memory_space<vmem>> -> memref<128xi32, #tpu.memory_space<vmem>>
        %dma_start3A_122 = arith.constant 0 : i32
        %dma_start3A_123 = arith.constant 0 : i32
        %dma_start3A_124 = tpu.memref_slice %arg4[%dma_start3A_122, %dma_start3A_123] : memref<10240x128xf32, #tpu.memory_space<vmem_shared>> -> memref<10240x128xf32, #tpu.memory_space<vmem_shared>>
        tpu.enqueue_indirect_dma source(%dma_start3A_118 : memref<128x128xf32, #tpu.memory_space<vmem>>) target(%dma_start3A_124 : memref<10240x128xf32, #tpu.memory_space<vmem_shared>>) offsets(%dma_start3A_121 : memref<128xi32, #tpu.memory_space<vmem>>) semaphore(%arg9 : memref<!tpu.dma_semaphore, #tpu.memory_space<semaphore_mem>>) {add = true}
        %dma_start3A_125 = arith.constant 8 : i32
        %dma_start3A_126 = arith.constant 0 : i32
        %dma_start3A_127 = arith.constant 0 : i32
        %dma_start3A_128 = tpu.memref_slice %arg5[%dma_start3A_126, %dma_start3A_127] : memref<256x128xf32, #tpu.memory_space<vmem>> -> memref<128x128xf32, #tpu.memory_space<vmem>>
        %dma_start3A_129 = arith.constant 0 : i32
        %dma_start3A_130 = tpu.memref_slice %arg7[%dma_start3A_125, %dma_start3A_129] : memref<16x128xi32, #tpu.memory_space<vmem>> -> memref<1x128xi32, #tpu.memory_space<vmem>>
        %dma_start3A_131 = tpu.memref_squeeze %dma_start3A_130 : memref<1x128xi32, #tpu.memory_space<vmem>> -> memref<128xi32, #tpu.memory_space<vmem>>
        %dma_start3A_132 = arith.constant 0 : i32
        %dma_start3A_133 = arith.constant 0 : i32
        %dma_start3A_134 = tpu.memref_slice %arg4[%dma_start3A_132, %dma_start3A_133] : memref<10240x128xf32, #tpu.memory_space<vmem_shared>> -> memref<10240x128xf32, #tpu.memory_space<vmem_shared>>
        tpu.enqueue_indirect_dma source(%dma_start3A_128 : memref<128x128xf32, #tpu.memory_space<vmem>>) target(%dma_start3A_134 : memref<10240x128xf32, #tpu.memory_space<vmem_shared>>) offsets(%dma_start3A_131 : memref<128xi32, #tpu.memory_space<vmem>>) semaphore(%arg9 : memref<!tpu.dma_semaphore, #tpu.memory_space<semaphore_mem>>) {add = true}
        %dma_start3A_135 = arith.constant 9 : i32
        %dma_start3A_136 = arith.constant 0 : i32
        %dma_start3A_137 = arith.constant 0 : i32
        %dma_start3A_138 = tpu.memref_slice %arg5[%dma_start3A_136, %dma_start3A_137] : memref<256x128xf32, #tpu.memory_space<vmem>> -> memref<128x128xf32, #tpu.memory_space<vmem>>
        %dma_start3A_139 = arith.constant 0 : i32
        %dma_start3A_140 = tpu.memref_slice %arg7[%dma_start3A_135, %dma_start3A_139] : memref<16x128xi32, #tpu.memory_space<vmem>> -> memref<1x128xi32, #tpu.memory_space<vmem>>
        %dma_start3A_141 = tpu.memref_squeeze %dma_start3A_140 : memref<1x128xi32, #tpu.memory_space<vmem>> -> memref<128xi32, #tpu.memory_space<vmem>>
        %dma_start3A_142 = arith.constant 0 : i32
        %dma_start3A_143 = arith.constant 0 : i32
        %dma_start3A_144 = tpu.memref_slice %arg4[%dma_start3A_142, %dma_start3A_143] : memref<10240x128xf32, #tpu.memory_space<vmem_shared>> -> memref<10240x128xf32, #tpu.memory_space<vmem_shared>>
        tpu.enqueue_indirect_dma source(%dma_start3A_138 : memref<128x128xf32, #tpu.memory_space<vmem>>) target(%dma_start3A_144 : memref<10240x128xf32, #tpu.memory_space<vmem_shared>>) offsets(%dma_start3A_141 : memref<128xi32, #tpu.memory_space<vmem>>) semaphore(%arg9 : memref<!tpu.dma_semaphore, #tpu.memory_space<semaphore_mem>>) {add = true}
        %dma_start3A_145 = arith.constant 10 : i32
        %dma_start3A_146 = arith.constant 0 : i32
        %dma_start3A_147 = arith.constant 0 : i32
        %dma_start3A_148 = tpu.memref_slice %arg5[%dma_start3A_146, %dma_start3A_147] : memref<256x128xf32, #tpu.memory_space<vmem>> -> memref<128x128xf32, #tpu.memory_space<vmem>>
        %dma_start3A_149 = arith.constant 0 : i32
        %dma_start3A_150 = tpu.memref_slice %arg7[%dma_start3A_145, %dma_start3A_149] : memref<16x128xi32, #tpu.memory_space<vmem>> -> memref<1x128xi32, #tpu.memory_space<vmem>>
        %dma_start3A_151 = tpu.memref_squeeze %dma_start3A_150 : memref<1x128xi32, #tpu.memory_space<vmem>> -> memref<128xi32, #tpu.memory_space<vmem>>
        %dma_start3A_152 = arith.constant 0 : i32
        %dma_start3A_153 = arith.constant 0 : i32
        %dma_start3A_154 = tpu.memref_slice %arg4[%dma_start3A_152, %dma_start3A_153] : memref<10240x128xf32, #tpu.memory_space<vmem_shared>> -> memref<10240x128xf32, #tpu.memory_space<vmem_shared>>
        tpu.enqueue_indirect_dma source(%dma_start3A_148 : memref<128x128xf32, #tpu.memory_space<vmem>>) target(%dma_start3A_154 : memref<10240x128xf32, #tpu.memory_space<vmem_shared>>) offsets(%dma_start3A_151 : memref<128xi32, #tpu.memory_space<vmem>>) semaphore(%arg9 : memref<!tpu.dma_semaphore, #tpu.memory_space<semaphore_mem>>) {add = true}
        %dma_start3A_155 = arith.constant 11 : i32
        %dma_start3A_156 = arith.constant 0 : i32
        %dma_start3A_157 = arith.constant 0 : i32
        %dma_start3A_158 = tpu.memref_slice %arg5[%dma_start3A_156, %dma_start3A_157] : memref<256x128xf32, #tpu.memory_space<vmem>> -> memref<128x128xf32, #tpu.memory_space<vmem>>
        %dma_start3A_159 = arith.constant 0 : i32
        %dma_start3A_160 = tpu.memref_slice %arg7[%dma_start3A_155, %dma_start3A_159] : memref<16x128xi32, #tpu.memory_space<vmem>> -> memref<1x128xi32, #tpu.memory_space<vmem>>
        %dma_start3A_161 = tpu.memref_squeeze %dma_start3A_160 : memref<1x128xi32, #tpu.memory_space<vmem>> -> memref<128xi32, #tpu.memory_space<vmem>>
        %dma_start3A_162 = arith.constant 0 : i32
        %dma_start3A_163 = arith.constant 0 : i32
        %dma_start3A_164 = tpu.memref_slice %arg4[%dma_start3A_162, %dma_start3A_163] : memref<10240x128xf32, #tpu.memory_space<vmem_shared>> -> memref<10240x128xf32, #tpu.memory_space<vmem_shared>>
        tpu.enqueue_indirect_dma source(%dma_start3A_158 : memref<128x128xf32, #tpu.memory_space<vmem>>) target(%dma_start3A_164 : memref<10240x128xf32, #tpu.memory_space<vmem_shared>>) offsets(%dma_start3A_161 : memref<128xi32, #tpu.memory_space<vmem>>) semaphore(%arg9 : memref<!tpu.dma_semaphore, #tpu.memory_space<semaphore_mem>>) {add = true}
        %dma_start3A_165 = arith.constant 12 : i32
        %dma_start3A_166 = arith.constant 0 : i32
        %dma_start3A_167 = arith.constant 0 : i32
        %dma_start3A_168 = tpu.memref_slice %arg5[%dma_start3A_166, %dma_start3A_167] : memref<256x128xf32, #tpu.memory_space<vmem>> -> memref<128x128xf32, #tpu.memory_space<vmem>>
        %dma_start3A_169 = arith.constant 0 : i32
        %dma_start3A_170 = tpu.memref_slice %arg7[%dma_start3A_165, %dma_start3A_169] : memref<16x128xi32, #tpu.memory_space<vmem>> -> memref<1x128xi32, #tpu.memory_space<vmem>>
        %dma_start3A_171 = tpu.memref_squeeze %dma_start3A_170 : memref<1x128xi32, #tpu.memory_space<vmem>> -> memref<128xi32, #tpu.memory_space<vmem>>
        %dma_start3A_172 = arith.constant 0 : i32
        %dma_start3A_173 = arith.constant 0 : i32
        %dma_start3A_174 = tpu.memref_slice %arg4[%dma_start3A_172, %dma_start3A_173] : memref<10240x128xf32, #tpu.memory_space<vmem_shared>> -> memref<10240x128xf32, #tpu.memory_space<vmem_shared>>
        tpu.enqueue_indirect_dma source(%dma_start3A_168 : memref<128x128xf32, #tpu.memory_space<vmem>>) target(%dma_start3A_174 : memref<10240x128xf32, #tpu.memory_space<vmem_shared>>) offsets(%dma_start3A_171 : memref<128xi32, #tpu.memory_space<vmem>>) semaphore(%arg9 : memref<!tpu.dma_semaphore, #tpu.memory_space<semaphore_mem>>) {add = true}
        %dma_start3A_175 = arith.constant 13 : i32
        %dma_start3A_176 = arith.constant 0 : i32
        %dma_start3A_177 = arith.constant 0 : i32
        %dma_start3A_178 = tpu.memref_slice %arg5[%dma_start3A_176, %dma_start3A_177] : memref<256x128xf32, #tpu.memory_space<vmem>> -> memref<128x128xf32, #tpu.memory_space<vmem>>
        %dma_start3A_179 = arith.constant 0 : i32
        %dma_start3A_180 = tpu.memref_slice %arg7[%dma_start3A_175, %dma_start3A_179] : memref<16x128xi32, #tpu.memory_space<vmem>> -> memref<1x128xi32, #tpu.memory_space<vmem>>
        %dma_start3A_181 = tpu.memref_squeeze %dma_start3A_180 : memref<1x128xi32, #tpu.memory_space<vmem>> -> memref<128xi32, #tpu.memory_space<vmem>>
        %dma_start3A_182 = arith.constant 0 : i32
        %dma_start3A_183 = arith.constant 0 : i32
        %dma_start3A_184 = tpu.memref_slice %arg4[%dma_start3A_182, %dma_start3A_183] : memref<10240x128xf32, #tpu.memory_space<vmem_shared>> -> memref<10240x128xf32, #tpu.memory_space<vmem_shared>>
        tpu.enqueue_indirect_dma source(%dma_start3A_178 : memref<128x128xf32, #tpu.memory_space<vmem>>) target(%dma_start3A_184 : memref<10240x128xf32, #tpu.memory_space<vmem_shared>>) offsets(%dma_start3A_181 : memref<128xi32, #tpu.memory_space<vmem>>) semaphore(%arg9 : memref<!tpu.dma_semaphore, #tpu.memory_space<semaphore_mem>>) {add = true}
        %dma_start3A_185 = arith.constant 14 : i32
        %dma_start3A_186 = arith.constant 0 : i32
        %dma_start3A_187 = arith.constant 0 : i32
        %dma_start3A_188 = tpu.memref_slice %arg5[%dma_start3A_186, %dma_start3A_187] : memref<256x128xf32, #tpu.memory_space<vmem>> -> memref<128x128xf32, #tpu.memory_space<vmem>>
        %dma_start3A_189 = arith.constant 0 : i32
        %dma_start3A_190 = tpu.memref_slice %arg7[%dma_start3A_185, %dma_start3A_189] : memref<16x128xi32, #tpu.memory_space<vmem>> -> memref<1x128xi32, #tpu.memory_space<vmem>>
        %dma_start3A_191 = tpu.memref_squeeze %dma_start3A_190 : memref<1x128xi32, #tpu.memory_space<vmem>> -> memref<128xi32, #tpu.memory_space<vmem>>
        %dma_start3A_192 = arith.constant 0 : i32
        %dma_start3A_193 = arith.constant 0 : i32
        %dma_start3A_194 = tpu.memref_slice %arg4[%dma_start3A_192, %dma_start3A_193] : memref<10240x128xf32, #tpu.memory_space<vmem_shared>> -> memref<10240x128xf32, #tpu.memory_space<vmem_shared>>
        tpu.enqueue_indirect_dma source(%dma_start3A_188 : memref<128x128xf32, #tpu.memory_space<vmem>>) target(%dma_start3A_194 : memref<10240x128xf32, #tpu.memory_space<vmem_shared>>) offsets(%dma_start3A_191 : memref<128xi32, #tpu.memory_space<vmem>>) semaphore(%arg9 : memref<!tpu.dma_semaphore, #tpu.memory_space<semaphore_mem>>) {add = true}
        %dma_start3A_195 = arith.constant 15 : i32
        %dma_start3A_196 = arith.constant 0 : i32
        %dma_start3A_197 = arith.constant 0 : i32
        %dma_start3A_198 = tpu.memref_slice %arg5[%dma_start3A_196, %dma_start3A_197] : memref<256x128xf32, #tpu.memory_space<vmem>> -> memref<128x128xf32, #tpu.memory_space<vmem>>
        %dma_start3A_199 = arith.constant 0 : i32
        %dma_start3A_200 = tpu.memref_slice %arg7[%dma_start3A_195, %dma_start3A_199] : memref<16x128xi32, #tpu.memory_space<vmem>> -> memref<1x128xi32, #tpu.memory_space<vmem>>
        %dma_start3A_201 = tpu.memref_squeeze %dma_start3A_200 : memref<1x128xi32, #tpu.memory_space<vmem>> -> memref<128xi32, #tpu.memory_space<vmem>>
        %dma_start3A_202 = arith.constant 0 : i32
        %dma_start3A_203 = arith.constant 0 : i32
        %dma_start3A_204 = tpu.memref_slice %arg4[%dma_start3A_202, %dma_start3A_203] : memref<10240x128xf32, #tpu.memory_space<vmem_shared>> -> memref<10240x128xf32, #tpu.memory_space<vmem_shared>>
        tpu.enqueue_indirect_dma source(%dma_start3A_198 : memref<128x128xf32, #tpu.memory_space<vmem>>) target(%dma_start3A_204 : memref<10240x128xf32, #tpu.memory_space<vmem_shared>>) offsets(%dma_start3A_201 : memref<128xi32, #tpu.memory_space<vmem>>) semaphore(%arg9 : memref<!tpu.dma_semaphore, #tpu.memory_space<semaphore_mem>>) {add = true}
        %dma_wait3A = arith.constant 0 : i32
        %dma_wait3A_205 = arith.constant 0 : i32
        %dma_wait3A_206 = arith.constant 0 : i32
        %dma_wait3A_207 = tpu.memref_slice %arg5[%dma_wait3A_205, %dma_wait3A_206] : memref<256x128xf32, #tpu.memory_space<vmem>> -> memref<128x128xf32, #tpu.memory_space<vmem>>
        %dma_wait3A_208 = arith.constant 0 : i32
        %dma_wait3A_209 = tpu.memref_slice %arg7[%dma_wait3A, %dma_wait3A_208] : memref<16x128xi32, #tpu.memory_space<vmem>> -> memref<1x128xi32, #tpu.memory_space<vmem>>
        %dma_wait3A_210 = tpu.memref_squeeze %dma_wait3A_209 : memref<1x128xi32, #tpu.memory_space<vmem>> -> memref<128xi32, #tpu.memory_space<vmem>>
        %dma_wait3A_211 = arith.constant 0 : i32
        %dma_wait3A_212 = arith.constant 0 : i32
        %dma_wait3A_213 = tpu.memref_slice %arg4[%dma_wait3A_211, %dma_wait3A_212] : memref<10240x128xf32, #tpu.memory_space<vmem_shared>> -> memref<10240x128xf32, #tpu.memory_space<vmem_shared>>
        tpu.wait_indirect_dma semaphore(%arg9 : memref<!tpu.dma_semaphore, #tpu.memory_space<semaphore_mem>>) src(%dma_wait3A_207 : memref<128x128xf32, #tpu.memory_space<vmem>>) dst(%dma_wait3A_213 : memref<10240x128xf32, #tpu.memory_space<vmem_shared>>)
        %dma_wait3A_214 = arith.constant 1 : i32
        %dma_wait3A_215 = arith.constant 0 : i32
        %dma_wait3A_216 = arith.constant 0 : i32
        %dma_wait3A_217 = tpu.memref_slice %arg5[%dma_wait3A_215, %dma_wait3A_216] : memref<256x128xf32, #tpu.memory_space<vmem>> -> memref<128x128xf32, #tpu.memory_space<vmem>>
        %dma_wait3A_218 = arith.constant 0 : i32
        %dma_wait3A_219 = tpu.memref_slice %arg7[%dma_wait3A_214, %dma_wait3A_218] : memref<16x128xi32, #tpu.memory_space<vmem>> -> memref<1x128xi32, #tpu.memory_space<vmem>>
        %dma_wait3A_220 = tpu.memref_squeeze %dma_wait3A_219 : memref<1x128xi32, #tpu.memory_space<vmem>> -> memref<128xi32, #tpu.memory_space<vmem>>
        %dma_wait3A_221 = arith.constant 0 : i32
        %dma_wait3A_222 = arith.constant 0 : i32
        %dma_wait3A_223 = tpu.memref_slice %arg4[%dma_wait3A_221, %dma_wait3A_222] : memref<10240x128xf32, #tpu.memory_space<vmem_shared>> -> memref<10240x128xf32, #tpu.memory_space<vmem_shared>>
        tpu.wait_indirect_dma semaphore(%arg9 : memref<!tpu.dma_semaphore, #tpu.memory_space<semaphore_mem>>) src(%dma_wait3A_217 : memref<128x128xf32, #tpu.memory_space<vmem>>) dst(%dma_wait3A_223 : memref<10240x128xf32, #tpu.memory_space<vmem_shared>>)
        %dma_wait3A_224 = arith.constant 2 : i32
        %dma_wait3A_225 = arith.constant 0 : i32
        %dma_wait3A_226 = arith.constant 0 : i32
        %dma_wait3A_227 = tpu.memref_slice %arg5[%dma_wait3A_225, %dma_wait3A_226] : memref<256x128xf32, #tpu.memory_space<vmem>> -> memref<128x128xf32, #tpu.memory_space<vmem>>
        %dma_wait3A_228 = arith.constant 0 : i32
        %dma_wait3A_229 = tpu.memref_slice %arg7[%dma_wait3A_224, %dma_wait3A_228] : memref<16x128xi32, #tpu.memory_space<vmem>> -> memref<1x128xi32, #tpu.memory_space<vmem>>
        %dma_wait3A_230 = tpu.memref_squeeze %dma_wait3A_229 : memref<1x128xi32, #tpu.memory_space<vmem>> -> memref<128xi32, #tpu.memory_space<vmem>>
        %dma_wait3A_231 = arith.constant 0 : i32
        %dma_wait3A_232 = arith.constant 0 : i32
        %dma_wait3A_233 = tpu.memref_slice %arg4[%dma_wait3A_231, %dma_wait3A_232] : memref<10240x128xf32, #tpu.memory_space<vmem_shared>> -> memref<10240x128xf32, #tpu.memory_space<vmem_shared>>
        tpu.wait_indirect_dma semaphore(%arg9 : memref<!tpu.dma_semaphore, #tpu.memory_space<semaphore_mem>>) src(%dma_wait3A_227 : memref<128x128xf32, #tpu.memory_space<vmem>>) dst(%dma_wait3A_233 : memref<10240x128xf32, #tpu.memory_space<vmem_shared>>)
        %dma_wait3A_234 = arith.constant 3 : i32
        %dma_wait3A_235 = arith.constant 0 : i32
        %dma_wait3A_236 = arith.constant 0 : i32
        %dma_wait3A_237 = tpu.memref_slice %arg5[%dma_wait3A_235, %dma_wait3A_236] : memref<256x128xf32, #tpu.memory_space<vmem>> -> memref<128x128xf32, #tpu.memory_space<vmem>>
        %dma_wait3A_238 = arith.constant 0 : i32
        %dma_wait3A_239 = tpu.memref_slice %arg7[%dma_wait3A_234, %dma_wait3A_238] : memref<16x128xi32, #tpu.memory_space<vmem>> -> memref<1x128xi32, #tpu.memory_space<vmem>>
        %dma_wait3A_240 = tpu.memref_squeeze %dma_wait3A_239 : memref<1x128xi32, #tpu.memory_space<vmem>> -> memref<128xi32, #tpu.memory_space<vmem>>
        %dma_wait3A_241 = arith.constant 0 : i32
        %dma_wait3A_242 = arith.constant 0 : i32
        %dma_wait3A_243 = tpu.memref_slice %arg4[%dma_wait3A_241, %dma_wait3A_242] : memref<10240x128xf32, #tpu.memory_space<vmem_shared>> -> memref<10240x128xf32, #tpu.memory_space<vmem_shared>>
        tpu.wait_indirect_dma semaphore(%arg9 : memref<!tpu.dma_semaphore, #tpu.memory_space<semaphore_mem>>) src(%dma_wait3A_237 : memref<128x128xf32, #tpu.memory_space<vmem>>) dst(%dma_wait3A_243 : memref<10240x128xf32, #tpu.memory_space<vmem_shared>>)
        %dma_wait3A_244 = arith.constant 4 : i32
        %dma_wait3A_245 = arith.constant 0 : i32
        %dma_wait3A_246 = arith.constant 0 : i32
        %dma_wait3A_247 = tpu.memref_slice %arg5[%dma_wait3A_245, %dma_wait3A_246] : memref<256x128xf32, #tpu.memory_space<vmem>> -> memref<128x128xf32, #tpu.memory_space<vmem>>
        %dma_wait3A_248 = arith.constant 0 : i32
        %dma_wait3A_249 = tpu.memref_slice %arg7[%dma_wait3A_244, %dma_wait3A_248] : memref<16x128xi32, #tpu.memory_space<vmem>> -> memref<1x128xi32, #tpu.memory_space<vmem>>
        %dma_wait3A_250 = tpu.memref_squeeze %dma_wait3A_249 : memref<1x128xi32, #tpu.memory_space<vmem>> -> memref<128xi32, #tpu.memory_space<vmem>>
        %dma_wait3A_251 = arith.constant 0 : i32
        %dma_wait3A_252 = arith.constant 0 : i32
        %dma_wait3A_253 = tpu.memref_slice %arg4[%dma_wait3A_251, %dma_wait3A_252] : memref<10240x128xf32, #tpu.memory_space<vmem_shared>> -> memref<10240x128xf32, #tpu.memory_space<vmem_shared>>
        tpu.wait_indirect_dma semaphore(%arg9 : memref<!tpu.dma_semaphore, #tpu.memory_space<semaphore_mem>>) src(%dma_wait3A_247 : memref<128x128xf32, #tpu.memory_space<vmem>>) dst(%dma_wait3A_253 : memref<10240x128xf32, #tpu.memory_space<vmem_shared>>)
        %dma_wait3A_254 = arith.constant 5 : i32
        %dma_wait3A_255 = arith.constant 0 : i32
        %dma_wait3A_256 = arith.constant 0 : i32
        %dma_wait3A_257 = tpu.memref_slice %arg5[%dma_wait3A_255, %dma_wait3A_256] : memref<256x128xf32, #tpu.memory_space<vmem>> -> memref<128x128xf32, #tpu.memory_space<vmem>>
        %dma_wait3A_258 = arith.constant 0 : i32
        %dma_wait3A_259 = tpu.memref_slice %arg7[%dma_wait3A_254, %dma_wait3A_258] : memref<16x128xi32, #tpu.memory_space<vmem>> -> memref<1x128xi32, #tpu.memory_space<vmem>>
        %dma_wait3A_260 = tpu.memref_squeeze %dma_wait3A_259 : memref<1x128xi32, #tpu.memory_space<vmem>> -> memref<128xi32, #tpu.memory_space<vmem>>
        %dma_wait3A_261 = arith.constant 0 : i32
        %dma_wait3A_262 = arith.constant 0 : i32
        %dma_wait3A_263 = tpu.memref_slice %arg4[%dma_wait3A_261, %dma_wait3A_262] : memref<10240x128xf32, #tpu.memory_space<vmem_shared>> -> memref<10240x128xf32, #tpu.memory_space<vmem_shared>>
        tpu.wait_indirect_dma semaphore(%arg9 : memref<!tpu.dma_semaphore, #tpu.memory_space<semaphore_mem>>) src(%dma_wait3A_257 : memref<128x128xf32, #tpu.memory_space<vmem>>) dst(%dma_wait3A_263 : memref<10240x128xf32, #tpu.memory_space<vmem_shared>>)
        %dma_wait3A_264 = arith.constant 6 : i32
        %dma_wait3A_265 = arith.constant 0 : i32
        %dma_wait3A_266 = arith.constant 0 : i32
        %dma_wait3A_267 = tpu.memref_slice %arg5[%dma_wait3A_265, %dma_wait3A_266] : memref<256x128xf32, #tpu.memory_space<vmem>> -> memref<128x128xf32, #tpu.memory_space<vmem>>
        %dma_wait3A_268 = arith.constant 0 : i32
        %dma_wait3A_269 = tpu.memref_slice %arg7[%dma_wait3A_264, %dma_wait3A_268] : memref<16x128xi32, #tpu.memory_space<vmem>> -> memref<1x128xi32, #tpu.memory_space<vmem>>
        %dma_wait3A_270 = tpu.memref_squeeze %dma_wait3A_269 : memref<1x128xi32, #tpu.memory_space<vmem>> -> memref<128xi32, #tpu.memory_space<vmem>>
        %dma_wait3A_271 = arith.constant 0 : i32
        %dma_wait3A_272 = arith.constant 0 : i32
        %dma_wait3A_273 = tpu.memref_slice %arg4[%dma_wait3A_271, %dma_wait3A_272] : memref<10240x128xf32, #tpu.memory_space<vmem_shared>> -> memref<10240x128xf32, #tpu.memory_space<vmem_shared>>
        tpu.wait_indirect_dma semaphore(%arg9 : memref<!tpu.dma_semaphore, #tpu.memory_space<semaphore_mem>>) src(%dma_wait3A_267 : memref<128x128xf32, #tpu.memory_space<vmem>>) dst(%dma_wait3A_273 : memref<10240x128xf32, #tpu.memory_space<vmem_shared>>)
        %dma_wait3A_274 = arith.constant 7 : i32
        %dma_wait3A_275 = arith.constant 0 : i32
        %dma_wait3A_276 = arith.constant 0 : i32
        %dma_wait3A_277 = tpu.memref_slice %arg5[%dma_wait3A_275, %dma_wait3A_276] : memref<256x128xf32, #tpu.memory_space<vmem>> -> memref<128x128xf32, #tpu.memory_space<vmem>>
        %dma_wait3A_278 = arith.constant 0 : i32
        %dma_wait3A_279 = tpu.memref_slice %arg7[%dma_wait3A_274, %dma_wait3A_278] : memref<16x128xi32, #tpu.memory_space<vmem>> -> memref<1x128xi32, #tpu.memory_space<vmem>>
        %dma_wait3A_280 = tpu.memref_squeeze %dma_wait3A_279 : memref<1x128xi32, #tpu.memory_space<vmem>> -> memref<128xi32, #tpu.memory_space<vmem>>
        %dma_wait3A_281 = arith.constant 0 : i32
        %dma_wait3A_282 = arith.constant 0 : i32
        %dma_wait3A_283 = tpu.memref_slice %arg4[%dma_wait3A_281, %dma_wait3A_282] : memref<10240x128xf32, #tpu.memory_space<vmem_shared>> -> memref<10240x128xf32, #tpu.memory_space<vmem_shared>>
        tpu.wait_indirect_dma semaphore(%arg9 : memref<!tpu.dma_semaphore, #tpu.memory_space<semaphore_mem>>) src(%dma_wait3A_277 : memref<128x128xf32, #tpu.memory_space<vmem>>) dst(%dma_wait3A_283 : memref<10240x128xf32, #tpu.memory_space<vmem_shared>>)
        %dma_wait3A_284 = arith.constant 8 : i32
        %dma_wait3A_285 = arith.constant 0 : i32
        %dma_wait3A_286 = arith.constant 0 : i32
        %dma_wait3A_287 = tpu.memref_slice %arg5[%dma_wait3A_285, %dma_wait3A_286] : memref<256x128xf32, #tpu.memory_space<vmem>> -> memref<128x128xf32, #tpu.memory_space<vmem>>
        %dma_wait3A_288 = arith.constant 0 : i32
        %dma_wait3A_289 = tpu.memref_slice %arg7[%dma_wait3A_284, %dma_wait3A_288] : memref<16x128xi32, #tpu.memory_space<vmem>> -> memref<1x128xi32, #tpu.memory_space<vmem>>
        %dma_wait3A_290 = tpu.memref_squeeze %dma_wait3A_289 : memref<1x128xi32, #tpu.memory_space<vmem>> -> memref<128xi32, #tpu.memory_space<vmem>>
        %dma_wait3A_291 = arith.constant 0 : i32
        %dma_wait3A_292 = arith.constant 0 : i32
        %dma_wait3A_293 = tpu.memref_slice %arg4[%dma_wait3A_291, %dma_wait3A_292] : memref<10240x128xf32, #tpu.memory_space<vmem_shared>> -> memref<10240x128xf32, #tpu.memory_space<vmem_shared>>
        tpu.wait_indirect_dma semaphore(%arg9 : memref<!tpu.dma_semaphore, #tpu.memory_space<semaphore_mem>>) src(%dma_wait3A_287 : memref<128x128xf32, #tpu.memory_space<vmem>>) dst(%dma_wait3A_293 : memref<10240x128xf32, #tpu.memory_space<vmem_shared>>)
        %dma_wait3A_294 = arith.constant 9 : i32
        %dma_wait3A_295 = arith.constant 0 : i32
        %dma_wait3A_296 = arith.constant 0 : i32
        %dma_wait3A_297 = tpu.memref_slice %arg5[%dma_wait3A_295, %dma_wait3A_296] : memref<256x128xf32, #tpu.memory_space<vmem>> -> memref<128x128xf32, #tpu.memory_space<vmem>>
        %dma_wait3A_298 = arith.constant 0 : i32
        %dma_wait3A_299 = tpu.memref_slice %arg7[%dma_wait3A_294, %dma_wait3A_298] : memref<16x128xi32, #tpu.memory_space<vmem>> -> memref<1x128xi32, #tpu.memory_space<vmem>>
        %dma_wait3A_300 = tpu.memref_squeeze %dma_wait3A_299 : memref<1x128xi32, #tpu.memory_space<vmem>> -> memref<128xi32, #tpu.memory_space<vmem>>
        %dma_wait3A_301 = arith.constant 0 : i32
        %dma_wait3A_302 = arith.constant 0 : i32
        %dma_wait3A_303 = tpu.memref_slice %arg4[%dma_wait3A_301, %dma_wait3A_302] : memref<10240x128xf32, #tpu.memory_space<vmem_shared>> -> memref<10240x128xf32, #tpu.memory_space<vmem_shared>>
        tpu.wait_indirect_dma semaphore(%arg9 : memref<!tpu.dma_semaphore, #tpu.memory_space<semaphore_mem>>) src(%dma_wait3A_297 : memref<128x128xf32, #tpu.memory_space<vmem>>) dst(%dma_wait3A_303 : memref<10240x128xf32, #tpu.memory_space<vmem_shared>>)
        %dma_wait3A_304 = arith.constant 10 : i32
        %dma_wait3A_305 = arith.constant 0 : i32
        %dma_wait3A_306 = arith.constant 0 : i32
        %dma_wait3A_307 = tpu.memref_slice %arg5[%dma_wait3A_305, %dma_wait3A_306] : memref<256x128xf32, #tpu.memory_space<vmem>> -> memref<128x128xf32, #tpu.memory_space<vmem>>
        %dma_wait3A_308 = arith.constant 0 : i32
        %dma_wait3A_309 = tpu.memref_slice %arg7[%dma_wait3A_304, %dma_wait3A_308] : memref<16x128xi32, #tpu.memory_space<vmem>> -> memref<1x128xi32, #tpu.memory_space<vmem>>
        %dma_wait3A_310 = tpu.memref_squeeze %dma_wait3A_309 : memref<1x128xi32, #tpu.memory_space<vmem>> -> memref<128xi32, #tpu.memory_space<vmem>>
        %dma_wait3A_311 = arith.constant 0 : i32
        %dma_wait3A_312 = arith.constant 0 : i32
        %dma_wait3A_313 = tpu.memref_slice %arg4[%dma_wait3A_311, %dma_wait3A_312] : memref<10240x128xf32, #tpu.memory_space<vmem_shared>> -> memref<10240x128xf32, #tpu.memory_space<vmem_shared>>
        tpu.wait_indirect_dma semaphore(%arg9 : memref<!tpu.dma_semaphore, #tpu.memory_space<semaphore_mem>>) src(%dma_wait3A_307 : memref<128x128xf32, #tpu.memory_space<vmem>>) dst(%dma_wait3A_313 : memref<10240x128xf32, #tpu.memory_space<vmem_shared>>)
        %dma_wait3A_314 = arith.constant 11 : i32
        %dma_wait3A_315 = arith.constant 0 : i32
        %dma_wait3A_316 = arith.constant 0 : i32
        %dma_wait3A_317 = tpu.memref_slice %arg5[%dma_wait3A_315, %dma_wait3A_316] : memref<256x128xf32, #tpu.memory_space<vmem>> -> memref<128x128xf32, #tpu.memory_space<vmem>>
        %dma_wait3A_318 = arith.constant 0 : i32
        %dma_wait3A_319 = tpu.memref_slice %arg7[%dma_wait3A_314, %dma_wait3A_318] : memref<16x128xi32, #tpu.memory_space<vmem>> -> memref<1x128xi32, #tpu.memory_space<vmem>>
        %dma_wait3A_320 = tpu.memref_squeeze %dma_wait3A_319 : memref<1x128xi32, #tpu.memory_space<vmem>> -> memref<128xi32, #tpu.memory_space<vmem>>
        %dma_wait3A_321 = arith.constant 0 : i32
        %dma_wait3A_322 = arith.constant 0 : i32
        %dma_wait3A_323 = tpu.memref_slice %arg4[%dma_wait3A_321, %dma_wait3A_322] : memref<10240x128xf32, #tpu.memory_space<vmem_shared>> -> memref<10240x128xf32, #tpu.memory_space<vmem_shared>>
        tpu.wait_indirect_dma semaphore(%arg9 : memref<!tpu.dma_semaphore, #tpu.memory_space<semaphore_mem>>) src(%dma_wait3A_317 : memref<128x128xf32, #tpu.memory_space<vmem>>) dst(%dma_wait3A_323 : memref<10240x128xf32, #tpu.memory_space<vmem_shared>>)
        %dma_wait3A_324 = arith.constant 12 : i32
        %dma_wait3A_325 = arith.constant 0 : i32
        %dma_wait3A_326 = arith.constant 0 : i32
        %dma_wait3A_327 = tpu.memref_slice %arg5[%dma_wait3A_325, %dma_wait3A_326] : memref<256x128xf32, #tpu.memory_space<vmem>> -> memref<128x128xf32, #tpu.memory_space<vmem>>
        %dma_wait3A_328 = arith.constant 0 : i32
        %dma_wait3A_329 = tpu.memref_slice %arg7[%dma_wait3A_324, %dma_wait3A_328] : memref<16x128xi32, #tpu.memory_space<vmem>> -> memref<1x128xi32, #tpu.memory_space<vmem>>
        %dma_wait3A_330 = tpu.memref_squeeze %dma_wait3A_329 : memref<1x128xi32, #tpu.memory_space<vmem>> -> memref<128xi32, #tpu.memory_space<vmem>>
        %dma_wait3A_331 = arith.constant 0 : i32
        %dma_wait3A_332 = arith.constant 0 : i32
        %dma_wait3A_333 = tpu.memref_slice %arg4[%dma_wait3A_331, %dma_wait3A_332] : memref<10240x128xf32, #tpu.memory_space<vmem_shared>> -> memref<10240x128xf32, #tpu.memory_space<vmem_shared>>
        tpu.wait_indirect_dma semaphore(%arg9 : memref<!tpu.dma_semaphore, #tpu.memory_space<semaphore_mem>>) src(%dma_wait3A_327 : memref<128x128xf32, #tpu.memory_space<vmem>>) dst(%dma_wait3A_333 : memref<10240x128xf32, #tpu.memory_space<vmem_shared>>)
        %dma_wait3A_334 = arith.constant 13 : i32
        %dma_wait3A_335 = arith.constant 0 : i32
        %dma_wait3A_336 = arith.constant 0 : i32
        %dma_wait3A_337 = tpu.memref_slice %arg5[%dma_wait3A_335, %dma_wait3A_336] : memref<256x128xf32, #tpu.memory_space<vmem>> -> memref<128x128xf32, #tpu.memory_space<vmem>>
        %dma_wait3A_338 = arith.constant 0 : i32
        %dma_wait3A_339 = tpu.memref_slice %arg7[%dma_wait3A_334, %dma_wait3A_338] : memref<16x128xi32, #tpu.memory_space<vmem>> -> memref<1x128xi32, #tpu.memory_space<vmem>>
        %dma_wait3A_340 = tpu.memref_squeeze %dma_wait3A_339 : memref<1x128xi32, #tpu.memory_space<vmem>> -> memref<128xi32, #tpu.memory_space<vmem>>
        %dma_wait3A_341 = arith.constant 0 : i32
        %dma_wait3A_342 = arith.constant 0 : i32
        %dma_wait3A_343 = tpu.memref_slice %arg4[%dma_wait3A_341, %dma_wait3A_342] : memref<10240x128xf32, #tpu.memory_space<vmem_shared>> -> memref<10240x128xf32, #tpu.memory_space<vmem_shared>>
        tpu.wait_indirect_dma semaphore(%arg9 : memref<!tpu.dma_semaphore, #tpu.memory_space<semaphore_mem>>) src(%dma_wait3A_337 : memref<128x128xf32, #tpu.memory_space<vmem>>) dst(%dma_wait3A_343 : memref<10240x128xf32, #tpu.memory_space<vmem_shared>>)
        %dma_wait3A_344 = arith.constant 14 : i32
        %dma_wait3A_345 = arith.constant 0 : i32
        %dma_wait3A_346 = arith.constant 0 : i32
        %dma_wait3A_347 = tpu.memref_slice %arg5[%dma_wait3A_345, %dma_wait3A_346] : memref<256x128xf32, #tpu.memory_space<vmem>> -> memref<128x128xf32, #tpu.memory_space<vmem>>
        %dma_wait3A_348 = arith.constant 0 : i32
        %dma_wait3A_349 = tpu.memref_slice %arg7[%dma_wait3A_344, %dma_wait3A_348] : memref<16x128xi32, #tpu.memory_space<vmem>> -> memref<1x128xi32, #tpu.memory_space<vmem>>
        %dma_wait3A_350 = tpu.memref_squeeze %dma_wait3A_349 : memref<1x128xi32, #tpu.memory_space<vmem>> -> memref<128xi32, #tpu.memory_space<vmem>>
        %dma_wait3A_351 = arith.constant 0 : i32
        %dma_wait3A_352 = arith.constant 0 : i32
        %dma_wait3A_353 = tpu.memref_slice %arg4[%dma_wait3A_351, %dma_wait3A_352] : memref<10240x128xf32, #tpu.memory_space<vmem_shared>> -> memref<10240x128xf32, #tpu.memory_space<vmem_shared>>
        tpu.wait_indirect_dma semaphore(%arg9 : memref<!tpu.dma_semaphore, #tpu.memory_space<semaphore_mem>>) src(%dma_wait3A_347 : memref<128x128xf32, #tpu.memory_space<vmem>>) dst(%dma_wait3A_353 : memref<10240x128xf32, #tpu.memory_space<vmem_shared>>)
        %dma_wait3A_354 = arith.constant 15 : i32
        %dma_wait3A_355 = arith.constant 0 : i32
        %dma_wait3A_356 = arith.constant 0 : i32
        %dma_wait3A_357 = tpu.memref_slice %arg5[%dma_wait3A_355, %dma_wait3A_356] : memref<256x128xf32, #tpu.memory_space<vmem>> -> memref<128x128xf32, #tpu.memory_space<vmem>>
        %dma_wait3A_358 = arith.constant 0 : i32
        %dma_wait3A_359 = tpu.memref_slice %arg7[%dma_wait3A_354, %dma_wait3A_358] : memref<16x128xi32, #tpu.memory_space<vmem>> -> memref<1x128xi32, #tpu.memory_space<vmem>>
        %dma_wait3A_360 = tpu.memref_squeeze %dma_wait3A_359 : memref<1x128xi32, #tpu.memory_space<vmem>> -> memref<128xi32, #tpu.memory_space<vmem>>
        %dma_wait3A_361 = arith.constant 0 : i32
        %dma_wait3A_362 = arith.constant 0 : i32
        %dma_wait3A_363 = tpu.memref_slice %arg4[%dma_wait3A_361, %dma_wait3A_362] : memref<10240x128xf32, #tpu.memory_space<vmem_shared>> -> memref<10240x128xf32, #tpu.memory_space<vmem_shared>>
        tpu.wait_indirect_dma semaphore(%arg9 : memref<!tpu.dma_semaphore, #tpu.memory_space<semaphore_mem>>) src(%dma_wait3A_357 : memref<128x128xf32, #tpu.memory_space<vmem>>) dst(%dma_wait3A_363 : memref<10240x128xf32, #tpu.memory_space<vmem_shared>>)
      } else {
      }
    }
    %scan3A_24 = arith.constant 5 : i32
    %barrier3A_25 = arith.constant 0 : index
    tpu.barrier barrier_id(%barrier3A_25)
    %mul3A_26 = arith.constant 640 : i32
    %mul3A_27 = arith.muli %arg1, %mul3A_26 : i32
    %mul3A_28 = arith.constant 640 : i32
    %mul3A_29 = arith.muli %arg1, %mul3A_28 : i32
    "tpu.region"() ({
      %run_scoped3A = tpu.sem_alloc : memref<!tpu.dma_semaphore, #tpu.memory_space<semaphore_mem>>
      %dma_start3A = arith.constant 0 : i32
      %dma_start3A_30 = tpu.memref_slice %arg3[%arg0, %mul3A_29, %dma_start3A] : memref<2x10240x128xf32, #tpu.memory_space<hbm>> -> memref<1x640x128xf32, #tpu.memory_space<hbm>>
      %dma_start3A_31 = tpu.memref_squeeze %dma_start3A_30 : memref<1x640x128xf32, #tpu.memory_space<hbm>> -> memref<640x128xf32, #tpu.memory_space<hbm>>
      %dma_start3A_32 = arith.constant 0 : i32
      %dma_start3A_33 = tpu.memref_slice %arg4[%mul3A_27, %dma_start3A_32] : memref<10240x128xf32, #tpu.memory_space<vmem_shared>> -> memref<640x128xf32, #tpu.memory_space<vmem_shared>>
      tpu.enqueue_dma source(%dma_start3A_33 : memref<640x128xf32, #tpu.memory_space<vmem_shared>>) target(%dma_start3A_31 : memref<640x128xf32, #tpu.memory_space<hbm>>) target_semaphore(%run_scoped3A : memref<!tpu.dma_semaphore, #tpu.memory_space<semaphore_mem>>)
      %dma_wait3A = arith.constant 0 : i32
      %dma_wait3A_34 = tpu.memref_slice %arg3[%arg0, %mul3A_29, %dma_wait3A] : memref<2x10240x128xf32, #tpu.memory_space<hbm>> -> memref<1x640x128xf32, #tpu.memory_space<hbm>>
      %dma_wait3A_35 = tpu.memref_squeeze %dma_wait3A_34 : memref<1x640x128xf32, #tpu.memory_space<hbm>> -> memref<640x128xf32, #tpu.memory_space<hbm>>
      %dma_wait3A_36 = arith.constant 0 : i32
      %dma_wait3A_37 = tpu.memref_slice %arg4[%mul3A_27, %dma_wait3A_36] : memref<10240x128xf32, #tpu.memory_space<vmem_shared>> -> memref<640x128xf32, #tpu.memory_space<vmem_shared>>
      tpu.wait_dma2 semaphore(%run_scoped3A : memref<!tpu.dma_semaphore, #tpu.memory_space<semaphore_mem>>) src(%dma_wait3A_37 : memref<640x128xf32, #tpu.memory_space<vmem_shared>>) dst(%dma_wait3A_35 : memref<640x128xf32, #tpu.memory_space<hbm>>)
      tpu.yield
    }) : () -> ()
    return
  }
}

#map = affine_map<(d0, d1) -> (0, 0)>
#map1 = affine_map<(d0, d1) -> (0, 0, 0)>
module attributes {stable_mosaic.version = 14 : i64} {
  func.func @_agg_body(%arg0: i32, %arg1: i32, %arg2: memref<10240x128xf32, #tpu.memory_space<hbm>>, %arg3: memref<2560x128xi32, #tpu.memory_space<hbm>>, %arg4: memref<2560x128xi32, #tpu.memory_space<hbm>>, %arg5: memref<2x10240x128xf32, #tpu.memory_space<hbm>>, %arg6: memref<10240x128xf32, #tpu.memory_space<vmem_shared>>, %arg7: memref<128x128xf32, #tpu.memory_space<vmem>>, %arg8: memref<128x128xf32, #tpu.memory_space<vmem>>, %arg9: memref<16x128xi32, #tpu.memory_space<vmem>>, %arg10: memref<16x128xi32, #tpu.memory_space<vmem>>, %arg11: memref<!tpu.dma_semaphore, #tpu.memory_space<semaphore_mem>>, %arg12: memref<!tpu.dma_semaphore, #tpu.memory_space<semaphore_mem>>, %arg13: memref<!tpu.dma_semaphore, #tpu.memory_space<semaphore_mem>>, %arg14: memref<!tpu.dma_semaphore, #tpu.memory_space<semaphore_mem>>) attributes {dimension_semantics = [#tpu.dimension_semantics<core_parallel>, #tpu.dimension_semantics<subcore_parallel>], iteration_bounds = array<i64: 2, 16>, scalar_prefetch = 0 : i64, scratch_operands = 9 : i64, tpu.core_type = #tpu.core_type<sc_vector_subcore>, window_params = [{transform_indices = #map}, {transform_indices = #map}, {transform_indices = #map}, {transform_indices = #map1}]} {
    %mul3A = arith.constant 2 : i32
    %mul3A_0 = arith.muli %arg1, %mul3A : i32
    %add3A = arith.addi %mul3A_0, %arg0 : i32
    %scan3A = arith.constant 0 : i32
    %scan3A_1 = arith.constant 128 : i32
    %scan3A_2 = arith.addi %scan3A, %scan3A_1 : i32
    %scan3A_3 = arith.constant 1 : i32
    scf.for %scan3A_69 = %scan3A to %scan3A_2 step %scan3A_3  : i32 {
      %mul3A_70 = arith.constant 1 : i32
      %mul3A_71 = arith.muli %scan3A_69, %mul3A_70 : i32
      %add3A_72 = arith.constant 0 : i32
      %add3A_73 = arith.addi %add3A_72, %mul3A_71 : i32
      %broadcast_in_dim3A = arith.constant 0.000000e+00 : f32
      %broadcast_in_dim3A_74 = vector.broadcast %broadcast_in_dim3A : f32 to vector<16xf32>
      %swap3A = arith.index_cast %add3A_73 : i32 to index
      %swap3A_75 = arith.constant 0 : index
      %swap3A_76 = tpu.vector_load %arg7[%swap3A, %swap3A_75] {strides = array<i32>} : memref<128x128xf32, #tpu.memory_space<vmem>>, vector<1x16xf32>,
      %swap3A_77 = vector.shape_cast %swap3A_76 : vector<1x16xf32> to vector<16xf32>
      %swap3A_78 = vector.shape_cast %broadcast_in_dim3A_74 : vector<16xf32> to vector<1x16xf32>
      tpu.vector_store %arg7[%swap3A, %swap3A_75], %swap3A_78 {strides = array<i32>} : memref<128x128xf32, #tpu.memory_space<vmem>>, vector<1x16xf32>,
      %broadcast_in_dim3A_79 = arith.constant 0.000000e+00 : f32
      %broadcast_in_dim3A_80 = vector.broadcast %broadcast_in_dim3A_79 : f32 to vector<16xf32>
      %swap3A_81 = arith.index_cast %add3A_73 : i32 to index
      %swap3A_82 = arith.constant 16 : index
      %swap3A_83 = tpu.vector_load %arg7[%swap3A_81, %swap3A_82] {strides = array<i32>} : memref<128x128xf32, #tpu.memory_space<vmem>>, vector<1x16xf32>,
      %swap3A_84 = vector.shape_cast %swap3A_83 : vector<1x16xf32> to vector<16xf32>
      %swap3A_85 = vector.shape_cast %broadcast_in_dim3A_80 : vector<16xf32> to vector<1x16xf32>
      tpu.vector_store %arg7[%swap3A_81, %swap3A_82], %swap3A_85 {strides = array<i32>} : memref<128x128xf32, #tpu.memory_space<vmem>>, vector<1x16xf32>,
      %broadcast_in_dim3A_86 = arith.constant 0.000000e+00 : f32
      %broadcast_in_dim3A_87 = vector.broadcast %broadcast_in_dim3A_86 : f32 to vector<16xf32>
      %swap3A_88 = arith.index_cast %add3A_73 : i32 to index
      %swap3A_89 = arith.constant 32 : index
      %swap3A_90 = tpu.vector_load %arg7[%swap3A_88, %swap3A_89] {strides = array<i32>} : memref<128x128xf32, #tpu.memory_space<vmem>>, vector<1x16xf32>,
      %swap3A_91 = vector.shape_cast %swap3A_90 : vector<1x16xf32> to vector<16xf32>
      %swap3A_92 = vector.shape_cast %broadcast_in_dim3A_87 : vector<16xf32> to vector<1x16xf32>
      tpu.vector_store %arg7[%swap3A_88, %swap3A_89], %swap3A_92 {strides = array<i32>} : memref<128x128xf32, #tpu.memory_space<vmem>>, vector<1x16xf32>,
      %broadcast_in_dim3A_93 = arith.constant 0.000000e+00 : f32
      %broadcast_in_dim3A_94 = vector.broadcast %broadcast_in_dim3A_93 : f32 to vector<16xf32>
      %swap3A_95 = arith.index_cast %add3A_73 : i32 to index
      %swap3A_96 = arith.constant 48 : index
      %swap3A_97 = tpu.vector_load %arg7[%swap3A_95, %swap3A_96] {strides = array<i32>} : memref<128x128xf32, #tpu.memory_space<vmem>>, vector<1x16xf32>,
      %swap3A_98 = vector.shape_cast %swap3A_97 : vector<1x16xf32> to vector<16xf32>
      %swap3A_99 = vector.shape_cast %broadcast_in_dim3A_94 : vector<16xf32> to vector<1x16xf32>
      tpu.vector_store %arg7[%swap3A_95, %swap3A_96], %swap3A_99 {strides = array<i32>} : memref<128x128xf32, #tpu.memory_space<vmem>>, vector<1x16xf32>,
      %broadcast_in_dim3A_100 = arith.constant 0.000000e+00 : f32
      %broadcast_in_dim3A_101 = vector.broadcast %broadcast_in_dim3A_100 : f32 to vector<16xf32>
      %swap3A_102 = arith.index_cast %add3A_73 : i32 to index
      %swap3A_103 = arith.constant 64 : index
      %swap3A_104 = tpu.vector_load %arg7[%swap3A_102, %swap3A_103] {strides = array<i32>} : memref<128x128xf32, #tpu.memory_space<vmem>>, vector<1x16xf32>,
      %swap3A_105 = vector.shape_cast %swap3A_104 : vector<1x16xf32> to vector<16xf32>
      %swap3A_106 = vector.shape_cast %broadcast_in_dim3A_101 : vector<16xf32> to vector<1x16xf32>
      tpu.vector_store %arg7[%swap3A_102, %swap3A_103], %swap3A_106 {strides = array<i32>} : memref<128x128xf32, #tpu.memory_space<vmem>>, vector<1x16xf32>,
      %broadcast_in_dim3A_107 = arith.constant 0.000000e+00 : f32
      %broadcast_in_dim3A_108 = vector.broadcast %broadcast_in_dim3A_107 : f32 to vector<16xf32>
      %swap3A_109 = arith.index_cast %add3A_73 : i32 to index
      %swap3A_110 = arith.constant 80 : index
      %swap3A_111 = tpu.vector_load %arg7[%swap3A_109, %swap3A_110] {strides = array<i32>} : memref<128x128xf32, #tpu.memory_space<vmem>>, vector<1x16xf32>,
      %swap3A_112 = vector.shape_cast %swap3A_111 : vector<1x16xf32> to vector<16xf32>
      %swap3A_113 = vector.shape_cast %broadcast_in_dim3A_108 : vector<16xf32> to vector<1x16xf32>
      tpu.vector_store %arg7[%swap3A_109, %swap3A_110], %swap3A_113 {strides = array<i32>} : memref<128x128xf32, #tpu.memory_space<vmem>>, vector<1x16xf32>,
      %broadcast_in_dim3A_114 = arith.constant 0.000000e+00 : f32
      %broadcast_in_dim3A_115 = vector.broadcast %broadcast_in_dim3A_114 : f32 to vector<16xf32>
      %swap3A_116 = arith.index_cast %add3A_73 : i32 to index
      %swap3A_117 = arith.constant 96 : index
      %swap3A_118 = tpu.vector_load %arg7[%swap3A_116, %swap3A_117] {strides = array<i32>} : memref<128x128xf32, #tpu.memory_space<vmem>>, vector<1x16xf32>,
      %swap3A_119 = vector.shape_cast %swap3A_118 : vector<1x16xf32> to vector<16xf32>
      %swap3A_120 = vector.shape_cast %broadcast_in_dim3A_115 : vector<16xf32> to vector<1x16xf32>
      tpu.vector_store %arg7[%swap3A_116, %swap3A_117], %swap3A_120 {strides = array<i32>} : memref<128x128xf32, #tpu.memory_space<vmem>>, vector<1x16xf32>,
      %broadcast_in_dim3A_121 = arith.constant 0.000000e+00 : f32
      %broadcast_in_dim3A_122 = vector.broadcast %broadcast_in_dim3A_121 : f32 to vector<16xf32>
      %swap3A_123 = arith.index_cast %add3A_73 : i32 to index
      %swap3A_124 = arith.constant 112 : index
      %swap3A_125 = tpu.vector_load %arg7[%swap3A_123, %swap3A_124] {strides = array<i32>} : memref<128x128xf32, #tpu.memory_space<vmem>>, vector<1x16xf32>,
      %swap3A_126 = vector.shape_cast %swap3A_125 : vector<1x16xf32> to vector<16xf32>
      %swap3A_127 = vector.shape_cast %broadcast_in_dim3A_122 : vector<16xf32> to vector<1x16xf32>
      tpu.vector_store %arg7[%swap3A_123, %swap3A_124], %swap3A_127 {strides = array<i32>} : memref<128x128xf32, #tpu.memory_space<vmem>>, vector<1x16xf32>,
    }
    %scan3A_4 = arith.constant 128 : i32
    %mul3A_5 = arith.constant 640 : i32
    %mul3A_6 = arith.muli %arg1, %mul3A_5 : i32
    %add3A_7 = arith.constant 0 : i32
    %add3A_8 = arith.addi %mul3A_6, %add3A_7 : i32
    "tpu.region"() ({
      %run_scoped3A = tpu.sem_alloc : memref<!tpu.dma_semaphore, #tpu.memory_space<semaphore_mem>>
      %dma_start3A = arith.constant 0 : i32
      %dma_start3A_69 = tpu.memref_slice %arg6[%add3A_8, %dma_start3A] : memref<10240x128xf32, #tpu.memory_space<vmem_shared>> -> memref<128x128xf32, #tpu.memory_space<vmem_shared>>
      %dma_start3A_70 = arith.constant 0 : i32
      %dma_start3A_71 = tpu.memref_slice %arg6[%add3A_8, %dma_start3A_70] : memref<10240x128xf32, #tpu.memory_space<vmem_shared>> -> memref<128x128xf32, #tpu.memory_space<vmem_shared>>
      tpu.enqueue_dma source(%arg7 : memref<128x128xf32, #tpu.memory_space<vmem>>) target(%dma_start3A_71 : memref<128x128xf32, #tpu.memory_space<vmem_shared>>) target_semaphore(%run_scoped3A : memref<!tpu.dma_semaphore, #tpu.memory_space<semaphore_mem>>)
      %dma_wait3A = arith.constant 0 : i32
      %dma_wait3A_72 = tpu.memref_slice %arg6[%add3A_8, %dma_wait3A] : memref<10240x128xf32, #tpu.memory_space<vmem_shared>> -> memref<128x128xf32, #tpu.memory_space<vmem_shared>>
      %dma_wait3A_73 = arith.constant 0 : i32
      %dma_wait3A_74 = tpu.memref_slice %arg6[%add3A_8, %dma_wait3A_73] : memref<10240x128xf32, #tpu.memory_space<vmem_shared>> -> memref<128x128xf32, #tpu.memory_space<vmem_shared>>
      tpu.wait_dma2 semaphore(%run_scoped3A : memref<!tpu.dma_semaphore, #tpu.memory_space<semaphore_mem>>) src(%arg7 : memref<128x128xf32, #tpu.memory_space<vmem>>) dst(%dma_wait3A_74 : memref<128x128xf32, #tpu.memory_space<vmem_shared>>)
      tpu.yield
    }) : () -> ()
    %add3A_9 = arith.constant 128 : i32
    %add3A_10 = arith.addi %mul3A_6, %add3A_9 : i32
    "tpu.region"() ({
      %run_scoped3A = tpu.sem_alloc : memref<!tpu.dma_semaphore, #tpu.memory_space<semaphore_mem>>
      %dma_start3A = arith.constant 0 : i32
      %dma_start3A_69 = tpu.memref_slice %arg6[%add3A_10, %dma_start3A] : memref<10240x128xf32, #tpu.memory_space<vmem_shared>> -> memref<128x128xf32, #tpu.memory_space<vmem_shared>>
      %dma_start3A_70 = arith.constant 0 : i32
      %dma_start3A_71 = tpu.memref_slice %arg6[%add3A_10, %dma_start3A_70] : memref<10240x128xf32, #tpu.memory_space<vmem_shared>> -> memref<128x128xf32, #tpu.memory_space<vmem_shared>>
      tpu.enqueue_dma source(%arg7 : memref<128x128xf32, #tpu.memory_space<vmem>>) target(%dma_start3A_71 : memref<128x128xf32, #tpu.memory_space<vmem_shared>>) target_semaphore(%run_scoped3A : memref<!tpu.dma_semaphore, #tpu.memory_space<semaphore_mem>>)
      %dma_wait3A = arith.constant 0 : i32
      %dma_wait3A_72 = tpu.memref_slice %arg6[%add3A_10, %dma_wait3A] : memref<10240x128xf32, #tpu.memory_space<vmem_shared>> -> memref<128x128xf32, #tpu.memory_space<vmem_shared>>
      %dma_wait3A_73 = arith.constant 0 : i32
      %dma_wait3A_74 = tpu.memref_slice %arg6[%add3A_10, %dma_wait3A_73] : memref<10240x128xf32, #tpu.memory_space<vmem_shared>> -> memref<128x128xf32, #tpu.memory_space<vmem_shared>>
      tpu.wait_dma2 semaphore(%run_scoped3A : memref<!tpu.dma_semaphore, #tpu.memory_space<semaphore_mem>>) src(%arg7 : memref<128x128xf32, #tpu.memory_space<vmem>>) dst(%dma_wait3A_74 : memref<128x128xf32, #tpu.memory_space<vmem_shared>>)
      tpu.yield
    }) : () -> ()
    %add3A_11 = arith.constant 256 : i32
    %add3A_12 = arith.addi %mul3A_6, %add3A_11 : i32
    "tpu.region"() ({
      %run_scoped3A = tpu.sem_alloc : memref<!tpu.dma_semaphore, #tpu.memory_space<semaphore_mem>>
      %dma_start3A = arith.constant 0 : i32
      %dma_start3A_69 = tpu.memref_slice %arg6[%add3A_12, %dma_start3A] : memref<10240x128xf32, #tpu.memory_space<vmem_shared>> -> memref<128x128xf32, #tpu.memory_space<vmem_shared>>
      %dma_start3A_70 = arith.constant 0 : i32
      %dma_start3A_71 = tpu.memref_slice %arg6[%add3A_12, %dma_start3A_70] : memref<10240x128xf32, #tpu.memory_space<vmem_shared>> -> memref<128x128xf32, #tpu.memory_space<vmem_shared>>
      tpu.enqueue_dma source(%arg7 : memref<128x128xf32, #tpu.memory_space<vmem>>) target(%dma_start3A_71 : memref<128x128xf32, #tpu.memory_space<vmem_shared>>) target_semaphore(%run_scoped3A : memref<!tpu.dma_semaphore, #tpu.memory_space<semaphore_mem>>)
      %dma_wait3A = arith.constant 0 : i32
      %dma_wait3A_72 = tpu.memref_slice %arg6[%add3A_12, %dma_wait3A] : memref<10240x128xf32, #tpu.memory_space<vmem_shared>> -> memref<128x128xf32, #tpu.memory_space<vmem_shared>>
      %dma_wait3A_73 = arith.constant 0 : i32
      %dma_wait3A_74 = tpu.memref_slice %arg6[%add3A_12, %dma_wait3A_73] : memref<10240x128xf32, #tpu.memory_space<vmem_shared>> -> memref<128x128xf32, #tpu.memory_space<vmem_shared>>
      tpu.wait_dma2 semaphore(%run_scoped3A : memref<!tpu.dma_semaphore, #tpu.memory_space<semaphore_mem>>) src(%arg7 : memref<128x128xf32, #tpu.memory_space<vmem>>) dst(%dma_wait3A_74 : memref<128x128xf32, #tpu.memory_space<vmem_shared>>)
      tpu.yield
    }) : () -> ()
    %add3A_13 = arith.constant 384 : i32
    %add3A_14 = arith.addi %mul3A_6, %add3A_13 : i32
    "tpu.region"() ({
      %run_scoped3A = tpu.sem_alloc : memref<!tpu.dma_semaphore, #tpu.memory_space<semaphore_mem>>
      %dma_start3A = arith.constant 0 : i32
      %dma_start3A_69 = tpu.memref_slice %arg6[%add3A_14, %dma_start3A] : memref<10240x128xf32, #tpu.memory_space<vmem_shared>> -> memref<128x128xf32, #tpu.memory_space<vmem_shared>>
      %dma_start3A_70 = arith.constant 0 : i32
      %dma_start3A_71 = tpu.memref_slice %arg6[%add3A_14, %dma_start3A_70] : memref<10240x128xf32, #tpu.memory_space<vmem_shared>> -> memref<128x128xf32, #tpu.memory_space<vmem_shared>>
      tpu.enqueue_dma source(%arg7 : memref<128x128xf32, #tpu.memory_space<vmem>>) target(%dma_start3A_71 : memref<128x128xf32, #tpu.memory_space<vmem_shared>>) target_semaphore(%run_scoped3A : memref<!tpu.dma_semaphore, #tpu.memory_space<semaphore_mem>>)
      %dma_wait3A = arith.constant 0 : i32
      %dma_wait3A_72 = tpu.memref_slice %arg6[%add3A_14, %dma_wait3A] : memref<10240x128xf32, #tpu.memory_space<vmem_shared>> -> memref<128x128xf32, #tpu.memory_space<vmem_shared>>
      %dma_wait3A_73 = arith.constant 0 : i32
      %dma_wait3A_74 = tpu.memref_slice %arg6[%add3A_14, %dma_wait3A_73] : memref<10240x128xf32, #tpu.memory_space<vmem_shared>> -> memref<128x128xf32, #tpu.memory_space<vmem_shared>>
      tpu.wait_dma2 semaphore(%run_scoped3A : memref<!tpu.dma_semaphore, #tpu.memory_space<semaphore_mem>>) src(%arg7 : memref<128x128xf32, #tpu.memory_space<vmem>>) dst(%dma_wait3A_74 : memref<128x128xf32, #tpu.memory_space<vmem_shared>>)
      tpu.yield
    }) : () -> ()
    %add3A_15 = arith.constant 512 : i32
    %add3A_16 = arith.addi %mul3A_6, %add3A_15 : i32
    "tpu.region"() ({
      %run_scoped3A = tpu.sem_alloc : memref<!tpu.dma_semaphore, #tpu.memory_space<semaphore_mem>>
      %dma_start3A = arith.constant 0 : i32
      %dma_start3A_69 = tpu.memref_slice %arg6[%add3A_16, %dma_start3A] : memref<10240x128xf32, #tpu.memory_space<vmem_shared>> -> memref<128x128xf32, #tpu.memory_space<vmem_shared>>
      %dma_start3A_70 = arith.constant 0 : i32
      %dma_start3A_71 = tpu.memref_slice %arg6[%add3A_16, %dma_start3A_70] : memref<10240x128xf32, #tpu.memory_space<vmem_shared>> -> memref<128x128xf32, #tpu.memory_space<vmem_shared>>
      tpu.enqueue_dma source(%arg7 : memref<128x128xf32, #tpu.memory_space<vmem>>) target(%dma_start3A_71 : memref<128x128xf32, #tpu.memory_space<vmem_shared>>) target_semaphore(%run_scoped3A : memref<!tpu.dma_semaphore, #tpu.memory_space<semaphore_mem>>)
      %dma_wait3A = arith.constant 0 : i32
      %dma_wait3A_72 = tpu.memref_slice %arg6[%add3A_16, %dma_wait3A] : memref<10240x128xf32, #tpu.memory_space<vmem_shared>> -> memref<128x128xf32, #tpu.memory_space<vmem_shared>>
      %dma_wait3A_73 = arith.constant 0 : i32
      %dma_wait3A_74 = tpu.memref_slice %arg6[%add3A_16, %dma_wait3A_73] : memref<10240x128xf32, #tpu.memory_space<vmem_shared>> -> memref<128x128xf32, #tpu.memory_space<vmem_shared>>
      tpu.wait_dma2 semaphore(%run_scoped3A : memref<!tpu.dma_semaphore, #tpu.memory_space<semaphore_mem>>) src(%arg7 : memref<128x128xf32, #tpu.memory_space<vmem>>) dst(%dma_wait3A_74 : memref<128x128xf32, #tpu.memory_space<vmem_shared>>)
      tpu.yield
    }) : () -> ()
    %barrier3A = arith.constant 0 : index
    tpu.barrier barrier_id(%barrier3A)
    %eq3A = arith.constant 0 : i32
    %eq3A_17 = arith.cmpi eq, %arg0, %eq3A : i32
    %jit3A = arith.constant 144 : i32
    %jit3A_18 = arith.constant 16 : i32
    %select_n3A = arith.select %eq3A_17, %jit3A, %jit3A_18 : i32
    %eq3A_19 = arith.constant 0 : i32
    %eq3A_20 = arith.cmpi eq, %arg0, %eq3A_19 : i32
    %mul3A_21 = arith.constant 144 : i32
    %mul3A_22 = arith.muli %arg1, %mul3A_21 : i32
    %mul3A_23 = arith.constant 16 : i32
    %mul3A_24 = arith.muli %arg1, %mul3A_23 : i32
    %add3A_25 = arith.constant 2304 : i32
    %add3A_26 = arith.addi %add3A_25, %mul3A_24 : i32
    %select_n3A_27 = arith.select %eq3A_20, %mul3A_22, %add3A_26 : i32
    %jit3A_28 = arith.constant 16 : i32
    %div3A = arith.divsi %select_n3A, %jit3A_28 : i32
    %sign3A = arith.constant 0 : i32
    %sign3A_29 = arith.cmpi sgt, %select_n3A, %sign3A : i32
    %sign3A_30 = arith.extui %sign3A_29 : i1 to i32
    %sign3A_31 = arith.constant 0 : i32
    %sign3A_32 = arith.cmpi slt, %select_n3A, %sign3A_31 : i32
    %sign3A_33 = arith.extui %sign3A_32 : i1 to i32
    %sign3A_34 = arith.subi %sign3A_30, %sign3A_33 : i32
    %sign3A_35 = arith.constant 0 : i32
    %sign3A_36 = arith.cmpi sgt, %jit3A_28, %sign3A_35 : i32
    %sign3A_37 = arith.extui %sign3A_36 : i1 to i32
    %sign3A_38 = arith.constant 0 : i32
    %sign3A_39 = arith.cmpi slt, %jit3A_28, %sign3A_38 : i32
    %sign3A_40 = arith.extui %sign3A_39 : i1 to i32
    %sign3A_41 = arith.subi %sign3A_37, %sign3A_40 : i32
    %ne3A = arith.cmpi ne, %sign3A_34, %sign3A_41 : i32
    %rem3A = arith.remsi %select_n3A, %jit3A_28 : i32
    %ne3A_42 = arith.constant 0 : i32
    %ne3A_43 = arith.cmpi ne, %rem3A, %ne3A_42 : i32
    %and3A = arith.andi %ne3A, %ne3A_43 : i1
    %sub3A = arith.constant 1 : i32
    %sub3A_44 = arith.subi %div3A, %sub3A : i32
    %select_n3A_45 = arith.select %and3A, %sub3A_44, %div3A : i32
    %sub3A_46 = arith.constant 0 : i32
    %sub3A_47 = arith.subi %select_n3A_45, %sub3A_46 : i32
    %sub3A_48 = arith.constant 1 : i32
    %sub3A_49 = arith.constant 1 : i32
    %sub3A_50 = arith.subi %sub3A_48, %sub3A_49 : i32
    %add3A_51 = arith.addi %sub3A_47, %sub3A_50 : i32
    %div3A_52 = arith.constant 1 : i32
    %div3A_53 = arith.divsi %add3A_51, %div3A_52 : i32
    %while3A = arith.constant 1 : i32
    %while3A_54 = arith.constant 0 : i32
    %while3A_55 = arith.constant 0 : i32
    %while3A_56 = arith.subi %div3A_53, %while3A_55 : i32
    %while3A_57 = arith.addi %while3A_55, %while3A_56 : i32
    %while3A_58 = arith.constant 1 : i32
    %while3A_59 = arith.divsi %while3A_56, %while3A_58 : i32
    %while3A_60 = arith.muli %while3A_59, %while3A_58 : i32
    %while3A_61 = arith.addi %while3A_55, %while3A_60 : i32
    %while3A_62 = arith.constant 1 : i32
    scf.for %while3A_69 = %while3A_55 to %while3A_61 step %while3A_62  : i32 {
      %mul3A_70 = arith.muli %while3A_69, %while3A : i32
      %add3A_71 = arith.addi %while3A_54, %mul3A_70 : i32
      %mul3A_72 = arith.constant 16 : i32
      %mul3A_73 = arith.muli %add3A_71, %mul3A_72 : i32
      %add3A_74 = arith.addi %select_n3A_27, %mul3A_73 : i32
      "tpu.region"() ({
        %run_scoped3A = tpu.sem_alloc : memref<!tpu.dma_semaphore, #tpu.memory_space<semaphore_mem>>
        %dma_start3A_521 = arith.constant 0 : i32
        %dma_start3A_522 = tpu.memref_slice %arg3[%add3A_74, %dma_start3A_521] : memref<2560x128xi32, #tpu.memory_space<hbm>> -> memref<16x128xi32, #tpu.memory_space<hbm>>
        %dma_start3A_523 = arith.constant 0 : i32
        %dma_start3A_524 = tpu.memref_slice %arg3[%add3A_74, %dma_start3A_523] : memref<2560x128xi32, #tpu.memory_space<hbm>> -> memref<16x128xi32, #tpu.memory_space<hbm>>
        tpu.enqueue_dma source(%dma_start3A_524 : memref<16x128xi32, #tpu.memory_space<hbm>>) target(%arg9 : memref<16x128xi32, #tpu.memory_space<vmem>>) target_semaphore(%run_scoped3A : memref<!tpu.dma_semaphore, #tpu.memory_space<semaphore_mem>>)
        %dma_wait3A_525 = arith.constant 0 : i32
        %dma_wait3A_526 = tpu.memref_slice %arg3[%add3A_74, %dma_wait3A_525] : memref<2560x128xi32, #tpu.memory_space<hbm>> -> memref<16x128xi32, #tpu.memory_space<hbm>>
        %dma_wait3A_527 = arith.constant 0 : i32
        %dma_wait3A_528 = tpu.memref_slice %arg3[%add3A_74, %dma_wait3A_527] : memref<2560x128xi32, #tpu.memory_space<hbm>> -> memref<16x128xi32, #tpu.memory_space<hbm>>
        tpu.wait_dma2 semaphore(%run_scoped3A : memref<!tpu.dma_semaphore, #tpu.memory_space<semaphore_mem>>) src(%dma_wait3A_528 : memref<16x128xi32, #tpu.memory_space<hbm>>) dst(%arg9 : memref<16x128xi32, #tpu.memory_space<vmem>>)
        tpu.yield
      }) : () -> ()
      "tpu.region"() ({
        %run_scoped3A = tpu.sem_alloc : memref<!tpu.dma_semaphore, #tpu.memory_space<semaphore_mem>>
        %dma_start3A_521 = arith.constant 0 : i32
        %dma_start3A_522 = tpu.memref_slice %arg4[%add3A_74, %dma_start3A_521] : memref<2560x128xi32, #tpu.memory_space<hbm>> -> memref<16x128xi32, #tpu.memory_space<hbm>>
        %dma_start3A_523 = arith.constant 0 : i32
        %dma_start3A_524 = tpu.memref_slice %arg4[%add3A_74, %dma_start3A_523] : memref<2560x128xi32, #tpu.memory_space<hbm>> -> memref<16x128xi32, #tpu.memory_space<hbm>>
        tpu.enqueue_dma source(%dma_start3A_524 : memref<16x128xi32, #tpu.memory_space<hbm>>) target(%arg10 : memref<16x128xi32, #tpu.memory_space<vmem>>) target_semaphore(%run_scoped3A : memref<!tpu.dma_semaphore, #tpu.memory_space<semaphore_mem>>)
        %dma_wait3A_525 = arith.constant 0 : i32
        %dma_wait3A_526 = tpu.memref_slice %arg4[%add3A_74, %dma_wait3A_525] : memref<2560x128xi32, #tpu.memory_space<hbm>> -> memref<16x128xi32, #tpu.memory_space<hbm>>
        %dma_wait3A_527 = arith.constant 0 : i32
        %dma_wait3A_528 = tpu.memref_slice %arg4[%add3A_74, %dma_wait3A_527] : memref<2560x128xi32, #tpu.memory_space<hbm>> -> memref<16x128xi32, #tpu.memory_space<hbm>>
        tpu.wait_dma2 semaphore(%run_scoped3A : memref<!tpu.dma_semaphore, #tpu.memory_space<semaphore_mem>>) src(%dma_wait3A_528 : memref<16x128xi32, #tpu.memory_space<hbm>>) dst(%arg10 : memref<16x128xi32, #tpu.memory_space<vmem>>)
        tpu.yield
      }) : () -> ()
      %dma_start3A = arith.constant 0 : i32
      %dma_start3A_75 = arith.constant 0 : i32
      %dma_start3A_76 = tpu.memref_slice %arg9[%dma_start3A, %dma_start3A_75] : memref<16x128xi32, #tpu.memory_space<vmem>> -> memref<1x128xi32, #tpu.memory_space<vmem>>
      %dma_start3A_77 = tpu.memref_squeeze %dma_start3A_76 : memref<1x128xi32, #tpu.memory_space<vmem>> -> memref<128xi32, #tpu.memory_space<vmem>>
      %dma_start3A_78 = arith.constant 0 : i32
      %dma_start3A_79 = arith.constant 0 : i32
      %dma_start3A_80 = tpu.memref_slice %arg2[%dma_start3A_78, %dma_start3A_79] : memref<10240x128xf32, #tpu.memory_space<hbm>> -> memref<10240x128xf32, #tpu.memory_space<hbm>>
      tpu.enqueue_indirect_dma source(%dma_start3A_80 : memref<10240x128xf32, #tpu.memory_space<hbm>>) target(%arg7 : memref<128x128xf32, #tpu.memory_space<vmem>>) offsets(%dma_start3A_77 : memref<128xi32, #tpu.memory_space<vmem>>) semaphore(%arg11 : memref<!tpu.dma_semaphore, #tpu.memory_space<semaphore_mem>>)
      %dma_wait3A = arith.constant 0 : i32
      %dma_wait3A_81 = arith.constant 0 : i32
      %dma_wait3A_82 = tpu.memref_slice %arg9[%dma_wait3A, %dma_wait3A_81] : memref<16x128xi32, #tpu.memory_space<vmem>> -> memref<1x128xi32, #tpu.memory_space<vmem>>
      %dma_wait3A_83 = tpu.memref_squeeze %dma_wait3A_82 : memref<1x128xi32, #tpu.memory_space<vmem>> -> memref<128xi32, #tpu.memory_space<vmem>>
      %dma_wait3A_84 = arith.constant 0 : i32
      %dma_wait3A_85 = arith.constant 0 : i32
      %dma_wait3A_86 = tpu.memref_slice %arg2[%dma_wait3A_84, %dma_wait3A_85] : memref<10240x128xf32, #tpu.memory_space<hbm>> -> memref<10240x128xf32, #tpu.memory_space<hbm>>
      tpu.wait_indirect_dma semaphore(%arg11 : memref<!tpu.dma_semaphore, #tpu.memory_space<semaphore_mem>>) src(%dma_wait3A_86 : memref<10240x128xf32, #tpu.memory_space<hbm>>) dst(%arg7 : memref<128x128xf32, #tpu.memory_space<vmem>>)
      %dma_start3A_87 = arith.constant 1 : i32
      %dma_start3A_88 = arith.constant 0 : i32
      %dma_start3A_89 = tpu.memref_slice %arg9[%dma_start3A_87, %dma_start3A_88] : memref<16x128xi32, #tpu.memory_space<vmem>> -> memref<1x128xi32, #tpu.memory_space<vmem>>
      %dma_start3A_90 = tpu.memref_squeeze %dma_start3A_89 : memref<1x128xi32, #tpu.memory_space<vmem>> -> memref<128xi32, #tpu.memory_space<vmem>>
      %dma_start3A_91 = arith.constant 0 : i32
      %dma_start3A_92 = arith.constant 0 : i32
      %dma_start3A_93 = tpu.memref_slice %arg2[%dma_start3A_91, %dma_start3A_92] : memref<10240x128xf32, #tpu.memory_space<hbm>> -> memref<10240x128xf32, #tpu.memory_space<hbm>>
      tpu.enqueue_indirect_dma source(%dma_start3A_93 : memref<10240x128xf32, #tpu.memory_space<hbm>>) target(%arg8 : memref<128x128xf32, #tpu.memory_space<vmem>>) offsets(%dma_start3A_90 : memref<128xi32, #tpu.memory_space<vmem>>) semaphore(%arg12 : memref<!tpu.dma_semaphore, #tpu.memory_space<semaphore_mem>>)
      %dma_start3A_94 = arith.constant 0 : i32
      %dma_start3A_95 = arith.constant 0 : i32
      %dma_start3A_96 = tpu.memref_slice %arg10[%dma_start3A_94, %dma_start3A_95] : memref<16x128xi32, #tpu.memory_space<vmem>> -> memref<1x128xi32, #tpu.memory_space<vmem>>
      %dma_start3A_97 = tpu.memref_squeeze %dma_start3A_96 : memref<1x128xi32, #tpu.memory_space<vmem>> -> memref<128xi32, #tpu.memory_space<vmem>>
      %dma_start3A_98 = arith.constant 0 : i32
      %dma_start3A_99 = arith.constant 0 : i32
      %dma_start3A_100 = tpu.memref_slice %arg6[%dma_start3A_98, %dma_start3A_99] : memref<10240x128xf32, #tpu.memory_space<vmem_shared>> -> memref<10240x128xf32, #tpu.memory_space<vmem_shared>>
      tpu.enqueue_indirect_dma source(%arg7 : memref<128x128xf32, #tpu.memory_space<vmem>>) target(%dma_start3A_100 : memref<10240x128xf32, #tpu.memory_space<vmem_shared>>) offsets(%dma_start3A_97 : memref<128xi32, #tpu.memory_space<vmem>>) semaphore(%arg13 : memref<!tpu.dma_semaphore, #tpu.memory_space<semaphore_mem>>) {add = true}
      %dma_wait3A_101 = arith.constant 1 : i32
      %dma_wait3A_102 = arith.constant 0 : i32
      %dma_wait3A_103 = tpu.memref_slice %arg9[%dma_wait3A_101, %dma_wait3A_102] : memref<16x128xi32, #tpu.memory_space<vmem>> -> memref<1x128xi32, #tpu.memory_space<vmem>>
      %dma_wait3A_104 = tpu.memref_squeeze %dma_wait3A_103 : memref<1x128xi32, #tpu.memory_space<vmem>> -> memref<128xi32, #tpu.memory_space<vmem>>
      %dma_wait3A_105 = arith.constant 0 : i32
      %dma_wait3A_106 = arith.constant 0 : i32
      %dma_wait3A_107 = tpu.memref_slice %arg2[%dma_wait3A_105, %dma_wait3A_106] : memref<10240x128xf32, #tpu.memory_space<hbm>> -> memref<10240x128xf32, #tpu.memory_space<hbm>>
      tpu.wait_indirect_dma semaphore(%arg12 : memref<!tpu.dma_semaphore, #tpu.memory_space<semaphore_mem>>) src(%dma_wait3A_107 : memref<10240x128xf32, #tpu.memory_space<hbm>>) dst(%arg8 : memref<128x128xf32, #tpu.memory_space<vmem>>)
      %dma_wait3A_108 = arith.constant 0 : i32
      %dma_wait3A_109 = arith.constant 0 : i32
      %dma_wait3A_110 = tpu.memref_slice %arg10[%dma_wait3A_108, %dma_wait3A_109] : memref<16x128xi32, #tpu.memory_space<vmem>> -> memref<1x128xi32, #tpu.memory_space<vmem>>
      %dma_wait3A_111 = tpu.memref_squeeze %dma_wait3A_110 : memref<1x128xi32, #tpu.memory_space<vmem>> -> memref<128xi32, #tpu.memory_space<vmem>>
      %dma_wait3A_112 = arith.constant 0 : i32
      %dma_wait3A_113 = arith.constant 0 : i32
      %dma_wait3A_114 = tpu.memref_slice %arg6[%dma_wait3A_112, %dma_wait3A_113] : memref<10240x128xf32, #tpu.memory_space<vmem_shared>> -> memref<10240x128xf32, #tpu.memory_space<vmem_shared>>
      tpu.wait_indirect_dma semaphore(%arg13 : memref<!tpu.dma_semaphore, #tpu.memory_space<semaphore_mem>>) src(%arg7 : memref<128x128xf32, #tpu.memory_space<vmem>>) dst(%dma_wait3A_114 : memref<10240x128xf32, #tpu.memory_space<vmem_shared>>)
      %dma_start3A_115 = arith.constant 2 : i32
      %dma_start3A_116 = arith.constant 0 : i32
      %dma_start3A_117 = tpu.memref_slice %arg9[%dma_start3A_115, %dma_start3A_116] : memref<16x128xi32, #tpu.memory_space<vmem>> -> memref<1x128xi32, #tpu.memory_space<vmem>>
      %dma_start3A_118 = tpu.memref_squeeze %dma_start3A_117 : memref<1x128xi32, #tpu.memory_space<vmem>> -> memref<128xi32, #tpu.memory_space<vmem>>
      %dma_start3A_119 = arith.constant 0 : i32
      %dma_start3A_120 = arith.constant 0 : i32
      %dma_start3A_121 = tpu.memref_slice %arg2[%dma_start3A_119, %dma_start3A_120] : memref<10240x128xf32, #tpu.memory_space<hbm>> -> memref<10240x128xf32, #tpu.memory_space<hbm>>
      tpu.enqueue_indirect_dma source(%dma_start3A_121 : memref<10240x128xf32, #tpu.memory_space<hbm>>) target(%arg7 : memref<128x128xf32, #tpu.memory_space<vmem>>) offsets(%dma_start3A_118 : memref<128xi32, #tpu.memory_space<vmem>>) semaphore(%arg11 : memref<!tpu.dma_semaphore, #tpu.memory_space<semaphore_mem>>)
      %dma_start3A_122 = arith.constant 1 : i32
      %dma_start3A_123 = arith.constant 0 : i32
      %dma_start3A_124 = tpu.memref_slice %arg10[%dma_start3A_122, %dma_start3A_123] : memref<16x128xi32, #tpu.memory_space<vmem>> -> memref<1x128xi32, #tpu.memory_space<vmem>>
      %dma_start3A_125 = tpu.memref_squeeze %dma_start3A_124 : memref<1x128xi32, #tpu.memory_space<vmem>> -> memref<128xi32, #tpu.memory_space<vmem>>
      %dma_start3A_126 = arith.constant 0 : i32
      %dma_start3A_127 = arith.constant 0 : i32
      %dma_start3A_128 = tpu.memref_slice %arg6[%dma_start3A_126, %dma_start3A_127] : memref<10240x128xf32, #tpu.memory_space<vmem_shared>> -> memref<10240x128xf32, #tpu.memory_space<vmem_shared>>
      tpu.enqueue_indirect_dma source(%arg8 : memref<128x128xf32, #tpu.memory_space<vmem>>) target(%dma_start3A_128 : memref<10240x128xf32, #tpu.memory_space<vmem_shared>>) offsets(%dma_start3A_125 : memref<128xi32, #tpu.memory_space<vmem>>) semaphore(%arg14 : memref<!tpu.dma_semaphore, #tpu.memory_space<semaphore_mem>>) {add = true}
      %dma_wait3A_129 = arith.constant 2 : i32
      %dma_wait3A_130 = arith.constant 0 : i32
      %dma_wait3A_131 = tpu.memref_slice %arg9[%dma_wait3A_129, %dma_wait3A_130] : memref<16x128xi32, #tpu.memory_space<vmem>> -> memref<1x128xi32, #tpu.memory_space<vmem>>
      %dma_wait3A_132 = tpu.memref_squeeze %dma_wait3A_131 : memref<1x128xi32, #tpu.memory_space<vmem>> -> memref<128xi32, #tpu.memory_space<vmem>>
      %dma_wait3A_133 = arith.constant 0 : i32
      %dma_wait3A_134 = arith.constant 0 : i32
      %dma_wait3A_135 = tpu.memref_slice %arg2[%dma_wait3A_133, %dma_wait3A_134] : memref<10240x128xf32, #tpu.memory_space<hbm>> -> memref<10240x128xf32, #tpu.memory_space<hbm>>
      tpu.wait_indirect_dma semaphore(%arg11 : memref<!tpu.dma_semaphore, #tpu.memory_space<semaphore_mem>>) src(%dma_wait3A_135 : memref<10240x128xf32, #tpu.memory_space<hbm>>) dst(%arg7 : memref<128x128xf32, #tpu.memory_space<vmem>>)
      %dma_wait3A_136 = arith.constant 1 : i32
      %dma_wait3A_137 = arith.constant 0 : i32
      %dma_wait3A_138 = tpu.memref_slice %arg10[%dma_wait3A_136, %dma_wait3A_137] : memref<16x128xi32, #tpu.memory_space<vmem>> -> memref<1x128xi32, #tpu.memory_space<vmem>>
      %dma_wait3A_139 = tpu.memref_squeeze %dma_wait3A_138 : memref<1x128xi32, #tpu.memory_space<vmem>> -> memref<128xi32, #tpu.memory_space<vmem>>
      %dma_wait3A_140 = arith.constant 0 : i32
      %dma_wait3A_141 = arith.constant 0 : i32
      %dma_wait3A_142 = tpu.memref_slice %arg6[%dma_wait3A_140, %dma_wait3A_141] : memref<10240x128xf32, #tpu.memory_space<vmem_shared>> -> memref<10240x128xf32, #tpu.memory_space<vmem_shared>>
      tpu.wait_indirect_dma semaphore(%arg14 : memref<!tpu.dma_semaphore, #tpu.memory_space<semaphore_mem>>) src(%arg8 : memref<128x128xf32, #tpu.memory_space<vmem>>) dst(%dma_wait3A_142 : memref<10240x128xf32, #tpu.memory_space<vmem_shared>>)
      %dma_start3A_143 = arith.constant 3 : i32
      %dma_start3A_144 = arith.constant 0 : i32
      %dma_start3A_145 = tpu.memref_slice %arg9[%dma_start3A_143, %dma_start3A_144] : memref<16x128xi32, #tpu.memory_space<vmem>> -> memref<1x128xi32, #tpu.memory_space<vmem>>
      %dma_start3A_146 = tpu.memref_squeeze %dma_start3A_145 : memref<1x128xi32, #tpu.memory_space<vmem>> -> memref<128xi32, #tpu.memory_space<vmem>>
      %dma_start3A_147 = arith.constant 0 : i32
      %dma_start3A_148 = arith.constant 0 : i32
      %dma_start3A_149 = tpu.memref_slice %arg2[%dma_start3A_147, %dma_start3A_148] : memref<10240x128xf32, #tpu.memory_space<hbm>> -> memref<10240x128xf32, #tpu.memory_space<hbm>>
      tpu.enqueue_indirect_dma source(%dma_start3A_149 : memref<10240x128xf32, #tpu.memory_space<hbm>>) target(%arg8 : memref<128x128xf32, #tpu.memory_space<vmem>>) offsets(%dma_start3A_146 : memref<128xi32, #tpu.memory_space<vmem>>) semaphore(%arg12 : memref<!tpu.dma_semaphore, #tpu.memory_space<semaphore_mem>>)
      %dma_start3A_150 = arith.constant 2 : i32
      %dma_start3A_151 = arith.constant 0 : i32
      %dma_start3A_152 = tpu.memref_slice %arg10[%dma_start3A_150, %dma_start3A_151] : memref<16x128xi32, #tpu.memory_space<vmem>> -> memref<1x128xi32, #tpu.memory_space<vmem>>
      %dma_start3A_153 = tpu.memref_squeeze %dma_start3A_152 : memref<1x128xi32, #tpu.memory_space<vmem>> -> memref<128xi32, #tpu.memory_space<vmem>>
      %dma_start3A_154 = arith.constant 0 : i32
      %dma_start3A_155 = arith.constant 0 : i32
      %dma_start3A_156 = tpu.memref_slice %arg6[%dma_start3A_154, %dma_start3A_155] : memref<10240x128xf32, #tpu.memory_space<vmem_shared>> -> memref<10240x128xf32, #tpu.memory_space<vmem_shared>>
      tpu.enqueue_indirect_dma source(%arg7 : memref<128x128xf32, #tpu.memory_space<vmem>>) target(%dma_start3A_156 : memref<10240x128xf32, #tpu.memory_space<vmem_shared>>) offsets(%dma_start3A_153 : memref<128xi32, #tpu.memory_space<vmem>>) semaphore(%arg13 : memref<!tpu.dma_semaphore, #tpu.memory_space<semaphore_mem>>) {add = true}
      %dma_wait3A_157 = arith.constant 3 : i32
      %dma_wait3A_158 = arith.constant 0 : i32
      %dma_wait3A_159 = tpu.memref_slice %arg9[%dma_wait3A_157, %dma_wait3A_158] : memref<16x128xi32, #tpu.memory_space<vmem>> -> memref<1x128xi32, #tpu.memory_space<vmem>>
      %dma_wait3A_160 = tpu.memref_squeeze %dma_wait3A_159 : memref<1x128xi32, #tpu.memory_space<vmem>> -> memref<128xi32, #tpu.memory_space<vmem>>
      %dma_wait3A_161 = arith.constant 0 : i32
      %dma_wait3A_162 = arith.constant 0 : i32
      %dma_wait3A_163 = tpu.memref_slice %arg2[%dma_wait3A_161, %dma_wait3A_162] : memref<10240x128xf32, #tpu.memory_space<hbm>> -> memref<10240x128xf32, #tpu.memory_space<hbm>>
      tpu.wait_indirect_dma semaphore(%arg12 : memref<!tpu.dma_semaphore, #tpu.memory_space<semaphore_mem>>) src(%dma_wait3A_163 : memref<10240x128xf32, #tpu.memory_space<hbm>>) dst(%arg8 : memref<128x128xf32, #tpu.memory_space<vmem>>)
      %dma_wait3A_164 = arith.constant 2 : i32
      %dma_wait3A_165 = arith.constant 0 : i32
      %dma_wait3A_166 = tpu.memref_slice %arg10[%dma_wait3A_164, %dma_wait3A_165] : memref<16x128xi32, #tpu.memory_space<vmem>> -> memref<1x128xi32, #tpu.memory_space<vmem>>
      %dma_wait3A_167 = tpu.memref_squeeze %dma_wait3A_166 : memref<1x128xi32, #tpu.memory_space<vmem>> -> memref<128xi32, #tpu.memory_space<vmem>>
      %dma_wait3A_168 = arith.constant 0 : i32
      %dma_wait3A_169 = arith.constant 0 : i32
      %dma_wait3A_170 = tpu.memref_slice %arg6[%dma_wait3A_168, %dma_wait3A_169] : memref<10240x128xf32, #tpu.memory_space<vmem_shared>> -> memref<10240x128xf32, #tpu.memory_space<vmem_shared>>
      tpu.wait_indirect_dma semaphore(%arg13 : memref<!tpu.dma_semaphore, #tpu.memory_space<semaphore_mem>>) src(%arg7 : memref<128x128xf32, #tpu.memory_space<vmem>>) dst(%dma_wait3A_170 : memref<10240x128xf32, #tpu.memory_space<vmem_shared>>)
      %dma_start3A_171 = arith.constant 4 : i32
      %dma_start3A_172 = arith.constant 0 : i32
      %dma_start3A_173 = tpu.memref_slice %arg9[%dma_start3A_171, %dma_start3A_172] : memref<16x128xi32, #tpu.memory_space<vmem>> -> memref<1x128xi32, #tpu.memory_space<vmem>>
      %dma_start3A_174 = tpu.memref_squeeze %dma_start3A_173 : memref<1x128xi32, #tpu.memory_space<vmem>> -> memref<128xi32, #tpu.memory_space<vmem>>
      %dma_start3A_175 = arith.constant 0 : i32
      %dma_start3A_176 = arith.constant 0 : i32
      %dma_start3A_177 = tpu.memref_slice %arg2[%dma_start3A_175, %dma_start3A_176] : memref<10240x128xf32, #tpu.memory_space<hbm>> -> memref<10240x128xf32, #tpu.memory_space<hbm>>
      tpu.enqueue_indirect_dma source(%dma_start3A_177 : memref<10240x128xf32, #tpu.memory_space<hbm>>) target(%arg7 : memref<128x128xf32, #tpu.memory_space<vmem>>) offsets(%dma_start3A_174 : memref<128xi32, #tpu.memory_space<vmem>>) semaphore(%arg11 : memref<!tpu.dma_semaphore, #tpu.memory_space<semaphore_mem>>)
      %dma_start3A_178 = arith.constant 3 : i32
      %dma_start3A_179 = arith.constant 0 : i32
      %dma_start3A_180 = tpu.memref_slice %arg10[%dma_start3A_178, %dma_start3A_179] : memref<16x128xi32, #tpu.memory_space<vmem>> -> memref<1x128xi32, #tpu.memory_space<vmem>>
      %dma_start3A_181 = tpu.memref_squeeze %dma_start3A_180 : memref<1x128xi32, #tpu.memory_space<vmem>> -> memref<128xi32, #tpu.memory_space<vmem>>
      %dma_start3A_182 = arith.constant 0 : i32
      %dma_start3A_183 = arith.constant 0 : i32
      %dma_start3A_184 = tpu.memref_slice %arg6[%dma_start3A_182, %dma_start3A_183] : memref<10240x128xf32, #tpu.memory_space<vmem_shared>> -> memref<10240x128xf32, #tpu.memory_space<vmem_shared>>
      tpu.enqueue_indirect_dma source(%arg8 : memref<128x128xf32, #tpu.memory_space<vmem>>) target(%dma_start3A_184 : memref<10240x128xf32, #tpu.memory_space<vmem_shared>>) offsets(%dma_start3A_181 : memref<128xi32, #tpu.memory_space<vmem>>) semaphore(%arg14 : memref<!tpu.dma_semaphore, #tpu.memory_space<semaphore_mem>>) {add = true}
      %dma_wait3A_185 = arith.constant 4 : i32
      %dma_wait3A_186 = arith.constant 0 : i32
      %dma_wait3A_187 = tpu.memref_slice %arg9[%dma_wait3A_185, %dma_wait3A_186] : memref<16x128xi32, #tpu.memory_space<vmem>> -> memref<1x128xi32, #tpu.memory_space<vmem>>
      %dma_wait3A_188 = tpu.memref_squeeze %dma_wait3A_187 : memref<1x128xi32, #tpu.memory_space<vmem>> -> memref<128xi32, #tpu.memory_space<vmem>>
      %dma_wait3A_189 = arith.constant 0 : i32
      %dma_wait3A_190 = arith.constant 0 : i32
      %dma_wait3A_191 = tpu.memref_slice %arg2[%dma_wait3A_189, %dma_wait3A_190] : memref<10240x128xf32, #tpu.memory_space<hbm>> -> memref<10240x128xf32, #tpu.memory_space<hbm>>
      tpu.wait_indirect_dma semaphore(%arg11 : memref<!tpu.dma_semaphore, #tpu.memory_space<semaphore_mem>>) src(%dma_wait3A_191 : memref<10240x128xf32, #tpu.memory_space<hbm>>) dst(%arg7 : memref<128x128xf32, #tpu.memory_space<vmem>>)
      %dma_wait3A_192 = arith.constant 3 : i32
      %dma_wait3A_193 = arith.constant 0 : i32
      %dma_wait3A_194 = tpu.memref_slice %arg10[%dma_wait3A_192, %dma_wait3A_193] : memref<16x128xi32, #tpu.memory_space<vmem>> -> memref<1x128xi32, #tpu.memory_space<vmem>>
      %dma_wait3A_195 = tpu.memref_squeeze %dma_wait3A_194 : memref<1x128xi32, #tpu.memory_space<vmem>> -> memref<128xi32, #tpu.memory_space<vmem>>
      %dma_wait3A_196 = arith.constant 0 : i32
      %dma_wait3A_197 = arith.constant 0 : i32
      %dma_wait3A_198 = tpu.memref_slice %arg6[%dma_wait3A_196, %dma_wait3A_197] : memref<10240x128xf32, #tpu.memory_space<vmem_shared>> -> memref<10240x128xf32, #tpu.memory_space<vmem_shared>>
      tpu.wait_indirect_dma semaphore(%arg14 : memref<!tpu.dma_semaphore, #tpu.memory_space<semaphore_mem>>) src(%arg8 : memref<128x128xf32, #tpu.memory_space<vmem>>) dst(%dma_wait3A_198 : memref<10240x128xf32, #tpu.memory_space<vmem_shared>>)
      %dma_start3A_199 = arith.constant 5 : i32
      %dma_start3A_200 = arith.constant 0 : i32
      %dma_start3A_201 = tpu.memref_slice %arg9[%dma_start3A_199, %dma_start3A_200] : memref<16x128xi32, #tpu.memory_space<vmem>> -> memref<1x128xi32, #tpu.memory_space<vmem>>
      %dma_start3A_202 = tpu.memref_squeeze %dma_start3A_201 : memref<1x128xi32, #tpu.memory_space<vmem>> -> memref<128xi32, #tpu.memory_space<vmem>>
      %dma_start3A_203 = arith.constant 0 : i32
      %dma_start3A_204 = arith.constant 0 : i32
      %dma_start3A_205 = tpu.memref_slice %arg2[%dma_start3A_203, %dma_start3A_204] : memref<10240x128xf32, #tpu.memory_space<hbm>> -> memref<10240x128xf32, #tpu.memory_space<hbm>>
      tpu.enqueue_indirect_dma source(%dma_start3A_205 : memref<10240x128xf32, #tpu.memory_space<hbm>>) target(%arg8 : memref<128x128xf32, #tpu.memory_space<vmem>>) offsets(%dma_start3A_202 : memref<128xi32, #tpu.memory_space<vmem>>) semaphore(%arg12 : memref<!tpu.dma_semaphore, #tpu.memory_space<semaphore_mem>>)
      %dma_start3A_206 = arith.constant 4 : i32
      %dma_start3A_207 = arith.constant 0 : i32
      %dma_start3A_208 = tpu.memref_slice %arg10[%dma_start3A_206, %dma_start3A_207] : memref<16x128xi32, #tpu.memory_space<vmem>> -> memref<1x128xi32, #tpu.memory_space<vmem>>
      %dma_start3A_209 = tpu.memref_squeeze %dma_start3A_208 : memref<1x128xi32, #tpu.memory_space<vmem>> -> memref<128xi32, #tpu.memory_space<vmem>>
      %dma_start3A_210 = arith.constant 0 : i32
      %dma_start3A_211 = arith.constant 0 : i32
      %dma_start3A_212 = tpu.memref_slice %arg6[%dma_start3A_210, %dma_start3A_211] : memref<10240x128xf32, #tpu.memory_space<vmem_shared>> -> memref<10240x128xf32, #tpu.memory_space<vmem_shared>>
      tpu.enqueue_indirect_dma source(%arg7 : memref<128x128xf32, #tpu.memory_space<vmem>>) target(%dma_start3A_212 : memref<10240x128xf32, #tpu.memory_space<vmem_shared>>) offsets(%dma_start3A_209 : memref<128xi32, #tpu.memory_space<vmem>>) semaphore(%arg13 : memref<!tpu.dma_semaphore, #tpu.memory_space<semaphore_mem>>) {add = true}
      %dma_wait3A_213 = arith.constant 5 : i32
      %dma_wait3A_214 = arith.constant 0 : i32
      %dma_wait3A_215 = tpu.memref_slice %arg9[%dma_wait3A_213, %dma_wait3A_214] : memref<16x128xi32, #tpu.memory_space<vmem>> -> memref<1x128xi32, #tpu.memory_space<vmem>>
      %dma_wait3A_216 = tpu.memref_squeeze %dma_wait3A_215 : memref<1x128xi32, #tpu.memory_space<vmem>> -> memref<128xi32, #tpu.memory_space<vmem>>
      %dma_wait3A_217 = arith.constant 0 : i32
      %dma_wait3A_218 = arith.constant 0 : i32
      %dma_wait3A_219 = tpu.memref_slice %arg2[%dma_wait3A_217, %dma_wait3A_218] : memref<10240x128xf32, #tpu.memory_space<hbm>> -> memref<10240x128xf32, #tpu.memory_space<hbm>>
      tpu.wait_indirect_dma semaphore(%arg12 : memref<!tpu.dma_semaphore, #tpu.memory_space<semaphore_mem>>) src(%dma_wait3A_219 : memref<10240x128xf32, #tpu.memory_space<hbm>>) dst(%arg8 : memref<128x128xf32, #tpu.memory_space<vmem>>)
      %dma_wait3A_220 = arith.constant 4 : i32
      %dma_wait3A_221 = arith.constant 0 : i32
      %dma_wait3A_222 = tpu.memref_slice %arg10[%dma_wait3A_220, %dma_wait3A_221] : memref<16x128xi32, #tpu.memory_space<vmem>> -> memref<1x128xi32, #tpu.memory_space<vmem>>
      %dma_wait3A_223 = tpu.memref_squeeze %dma_wait3A_222 : memref<1x128xi32, #tpu.memory_space<vmem>> -> memref<128xi32, #tpu.memory_space<vmem>>
      %dma_wait3A_224 = arith.constant 0 : i32
      %dma_wait3A_225 = arith.constant 0 : i32
      %dma_wait3A_226 = tpu.memref_slice %arg6[%dma_wait3A_224, %dma_wait3A_225] : memref<10240x128xf32, #tpu.memory_space<vmem_shared>> -> memref<10240x128xf32, #tpu.memory_space<vmem_shared>>
      tpu.wait_indirect_dma semaphore(%arg13 : memref<!tpu.dma_semaphore, #tpu.memory_space<semaphore_mem>>) src(%arg7 : memref<128x128xf32, #tpu.memory_space<vmem>>) dst(%dma_wait3A_226 : memref<10240x128xf32, #tpu.memory_space<vmem_shared>>)
      %dma_start3A_227 = arith.constant 6 : i32
      %dma_start3A_228 = arith.constant 0 : i32
      %dma_start3A_229 = tpu.memref_slice %arg9[%dma_start3A_227, %dma_start3A_228] : memref<16x128xi32, #tpu.memory_space<vmem>> -> memref<1x128xi32, #tpu.memory_space<vmem>>
      %dma_start3A_230 = tpu.memref_squeeze %dma_start3A_229 : memref<1x128xi32, #tpu.memory_space<vmem>> -> memref<128xi32, #tpu.memory_space<vmem>>
      %dma_start3A_231 = arith.constant 0 : i32
      %dma_start3A_232 = arith.constant 0 : i32
      %dma_start3A_233 = tpu.memref_slice %arg2[%dma_start3A_231, %dma_start3A_232] : memref<10240x128xf32, #tpu.memory_space<hbm>> -> memref<10240x128xf32, #tpu.memory_space<hbm>>
      tpu.enqueue_indirect_dma source(%dma_start3A_233 : memref<10240x128xf32, #tpu.memory_space<hbm>>) target(%arg7 : memref<128x128xf32, #tpu.memory_space<vmem>>) offsets(%dma_start3A_230 : memref<128xi32, #tpu.memory_space<vmem>>) semaphore(%arg11 : memref<!tpu.dma_semaphore, #tpu.memory_space<semaphore_mem>>)
      %dma_start3A_234 = arith.constant 5 : i32
      %dma_start3A_235 = arith.constant 0 : i32
      %dma_start3A_236 = tpu.memref_slice %arg10[%dma_start3A_234, %dma_start3A_235] : memref<16x128xi32, #tpu.memory_space<vmem>> -> memref<1x128xi32, #tpu.memory_space<vmem>>
      %dma_start3A_237 = tpu.memref_squeeze %dma_start3A_236 : memref<1x128xi32, #tpu.memory_space<vmem>> -> memref<128xi32, #tpu.memory_space<vmem>>
      %dma_start3A_238 = arith.constant 0 : i32
      %dma_start3A_239 = arith.constant 0 : i32
      %dma_start3A_240 = tpu.memref_slice %arg6[%dma_start3A_238, %dma_start3A_239] : memref<10240x128xf32, #tpu.memory_space<vmem_shared>> -> memref<10240x128xf32, #tpu.memory_space<vmem_shared>>
      tpu.enqueue_indirect_dma source(%arg8 : memref<128x128xf32, #tpu.memory_space<vmem>>) target(%dma_start3A_240 : memref<10240x128xf32, #tpu.memory_space<vmem_shared>>) offsets(%dma_start3A_237 : memref<128xi32, #tpu.memory_space<vmem>>) semaphore(%arg14 : memref<!tpu.dma_semaphore, #tpu.memory_space<semaphore_mem>>) {add = true}
      %dma_wait3A_241 = arith.constant 6 : i32
      %dma_wait3A_242 = arith.constant 0 : i32
      %dma_wait3A_243 = tpu.memref_slice %arg9[%dma_wait3A_241, %dma_wait3A_242] : memref<16x128xi32, #tpu.memory_space<vmem>> -> memref<1x128xi32, #tpu.memory_space<vmem>>
      %dma_wait3A_244 = tpu.memref_squeeze %dma_wait3A_243 : memref<1x128xi32, #tpu.memory_space<vmem>> -> memref<128xi32, #tpu.memory_space<vmem>>
      %dma_wait3A_245 = arith.constant 0 : i32
      %dma_wait3A_246 = arith.constant 0 : i32
      %dma_wait3A_247 = tpu.memref_slice %arg2[%dma_wait3A_245, %dma_wait3A_246] : memref<10240x128xf32, #tpu.memory_space<hbm>> -> memref<10240x128xf32, #tpu.memory_space<hbm>>
      tpu.wait_indirect_dma semaphore(%arg11 : memref<!tpu.dma_semaphore, #tpu.memory_space<semaphore_mem>>) src(%dma_wait3A_247 : memref<10240x128xf32, #tpu.memory_space<hbm>>) dst(%arg7 : memref<128x128xf32, #tpu.memory_space<vmem>>)
      %dma_wait3A_248 = arith.constant 5 : i32
      %dma_wait3A_249 = arith.constant 0 : i32
      %dma_wait3A_250 = tpu.memref_slice %arg10[%dma_wait3A_248, %dma_wait3A_249] : memref<16x128xi32, #tpu.memory_space<vmem>> -> memref<1x128xi32, #tpu.memory_space<vmem>>
      %dma_wait3A_251 = tpu.memref_squeeze %dma_wait3A_250 : memref<1x128xi32, #tpu.memory_space<vmem>> -> memref<128xi32, #tpu.memory_space<vmem>>
      %dma_wait3A_252 = arith.constant 0 : i32
      %dma_wait3A_253 = arith.constant 0 : i32
      %dma_wait3A_254 = tpu.memref_slice %arg6[%dma_wait3A_252, %dma_wait3A_253] : memref<10240x128xf32, #tpu.memory_space<vmem_shared>> -> memref<10240x128xf32, #tpu.memory_space<vmem_shared>>
      tpu.wait_indirect_dma semaphore(%arg14 : memref<!tpu.dma_semaphore, #tpu.memory_space<semaphore_mem>>) src(%arg8 : memref<128x128xf32, #tpu.memory_space<vmem>>) dst(%dma_wait3A_254 : memref<10240x128xf32, #tpu.memory_space<vmem_shared>>)
      %dma_start3A_255 = arith.constant 7 : i32
      %dma_start3A_256 = arith.constant 0 : i32
      %dma_start3A_257 = tpu.memref_slice %arg9[%dma_start3A_255, %dma_start3A_256] : memref<16x128xi32, #tpu.memory_space<vmem>> -> memref<1x128xi32, #tpu.memory_space<vmem>>
      %dma_start3A_258 = tpu.memref_squeeze %dma_start3A_257 : memref<1x128xi32, #tpu.memory_space<vmem>> -> memref<128xi32, #tpu.memory_space<vmem>>
      %dma_start3A_259 = arith.constant 0 : i32
      %dma_start3A_260 = arith.constant 0 : i32
      %dma_start3A_261 = tpu.memref_slice %arg2[%dma_start3A_259, %dma_start3A_260] : memref<10240x128xf32, #tpu.memory_space<hbm>> -> memref<10240x128xf32, #tpu.memory_space<hbm>>
      tpu.enqueue_indirect_dma source(%dma_start3A_261 : memref<10240x128xf32, #tpu.memory_space<hbm>>) target(%arg8 : memref<128x128xf32, #tpu.memory_space<vmem>>) offsets(%dma_start3A_258 : memref<128xi32, #tpu.memory_space<vmem>>) semaphore(%arg12 : memref<!tpu.dma_semaphore, #tpu.memory_space<semaphore_mem>>)
      %dma_start3A_262 = arith.constant 6 : i32
      %dma_start3A_263 = arith.constant 0 : i32
      %dma_start3A_264 = tpu.memref_slice %arg10[%dma_start3A_262, %dma_start3A_263] : memref<16x128xi32, #tpu.memory_space<vmem>> -> memref<1x128xi32, #tpu.memory_space<vmem>>
      %dma_start3A_265 = tpu.memref_squeeze %dma_start3A_264 : memref<1x128xi32, #tpu.memory_space<vmem>> -> memref<128xi32, #tpu.memory_space<vmem>>
      %dma_start3A_266 = arith.constant 0 : i32
      %dma_start3A_267 = arith.constant 0 : i32
      %dma_start3A_268 = tpu.memref_slice %arg6[%dma_start3A_266, %dma_start3A_267] : memref<10240x128xf32, #tpu.memory_space<vmem_shared>> -> memref<10240x128xf32, #tpu.memory_space<vmem_shared>>
      tpu.enqueue_indirect_dma source(%arg7 : memref<128x128xf32, #tpu.memory_space<vmem>>) target(%dma_start3A_268 : memref<10240x128xf32, #tpu.memory_space<vmem_shared>>) offsets(%dma_start3A_265 : memref<128xi32, #tpu.memory_space<vmem>>) semaphore(%arg13 : memref<!tpu.dma_semaphore, #tpu.memory_space<semaphore_mem>>) {add = true}
      %dma_wait3A_269 = arith.constant 7 : i32
      %dma_wait3A_270 = arith.constant 0 : i32
      %dma_wait3A_271 = tpu.memref_slice %arg9[%dma_wait3A_269, %dma_wait3A_270] : memref<16x128xi32, #tpu.memory_space<vmem>> -> memref<1x128xi32, #tpu.memory_space<vmem>>
      %dma_wait3A_272 = tpu.memref_squeeze %dma_wait3A_271 : memref<1x128xi32, #tpu.memory_space<vmem>> -> memref<128xi32, #tpu.memory_space<vmem>>
      %dma_wait3A_273 = arith.constant 0 : i32
      %dma_wait3A_274 = arith.constant 0 : i32
      %dma_wait3A_275 = tpu.memref_slice %arg2[%dma_wait3A_273, %dma_wait3A_274] : memref<10240x128xf32, #tpu.memory_space<hbm>> -> memref<10240x128xf32, #tpu.memory_space<hbm>>
      tpu.wait_indirect_dma semaphore(%arg12 : memref<!tpu.dma_semaphore, #tpu.memory_space<semaphore_mem>>) src(%dma_wait3A_275 : memref<10240x128xf32, #tpu.memory_space<hbm>>) dst(%arg8 : memref<128x128xf32, #tpu.memory_space<vmem>>)
      %dma_wait3A_276 = arith.constant 6 : i32
      %dma_wait3A_277 = arith.constant 0 : i32
      %dma_wait3A_278 = tpu.memref_slice %arg10[%dma_wait3A_276, %dma_wait3A_277] : memref<16x128xi32, #tpu.memory_space<vmem>> -> memref<1x128xi32, #tpu.memory_space<vmem>>
      %dma_wait3A_279 = tpu.memref_squeeze %dma_wait3A_278 : memref<1x128xi32, #tpu.memory_space<vmem>> -> memref<128xi32, #tpu.memory_space<vmem>>
      %dma_wait3A_280 = arith.constant 0 : i32
      %dma_wait3A_281 = arith.constant 0 : i32
      %dma_wait3A_282 = tpu.memref_slice %arg6[%dma_wait3A_280, %dma_wait3A_281] : memref<10240x128xf32, #tpu.memory_space<vmem_shared>> -> memref<10240x128xf32, #tpu.memory_space<vmem_shared>>
      tpu.wait_indirect_dma semaphore(%arg13 : memref<!tpu.dma_semaphore, #tpu.memory_space<semaphore_mem>>) src(%arg7 : memref<128x128xf32, #tpu.memory_space<vmem>>) dst(%dma_wait3A_282 : memref<10240x128xf32, #tpu.memory_space<vmem_shared>>)
      %dma_start3A_283 = arith.constant 8 : i32
      %dma_start3A_284 = arith.constant 0 : i32
      %dma_start3A_285 = tpu.memref_slice %arg9[%dma_start3A_283, %dma_start3A_284] : memref<16x128xi32, #tpu.memory_space<vmem>> -> memref<1x128xi32, #tpu.memory_space<vmem>>
      %dma_start3A_286 = tpu.memref_squeeze %dma_start3A_285 : memref<1x128xi32, #tpu.memory_space<vmem>> -> memref<128xi32, #tpu.memory_space<vmem>>
      %dma_start3A_287 = arith.constant 0 : i32
      %dma_start3A_288 = arith.constant 0 : i32
      %dma_start3A_289 = tpu.memref_slice %arg2[%dma_start3A_287, %dma_start3A_288] : memref<10240x128xf32, #tpu.memory_space<hbm>> -> memref<10240x128xf32, #tpu.memory_space<hbm>>
      tpu.enqueue_indirect_dma source(%dma_start3A_289 : memref<10240x128xf32, #tpu.memory_space<hbm>>) target(%arg7 : memref<128x128xf32, #tpu.memory_space<vmem>>) offsets(%dma_start3A_286 : memref<128xi32, #tpu.memory_space<vmem>>) semaphore(%arg11 : memref<!tpu.dma_semaphore, #tpu.memory_space<semaphore_mem>>)
      %dma_start3A_290 = arith.constant 7 : i32
      %dma_start3A_291 = arith.constant 0 : i32
      %dma_start3A_292 = tpu.memref_slice %arg10[%dma_start3A_290, %dma_start3A_291] : memref<16x128xi32, #tpu.memory_space<vmem>> -> memref<1x128xi32, #tpu.memory_space<vmem>>
      %dma_start3A_293 = tpu.memref_squeeze %dma_start3A_292 : memref<1x128xi32, #tpu.memory_space<vmem>> -> memref<128xi32, #tpu.memory_space<vmem>>
      %dma_start3A_294 = arith.constant 0 : i32
      %dma_start3A_295 = arith.constant 0 : i32
      %dma_start3A_296 = tpu.memref_slice %arg6[%dma_start3A_294, %dma_start3A_295] : memref<10240x128xf32, #tpu.memory_space<vmem_shared>> -> memref<10240x128xf32, #tpu.memory_space<vmem_shared>>
      tpu.enqueue_indirect_dma source(%arg8 : memref<128x128xf32, #tpu.memory_space<vmem>>) target(%dma_start3A_296 : memref<10240x128xf32, #tpu.memory_space<vmem_shared>>) offsets(%dma_start3A_293 : memref<128xi32, #tpu.memory_space<vmem>>) semaphore(%arg14 : memref<!tpu.dma_semaphore, #tpu.memory_space<semaphore_mem>>) {add = true}
      %dma_wait3A_297 = arith.constant 8 : i32
      %dma_wait3A_298 = arith.constant 0 : i32
      %dma_wait3A_299 = tpu.memref_slice %arg9[%dma_wait3A_297, %dma_wait3A_298] : memref<16x128xi32, #tpu.memory_space<vmem>> -> memref<1x128xi32, #tpu.memory_space<vmem>>
      %dma_wait3A_300 = tpu.memref_squeeze %dma_wait3A_299 : memref<1x128xi32, #tpu.memory_space<vmem>> -> memref<128xi32, #tpu.memory_space<vmem>>
      %dma_wait3A_301 = arith.constant 0 : i32
      %dma_wait3A_302 = arith.constant 0 : i32
      %dma_wait3A_303 = tpu.memref_slice %arg2[%dma_wait3A_301, %dma_wait3A_302] : memref<10240x128xf32, #tpu.memory_space<hbm>> -> memref<10240x128xf32, #tpu.memory_space<hbm>>
      tpu.wait_indirect_dma semaphore(%arg11 : memref<!tpu.dma_semaphore, #tpu.memory_space<semaphore_mem>>) src(%dma_wait3A_303 : memref<10240x128xf32, #tpu.memory_space<hbm>>) dst(%arg7 : memref<128x128xf32, #tpu.memory_space<vmem>>)
      %dma_wait3A_304 = arith.constant 7 : i32
      %dma_wait3A_305 = arith.constant 0 : i32
      %dma_wait3A_306 = tpu.memref_slice %arg10[%dma_wait3A_304, %dma_wait3A_305] : memref<16x128xi32, #tpu.memory_space<vmem>> -> memref<1x128xi32, #tpu.memory_space<vmem>>
      %dma_wait3A_307 = tpu.memref_squeeze %dma_wait3A_306 : memref<1x128xi32, #tpu.memory_space<vmem>> -> memref<128xi32, #tpu.memory_space<vmem>>
      %dma_wait3A_308 = arith.constant 0 : i32
      %dma_wait3A_309 = arith.constant 0 : i32
      %dma_wait3A_310 = tpu.memref_slice %arg6[%dma_wait3A_308, %dma_wait3A_309] : memref<10240x128xf32, #tpu.memory_space<vmem_shared>> -> memref<10240x128xf32, #tpu.memory_space<vmem_shared>>
      tpu.wait_indirect_dma semaphore(%arg14 : memref<!tpu.dma_semaphore, #tpu.memory_space<semaphore_mem>>) src(%arg8 : memref<128x128xf32, #tpu.memory_space<vmem>>) dst(%dma_wait3A_310 : memref<10240x128xf32, #tpu.memory_space<vmem_shared>>)
      %dma_start3A_311 = arith.constant 9 : i32
      %dma_start3A_312 = arith.constant 0 : i32
      %dma_start3A_313 = tpu.memref_slice %arg9[%dma_start3A_311, %dma_start3A_312] : memref<16x128xi32, #tpu.memory_space<vmem>> -> memref<1x128xi32, #tpu.memory_space<vmem>>
      %dma_start3A_314 = tpu.memref_squeeze %dma_start3A_313 : memref<1x128xi32, #tpu.memory_space<vmem>> -> memref<128xi32, #tpu.memory_space<vmem>>
      %dma_start3A_315 = arith.constant 0 : i32
      %dma_start3A_316 = arith.constant 0 : i32
      %dma_start3A_317 = tpu.memref_slice %arg2[%dma_start3A_315, %dma_start3A_316] : memref<10240x128xf32, #tpu.memory_space<hbm>> -> memref<10240x128xf32, #tpu.memory_space<hbm>>
      tpu.enqueue_indirect_dma source(%dma_start3A_317 : memref<10240x128xf32, #tpu.memory_space<hbm>>) target(%arg8 : memref<128x128xf32, #tpu.memory_space<vmem>>) offsets(%dma_start3A_314 : memref<128xi32, #tpu.memory_space<vmem>>) semaphore(%arg12 : memref<!tpu.dma_semaphore, #tpu.memory_space<semaphore_mem>>)
      %dma_start3A_318 = arith.constant 8 : i32
      %dma_start3A_319 = arith.constant 0 : i32
      %dma_start3A_320 = tpu.memref_slice %arg10[%dma_start3A_318, %dma_start3A_319] : memref<16x128xi32, #tpu.memory_space<vmem>> -> memref<1x128xi32, #tpu.memory_space<vmem>>
      %dma_start3A_321 = tpu.memref_squeeze %dma_start3A_320 : memref<1x128xi32, #tpu.memory_space<vmem>> -> memref<128xi32, #tpu.memory_space<vmem>>
      %dma_start3A_322 = arith.constant 0 : i32
      %dma_start3A_323 = arith.constant 0 : i32
      %dma_start3A_324 = tpu.memref_slice %arg6[%dma_start3A_322, %dma_start3A_323] : memref<10240x128xf32, #tpu.memory_space<vmem_shared>> -> memref<10240x128xf32, #tpu.memory_space<vmem_shared>>
      tpu.enqueue_indirect_dma source(%arg7 : memref<128x128xf32, #tpu.memory_space<vmem>>) target(%dma_start3A_324 : memref<10240x128xf32, #tpu.memory_space<vmem_shared>>) offsets(%dma_start3A_321 : memref<128xi32, #tpu.memory_space<vmem>>) semaphore(%arg13 : memref<!tpu.dma_semaphore, #tpu.memory_space<semaphore_mem>>) {add = true}
      %dma_wait3A_325 = arith.constant 9 : i32
      %dma_wait3A_326 = arith.constant 0 : i32
      %dma_wait3A_327 = tpu.memref_slice %arg9[%dma_wait3A_325, %dma_wait3A_326] : memref<16x128xi32, #tpu.memory_space<vmem>> -> memref<1x128xi32, #tpu.memory_space<vmem>>
      %dma_wait3A_328 = tpu.memref_squeeze %dma_wait3A_327 : memref<1x128xi32, #tpu.memory_space<vmem>> -> memref<128xi32, #tpu.memory_space<vmem>>
      %dma_wait3A_329 = arith.constant 0 : i32
      %dma_wait3A_330 = arith.constant 0 : i32
      %dma_wait3A_331 = tpu.memref_slice %arg2[%dma_wait3A_329, %dma_wait3A_330] : memref<10240x128xf32, #tpu.memory_space<hbm>> -> memref<10240x128xf32, #tpu.memory_space<hbm>>
      tpu.wait_indirect_dma semaphore(%arg12 : memref<!tpu.dma_semaphore, #tpu.memory_space<semaphore_mem>>) src(%dma_wait3A_331 : memref<10240x128xf32, #tpu.memory_space<hbm>>) dst(%arg8 : memref<128x128xf32, #tpu.memory_space<vmem>>)
      %dma_wait3A_332 = arith.constant 8 : i32
      %dma_wait3A_333 = arith.constant 0 : i32
      %dma_wait3A_334 = tpu.memref_slice %arg10[%dma_wait3A_332, %dma_wait3A_333] : memref<16x128xi32, #tpu.memory_space<vmem>> -> memref<1x128xi32, #tpu.memory_space<vmem>>
      %dma_wait3A_335 = tpu.memref_squeeze %dma_wait3A_334 : memref<1x128xi32, #tpu.memory_space<vmem>> -> memref<128xi32, #tpu.memory_space<vmem>>
      %dma_wait3A_336 = arith.constant 0 : i32
      %dma_wait3A_337 = arith.constant 0 : i32
      %dma_wait3A_338 = tpu.memref_slice %arg6[%dma_wait3A_336, %dma_wait3A_337] : memref<10240x128xf32, #tpu.memory_space<vmem_shared>> -> memref<10240x128xf32, #tpu.memory_space<vmem_shared>>
      tpu.wait_indirect_dma semaphore(%arg13 : memref<!tpu.dma_semaphore, #tpu.memory_space<semaphore_mem>>) src(%arg7 : memref<128x128xf32, #tpu.memory_space<vmem>>) dst(%dma_wait3A_338 : memref<10240x128xf32, #tpu.memory_space<vmem_shared>>)
      %dma_start3A_339 = arith.constant 10 : i32
      %dma_start3A_340 = arith.constant 0 : i32
      %dma_start3A_341 = tpu.memref_slice %arg9[%dma_start3A_339, %dma_start3A_340] : memref<16x128xi32, #tpu.memory_space<vmem>> -> memref<1x128xi32, #tpu.memory_space<vmem>>
      %dma_start3A_342 = tpu.memref_squeeze %dma_start3A_341 : memref<1x128xi32, #tpu.memory_space<vmem>> -> memref<128xi32, #tpu.memory_space<vmem>>
      %dma_start3A_343 = arith.constant 0 : i32
      %dma_start3A_344 = arith.constant 0 : i32
      %dma_start3A_345 = tpu.memref_slice %arg2[%dma_start3A_343, %dma_start3A_344] : memref<10240x128xf32, #tpu.memory_space<hbm>> -> memref<10240x128xf32, #tpu.memory_space<hbm>>
      tpu.enqueue_indirect_dma source(%dma_start3A_345 : memref<10240x128xf32, #tpu.memory_space<hbm>>) target(%arg7 : memref<128x128xf32, #tpu.memory_space<vmem>>) offsets(%dma_start3A_342 : memref<128xi32, #tpu.memory_space<vmem>>) semaphore(%arg11 : memref<!tpu.dma_semaphore, #tpu.memory_space<semaphore_mem>>)
      %dma_start3A_346 = arith.constant 9 : i32
      %dma_start3A_347 = arith.constant 0 : i32
      %dma_start3A_348 = tpu.memref_slice %arg10[%dma_start3A_346, %dma_start3A_347] : memref<16x128xi32, #tpu.memory_space<vmem>> -> memref<1x128xi32, #tpu.memory_space<vmem>>
      %dma_start3A_349 = tpu.memref_squeeze %dma_start3A_348 : memref<1x128xi32, #tpu.memory_space<vmem>> -> memref<128xi32, #tpu.memory_space<vmem>>
      %dma_start3A_350 = arith.constant 0 : i32
      %dma_start3A_351 = arith.constant 0 : i32
      %dma_start3A_352 = tpu.memref_slice %arg6[%dma_start3A_350, %dma_start3A_351] : memref<10240x128xf32, #tpu.memory_space<vmem_shared>> -> memref<10240x128xf32, #tpu.memory_space<vmem_shared>>
      tpu.enqueue_indirect_dma source(%arg8 : memref<128x128xf32, #tpu.memory_space<vmem>>) target(%dma_start3A_352 : memref<10240x128xf32, #tpu.memory_space<vmem_shared>>) offsets(%dma_start3A_349 : memref<128xi32, #tpu.memory_space<vmem>>) semaphore(%arg14 : memref<!tpu.dma_semaphore, #tpu.memory_space<semaphore_mem>>) {add = true}
      %dma_wait3A_353 = arith.constant 10 : i32
      %dma_wait3A_354 = arith.constant 0 : i32
      %dma_wait3A_355 = tpu.memref_slice %arg9[%dma_wait3A_353, %dma_wait3A_354] : memref<16x128xi32, #tpu.memory_space<vmem>> -> memref<1x128xi32, #tpu.memory_space<vmem>>
      %dma_wait3A_356 = tpu.memref_squeeze %dma_wait3A_355 : memref<1x128xi32, #tpu.memory_space<vmem>> -> memref<128xi32, #tpu.memory_space<vmem>>
      %dma_wait3A_357 = arith.constant 0 : i32
      %dma_wait3A_358 = arith.constant 0 : i32
      %dma_wait3A_359 = tpu.memref_slice %arg2[%dma_wait3A_357, %dma_wait3A_358] : memref<10240x128xf32, #tpu.memory_space<hbm>> -> memref<10240x128xf32, #tpu.memory_space<hbm>>
      tpu.wait_indirect_dma semaphore(%arg11 : memref<!tpu.dma_semaphore, #tpu.memory_space<semaphore_mem>>) src(%dma_wait3A_359 : memref<10240x128xf32, #tpu.memory_space<hbm>>) dst(%arg7 : memref<128x128xf32, #tpu.memory_space<vmem>>)
      %dma_wait3A_360 = arith.constant 9 : i32
      %dma_wait3A_361 = arith.constant 0 : i32
      %dma_wait3A_362 = tpu.memref_slice %arg10[%dma_wait3A_360, %dma_wait3A_361] : memref<16x128xi32, #tpu.memory_space<vmem>> -> memref<1x128xi32, #tpu.memory_space<vmem>>
      %dma_wait3A_363 = tpu.memref_squeeze %dma_wait3A_362 : memref<1x128xi32, #tpu.memory_space<vmem>> -> memref<128xi32, #tpu.memory_space<vmem>>
      %dma_wait3A_364 = arith.constant 0 : i32
      %dma_wait3A_365 = arith.constant 0 : i32
      %dma_wait3A_366 = tpu.memref_slice %arg6[%dma_wait3A_364, %dma_wait3A_365] : memref<10240x128xf32, #tpu.memory_space<vmem_shared>> -> memref<10240x128xf32, #tpu.memory_space<vmem_shared>>
      tpu.wait_indirect_dma semaphore(%arg14 : memref<!tpu.dma_semaphore, #tpu.memory_space<semaphore_mem>>) src(%arg8 : memref<128x128xf32, #tpu.memory_space<vmem>>) dst(%dma_wait3A_366 : memref<10240x128xf32, #tpu.memory_space<vmem_shared>>)
      %dma_start3A_367 = arith.constant 11 : i32
      %dma_start3A_368 = arith.constant 0 : i32
      %dma_start3A_369 = tpu.memref_slice %arg9[%dma_start3A_367, %dma_start3A_368] : memref<16x128xi32, #tpu.memory_space<vmem>> -> memref<1x128xi32, #tpu.memory_space<vmem>>
      %dma_start3A_370 = tpu.memref_squeeze %dma_start3A_369 : memref<1x128xi32, #tpu.memory_space<vmem>> -> memref<128xi32, #tpu.memory_space<vmem>>
      %dma_start3A_371 = arith.constant 0 : i32
      %dma_start3A_372 = arith.constant 0 : i32
      %dma_start3A_373 = tpu.memref_slice %arg2[%dma_start3A_371, %dma_start3A_372] : memref<10240x128xf32, #tpu.memory_space<hbm>> -> memref<10240x128xf32, #tpu.memory_space<hbm>>
      tpu.enqueue_indirect_dma source(%dma_start3A_373 : memref<10240x128xf32, #tpu.memory_space<hbm>>) target(%arg8 : memref<128x128xf32, #tpu.memory_space<vmem>>) offsets(%dma_start3A_370 : memref<128xi32, #tpu.memory_space<vmem>>) semaphore(%arg12 : memref<!tpu.dma_semaphore, #tpu.memory_space<semaphore_mem>>)
      %dma_start3A_374 = arith.constant 10 : i32
      %dma_start3A_375 = arith.constant 0 : i32
      %dma_start3A_376 = tpu.memref_slice %arg10[%dma_start3A_374, %dma_start3A_375] : memref<16x128xi32, #tpu.memory_space<vmem>> -> memref<1x128xi32, #tpu.memory_space<vmem>>
      %dma_start3A_377 = tpu.memref_squeeze %dma_start3A_376 : memref<1x128xi32, #tpu.memory_space<vmem>> -> memref<128xi32, #tpu.memory_space<vmem>>
      %dma_start3A_378 = arith.constant 0 : i32
      %dma_start3A_379 = arith.constant 0 : i32
      %dma_start3A_380 = tpu.memref_slice %arg6[%dma_start3A_378, %dma_start3A_379] : memref<10240x128xf32, #tpu.memory_space<vmem_shared>> -> memref<10240x128xf32, #tpu.memory_space<vmem_shared>>
      tpu.enqueue_indirect_dma source(%arg7 : memref<128x128xf32, #tpu.memory_space<vmem>>) target(%dma_start3A_380 : memref<10240x128xf32, #tpu.memory_space<vmem_shared>>) offsets(%dma_start3A_377 : memref<128xi32, #tpu.memory_space<vmem>>) semaphore(%arg13 : memref<!tpu.dma_semaphore, #tpu.memory_space<semaphore_mem>>) {add = true}
      %dma_wait3A_381 = arith.constant 11 : i32
      %dma_wait3A_382 = arith.constant 0 : i32
      %dma_wait3A_383 = tpu.memref_slice %arg9[%dma_wait3A_381, %dma_wait3A_382] : memref<16x128xi32, #tpu.memory_space<vmem>> -> memref<1x128xi32, #tpu.memory_space<vmem>>
      %dma_wait3A_384 = tpu.memref_squeeze %dma_wait3A_383 : memref<1x128xi32, #tpu.memory_space<vmem>> -> memref<128xi32, #tpu.memory_space<vmem>>
      %dma_wait3A_385 = arith.constant 0 : i32
      %dma_wait3A_386 = arith.constant 0 : i32
      %dma_wait3A_387 = tpu.memref_slice %arg2[%dma_wait3A_385, %dma_wait3A_386] : memref<10240x128xf32, #tpu.memory_space<hbm>> -> memref<10240x128xf32, #tpu.memory_space<hbm>>
      tpu.wait_indirect_dma semaphore(%arg12 : memref<!tpu.dma_semaphore, #tpu.memory_space<semaphore_mem>>) src(%dma_wait3A_387 : memref<10240x128xf32, #tpu.memory_space<hbm>>) dst(%arg8 : memref<128x128xf32, #tpu.memory_space<vmem>>)
      %dma_wait3A_388 = arith.constant 10 : i32
      %dma_wait3A_389 = arith.constant 0 : i32
      %dma_wait3A_390 = tpu.memref_slice %arg10[%dma_wait3A_388, %dma_wait3A_389] : memref<16x128xi32, #tpu.memory_space<vmem>> -> memref<1x128xi32, #tpu.memory_space<vmem>>
      %dma_wait3A_391 = tpu.memref_squeeze %dma_wait3A_390 : memref<1x128xi32, #tpu.memory_space<vmem>> -> memref<128xi32, #tpu.memory_space<vmem>>
      %dma_wait3A_392 = arith.constant 0 : i32
      %dma_wait3A_393 = arith.constant 0 : i32
      %dma_wait3A_394 = tpu.memref_slice %arg6[%dma_wait3A_392, %dma_wait3A_393] : memref<10240x128xf32, #tpu.memory_space<vmem_shared>> -> memref<10240x128xf32, #tpu.memory_space<vmem_shared>>
      tpu.wait_indirect_dma semaphore(%arg13 : memref<!tpu.dma_semaphore, #tpu.memory_space<semaphore_mem>>) src(%arg7 : memref<128x128xf32, #tpu.memory_space<vmem>>) dst(%dma_wait3A_394 : memref<10240x128xf32, #tpu.memory_space<vmem_shared>>)
      %dma_start3A_395 = arith.constant 12 : i32
      %dma_start3A_396 = arith.constant 0 : i32
      %dma_start3A_397 = tpu.memref_slice %arg9[%dma_start3A_395, %dma_start3A_396] : memref<16x128xi32, #tpu.memory_space<vmem>> -> memref<1x128xi32, #tpu.memory_space<vmem>>
      %dma_start3A_398 = tpu.memref_squeeze %dma_start3A_397 : memref<1x128xi32, #tpu.memory_space<vmem>> -> memref<128xi32, #tpu.memory_space<vmem>>
      %dma_start3A_399 = arith.constant 0 : i32
      %dma_start3A_400 = arith.constant 0 : i32
      %dma_start3A_401 = tpu.memref_slice %arg2[%dma_start3A_399, %dma_start3A_400] : memref<10240x128xf32, #tpu.memory_space<hbm>> -> memref<10240x128xf32, #tpu.memory_space<hbm>>
      tpu.enqueue_indirect_dma source(%dma_start3A_401 : memref<10240x128xf32, #tpu.memory_space<hbm>>) target(%arg7 : memref<128x128xf32, #tpu.memory_space<vmem>>) offsets(%dma_start3A_398 : memref<128xi32, #tpu.memory_space<vmem>>) semaphore(%arg11 : memref<!tpu.dma_semaphore, #tpu.memory_space<semaphore_mem>>)
      %dma_start3A_402 = arith.constant 11 : i32
      %dma_start3A_403 = arith.constant 0 : i32
      %dma_start3A_404 = tpu.memref_slice %arg10[%dma_start3A_402, %dma_start3A_403] : memref<16x128xi32, #tpu.memory_space<vmem>> -> memref<1x128xi32, #tpu.memory_space<vmem>>
      %dma_start3A_405 = tpu.memref_squeeze %dma_start3A_404 : memref<1x128xi32, #tpu.memory_space<vmem>> -> memref<128xi32, #tpu.memory_space<vmem>>
      %dma_start3A_406 = arith.constant 0 : i32
      %dma_start3A_407 = arith.constant 0 : i32
      %dma_start3A_408 = tpu.memref_slice %arg6[%dma_start3A_406, %dma_start3A_407] : memref<10240x128xf32, #tpu.memory_space<vmem_shared>> -> memref<10240x128xf32, #tpu.memory_space<vmem_shared>>
      tpu.enqueue_indirect_dma source(%arg8 : memref<128x128xf32, #tpu.memory_space<vmem>>) target(%dma_start3A_408 : memref<10240x128xf32, #tpu.memory_space<vmem_shared>>) offsets(%dma_start3A_405 : memref<128xi32, #tpu.memory_space<vmem>>) semaphore(%arg14 : memref<!tpu.dma_semaphore, #tpu.memory_space<semaphore_mem>>) {add = true}
      %dma_wait3A_409 = arith.constant 12 : i32
      %dma_wait3A_410 = arith.constant 0 : i32
      %dma_wait3A_411 = tpu.memref_slice %arg9[%dma_wait3A_409, %dma_wait3A_410] : memref<16x128xi32, #tpu.memory_space<vmem>> -> memref<1x128xi32, #tpu.memory_space<vmem>>
      %dma_wait3A_412 = tpu.memref_squeeze %dma_wait3A_411 : memref<1x128xi32, #tpu.memory_space<vmem>> -> memref<128xi32, #tpu.memory_space<vmem>>
      %dma_wait3A_413 = arith.constant 0 : i32
      %dma_wait3A_414 = arith.constant 0 : i32
      %dma_wait3A_415 = tpu.memref_slice %arg2[%dma_wait3A_413, %dma_wait3A_414] : memref<10240x128xf32, #tpu.memory_space<hbm>> -> memref<10240x128xf32, #tpu.memory_space<hbm>>
      tpu.wait_indirect_dma semaphore(%arg11 : memref<!tpu.dma_semaphore, #tpu.memory_space<semaphore_mem>>) src(%dma_wait3A_415 : memref<10240x128xf32, #tpu.memory_space<hbm>>) dst(%arg7 : memref<128x128xf32, #tpu.memory_space<vmem>>)
      %dma_wait3A_416 = arith.constant 11 : i32
      %dma_wait3A_417 = arith.constant 0 : i32
      %dma_wait3A_418 = tpu.memref_slice %arg10[%dma_wait3A_416, %dma_wait3A_417] : memref<16x128xi32, #tpu.memory_space<vmem>> -> memref<1x128xi32, #tpu.memory_space<vmem>>
      %dma_wait3A_419 = tpu.memref_squeeze %dma_wait3A_418 : memref<1x128xi32, #tpu.memory_space<vmem>> -> memref<128xi32, #tpu.memory_space<vmem>>
      %dma_wait3A_420 = arith.constant 0 : i32
      %dma_wait3A_421 = arith.constant 0 : i32
      %dma_wait3A_422 = tpu.memref_slice %arg6[%dma_wait3A_420, %dma_wait3A_421] : memref<10240x128xf32, #tpu.memory_space<vmem_shared>> -> memref<10240x128xf32, #tpu.memory_space<vmem_shared>>
      tpu.wait_indirect_dma semaphore(%arg14 : memref<!tpu.dma_semaphore, #tpu.memory_space<semaphore_mem>>) src(%arg8 : memref<128x128xf32, #tpu.memory_space<vmem>>) dst(%dma_wait3A_422 : memref<10240x128xf32, #tpu.memory_space<vmem_shared>>)
      %dma_start3A_423 = arith.constant 13 : i32
      %dma_start3A_424 = arith.constant 0 : i32
      %dma_start3A_425 = tpu.memref_slice %arg9[%dma_start3A_423, %dma_start3A_424] : memref<16x128xi32, #tpu.memory_space<vmem>> -> memref<1x128xi32, #tpu.memory_space<vmem>>
      %dma_start3A_426 = tpu.memref_squeeze %dma_start3A_425 : memref<1x128xi32, #tpu.memory_space<vmem>> -> memref<128xi32, #tpu.memory_space<vmem>>
      %dma_start3A_427 = arith.constant 0 : i32
      %dma_start3A_428 = arith.constant 0 : i32
      %dma_start3A_429 = tpu.memref_slice %arg2[%dma_start3A_427, %dma_start3A_428] : memref<10240x128xf32, #tpu.memory_space<hbm>> -> memref<10240x128xf32, #tpu.memory_space<hbm>>
      tpu.enqueue_indirect_dma source(%dma_start3A_429 : memref<10240x128xf32, #tpu.memory_space<hbm>>) target(%arg8 : memref<128x128xf32, #tpu.memory_space<vmem>>) offsets(%dma_start3A_426 : memref<128xi32, #tpu.memory_space<vmem>>) semaphore(%arg12 : memref<!tpu.dma_semaphore, #tpu.memory_space<semaphore_mem>>)
      %dma_start3A_430 = arith.constant 12 : i32
      %dma_start3A_431 = arith.constant 0 : i32
      %dma_start3A_432 = tpu.memref_slice %arg10[%dma_start3A_430, %dma_start3A_431] : memref<16x128xi32, #tpu.memory_space<vmem>> -> memref<1x128xi32, #tpu.memory_space<vmem>>
      %dma_start3A_433 = tpu.memref_squeeze %dma_start3A_432 : memref<1x128xi32, #tpu.memory_space<vmem>> -> memref<128xi32, #tpu.memory_space<vmem>>
      %dma_start3A_434 = arith.constant 0 : i32
      %dma_start3A_435 = arith.constant 0 : i32
      %dma_start3A_436 = tpu.memref_slice %arg6[%dma_start3A_434, %dma_start3A_435] : memref<10240x128xf32, #tpu.memory_space<vmem_shared>> -> memref<10240x128xf32, #tpu.memory_space<vmem_shared>>
      tpu.enqueue_indirect_dma source(%arg7 : memref<128x128xf32, #tpu.memory_space<vmem>>) target(%dma_start3A_436 : memref<10240x128xf32, #tpu.memory_space<vmem_shared>>) offsets(%dma_start3A_433 : memref<128xi32, #tpu.memory_space<vmem>>) semaphore(%arg13 : memref<!tpu.dma_semaphore, #tpu.memory_space<semaphore_mem>>) {add = true}
      %dma_wait3A_437 = arith.constant 13 : i32
      %dma_wait3A_438 = arith.constant 0 : i32
      %dma_wait3A_439 = tpu.memref_slice %arg9[%dma_wait3A_437, %dma_wait3A_438] : memref<16x128xi32, #tpu.memory_space<vmem>> -> memref<1x128xi32, #tpu.memory_space<vmem>>
      %dma_wait3A_440 = tpu.memref_squeeze %dma_wait3A_439 : memref<1x128xi32, #tpu.memory_space<vmem>> -> memref<128xi32, #tpu.memory_space<vmem>>
      %dma_wait3A_441 = arith.constant 0 : i32
      %dma_wait3A_442 = arith.constant 0 : i32
      %dma_wait3A_443 = tpu.memref_slice %arg2[%dma_wait3A_441, %dma_wait3A_442] : memref<10240x128xf32, #tpu.memory_space<hbm>> -> memref<10240x128xf32, #tpu.memory_space<hbm>>
      tpu.wait_indirect_dma semaphore(%arg12 : memref<!tpu.dma_semaphore, #tpu.memory_space<semaphore_mem>>) src(%dma_wait3A_443 : memref<10240x128xf32, #tpu.memory_space<hbm>>) dst(%arg8 : memref<128x128xf32, #tpu.memory_space<vmem>>)
      %dma_wait3A_444 = arith.constant 12 : i32
      %dma_wait3A_445 = arith.constant 0 : i32
      %dma_wait3A_446 = tpu.memref_slice %arg10[%dma_wait3A_444, %dma_wait3A_445] : memref<16x128xi32, #tpu.memory_space<vmem>> -> memref<1x128xi32, #tpu.memory_space<vmem>>
      %dma_wait3A_447 = tpu.memref_squeeze %dma_wait3A_446 : memref<1x128xi32, #tpu.memory_space<vmem>> -> memref<128xi32, #tpu.memory_space<vmem>>
      %dma_wait3A_448 = arith.constant 0 : i32
      %dma_wait3A_449 = arith.constant 0 : i32
      %dma_wait3A_450 = tpu.memref_slice %arg6[%dma_wait3A_448, %dma_wait3A_449] : memref<10240x128xf32, #tpu.memory_space<vmem_shared>> -> memref<10240x128xf32, #tpu.memory_space<vmem_shared>>
      tpu.wait_indirect_dma semaphore(%arg13 : memref<!tpu.dma_semaphore, #tpu.memory_space<semaphore_mem>>) src(%arg7 : memref<128x128xf32, #tpu.memory_space<vmem>>) dst(%dma_wait3A_450 : memref<10240x128xf32, #tpu.memory_space<vmem_shared>>)
      %dma_start3A_451 = arith.constant 14 : i32
      %dma_start3A_452 = arith.constant 0 : i32
      %dma_start3A_453 = tpu.memref_slice %arg9[%dma_start3A_451, %dma_start3A_452] : memref<16x128xi32, #tpu.memory_space<vmem>> -> memref<1x128xi32, #tpu.memory_space<vmem>>
      %dma_start3A_454 = tpu.memref_squeeze %dma_start3A_453 : memref<1x128xi32, #tpu.memory_space<vmem>> -> memref<128xi32, #tpu.memory_space<vmem>>
      %dma_start3A_455 = arith.constant 0 : i32
      %dma_start3A_456 = arith.constant 0 : i32
      %dma_start3A_457 = tpu.memref_slice %arg2[%dma_start3A_455, %dma_start3A_456] : memref<10240x128xf32, #tpu.memory_space<hbm>> -> memref<10240x128xf32, #tpu.memory_space<hbm>>
      tpu.enqueue_indirect_dma source(%dma_start3A_457 : memref<10240x128xf32, #tpu.memory_space<hbm>>) target(%arg7 : memref<128x128xf32, #tpu.memory_space<vmem>>) offsets(%dma_start3A_454 : memref<128xi32, #tpu.memory_space<vmem>>) semaphore(%arg11 : memref<!tpu.dma_semaphore, #tpu.memory_space<semaphore_mem>>)
      %dma_start3A_458 = arith.constant 13 : i32
      %dma_start3A_459 = arith.constant 0 : i32
      %dma_start3A_460 = tpu.memref_slice %arg10[%dma_start3A_458, %dma_start3A_459] : memref<16x128xi32, #tpu.memory_space<vmem>> -> memref<1x128xi32, #tpu.memory_space<vmem>>
      %dma_start3A_461 = tpu.memref_squeeze %dma_start3A_460 : memref<1x128xi32, #tpu.memory_space<vmem>> -> memref<128xi32, #tpu.memory_space<vmem>>
      %dma_start3A_462 = arith.constant 0 : i32
      %dma_start3A_463 = arith.constant 0 : i32
      %dma_start3A_464 = tpu.memref_slice %arg6[%dma_start3A_462, %dma_start3A_463] : memref<10240x128xf32, #tpu.memory_space<vmem_shared>> -> memref<10240x128xf32, #tpu.memory_space<vmem_shared>>
      tpu.enqueue_indirect_dma source(%arg8 : memref<128x128xf32, #tpu.memory_space<vmem>>) target(%dma_start3A_464 : memref<10240x128xf32, #tpu.memory_space<vmem_shared>>) offsets(%dma_start3A_461 : memref<128xi32, #tpu.memory_space<vmem>>) semaphore(%arg14 : memref<!tpu.dma_semaphore, #tpu.memory_space<semaphore_mem>>) {add = true}
      %dma_wait3A_465 = arith.constant 14 : i32
      %dma_wait3A_466 = arith.constant 0 : i32
      %dma_wait3A_467 = tpu.memref_slice %arg9[%dma_wait3A_465, %dma_wait3A_466] : memref<16x128xi32, #tpu.memory_space<vmem>> -> memref<1x128xi32, #tpu.memory_space<vmem>>
      %dma_wait3A_468 = tpu.memref_squeeze %dma_wait3A_467 : memref<1x128xi32, #tpu.memory_space<vmem>> -> memref<128xi32, #tpu.memory_space<vmem>>
      %dma_wait3A_469 = arith.constant 0 : i32
      %dma_wait3A_470 = arith.constant 0 : i32
      %dma_wait3A_471 = tpu.memref_slice %arg2[%dma_wait3A_469, %dma_wait3A_470] : memref<10240x128xf32, #tpu.memory_space<hbm>> -> memref<10240x128xf32, #tpu.memory_space<hbm>>
      tpu.wait_indirect_dma semaphore(%arg11 : memref<!tpu.dma_semaphore, #tpu.memory_space<semaphore_mem>>) src(%dma_wait3A_471 : memref<10240x128xf32, #tpu.memory_space<hbm>>) dst(%arg7 : memref<128x128xf32, #tpu.memory_space<vmem>>)
      %dma_wait3A_472 = arith.constant 13 : i32
      %dma_wait3A_473 = arith.constant 0 : i32
      %dma_wait3A_474 = tpu.memref_slice %arg10[%dma_wait3A_472, %dma_wait3A_473] : memref<16x128xi32, #tpu.memory_space<vmem>> -> memref<1x128xi32, #tpu.memory_space<vmem>>
      %dma_wait3A_475 = tpu.memref_squeeze %dma_wait3A_474 : memref<1x128xi32, #tpu.memory_space<vmem>> -> memref<128xi32, #tpu.memory_space<vmem>>
      %dma_wait3A_476 = arith.constant 0 : i32
      %dma_wait3A_477 = arith.constant 0 : i32
      %dma_wait3A_478 = tpu.memref_slice %arg6[%dma_wait3A_476, %dma_wait3A_477] : memref<10240x128xf32, #tpu.memory_space<vmem_shared>> -> memref<10240x128xf32, #tpu.memory_space<vmem_shared>>
      tpu.wait_indirect_dma semaphore(%arg14 : memref<!tpu.dma_semaphore, #tpu.memory_space<semaphore_mem>>) src(%arg8 : memref<128x128xf32, #tpu.memory_space<vmem>>) dst(%dma_wait3A_478 : memref<10240x128xf32, #tpu.memory_space<vmem_shared>>)
      %dma_start3A_479 = arith.constant 15 : i32
      %dma_start3A_480 = arith.constant 0 : i32
      %dma_start3A_481 = tpu.memref_slice %arg9[%dma_start3A_479, %dma_start3A_480] : memref<16x128xi32, #tpu.memory_space<vmem>> -> memref<1x128xi32, #tpu.memory_space<vmem>>
      %dma_start3A_482 = tpu.memref_squeeze %dma_start3A_481 : memref<1x128xi32, #tpu.memory_space<vmem>> -> memref<128xi32, #tpu.memory_space<vmem>>
      %dma_start3A_483 = arith.constant 0 : i32
      %dma_start3A_484 = arith.constant 0 : i32
      %dma_start3A_485 = tpu.memref_slice %arg2[%dma_start3A_483, %dma_start3A_484] : memref<10240x128xf32, #tpu.memory_space<hbm>> -> memref<10240x128xf32, #tpu.memory_space<hbm>>
      tpu.enqueue_indirect_dma source(%dma_start3A_485 : memref<10240x128xf32, #tpu.memory_space<hbm>>) target(%arg8 : memref<128x128xf32, #tpu.memory_space<vmem>>) offsets(%dma_start3A_482 : memref<128xi32, #tpu.memory_space<vmem>>) semaphore(%arg12 : memref<!tpu.dma_semaphore, #tpu.memory_space<semaphore_mem>>)
      %dma_start3A_486 = arith.constant 14 : i32
      %dma_start3A_487 = arith.constant 0 : i32
      %dma_start3A_488 = tpu.memref_slice %arg10[%dma_start3A_486, %dma_start3A_487] : memref<16x128xi32, #tpu.memory_space<vmem>> -> memref<1x128xi32, #tpu.memory_space<vmem>>
      %dma_start3A_489 = tpu.memref_squeeze %dma_start3A_488 : memref<1x128xi32, #tpu.memory_space<vmem>> -> memref<128xi32, #tpu.memory_space<vmem>>
      %dma_start3A_490 = arith.constant 0 : i32
      %dma_start3A_491 = arith.constant 0 : i32
      %dma_start3A_492 = tpu.memref_slice %arg6[%dma_start3A_490, %dma_start3A_491] : memref<10240x128xf32, #tpu.memory_space<vmem_shared>> -> memref<10240x128xf32, #tpu.memory_space<vmem_shared>>
      tpu.enqueue_indirect_dma source(%arg7 : memref<128x128xf32, #tpu.memory_space<vmem>>) target(%dma_start3A_492 : memref<10240x128xf32, #tpu.memory_space<vmem_shared>>) offsets(%dma_start3A_489 : memref<128xi32, #tpu.memory_space<vmem>>) semaphore(%arg13 : memref<!tpu.dma_semaphore, #tpu.memory_space<semaphore_mem>>) {add = true}
      %dma_wait3A_493 = arith.constant 15 : i32
      %dma_wait3A_494 = arith.constant 0 : i32
      %dma_wait3A_495 = tpu.memref_slice %arg9[%dma_wait3A_493, %dma_wait3A_494] : memref<16x128xi32, #tpu.memory_space<vmem>> -> memref<1x128xi32, #tpu.memory_space<vmem>>
      %dma_wait3A_496 = tpu.memref_squeeze %dma_wait3A_495 : memref<1x128xi32, #tpu.memory_space<vmem>> -> memref<128xi32, #tpu.memory_space<vmem>>
      %dma_wait3A_497 = arith.constant 0 : i32
      %dma_wait3A_498 = arith.constant 0 : i32
      %dma_wait3A_499 = tpu.memref_slice %arg2[%dma_wait3A_497, %dma_wait3A_498] : memref<10240x128xf32, #tpu.memory_space<hbm>> -> memref<10240x128xf32, #tpu.memory_space<hbm>>
      tpu.wait_indirect_dma semaphore(%arg12 : memref<!tpu.dma_semaphore, #tpu.memory_space<semaphore_mem>>) src(%dma_wait3A_499 : memref<10240x128xf32, #tpu.memory_space<hbm>>) dst(%arg8 : memref<128x128xf32, #tpu.memory_space<vmem>>)
      %dma_start3A_500 = arith.constant 15 : i32
      %dma_start3A_501 = arith.constant 0 : i32
      %dma_start3A_502 = tpu.memref_slice %arg10[%dma_start3A_500, %dma_start3A_501] : memref<16x128xi32, #tpu.memory_space<vmem>> -> memref<1x128xi32, #tpu.memory_space<vmem>>
      %dma_start3A_503 = tpu.memref_squeeze %dma_start3A_502 : memref<1x128xi32, #tpu.memory_space<vmem>> -> memref<128xi32, #tpu.memory_space<vmem>>
      %dma_start3A_504 = arith.constant 0 : i32
      %dma_start3A_505 = arith.constant 0 : i32
      %dma_start3A_506 = tpu.memref_slice %arg6[%dma_start3A_504, %dma_start3A_505] : memref<10240x128xf32, #tpu.memory_space<vmem_shared>> -> memref<10240x128xf32, #tpu.memory_space<vmem_shared>>
      tpu.enqueue_indirect_dma source(%arg8 : memref<128x128xf32, #tpu.memory_space<vmem>>) target(%dma_start3A_506 : memref<10240x128xf32, #tpu.memory_space<vmem_shared>>) offsets(%dma_start3A_503 : memref<128xi32, #tpu.memory_space<vmem>>) semaphore(%arg14 : memref<!tpu.dma_semaphore, #tpu.memory_space<semaphore_mem>>) {add = true}
      %dma_wait3A_507 = arith.constant 14 : i32
      %dma_wait3A_508 = arith.constant 0 : i32
      %dma_wait3A_509 = tpu.memref_slice %arg10[%dma_wait3A_507, %dma_wait3A_508] : memref<16x128xi32, #tpu.memory_space<vmem>> -> memref<1x128xi32, #tpu.memory_space<vmem>>
      %dma_wait3A_510 = tpu.memref_squeeze %dma_wait3A_509 : memref<1x128xi32, #tpu.memory_space<vmem>> -> memref<128xi32, #tpu.memory_space<vmem>>
      %dma_wait3A_511 = arith.constant 0 : i32
      %dma_wait3A_512 = arith.constant 0 : i32
      %dma_wait3A_513 = tpu.memref_slice %arg6[%dma_wait3A_511, %dma_wait3A_512] : memref<10240x128xf32, #tpu.memory_space<vmem_shared>> -> memref<10240x128xf32, #tpu.memory_space<vmem_shared>>
      tpu.wait_indirect_dma semaphore(%arg13 : memref<!tpu.dma_semaphore, #tpu.memory_space<semaphore_mem>>) src(%arg7 : memref<128x128xf32, #tpu.memory_space<vmem>>) dst(%dma_wait3A_513 : memref<10240x128xf32, #tpu.memory_space<vmem_shared>>)
      %dma_wait3A_514 = arith.constant 15 : i32
      %dma_wait3A_515 = arith.constant 0 : i32
      %dma_wait3A_516 = tpu.memref_slice %arg10[%dma_wait3A_514, %dma_wait3A_515] : memref<16x128xi32, #tpu.memory_space<vmem>> -> memref<1x128xi32, #tpu.memory_space<vmem>>
      %dma_wait3A_517 = tpu.memref_squeeze %dma_wait3A_516 : memref<1x128xi32, #tpu.memory_space<vmem>> -> memref<128xi32, #tpu.memory_space<vmem>>
      %dma_wait3A_518 = arith.constant 0 : i32
      %dma_wait3A_519 = arith.constant 0 : i32
      %dma_wait3A_520 = tpu.memref_slice %arg6[%dma_wait3A_518, %dma_wait3A_519] : memref<10240x128xf32, #tpu.memory_space<vmem_shared>> -> memref<10240x128xf32, #tpu.memory_space<vmem_shared>>
      tpu.wait_indirect_dma semaphore(%arg14 : memref<!tpu.dma_semaphore, #tpu.memory_space<semaphore_mem>>) src(%arg8 : memref<128x128xf32, #tpu.memory_space<vmem>>) dst(%dma_wait3A_520 : memref<10240x128xf32, #tpu.memory_space<vmem_shared>>)
    }
    %while3A_63 = arith.constant 1 : i32
    scf.for %while3A_69 = %while3A_61 to %while3A_57 step %while3A_63  : i32 {
      %mul3A_70 = arith.muli %while3A_69, %while3A : i32
      %add3A_71 = arith.addi %while3A_54, %mul3A_70 : i32
      %mul3A_72 = arith.constant 16 : i32
      %mul3A_73 = arith.muli %add3A_71, %mul3A_72 : i32
      %add3A_74 = arith.addi %select_n3A_27, %mul3A_73 : i32
      "tpu.region"() ({
        %run_scoped3A = tpu.sem_alloc : memref<!tpu.dma_semaphore, #tpu.memory_space<semaphore_mem>>
        %dma_start3A_521 = arith.constant 0 : i32
        %dma_start3A_522 = tpu.memref_slice %arg3[%add3A_74, %dma_start3A_521] : memref<2560x128xi32, #tpu.memory_space<hbm>> -> memref<16x128xi32, #tpu.memory_space<hbm>>
        %dma_start3A_523 = arith.constant 0 : i32
        %dma_start3A_524 = tpu.memref_slice %arg3[%add3A_74, %dma_start3A_523] : memref<2560x128xi32, #tpu.memory_space<hbm>> -> memref<16x128xi32, #tpu.memory_space<hbm>>
        tpu.enqueue_dma source(%dma_start3A_524 : memref<16x128xi32, #tpu.memory_space<hbm>>) target(%arg9 : memref<16x128xi32, #tpu.memory_space<vmem>>) target_semaphore(%run_scoped3A : memref<!tpu.dma_semaphore, #tpu.memory_space<semaphore_mem>>)
        %dma_wait3A_525 = arith.constant 0 : i32
        %dma_wait3A_526 = tpu.memref_slice %arg3[%add3A_74, %dma_wait3A_525] : memref<2560x128xi32, #tpu.memory_space<hbm>> -> memref<16x128xi32, #tpu.memory_space<hbm>>
        %dma_wait3A_527 = arith.constant 0 : i32
        %dma_wait3A_528 = tpu.memref_slice %arg3[%add3A_74, %dma_wait3A_527] : memref<2560x128xi32, #tpu.memory_space<hbm>> -> memref<16x128xi32, #tpu.memory_space<hbm>>
        tpu.wait_dma2 semaphore(%run_scoped3A : memref<!tpu.dma_semaphore, #tpu.memory_space<semaphore_mem>>) src(%dma_wait3A_528 : memref<16x128xi32, #tpu.memory_space<hbm>>) dst(%arg9 : memref<16x128xi32, #tpu.memory_space<vmem>>)
        tpu.yield
      }) : () -> ()
      "tpu.region"() ({
        %run_scoped3A = tpu.sem_alloc : memref<!tpu.dma_semaphore, #tpu.memory_space<semaphore_mem>>
        %dma_start3A_521 = arith.constant 0 : i32
        %dma_start3A_522 = tpu.memref_slice %arg4[%add3A_74, %dma_start3A_521] : memref<2560x128xi32, #tpu.memory_space<hbm>> -> memref<16x128xi32, #tpu.memory_space<hbm>>
        %dma_start3A_523 = arith.constant 0 : i32
        %dma_start3A_524 = tpu.memref_slice %arg4[%add3A_74, %dma_start3A_523] : memref<2560x128xi32, #tpu.memory_space<hbm>> -> memref<16x128xi32, #tpu.memory_space<hbm>>
        tpu.enqueue_dma source(%dma_start3A_524 : memref<16x128xi32, #tpu.memory_space<hbm>>) target(%arg10 : memref<16x128xi32, #tpu.memory_space<vmem>>) target_semaphore(%run_scoped3A : memref<!tpu.dma_semaphore, #tpu.memory_space<semaphore_mem>>)
        %dma_wait3A_525 = arith.constant 0 : i32
        %dma_wait3A_526 = tpu.memref_slice %arg4[%add3A_74, %dma_wait3A_525] : memref<2560x128xi32, #tpu.memory_space<hbm>> -> memref<16x128xi32, #tpu.memory_space<hbm>>
        %dma_wait3A_527 = arith.constant 0 : i32
        %dma_wait3A_528 = tpu.memref_slice %arg4[%add3A_74, %dma_wait3A_527] : memref<2560x128xi32, #tpu.memory_space<hbm>> -> memref<16x128xi32, #tpu.memory_space<hbm>>
        tpu.wait_dma2 semaphore(%run_scoped3A : memref<!tpu.dma_semaphore, #tpu.memory_space<semaphore_mem>>) src(%dma_wait3A_528 : memref<16x128xi32, #tpu.memory_space<hbm>>) dst(%arg10 : memref<16x128xi32, #tpu.memory_space<vmem>>)
        tpu.yield
      }) : () -> ()
      %dma_start3A = arith.constant 0 : i32
      %dma_start3A_75 = arith.constant 0 : i32
      %dma_start3A_76 = tpu.memref_slice %arg9[%dma_start3A, %dma_start3A_75] : memref<16x128xi32, #tpu.memory_space<vmem>> -> memref<1x128xi32, #tpu.memory_space<vmem>>
      %dma_start3A_77 = tpu.memref_squeeze %dma_start3A_76 : memref<1x128xi32, #tpu.memory_space<vmem>> -> memref<128xi32, #tpu.memory_space<vmem>>
      %dma_start3A_78 = arith.constant 0 : i32
      %dma_start3A_79 = arith.constant 0 : i32
      %dma_start3A_80 = tpu.memref_slice %arg2[%dma_start3A_78, %dma_start3A_79] : memref<10240x128xf32, #tpu.memory_space<hbm>> -> memref<10240x128xf32, #tpu.memory_space<hbm>>
      tpu.enqueue_indirect_dma source(%dma_start3A_80 : memref<10240x128xf32, #tpu.memory_space<hbm>>) target(%arg7 : memref<128x128xf32, #tpu.memory_space<vmem>>) offsets(%dma_start3A_77 : memref<128xi32, #tpu.memory_space<vmem>>) semaphore(%arg11 : memref<!tpu.dma_semaphore, #tpu.memory_space<semaphore_mem>>)
      %dma_wait3A = arith.constant 0 : i32
      %dma_wait3A_81 = arith.constant 0 : i32
      %dma_wait3A_82 = tpu.memref_slice %arg9[%dma_wait3A, %dma_wait3A_81] : memref<16x128xi32, #tpu.memory_space<vmem>> -> memref<1x128xi32, #tpu.memory_space<vmem>>
      %dma_wait3A_83 = tpu.memref_squeeze %dma_wait3A_82 : memref<1x128xi32, #tpu.memory_space<vmem>> -> memref<128xi32, #tpu.memory_space<vmem>>
      %dma_wait3A_84 = arith.constant 0 : i32
      %dma_wait3A_85 = arith.constant 0 : i32
      %dma_wait3A_86 = tpu.memref_slice %arg2[%dma_wait3A_84, %dma_wait3A_85] : memref<10240x128xf32, #tpu.memory_space<hbm>> -> memref<10240x128xf32, #tpu.memory_space<hbm>>
      tpu.wait_indirect_dma semaphore(%arg11 : memref<!tpu.dma_semaphore, #tpu.memory_space<semaphore_mem>>) src(%dma_wait3A_86 : memref<10240x128xf32, #tpu.memory_space<hbm>>) dst(%arg7 : memref<128x128xf32, #tpu.memory_space<vmem>>)
      %dma_start3A_87 = arith.constant 1 : i32
      %dma_start3A_88 = arith.constant 0 : i32
      %dma_start3A_89 = tpu.memref_slice %arg9[%dma_start3A_87, %dma_start3A_88] : memref<16x128xi32, #tpu.memory_space<vmem>> -> memref<1x128xi32, #tpu.memory_space<vmem>>
      %dma_start3A_90 = tpu.memref_squeeze %dma_start3A_89 : memref<1x128xi32, #tpu.memory_space<vmem>> -> memref<128xi32, #tpu.memory_space<vmem>>
      %dma_start3A_91 = arith.constant 0 : i32
      %dma_start3A_92 = arith.constant 0 : i32
      %dma_start3A_93 = tpu.memref_slice %arg2[%dma_start3A_91, %dma_start3A_92] : memref<10240x128xf32, #tpu.memory_space<hbm>> -> memref<10240x128xf32, #tpu.memory_space<hbm>>
      tpu.enqueue_indirect_dma source(%dma_start3A_93 : memref<10240x128xf32, #tpu.memory_space<hbm>>) target(%arg8 : memref<128x128xf32, #tpu.memory_space<vmem>>) offsets(%dma_start3A_90 : memref<128xi32, #tpu.memory_space<vmem>>) semaphore(%arg12 : memref<!tpu.dma_semaphore, #tpu.memory_space<semaphore_mem>>)
      %dma_start3A_94 = arith.constant 0 : i32
      %dma_start3A_95 = arith.constant 0 : i32
      %dma_start3A_96 = tpu.memref_slice %arg10[%dma_start3A_94, %dma_start3A_95] : memref<16x128xi32, #tpu.memory_space<vmem>> -> memref<1x128xi32, #tpu.memory_space<vmem>>
      %dma_start3A_97 = tpu.memref_squeeze %dma_start3A_96 : memref<1x128xi32, #tpu.memory_space<vmem>> -> memref<128xi32, #tpu.memory_space<vmem>>
      %dma_start3A_98 = arith.constant 0 : i32
      %dma_start3A_99 = arith.constant 0 : i32
      %dma_start3A_100 = tpu.memref_slice %arg6[%dma_start3A_98, %dma_start3A_99] : memref<10240x128xf32, #tpu.memory_space<vmem_shared>> -> memref<10240x128xf32, #tpu.memory_space<vmem_shared>>
      tpu.enqueue_indirect_dma source(%arg7 : memref<128x128xf32, #tpu.memory_space<vmem>>) target(%dma_start3A_100 : memref<10240x128xf32, #tpu.memory_space<vmem_shared>>) offsets(%dma_start3A_97 : memref<128xi32, #tpu.memory_space<vmem>>) semaphore(%arg13 : memref<!tpu.dma_semaphore, #tpu.memory_space<semaphore_mem>>) {add = true}
      %dma_wait3A_101 = arith.constant 1 : i32
      %dma_wait3A_102 = arith.constant 0 : i32
      %dma_wait3A_103 = tpu.memref_slice %arg9[%dma_wait3A_101, %dma_wait3A_102] : memref<16x128xi32, #tpu.memory_space<vmem>> -> memref<1x128xi32, #tpu.memory_space<vmem>>
      %dma_wait3A_104 = tpu.memref_squeeze %dma_wait3A_103 : memref<1x128xi32, #tpu.memory_space<vmem>> -> memref<128xi32, #tpu.memory_space<vmem>>
      %dma_wait3A_105 = arith.constant 0 : i32
      %dma_wait3A_106 = arith.constant 0 : i32
      %dma_wait3A_107 = tpu.memref_slice %arg2[%dma_wait3A_105, %dma_wait3A_106] : memref<10240x128xf32, #tpu.memory_space<hbm>> -> memref<10240x128xf32, #tpu.memory_space<hbm>>
      tpu.wait_indirect_dma semaphore(%arg12 : memref<!tpu.dma_semaphore, #tpu.memory_space<semaphore_mem>>) src(%dma_wait3A_107 : memref<10240x128xf32, #tpu.memory_space<hbm>>) dst(%arg8 : memref<128x128xf32, #tpu.memory_space<vmem>>)
      %dma_wait3A_108 = arith.constant 0 : i32
      %dma_wait3A_109 = arith.constant 0 : i32
      %dma_wait3A_110 = tpu.memref_slice %arg10[%dma_wait3A_108, %dma_wait3A_109] : memref<16x128xi32, #tpu.memory_space<vmem>> -> memref<1x128xi32, #tpu.memory_space<vmem>>
      %dma_wait3A_111 = tpu.memref_squeeze %dma_wait3A_110 : memref<1x128xi32, #tpu.memory_space<vmem>> -> memref<128xi32, #tpu.memory_space<vmem>>
      %dma_wait3A_112 = arith.constant 0 : i32
      %dma_wait3A_113 = arith.constant 0 : i32
      %dma_wait3A_114 = tpu.memref_slice %arg6[%dma_wait3A_112, %dma_wait3A_113] : memref<10240x128xf32, #tpu.memory_space<vmem_shared>> -> memref<10240x128xf32, #tpu.memory_space<vmem_shared>>
      tpu.wait_indirect_dma semaphore(%arg13 : memref<!tpu.dma_semaphore, #tpu.memory_space<semaphore_mem>>) src(%arg7 : memref<128x128xf32, #tpu.memory_space<vmem>>) dst(%dma_wait3A_114 : memref<10240x128xf32, #tpu.memory_space<vmem_shared>>)
      %dma_start3A_115 = arith.constant 2 : i32
      %dma_start3A_116 = arith.constant 0 : i32
      %dma_start3A_117 = tpu.memref_slice %arg9[%dma_start3A_115, %dma_start3A_116] : memref<16x128xi32, #tpu.memory_space<vmem>> -> memref<1x128xi32, #tpu.memory_space<vmem>>
      %dma_start3A_118 = tpu.memref_squeeze %dma_start3A_117 : memref<1x128xi32, #tpu.memory_space<vmem>> -> memref<128xi32, #tpu.memory_space<vmem>>
      %dma_start3A_119 = arith.constant 0 : i32
      %dma_start3A_120 = arith.constant 0 : i32
      %dma_start3A_121 = tpu.memref_slice %arg2[%dma_start3A_119, %dma_start3A_120] : memref<10240x128xf32, #tpu.memory_space<hbm>> -> memref<10240x128xf32, #tpu.memory_space<hbm>>
      tpu.enqueue_indirect_dma source(%dma_start3A_121 : memref<10240x128xf32, #tpu.memory_space<hbm>>) target(%arg7 : memref<128x128xf32, #tpu.memory_space<vmem>>) offsets(%dma_start3A_118 : memref<128xi32, #tpu.memory_space<vmem>>) semaphore(%arg11 : memref<!tpu.dma_semaphore, #tpu.memory_space<semaphore_mem>>)
      %dma_start3A_122 = arith.constant 1 : i32
      %dma_start3A_123 = arith.constant 0 : i32
      %dma_start3A_124 = tpu.memref_slice %arg10[%dma_start3A_122, %dma_start3A_123] : memref<16x128xi32, #tpu.memory_space<vmem>> -> memref<1x128xi32, #tpu.memory_space<vmem>>
      %dma_start3A_125 = tpu.memref_squeeze %dma_start3A_124 : memref<1x128xi32, #tpu.memory_space<vmem>> -> memref<128xi32, #tpu.memory_space<vmem>>
      %dma_start3A_126 = arith.constant 0 : i32
      %dma_start3A_127 = arith.constant 0 : i32
      %dma_start3A_128 = tpu.memref_slice %arg6[%dma_start3A_126, %dma_start3A_127] : memref<10240x128xf32, #tpu.memory_space<vmem_shared>> -> memref<10240x128xf32, #tpu.memory_space<vmem_shared>>
      tpu.enqueue_indirect_dma source(%arg8 : memref<128x128xf32, #tpu.memory_space<vmem>>) target(%dma_start3A_128 : memref<10240x128xf32, #tpu.memory_space<vmem_shared>>) offsets(%dma_start3A_125 : memref<128xi32, #tpu.memory_space<vmem>>) semaphore(%arg14 : memref<!tpu.dma_semaphore, #tpu.memory_space<semaphore_mem>>) {add = true}
      %dma_wait3A_129 = arith.constant 2 : i32
      %dma_wait3A_130 = arith.constant 0 : i32
      %dma_wait3A_131 = tpu.memref_slice %arg9[%dma_wait3A_129, %dma_wait3A_130] : memref<16x128xi32, #tpu.memory_space<vmem>> -> memref<1x128xi32, #tpu.memory_space<vmem>>
      %dma_wait3A_132 = tpu.memref_squeeze %dma_wait3A_131 : memref<1x128xi32, #tpu.memory_space<vmem>> -> memref<128xi32, #tpu.memory_space<vmem>>
      %dma_wait3A_133 = arith.constant 0 : i32
      %dma_wait3A_134 = arith.constant 0 : i32
      %dma_wait3A_135 = tpu.memref_slice %arg2[%dma_wait3A_133, %dma_wait3A_134] : memref<10240x128xf32, #tpu.memory_space<hbm>> -> memref<10240x128xf32, #tpu.memory_space<hbm>>
      tpu.wait_indirect_dma semaphore(%arg11 : memref<!tpu.dma_semaphore, #tpu.memory_space<semaphore_mem>>) src(%dma_wait3A_135 : memref<10240x128xf32, #tpu.memory_space<hbm>>) dst(%arg7 : memref<128x128xf32, #tpu.memory_space<vmem>>)
      %dma_wait3A_136 = arith.constant 1 : i32
      %dma_wait3A_137 = arith.constant 0 : i32
      %dma_wait3A_138 = tpu.memref_slice %arg10[%dma_wait3A_136, %dma_wait3A_137] : memref<16x128xi32, #tpu.memory_space<vmem>> -> memref<1x128xi32, #tpu.memory_space<vmem>>
      %dma_wait3A_139 = tpu.memref_squeeze %dma_wait3A_138 : memref<1x128xi32, #tpu.memory_space<vmem>> -> memref<128xi32, #tpu.memory_space<vmem>>
      %dma_wait3A_140 = arith.constant 0 : i32
      %dma_wait3A_141 = arith.constant 0 : i32
      %dma_wait3A_142 = tpu.memref_slice %arg6[%dma_wait3A_140, %dma_wait3A_141] : memref<10240x128xf32, #tpu.memory_space<vmem_shared>> -> memref<10240x128xf32, #tpu.memory_space<vmem_shared>>
      tpu.wait_indirect_dma semaphore(%arg14 : memref<!tpu.dma_semaphore, #tpu.memory_space<semaphore_mem>>) src(%arg8 : memref<128x128xf32, #tpu.memory_space<vmem>>) dst(%dma_wait3A_142 : memref<10240x128xf32, #tpu.memory_space<vmem_shared>>)
      %dma_start3A_143 = arith.constant 3 : i32
      %dma_start3A_144 = arith.constant 0 : i32
      %dma_start3A_145 = tpu.memref_slice %arg9[%dma_start3A_143, %dma_start3A_144] : memref<16x128xi32, #tpu.memory_space<vmem>> -> memref<1x128xi32, #tpu.memory_space<vmem>>
      %dma_start3A_146 = tpu.memref_squeeze %dma_start3A_145 : memref<1x128xi32, #tpu.memory_space<vmem>> -> memref<128xi32, #tpu.memory_space<vmem>>
      %dma_start3A_147 = arith.constant 0 : i32
      %dma_start3A_148 = arith.constant 0 : i32
      %dma_start3A_149 = tpu.memref_slice %arg2[%dma_start3A_147, %dma_start3A_148] : memref<10240x128xf32, #tpu.memory_space<hbm>> -> memref<10240x128xf32, #tpu.memory_space<hbm>>
      tpu.enqueue_indirect_dma source(%dma_start3A_149 : memref<10240x128xf32, #tpu.memory_space<hbm>>) target(%arg8 : memref<128x128xf32, #tpu.memory_space<vmem>>) offsets(%dma_start3A_146 : memref<128xi32, #tpu.memory_space<vmem>>) semaphore(%arg12 : memref<!tpu.dma_semaphore, #tpu.memory_space<semaphore_mem>>)
      %dma_start3A_150 = arith.constant 2 : i32
      %dma_start3A_151 = arith.constant 0 : i32
      %dma_start3A_152 = tpu.memref_slice %arg10[%dma_start3A_150, %dma_start3A_151] : memref<16x128xi32, #tpu.memory_space<vmem>> -> memref<1x128xi32, #tpu.memory_space<vmem>>
      %dma_start3A_153 = tpu.memref_squeeze %dma_start3A_152 : memref<1x128xi32, #tpu.memory_space<vmem>> -> memref<128xi32, #tpu.memory_space<vmem>>
      %dma_start3A_154 = arith.constant 0 : i32
      %dma_start3A_155 = arith.constant 0 : i32
      %dma_start3A_156 = tpu.memref_slice %arg6[%dma_start3A_154, %dma_start3A_155] : memref<10240x128xf32, #tpu.memory_space<vmem_shared>> -> memref<10240x128xf32, #tpu.memory_space<vmem_shared>>
      tpu.enqueue_indirect_dma source(%arg7 : memref<128x128xf32, #tpu.memory_space<vmem>>) target(%dma_start3A_156 : memref<10240x128xf32, #tpu.memory_space<vmem_shared>>) offsets(%dma_start3A_153 : memref<128xi32, #tpu.memory_space<vmem>>) semaphore(%arg13 : memref<!tpu.dma_semaphore, #tpu.memory_space<semaphore_mem>>) {add = true}
      %dma_wait3A_157 = arith.constant 3 : i32
      %dma_wait3A_158 = arith.constant 0 : i32
      %dma_wait3A_159 = tpu.memref_slice %arg9[%dma_wait3A_157, %dma_wait3A_158] : memref<16x128xi32, #tpu.memory_space<vmem>> -> memref<1x128xi32, #tpu.memory_space<vmem>>
      %dma_wait3A_160 = tpu.memref_squeeze %dma_wait3A_159 : memref<1x128xi32, #tpu.memory_space<vmem>> -> memref<128xi32, #tpu.memory_space<vmem>>
      %dma_wait3A_161 = arith.constant 0 : i32
      %dma_wait3A_162 = arith.constant 0 : i32
      %dma_wait3A_163 = tpu.memref_slice %arg2[%dma_wait3A_161, %dma_wait3A_162] : memref<10240x128xf32, #tpu.memory_space<hbm>> -> memref<10240x128xf32, #tpu.memory_space<hbm>>
      tpu.wait_indirect_dma semaphore(%arg12 : memref<!tpu.dma_semaphore, #tpu.memory_space<semaphore_mem>>) src(%dma_wait3A_163 : memref<10240x128xf32, #tpu.memory_space<hbm>>) dst(%arg8 : memref<128x128xf32, #tpu.memory_space<vmem>>)
      %dma_wait3A_164 = arith.constant 2 : i32
      %dma_wait3A_165 = arith.constant 0 : i32
      %dma_wait3A_166 = tpu.memref_slice %arg10[%dma_wait3A_164, %dma_wait3A_165] : memref<16x128xi32, #tpu.memory_space<vmem>> -> memref<1x128xi32, #tpu.memory_space<vmem>>
      %dma_wait3A_167 = tpu.memref_squeeze %dma_wait3A_166 : memref<1x128xi32, #tpu.memory_space<vmem>> -> memref<128xi32, #tpu.memory_space<vmem>>
      %dma_wait3A_168 = arith.constant 0 : i32
      %dma_wait3A_169 = arith.constant 0 : i32
      %dma_wait3A_170 = tpu.memref_slice %arg6[%dma_wait3A_168, %dma_wait3A_169] : memref<10240x128xf32, #tpu.memory_space<vmem_shared>> -> memref<10240x128xf32, #tpu.memory_space<vmem_shared>>
      tpu.wait_indirect_dma semaphore(%arg13 : memref<!tpu.dma_semaphore, #tpu.memory_space<semaphore_mem>>) src(%arg7 : memref<128x128xf32, #tpu.memory_space<vmem>>) dst(%dma_wait3A_170 : memref<10240x128xf32, #tpu.memory_space<vmem_shared>>)
      %dma_start3A_171 = arith.constant 4 : i32
      %dma_start3A_172 = arith.constant 0 : i32
      %dma_start3A_173 = tpu.memref_slice %arg9[%dma_start3A_171, %dma_start3A_172] : memref<16x128xi32, #tpu.memory_space<vmem>> -> memref<1x128xi32, #tpu.memory_space<vmem>>
      %dma_start3A_174 = tpu.memref_squeeze %dma_start3A_173 : memref<1x128xi32, #tpu.memory_space<vmem>> -> memref<128xi32, #tpu.memory_space<vmem>>
      %dma_start3A_175 = arith.constant 0 : i32
      %dma_start3A_176 = arith.constant 0 : i32
      %dma_start3A_177 = tpu.memref_slice %arg2[%dma_start3A_175, %dma_start3A_176] : memref<10240x128xf32, #tpu.memory_space<hbm>> -> memref<10240x128xf32, #tpu.memory_space<hbm>>
      tpu.enqueue_indirect_dma source(%dma_start3A_177 : memref<10240x128xf32, #tpu.memory_space<hbm>>) target(%arg7 : memref<128x128xf32, #tpu.memory_space<vmem>>) offsets(%dma_start3A_174 : memref<128xi32, #tpu.memory_space<vmem>>) semaphore(%arg11 : memref<!tpu.dma_semaphore, #tpu.memory_space<semaphore_mem>>)
      %dma_start3A_178 = arith.constant 3 : i32
      %dma_start3A_179 = arith.constant 0 : i32
      %dma_start3A_180 = tpu.memref_slice %arg10[%dma_start3A_178, %dma_start3A_179] : memref<16x128xi32, #tpu.memory_space<vmem>> -> memref<1x128xi32, #tpu.memory_space<vmem>>
      %dma_start3A_181 = tpu.memref_squeeze %dma_start3A_180 : memref<1x128xi32, #tpu.memory_space<vmem>> -> memref<128xi32, #tpu.memory_space<vmem>>
      %dma_start3A_182 = arith.constant 0 : i32
      %dma_start3A_183 = arith.constant 0 : i32
      %dma_start3A_184 = tpu.memref_slice %arg6[%dma_start3A_182, %dma_start3A_183] : memref<10240x128xf32, #tpu.memory_space<vmem_shared>> -> memref<10240x128xf32, #tpu.memory_space<vmem_shared>>
      tpu.enqueue_indirect_dma source(%arg8 : memref<128x128xf32, #tpu.memory_space<vmem>>) target(%dma_start3A_184 : memref<10240x128xf32, #tpu.memory_space<vmem_shared>>) offsets(%dma_start3A_181 : memref<128xi32, #tpu.memory_space<vmem>>) semaphore(%arg14 : memref<!tpu.dma_semaphore, #tpu.memory_space<semaphore_mem>>) {add = true}
      %dma_wait3A_185 = arith.constant 4 : i32
      %dma_wait3A_186 = arith.constant 0 : i32
      %dma_wait3A_187 = tpu.memref_slice %arg9[%dma_wait3A_185, %dma_wait3A_186] : memref<16x128xi32, #tpu.memory_space<vmem>> -> memref<1x128xi32, #tpu.memory_space<vmem>>
      %dma_wait3A_188 = tpu.memref_squeeze %dma_wait3A_187 : memref<1x128xi32, #tpu.memory_space<vmem>> -> memref<128xi32, #tpu.memory_space<vmem>>
      %dma_wait3A_189 = arith.constant 0 : i32
      %dma_wait3A_190 = arith.constant 0 : i32
      %dma_wait3A_191 = tpu.memref_slice %arg2[%dma_wait3A_189, %dma_wait3A_190] : memref<10240x128xf32, #tpu.memory_space<hbm>> -> memref<10240x128xf32, #tpu.memory_space<hbm>>
      tpu.wait_indirect_dma semaphore(%arg11 : memref<!tpu.dma_semaphore, #tpu.memory_space<semaphore_mem>>) src(%dma_wait3A_191 : memref<10240x128xf32, #tpu.memory_space<hbm>>) dst(%arg7 : memref<128x128xf32, #tpu.memory_space<vmem>>)
      %dma_wait3A_192 = arith.constant 3 : i32
      %dma_wait3A_193 = arith.constant 0 : i32
      %dma_wait3A_194 = tpu.memref_slice %arg10[%dma_wait3A_192, %dma_wait3A_193] : memref<16x128xi32, #tpu.memory_space<vmem>> -> memref<1x128xi32, #tpu.memory_space<vmem>>
      %dma_wait3A_195 = tpu.memref_squeeze %dma_wait3A_194 : memref<1x128xi32, #tpu.memory_space<vmem>> -> memref<128xi32, #tpu.memory_space<vmem>>
      %dma_wait3A_196 = arith.constant 0 : i32
      %dma_wait3A_197 = arith.constant 0 : i32
      %dma_wait3A_198 = tpu.memref_slice %arg6[%dma_wait3A_196, %dma_wait3A_197] : memref<10240x128xf32, #tpu.memory_space<vmem_shared>> -> memref<10240x128xf32, #tpu.memory_space<vmem_shared>>
      tpu.wait_indirect_dma semaphore(%arg14 : memref<!tpu.dma_semaphore, #tpu.memory_space<semaphore_mem>>) src(%arg8 : memref<128x128xf32, #tpu.memory_space<vmem>>) dst(%dma_wait3A_198 : memref<10240x128xf32, #tpu.memory_space<vmem_shared>>)
      %dma_start3A_199 = arith.constant 5 : i32
      %dma_start3A_200 = arith.constant 0 : i32
      %dma_start3A_201 = tpu.memref_slice %arg9[%dma_start3A_199, %dma_start3A_200] : memref<16x128xi32, #tpu.memory_space<vmem>> -> memref<1x128xi32, #tpu.memory_space<vmem>>
      %dma_start3A_202 = tpu.memref_squeeze %dma_start3A_201 : memref<1x128xi32, #tpu.memory_space<vmem>> -> memref<128xi32, #tpu.memory_space<vmem>>
      %dma_start3A_203 = arith.constant 0 : i32
      %dma_start3A_204 = arith.constant 0 : i32
      %dma_start3A_205 = tpu.memref_slice %arg2[%dma_start3A_203, %dma_start3A_204] : memref<10240x128xf32, #tpu.memory_space<hbm>> -> memref<10240x128xf32, #tpu.memory_space<hbm>>
      tpu.enqueue_indirect_dma source(%dma_start3A_205 : memref<10240x128xf32, #tpu.memory_space<hbm>>) target(%arg8 : memref<128x128xf32, #tpu.memory_space<vmem>>) offsets(%dma_start3A_202 : memref<128xi32, #tpu.memory_space<vmem>>) semaphore(%arg12 : memref<!tpu.dma_semaphore, #tpu.memory_space<semaphore_mem>>)
      %dma_start3A_206 = arith.constant 4 : i32
      %dma_start3A_207 = arith.constant 0 : i32
      %dma_start3A_208 = tpu.memref_slice %arg10[%dma_start3A_206, %dma_start3A_207] : memref<16x128xi32, #tpu.memory_space<vmem>> -> memref<1x128xi32, #tpu.memory_space<vmem>>
      %dma_start3A_209 = tpu.memref_squeeze %dma_start3A_208 : memref<1x128xi32, #tpu.memory_space<vmem>> -> memref<128xi32, #tpu.memory_space<vmem>>
      %dma_start3A_210 = arith.constant 0 : i32
      %dma_start3A_211 = arith.constant 0 : i32
      %dma_start3A_212 = tpu.memref_slice %arg6[%dma_start3A_210, %dma_start3A_211] : memref<10240x128xf32, #tpu.memory_space<vmem_shared>> -> memref<10240x128xf32, #tpu.memory_space<vmem_shared>>
      tpu.enqueue_indirect_dma source(%arg7 : memref<128x128xf32, #tpu.memory_space<vmem>>) target(%dma_start3A_212 : memref<10240x128xf32, #tpu.memory_space<vmem_shared>>) offsets(%dma_start3A_209 : memref<128xi32, #tpu.memory_space<vmem>>) semaphore(%arg13 : memref<!tpu.dma_semaphore, #tpu.memory_space<semaphore_mem>>) {add = true}
      %dma_wait3A_213 = arith.constant 5 : i32
      %dma_wait3A_214 = arith.constant 0 : i32
      %dma_wait3A_215 = tpu.memref_slice %arg9[%dma_wait3A_213, %dma_wait3A_214] : memref<16x128xi32, #tpu.memory_space<vmem>> -> memref<1x128xi32, #tpu.memory_space<vmem>>
      %dma_wait3A_216 = tpu.memref_squeeze %dma_wait3A_215 : memref<1x128xi32, #tpu.memory_space<vmem>> -> memref<128xi32, #tpu.memory_space<vmem>>
      %dma_wait3A_217 = arith.constant 0 : i32
      %dma_wait3A_218 = arith.constant 0 : i32
      %dma_wait3A_219 = tpu.memref_slice %arg2[%dma_wait3A_217, %dma_wait3A_218] : memref<10240x128xf32, #tpu.memory_space<hbm>> -> memref<10240x128xf32, #tpu.memory_space<hbm>>
      tpu.wait_indirect_dma semaphore(%arg12 : memref<!tpu.dma_semaphore, #tpu.memory_space<semaphore_mem>>) src(%dma_wait3A_219 : memref<10240x128xf32, #tpu.memory_space<hbm>>) dst(%arg8 : memref<128x128xf32, #tpu.memory_space<vmem>>)
      %dma_wait3A_220 = arith.constant 4 : i32
      %dma_wait3A_221 = arith.constant 0 : i32
      %dma_wait3A_222 = tpu.memref_slice %arg10[%dma_wait3A_220, %dma_wait3A_221] : memref<16x128xi32, #tpu.memory_space<vmem>> -> memref<1x128xi32, #tpu.memory_space<vmem>>
      %dma_wait3A_223 = tpu.memref_squeeze %dma_wait3A_222 : memref<1x128xi32, #tpu.memory_space<vmem>> -> memref<128xi32, #tpu.memory_space<vmem>>
      %dma_wait3A_224 = arith.constant 0 : i32
      %dma_wait3A_225 = arith.constant 0 : i32
      %dma_wait3A_226 = tpu.memref_slice %arg6[%dma_wait3A_224, %dma_wait3A_225] : memref<10240x128xf32, #tpu.memory_space<vmem_shared>> -> memref<10240x128xf32, #tpu.memory_space<vmem_shared>>
      tpu.wait_indirect_dma semaphore(%arg13 : memref<!tpu.dma_semaphore, #tpu.memory_space<semaphore_mem>>) src(%arg7 : memref<128x128xf32, #tpu.memory_space<vmem>>) dst(%dma_wait3A_226 : memref<10240x128xf32, #tpu.memory_space<vmem_shared>>)
      %dma_start3A_227 = arith.constant 6 : i32
      %dma_start3A_228 = arith.constant 0 : i32
      %dma_start3A_229 = tpu.memref_slice %arg9[%dma_start3A_227, %dma_start3A_228] : memref<16x128xi32, #tpu.memory_space<vmem>> -> memref<1x128xi32, #tpu.memory_space<vmem>>
      %dma_start3A_230 = tpu.memref_squeeze %dma_start3A_229 : memref<1x128xi32, #tpu.memory_space<vmem>> -> memref<128xi32, #tpu.memory_space<vmem>>
      %dma_start3A_231 = arith.constant 0 : i32
      %dma_start3A_232 = arith.constant 0 : i32
      %dma_start3A_233 = tpu.memref_slice %arg2[%dma_start3A_231, %dma_start3A_232] : memref<10240x128xf32, #tpu.memory_space<hbm>> -> memref<10240x128xf32, #tpu.memory_space<hbm>>
      tpu.enqueue_indirect_dma source(%dma_start3A_233 : memref<10240x128xf32, #tpu.memory_space<hbm>>) target(%arg7 : memref<128x128xf32, #tpu.memory_space<vmem>>) offsets(%dma_start3A_230 : memref<128xi32, #tpu.memory_space<vmem>>) semaphore(%arg11 : memref<!tpu.dma_semaphore, #tpu.memory_space<semaphore_mem>>)
      %dma_start3A_234 = arith.constant 5 : i32
      %dma_start3A_235 = arith.constant 0 : i32
      %dma_start3A_236 = tpu.memref_slice %arg10[%dma_start3A_234, %dma_start3A_235] : memref<16x128xi32, #tpu.memory_space<vmem>> -> memref<1x128xi32, #tpu.memory_space<vmem>>
      %dma_start3A_237 = tpu.memref_squeeze %dma_start3A_236 : memref<1x128xi32, #tpu.memory_space<vmem>> -> memref<128xi32, #tpu.memory_space<vmem>>
      %dma_start3A_238 = arith.constant 0 : i32
      %dma_start3A_239 = arith.constant 0 : i32
      %dma_start3A_240 = tpu.memref_slice %arg6[%dma_start3A_238, %dma_start3A_239] : memref<10240x128xf32, #tpu.memory_space<vmem_shared>> -> memref<10240x128xf32, #tpu.memory_space<vmem_shared>>
      tpu.enqueue_indirect_dma source(%arg8 : memref<128x128xf32, #tpu.memory_space<vmem>>) target(%dma_start3A_240 : memref<10240x128xf32, #tpu.memory_space<vmem_shared>>) offsets(%dma_start3A_237 : memref<128xi32, #tpu.memory_space<vmem>>) semaphore(%arg14 : memref<!tpu.dma_semaphore, #tpu.memory_space<semaphore_mem>>) {add = true}
      %dma_wait3A_241 = arith.constant 6 : i32
      %dma_wait3A_242 = arith.constant 0 : i32
      %dma_wait3A_243 = tpu.memref_slice %arg9[%dma_wait3A_241, %dma_wait3A_242] : memref<16x128xi32, #tpu.memory_space<vmem>> -> memref<1x128xi32, #tpu.memory_space<vmem>>
      %dma_wait3A_244 = tpu.memref_squeeze %dma_wait3A_243 : memref<1x128xi32, #tpu.memory_space<vmem>> -> memref<128xi32, #tpu.memory_space<vmem>>
      %dma_wait3A_245 = arith.constant 0 : i32
      %dma_wait3A_246 = arith.constant 0 : i32
      %dma_wait3A_247 = tpu.memref_slice %arg2[%dma_wait3A_245, %dma_wait3A_246] : memref<10240x128xf32, #tpu.memory_space<hbm>> -> memref<10240x128xf32, #tpu.memory_space<hbm>>
      tpu.wait_indirect_dma semaphore(%arg11 : memref<!tpu.dma_semaphore, #tpu.memory_space<semaphore_mem>>) src(%dma_wait3A_247 : memref<10240x128xf32, #tpu.memory_space<hbm>>) dst(%arg7 : memref<128x128xf32, #tpu.memory_space<vmem>>)
      %dma_wait3A_248 = arith.constant 5 : i32
      %dma_wait3A_249 = arith.constant 0 : i32
      %dma_wait3A_250 = tpu.memref_slice %arg10[%dma_wait3A_248, %dma_wait3A_249] : memref<16x128xi32, #tpu.memory_space<vmem>> -> memref<1x128xi32, #tpu.memory_space<vmem>>
      %dma_wait3A_251 = tpu.memref_squeeze %dma_wait3A_250 : memref<1x128xi32, #tpu.memory_space<vmem>> -> memref<128xi32, #tpu.memory_space<vmem>>
      %dma_wait3A_252 = arith.constant 0 : i32
      %dma_wait3A_253 = arith.constant 0 : i32
      %dma_wait3A_254 = tpu.memref_slice %arg6[%dma_wait3A_252, %dma_wait3A_253] : memref<10240x128xf32, #tpu.memory_space<vmem_shared>> -> memref<10240x128xf32, #tpu.memory_space<vmem_shared>>
      tpu.wait_indirect_dma semaphore(%arg14 : memref<!tpu.dma_semaphore, #tpu.memory_space<semaphore_mem>>) src(%arg8 : memref<128x128xf32, #tpu.memory_space<vmem>>) dst(%dma_wait3A_254 : memref<10240x128xf32, #tpu.memory_space<vmem_shared>>)
      %dma_start3A_255 = arith.constant 7 : i32
      %dma_start3A_256 = arith.constant 0 : i32
      %dma_start3A_257 = tpu.memref_slice %arg9[%dma_start3A_255, %dma_start3A_256] : memref<16x128xi32, #tpu.memory_space<vmem>> -> memref<1x128xi32, #tpu.memory_space<vmem>>
      %dma_start3A_258 = tpu.memref_squeeze %dma_start3A_257 : memref<1x128xi32, #tpu.memory_space<vmem>> -> memref<128xi32, #tpu.memory_space<vmem>>
      %dma_start3A_259 = arith.constant 0 : i32
      %dma_start3A_260 = arith.constant 0 : i32
      %dma_start3A_261 = tpu.memref_slice %arg2[%dma_start3A_259, %dma_start3A_260] : memref<10240x128xf32, #tpu.memory_space<hbm>> -> memref<10240x128xf32, #tpu.memory_space<hbm>>
      tpu.enqueue_indirect_dma source(%dma_start3A_261 : memref<10240x128xf32, #tpu.memory_space<hbm>>) target(%arg8 : memref<128x128xf32, #tpu.memory_space<vmem>>) offsets(%dma_start3A_258 : memref<128xi32, #tpu.memory_space<vmem>>) semaphore(%arg12 : memref<!tpu.dma_semaphore, #tpu.memory_space<semaphore_mem>>)
      %dma_start3A_262 = arith.constant 6 : i32
      %dma_start3A_263 = arith.constant 0 : i32
      %dma_start3A_264 = tpu.memref_slice %arg10[%dma_start3A_262, %dma_start3A_263] : memref<16x128xi32, #tpu.memory_space<vmem>> -> memref<1x128xi32, #tpu.memory_space<vmem>>
      %dma_start3A_265 = tpu.memref_squeeze %dma_start3A_264 : memref<1x128xi32, #tpu.memory_space<vmem>> -> memref<128xi32, #tpu.memory_space<vmem>>
      %dma_start3A_266 = arith.constant 0 : i32
      %dma_start3A_267 = arith.constant 0 : i32
      %dma_start3A_268 = tpu.memref_slice %arg6[%dma_start3A_266, %dma_start3A_267] : memref<10240x128xf32, #tpu.memory_space<vmem_shared>> -> memref<10240x128xf32, #tpu.memory_space<vmem_shared>>
      tpu.enqueue_indirect_dma source(%arg7 : memref<128x128xf32, #tpu.memory_space<vmem>>) target(%dma_start3A_268 : memref<10240x128xf32, #tpu.memory_space<vmem_shared>>) offsets(%dma_start3A_265 : memref<128xi32, #tpu.memory_space<vmem>>) semaphore(%arg13 : memref<!tpu.dma_semaphore, #tpu.memory_space<semaphore_mem>>) {add = true}
      %dma_wait3A_269 = arith.constant 7 : i32
      %dma_wait3A_270 = arith.constant 0 : i32
      %dma_wait3A_271 = tpu.memref_slice %arg9[%dma_wait3A_269, %dma_wait3A_270] : memref<16x128xi32, #tpu.memory_space<vmem>> -> memref<1x128xi32, #tpu.memory_space<vmem>>
      %dma_wait3A_272 = tpu.memref_squeeze %dma_wait3A_271 : memref<1x128xi32, #tpu.memory_space<vmem>> -> memref<128xi32, #tpu.memory_space<vmem>>
      %dma_wait3A_273 = arith.constant 0 : i32
      %dma_wait3A_274 = arith.constant 0 : i32
      %dma_wait3A_275 = tpu.memref_slice %arg2[%dma_wait3A_273, %dma_wait3A_274] : memref<10240x128xf32, #tpu.memory_space<hbm>> -> memref<10240x128xf32, #tpu.memory_space<hbm>>
      tpu.wait_indirect_dma semaphore(%arg12 : memref<!tpu.dma_semaphore, #tpu.memory_space<semaphore_mem>>) src(%dma_wait3A_275 : memref<10240x128xf32, #tpu.memory_space<hbm>>) dst(%arg8 : memref<128x128xf32, #tpu.memory_space<vmem>>)
      %dma_wait3A_276 = arith.constant 6 : i32
      %dma_wait3A_277 = arith.constant 0 : i32
      %dma_wait3A_278 = tpu.memref_slice %arg10[%dma_wait3A_276, %dma_wait3A_277] : memref<16x128xi32, #tpu.memory_space<vmem>> -> memref<1x128xi32, #tpu.memory_space<vmem>>
      %dma_wait3A_279 = tpu.memref_squeeze %dma_wait3A_278 : memref<1x128xi32, #tpu.memory_space<vmem>> -> memref<128xi32, #tpu.memory_space<vmem>>
      %dma_wait3A_280 = arith.constant 0 : i32
      %dma_wait3A_281 = arith.constant 0 : i32
      %dma_wait3A_282 = tpu.memref_slice %arg6[%dma_wait3A_280, %dma_wait3A_281] : memref<10240x128xf32, #tpu.memory_space<vmem_shared>> -> memref<10240x128xf32, #tpu.memory_space<vmem_shared>>
      tpu.wait_indirect_dma semaphore(%arg13 : memref<!tpu.dma_semaphore, #tpu.memory_space<semaphore_mem>>) src(%arg7 : memref<128x128xf32, #tpu.memory_space<vmem>>) dst(%dma_wait3A_282 : memref<10240x128xf32, #tpu.memory_space<vmem_shared>>)
      %dma_start3A_283 = arith.constant 8 : i32
      %dma_start3A_284 = arith.constant 0 : i32
      %dma_start3A_285 = tpu.memref_slice %arg9[%dma_start3A_283, %dma_start3A_284] : memref<16x128xi32, #tpu.memory_space<vmem>> -> memref<1x128xi32, #tpu.memory_space<vmem>>
      %dma_start3A_286 = tpu.memref_squeeze %dma_start3A_285 : memref<1x128xi32, #tpu.memory_space<vmem>> -> memref<128xi32, #tpu.memory_space<vmem>>
      %dma_start3A_287 = arith.constant 0 : i32
      %dma_start3A_288 = arith.constant 0 : i32
      %dma_start3A_289 = tpu.memref_slice %arg2[%dma_start3A_287, %dma_start3A_288] : memref<10240x128xf32, #tpu.memory_space<hbm>> -> memref<10240x128xf32, #tpu.memory_space<hbm>>
      tpu.enqueue_indirect_dma source(%dma_start3A_289 : memref<10240x128xf32, #tpu.memory_space<hbm>>) target(%arg7 : memref<128x128xf32, #tpu.memory_space<vmem>>) offsets(%dma_start3A_286 : memref<128xi32, #tpu.memory_space<vmem>>) semaphore(%arg11 : memref<!tpu.dma_semaphore, #tpu.memory_space<semaphore_mem>>)
      %dma_start3A_290 = arith.constant 7 : i32
      %dma_start3A_291 = arith.constant 0 : i32
      %dma_start3A_292 = tpu.memref_slice %arg10[%dma_start3A_290, %dma_start3A_291] : memref<16x128xi32, #tpu.memory_space<vmem>> -> memref<1x128xi32, #tpu.memory_space<vmem>>
      %dma_start3A_293 = tpu.memref_squeeze %dma_start3A_292 : memref<1x128xi32, #tpu.memory_space<vmem>> -> memref<128xi32, #tpu.memory_space<vmem>>
      %dma_start3A_294 = arith.constant 0 : i32
      %dma_start3A_295 = arith.constant 0 : i32
      %dma_start3A_296 = tpu.memref_slice %arg6[%dma_start3A_294, %dma_start3A_295] : memref<10240x128xf32, #tpu.memory_space<vmem_shared>> -> memref<10240x128xf32, #tpu.memory_space<vmem_shared>>
      tpu.enqueue_indirect_dma source(%arg8 : memref<128x128xf32, #tpu.memory_space<vmem>>) target(%dma_start3A_296 : memref<10240x128xf32, #tpu.memory_space<vmem_shared>>) offsets(%dma_start3A_293 : memref<128xi32, #tpu.memory_space<vmem>>) semaphore(%arg14 : memref<!tpu.dma_semaphore, #tpu.memory_space<semaphore_mem>>) {add = true}
      %dma_wait3A_297 = arith.constant 8 : i32
      %dma_wait3A_298 = arith.constant 0 : i32
      %dma_wait3A_299 = tpu.memref_slice %arg9[%dma_wait3A_297, %dma_wait3A_298] : memref<16x128xi32, #tpu.memory_space<vmem>> -> memref<1x128xi32, #tpu.memory_space<vmem>>
      %dma_wait3A_300 = tpu.memref_squeeze %dma_wait3A_299 : memref<1x128xi32, #tpu.memory_space<vmem>> -> memref<128xi32, #tpu.memory_space<vmem>>
      %dma_wait3A_301 = arith.constant 0 : i32
      %dma_wait3A_302 = arith.constant 0 : i32
      %dma_wait3A_303 = tpu.memref_slice %arg2[%dma_wait3A_301, %dma_wait3A_302] : memref<10240x128xf32, #tpu.memory_space<hbm>> -> memref<10240x128xf32, #tpu.memory_space<hbm>>
      tpu.wait_indirect_dma semaphore(%arg11 : memref<!tpu.dma_semaphore, #tpu.memory_space<semaphore_mem>>) src(%dma_wait3A_303 : memref<10240x128xf32, #tpu.memory_space<hbm>>) dst(%arg7 : memref<128x128xf32, #tpu.memory_space<vmem>>)
      %dma_wait3A_304 = arith.constant 7 : i32
      %dma_wait3A_305 = arith.constant 0 : i32
      %dma_wait3A_306 = tpu.memref_slice %arg10[%dma_wait3A_304, %dma_wait3A_305] : memref<16x128xi32, #tpu.memory_space<vmem>> -> memref<1x128xi32, #tpu.memory_space<vmem>>
      %dma_wait3A_307 = tpu.memref_squeeze %dma_wait3A_306 : memref<1x128xi32, #tpu.memory_space<vmem>> -> memref<128xi32, #tpu.memory_space<vmem>>
      %dma_wait3A_308 = arith.constant 0 : i32
      %dma_wait3A_309 = arith.constant 0 : i32
      %dma_wait3A_310 = tpu.memref_slice %arg6[%dma_wait3A_308, %dma_wait3A_309] : memref<10240x128xf32, #tpu.memory_space<vmem_shared>> -> memref<10240x128xf32, #tpu.memory_space<vmem_shared>>
      tpu.wait_indirect_dma semaphore(%arg14 : memref<!tpu.dma_semaphore, #tpu.memory_space<semaphore_mem>>) src(%arg8 : memref<128x128xf32, #tpu.memory_space<vmem>>) dst(%dma_wait3A_310 : memref<10240x128xf32, #tpu.memory_space<vmem_shared>>)
      %dma_start3A_311 = arith.constant 9 : i32
      %dma_start3A_312 = arith.constant 0 : i32
      %dma_start3A_313 = tpu.memref_slice %arg9[%dma_start3A_311, %dma_start3A_312] : memref<16x128xi32, #tpu.memory_space<vmem>> -> memref<1x128xi32, #tpu.memory_space<vmem>>
      %dma_start3A_314 = tpu.memref_squeeze %dma_start3A_313 : memref<1x128xi32, #tpu.memory_space<vmem>> -> memref<128xi32, #tpu.memory_space<vmem>>
      %dma_start3A_315 = arith.constant 0 : i32
      %dma_start3A_316 = arith.constant 0 : i32
      %dma_start3A_317 = tpu.memref_slice %arg2[%dma_start3A_315, %dma_start3A_316] : memref<10240x128xf32, #tpu.memory_space<hbm>> -> memref<10240x128xf32, #tpu.memory_space<hbm>>
      tpu.enqueue_indirect_dma source(%dma_start3A_317 : memref<10240x128xf32, #tpu.memory_space<hbm>>) target(%arg8 : memref<128x128xf32, #tpu.memory_space<vmem>>) offsets(%dma_start3A_314 : memref<128xi32, #tpu.memory_space<vmem>>) semaphore(%arg12 : memref<!tpu.dma_semaphore, #tpu.memory_space<semaphore_mem>>)
      %dma_start3A_318 = arith.constant 8 : i32
      %dma_start3A_319 = arith.constant 0 : i32
      %dma_start3A_320 = tpu.memref_slice %arg10[%dma_start3A_318, %dma_start3A_319] : memref<16x128xi32, #tpu.memory_space<vmem>> -> memref<1x128xi32, #tpu.memory_space<vmem>>
      %dma_start3A_321 = tpu.memref_squeeze %dma_start3A_320 : memref<1x128xi32, #tpu.memory_space<vmem>> -> memref<128xi32, #tpu.memory_space<vmem>>
      %dma_start3A_322 = arith.constant 0 : i32
      %dma_start3A_323 = arith.constant 0 : i32
      %dma_start3A_324 = tpu.memref_slice %arg6[%dma_start3A_322, %dma_start3A_323] : memref<10240x128xf32, #tpu.memory_space<vmem_shared>> -> memref<10240x128xf32, #tpu.memory_space<vmem_shared>>
      tpu.enqueue_indirect_dma source(%arg7 : memref<128x128xf32, #tpu.memory_space<vmem>>) target(%dma_start3A_324 : memref<10240x128xf32, #tpu.memory_space<vmem_shared>>) offsets(%dma_start3A_321 : memref<128xi32, #tpu.memory_space<vmem>>) semaphore(%arg13 : memref<!tpu.dma_semaphore, #tpu.memory_space<semaphore_mem>>) {add = true}
      %dma_wait3A_325 = arith.constant 9 : i32
      %dma_wait3A_326 = arith.constant 0 : i32
      %dma_wait3A_327 = tpu.memref_slice %arg9[%dma_wait3A_325, %dma_wait3A_326] : memref<16x128xi32, #tpu.memory_space<vmem>> -> memref<1x128xi32, #tpu.memory_space<vmem>>
      %dma_wait3A_328 = tpu.memref_squeeze %dma_wait3A_327 : memref<1x128xi32, #tpu.memory_space<vmem>> -> memref<128xi32, #tpu.memory_space<vmem>>
      %dma_wait3A_329 = arith.constant 0 : i32
      %dma_wait3A_330 = arith.constant 0 : i32
      %dma_wait3A_331 = tpu.memref_slice %arg2[%dma_wait3A_329, %dma_wait3A_330] : memref<10240x128xf32, #tpu.memory_space<hbm>> -> memref<10240x128xf32, #tpu.memory_space<hbm>>
      tpu.wait_indirect_dma semaphore(%arg12 : memref<!tpu.dma_semaphore, #tpu.memory_space<semaphore_mem>>) src(%dma_wait3A_331 : memref<10240x128xf32, #tpu.memory_space<hbm>>) dst(%arg8 : memref<128x128xf32, #tpu.memory_space<vmem>>)
      %dma_wait3A_332 = arith.constant 8 : i32
      %dma_wait3A_333 = arith.constant 0 : i32
      %dma_wait3A_334 = tpu.memref_slice %arg10[%dma_wait3A_332, %dma_wait3A_333] : memref<16x128xi32, #tpu.memory_space<vmem>> -> memref<1x128xi32, #tpu.memory_space<vmem>>
      %dma_wait3A_335 = tpu.memref_squeeze %dma_wait3A_334 : memref<1x128xi32, #tpu.memory_space<vmem>> -> memref<128xi32, #tpu.memory_space<vmem>>
      %dma_wait3A_336 = arith.constant 0 : i32
      %dma_wait3A_337 = arith.constant 0 : i32
      %dma_wait3A_338 = tpu.memref_slice %arg6[%dma_wait3A_336, %dma_wait3A_337] : memref<10240x128xf32, #tpu.memory_space<vmem_shared>> -> memref<10240x128xf32, #tpu.memory_space<vmem_shared>>
      tpu.wait_indirect_dma semaphore(%arg13 : memref<!tpu.dma_semaphore, #tpu.memory_space<semaphore_mem>>) src(%arg7 : memref<128x128xf32, #tpu.memory_space<vmem>>) dst(%dma_wait3A_338 : memref<10240x128xf32, #tpu.memory_space<vmem_shared>>)
      %dma_start3A_339 = arith.constant 10 : i32
      %dma_start3A_340 = arith.constant 0 : i32
      %dma_start3A_341 = tpu.memref_slice %arg9[%dma_start3A_339, %dma_start3A_340] : memref<16x128xi32, #tpu.memory_space<vmem>> -> memref<1x128xi32, #tpu.memory_space<vmem>>
      %dma_start3A_342 = tpu.memref_squeeze %dma_start3A_341 : memref<1x128xi32, #tpu.memory_space<vmem>> -> memref<128xi32, #tpu.memory_space<vmem>>
      %dma_start3A_343 = arith.constant 0 : i32
      %dma_start3A_344 = arith.constant 0 : i32
      %dma_start3A_345 = tpu.memref_slice %arg2[%dma_start3A_343, %dma_start3A_344] : memref<10240x128xf32, #tpu.memory_space<hbm>> -> memref<10240x128xf32, #tpu.memory_space<hbm>>
      tpu.enqueue_indirect_dma source(%dma_start3A_345 : memref<10240x128xf32, #tpu.memory_space<hbm>>) target(%arg7 : memref<128x128xf32, #tpu.memory_space<vmem>>) offsets(%dma_start3A_342 : memref<128xi32, #tpu.memory_space<vmem>>) semaphore(%arg11 : memref<!tpu.dma_semaphore, #tpu.memory_space<semaphore_mem>>)
      %dma_start3A_346 = arith.constant 9 : i32
      %dma_start3A_347 = arith.constant 0 : i32
      %dma_start3A_348 = tpu.memref_slice %arg10[%dma_start3A_346, %dma_start3A_347] : memref<16x128xi32, #tpu.memory_space<vmem>> -> memref<1x128xi32, #tpu.memory_space<vmem>>
      %dma_start3A_349 = tpu.memref_squeeze %dma_start3A_348 : memref<1x128xi32, #tpu.memory_space<vmem>> -> memref<128xi32, #tpu.memory_space<vmem>>
      %dma_start3A_350 = arith.constant 0 : i32
      %dma_start3A_351 = arith.constant 0 : i32
      %dma_start3A_352 = tpu.memref_slice %arg6[%dma_start3A_350, %dma_start3A_351] : memref<10240x128xf32, #tpu.memory_space<vmem_shared>> -> memref<10240x128xf32, #tpu.memory_space<vmem_shared>>
      tpu.enqueue_indirect_dma source(%arg8 : memref<128x128xf32, #tpu.memory_space<vmem>>) target(%dma_start3A_352 : memref<10240x128xf32, #tpu.memory_space<vmem_shared>>) offsets(%dma_start3A_349 : memref<128xi32, #tpu.memory_space<vmem>>) semaphore(%arg14 : memref<!tpu.dma_semaphore, #tpu.memory_space<semaphore_mem>>) {add = true}
      %dma_wait3A_353 = arith.constant 10 : i32
      %dma_wait3A_354 = arith.constant 0 : i32
      %dma_wait3A_355 = tpu.memref_slice %arg9[%dma_wait3A_353, %dma_wait3A_354] : memref<16x128xi32, #tpu.memory_space<vmem>> -> memref<1x128xi32, #tpu.memory_space<vmem>>
      %dma_wait3A_356 = tpu.memref_squeeze %dma_wait3A_355 : memref<1x128xi32, #tpu.memory_space<vmem>> -> memref<128xi32, #tpu.memory_space<vmem>>
      %dma_wait3A_357 = arith.constant 0 : i32
      %dma_wait3A_358 = arith.constant 0 : i32
      %dma_wait3A_359 = tpu.memref_slice %arg2[%dma_wait3A_357, %dma_wait3A_358] : memref<10240x128xf32, #tpu.memory_space<hbm>> -> memref<10240x128xf32, #tpu.memory_space<hbm>>
      tpu.wait_indirect_dma semaphore(%arg11 : memref<!tpu.dma_semaphore, #tpu.memory_space<semaphore_mem>>) src(%dma_wait3A_359 : memref<10240x128xf32, #tpu.memory_space<hbm>>) dst(%arg7 : memref<128x128xf32, #tpu.memory_space<vmem>>)
      %dma_wait3A_360 = arith.constant 9 : i32
      %dma_wait3A_361 = arith.constant 0 : i32
      %dma_wait3A_362 = tpu.memref_slice %arg10[%dma_wait3A_360, %dma_wait3A_361] : memref<16x128xi32, #tpu.memory_space<vmem>> -> memref<1x128xi32, #tpu.memory_space<vmem>>
      %dma_wait3A_363 = tpu.memref_squeeze %dma_wait3A_362 : memref<1x128xi32, #tpu.memory_space<vmem>> -> memref<128xi32, #tpu.memory_space<vmem>>
      %dma_wait3A_364 = arith.constant 0 : i32
      %dma_wait3A_365 = arith.constant 0 : i32
      %dma_wait3A_366 = tpu.memref_slice %arg6[%dma_wait3A_364, %dma_wait3A_365] : memref<10240x128xf32, #tpu.memory_space<vmem_shared>> -> memref<10240x128xf32, #tpu.memory_space<vmem_shared>>
      tpu.wait_indirect_dma semaphore(%arg14 : memref<!tpu.dma_semaphore, #tpu.memory_space<semaphore_mem>>) src(%arg8 : memref<128x128xf32, #tpu.memory_space<vmem>>) dst(%dma_wait3A_366 : memref<10240x128xf32, #tpu.memory_space<vmem_shared>>)
      %dma_start3A_367 = arith.constant 11 : i32
      %dma_start3A_368 = arith.constant 0 : i32
      %dma_start3A_369 = tpu.memref_slice %arg9[%dma_start3A_367, %dma_start3A_368] : memref<16x128xi32, #tpu.memory_space<vmem>> -> memref<1x128xi32, #tpu.memory_space<vmem>>
      %dma_start3A_370 = tpu.memref_squeeze %dma_start3A_369 : memref<1x128xi32, #tpu.memory_space<vmem>> -> memref<128xi32, #tpu.memory_space<vmem>>
      %dma_start3A_371 = arith.constant 0 : i32
      %dma_start3A_372 = arith.constant 0 : i32
      %dma_start3A_373 = tpu.memref_slice %arg2[%dma_start3A_371, %dma_start3A_372] : memref<10240x128xf32, #tpu.memory_space<hbm>> -> memref<10240x128xf32, #tpu.memory_space<hbm>>
      tpu.enqueue_indirect_dma source(%dma_start3A_373 : memref<10240x128xf32, #tpu.memory_space<hbm>>) target(%arg8 : memref<128x128xf32, #tpu.memory_space<vmem>>) offsets(%dma_start3A_370 : memref<128xi32, #tpu.memory_space<vmem>>) semaphore(%arg12 : memref<!tpu.dma_semaphore, #tpu.memory_space<semaphore_mem>>)
      %dma_start3A_374 = arith.constant 10 : i32
      %dma_start3A_375 = arith.constant 0 : i32
      %dma_start3A_376 = tpu.memref_slice %arg10[%dma_start3A_374, %dma_start3A_375] : memref<16x128xi32, #tpu.memory_space<vmem>> -> memref<1x128xi32, #tpu.memory_space<vmem>>
      %dma_start3A_377 = tpu.memref_squeeze %dma_start3A_376 : memref<1x128xi32, #tpu.memory_space<vmem>> -> memref<128xi32, #tpu.memory_space<vmem>>
      %dma_start3A_378 = arith.constant 0 : i32
      %dma_start3A_379 = arith.constant 0 : i32
      %dma_start3A_380 = tpu.memref_slice %arg6[%dma_start3A_378, %dma_start3A_379] : memref<10240x128xf32, #tpu.memory_space<vmem_shared>> -> memref<10240x128xf32, #tpu.memory_space<vmem_shared>>
      tpu.enqueue_indirect_dma source(%arg7 : memref<128x128xf32, #tpu.memory_space<vmem>>) target(%dma_start3A_380 : memref<10240x128xf32, #tpu.memory_space<vmem_shared>>) offsets(%dma_start3A_377 : memref<128xi32, #tpu.memory_space<vmem>>) semaphore(%arg13 : memref<!tpu.dma_semaphore, #tpu.memory_space<semaphore_mem>>) {add = true}
      %dma_wait3A_381 = arith.constant 11 : i32
      %dma_wait3A_382 = arith.constant 0 : i32
      %dma_wait3A_383 = tpu.memref_slice %arg9[%dma_wait3A_381, %dma_wait3A_382] : memref<16x128xi32, #tpu.memory_space<vmem>> -> memref<1x128xi32, #tpu.memory_space<vmem>>
      %dma_wait3A_384 = tpu.memref_squeeze %dma_wait3A_383 : memref<1x128xi32, #tpu.memory_space<vmem>> -> memref<128xi32, #tpu.memory_space<vmem>>
      %dma_wait3A_385 = arith.constant 0 : i32
      %dma_wait3A_386 = arith.constant 0 : i32
      %dma_wait3A_387 = tpu.memref_slice %arg2[%dma_wait3A_385, %dma_wait3A_386] : memref<10240x128xf32, #tpu.memory_space<hbm>> -> memref<10240x128xf32, #tpu.memory_space<hbm>>
      tpu.wait_indirect_dma semaphore(%arg12 : memref<!tpu.dma_semaphore, #tpu.memory_space<semaphore_mem>>) src(%dma_wait3A_387 : memref<10240x128xf32, #tpu.memory_space<hbm>>) dst(%arg8 : memref<128x128xf32, #tpu.memory_space<vmem>>)
      %dma_wait3A_388 = arith.constant 10 : i32
      %dma_wait3A_389 = arith.constant 0 : i32
      %dma_wait3A_390 = tpu.memref_slice %arg10[%dma_wait3A_388, %dma_wait3A_389] : memref<16x128xi32, #tpu.memory_space<vmem>> -> memref<1x128xi32, #tpu.memory_space<vmem>>
      %dma_wait3A_391 = tpu.memref_squeeze %dma_wait3A_390 : memref<1x128xi32, #tpu.memory_space<vmem>> -> memref<128xi32, #tpu.memory_space<vmem>>
      %dma_wait3A_392 = arith.constant 0 : i32
      %dma_wait3A_393 = arith.constant 0 : i32
      %dma_wait3A_394 = tpu.memref_slice %arg6[%dma_wait3A_392, %dma_wait3A_393] : memref<10240x128xf32, #tpu.memory_space<vmem_shared>> -> memref<10240x128xf32, #tpu.memory_space<vmem_shared>>
      tpu.wait_indirect_dma semaphore(%arg13 : memref<!tpu.dma_semaphore, #tpu.memory_space<semaphore_mem>>) src(%arg7 : memref<128x128xf32, #tpu.memory_space<vmem>>) dst(%dma_wait3A_394 : memref<10240x128xf32, #tpu.memory_space<vmem_shared>>)
      %dma_start3A_395 = arith.constant 12 : i32
      %dma_start3A_396 = arith.constant 0 : i32
      %dma_start3A_397 = tpu.memref_slice %arg9[%dma_start3A_395, %dma_start3A_396] : memref<16x128xi32, #tpu.memory_space<vmem>> -> memref<1x128xi32, #tpu.memory_space<vmem>>
      %dma_start3A_398 = tpu.memref_squeeze %dma_start3A_397 : memref<1x128xi32, #tpu.memory_space<vmem>> -> memref<128xi32, #tpu.memory_space<vmem>>
      %dma_start3A_399 = arith.constant 0 : i32
      %dma_start3A_400 = arith.constant 0 : i32
      %dma_start3A_401 = tpu.memref_slice %arg2[%dma_start3A_399, %dma_start3A_400] : memref<10240x128xf32, #tpu.memory_space<hbm>> -> memref<10240x128xf32, #tpu.memory_space<hbm>>
      tpu.enqueue_indirect_dma source(%dma_start3A_401 : memref<10240x128xf32, #tpu.memory_space<hbm>>) target(%arg7 : memref<128x128xf32, #tpu.memory_space<vmem>>) offsets(%dma_start3A_398 : memref<128xi32, #tpu.memory_space<vmem>>) semaphore(%arg11 : memref<!tpu.dma_semaphore, #tpu.memory_space<semaphore_mem>>)
      %dma_start3A_402 = arith.constant 11 : i32
      %dma_start3A_403 = arith.constant 0 : i32
      %dma_start3A_404 = tpu.memref_slice %arg10[%dma_start3A_402, %dma_start3A_403] : memref<16x128xi32, #tpu.memory_space<vmem>> -> memref<1x128xi32, #tpu.memory_space<vmem>>
      %dma_start3A_405 = tpu.memref_squeeze %dma_start3A_404 : memref<1x128xi32, #tpu.memory_space<vmem>> -> memref<128xi32, #tpu.memory_space<vmem>>
      %dma_start3A_406 = arith.constant 0 : i32
      %dma_start3A_407 = arith.constant 0 : i32
      %dma_start3A_408 = tpu.memref_slice %arg6[%dma_start3A_406, %dma_start3A_407] : memref<10240x128xf32, #tpu.memory_space<vmem_shared>> -> memref<10240x128xf32, #tpu.memory_space<vmem_shared>>
      tpu.enqueue_indirect_dma source(%arg8 : memref<128x128xf32, #tpu.memory_space<vmem>>) target(%dma_start3A_408 : memref<10240x128xf32, #tpu.memory_space<vmem_shared>>) offsets(%dma_start3A_405 : memref<128xi32, #tpu.memory_space<vmem>>) semaphore(%arg14 : memref<!tpu.dma_semaphore, #tpu.memory_space<semaphore_mem>>) {add = true}
      %dma_wait3A_409 = arith.constant 12 : i32
      %dma_wait3A_410 = arith.constant 0 : i32
      %dma_wait3A_411 = tpu.memref_slice %arg9[%dma_wait3A_409, %dma_wait3A_410] : memref<16x128xi32, #tpu.memory_space<vmem>> -> memref<1x128xi32, #tpu.memory_space<vmem>>
      %dma_wait3A_412 = tpu.memref_squeeze %dma_wait3A_411 : memref<1x128xi32, #tpu.memory_space<vmem>> -> memref<128xi32, #tpu.memory_space<vmem>>
      %dma_wait3A_413 = arith.constant 0 : i32
      %dma_wait3A_414 = arith.constant 0 : i32
      %dma_wait3A_415 = tpu.memref_slice %arg2[%dma_wait3A_413, %dma_wait3A_414] : memref<10240x128xf32, #tpu.memory_space<hbm>> -> memref<10240x128xf32, #tpu.memory_space<hbm>>
      tpu.wait_indirect_dma semaphore(%arg11 : memref<!tpu.dma_semaphore, #tpu.memory_space<semaphore_mem>>) src(%dma_wait3A_415 : memref<10240x128xf32, #tpu.memory_space<hbm>>) dst(%arg7 : memref<128x128xf32, #tpu.memory_space<vmem>>)
      %dma_wait3A_416 = arith.constant 11 : i32
      %dma_wait3A_417 = arith.constant 0 : i32
      %dma_wait3A_418 = tpu.memref_slice %arg10[%dma_wait3A_416, %dma_wait3A_417] : memref<16x128xi32, #tpu.memory_space<vmem>> -> memref<1x128xi32, #tpu.memory_space<vmem>>
      %dma_wait3A_419 = tpu.memref_squeeze %dma_wait3A_418 : memref<1x128xi32, #tpu.memory_space<vmem>> -> memref<128xi32, #tpu.memory_space<vmem>>
      %dma_wait3A_420 = arith.constant 0 : i32
      %dma_wait3A_421 = arith.constant 0 : i32
      %dma_wait3A_422 = tpu.memref_slice %arg6[%dma_wait3A_420, %dma_wait3A_421] : memref<10240x128xf32, #tpu.memory_space<vmem_shared>> -> memref<10240x128xf32, #tpu.memory_space<vmem_shared>>
      tpu.wait_indirect_dma semaphore(%arg14 : memref<!tpu.dma_semaphore, #tpu.memory_space<semaphore_mem>>) src(%arg8 : memref<128x128xf32, #tpu.memory_space<vmem>>) dst(%dma_wait3A_422 : memref<10240x128xf32, #tpu.memory_space<vmem_shared>>)
      %dma_start3A_423 = arith.constant 13 : i32
      %dma_start3A_424 = arith.constant 0 : i32
      %dma_start3A_425 = tpu.memref_slice %arg9[%dma_start3A_423, %dma_start3A_424] : memref<16x128xi32, #tpu.memory_space<vmem>> -> memref<1x128xi32, #tpu.memory_space<vmem>>
      %dma_start3A_426 = tpu.memref_squeeze %dma_start3A_425 : memref<1x128xi32, #tpu.memory_space<vmem>> -> memref<128xi32, #tpu.memory_space<vmem>>
      %dma_start3A_427 = arith.constant 0 : i32
      %dma_start3A_428 = arith.constant 0 : i32
      %dma_start3A_429 = tpu.memref_slice %arg2[%dma_start3A_427, %dma_start3A_428] : memref<10240x128xf32, #tpu.memory_space<hbm>> -> memref<10240x128xf32, #tpu.memory_space<hbm>>
      tpu.enqueue_indirect_dma source(%dma_start3A_429 : memref<10240x128xf32, #tpu.memory_space<hbm>>) target(%arg8 : memref<128x128xf32, #tpu.memory_space<vmem>>) offsets(%dma_start3A_426 : memref<128xi32, #tpu.memory_space<vmem>>) semaphore(%arg12 : memref<!tpu.dma_semaphore, #tpu.memory_space<semaphore_mem>>)
      %dma_start3A_430 = arith.constant 12 : i32
      %dma_start3A_431 = arith.constant 0 : i32
      %dma_start3A_432 = tpu.memref_slice %arg10[%dma_start3A_430, %dma_start3A_431] : memref<16x128xi32, #tpu.memory_space<vmem>> -> memref<1x128xi32, #tpu.memory_space<vmem>>
      %dma_start3A_433 = tpu.memref_squeeze %dma_start3A_432 : memref<1x128xi32, #tpu.memory_space<vmem>> -> memref<128xi32, #tpu.memory_space<vmem>>
      %dma_start3A_434 = arith.constant 0 : i32
      %dma_start3A_435 = arith.constant 0 : i32
      %dma_start3A_436 = tpu.memref_slice %arg6[%dma_start3A_434, %dma_start3A_435] : memref<10240x128xf32, #tpu.memory_space<vmem_shared>> -> memref<10240x128xf32, #tpu.memory_space<vmem_shared>>
      tpu.enqueue_indirect_dma source(%arg7 : memref<128x128xf32, #tpu.memory_space<vmem>>) target(%dma_start3A_436 : memref<10240x128xf32, #tpu.memory_space<vmem_shared>>) offsets(%dma_start3A_433 : memref<128xi32, #tpu.memory_space<vmem>>) semaphore(%arg13 : memref<!tpu.dma_semaphore, #tpu.memory_space<semaphore_mem>>) {add = true}
      %dma_wait3A_437 = arith.constant 13 : i32
      %dma_wait3A_438 = arith.constant 0 : i32
      %dma_wait3A_439 = tpu.memref_slice %arg9[%dma_wait3A_437, %dma_wait3A_438] : memref<16x128xi32, #tpu.memory_space<vmem>> -> memref<1x128xi32, #tpu.memory_space<vmem>>
      %dma_wait3A_440 = tpu.memref_squeeze %dma_wait3A_439 : memref<1x128xi32, #tpu.memory_space<vmem>> -> memref<128xi32, #tpu.memory_space<vmem>>
      %dma_wait3A_441 = arith.constant 0 : i32
      %dma_wait3A_442 = arith.constant 0 : i32
      %dma_wait3A_443 = tpu.memref_slice %arg2[%dma_wait3A_441, %dma_wait3A_442] : memref<10240x128xf32, #tpu.memory_space<hbm>> -> memref<10240x128xf32, #tpu.memory_space<hbm>>
      tpu.wait_indirect_dma semaphore(%arg12 : memref<!tpu.dma_semaphore, #tpu.memory_space<semaphore_mem>>) src(%dma_wait3A_443 : memref<10240x128xf32, #tpu.memory_space<hbm>>) dst(%arg8 : memref<128x128xf32, #tpu.memory_space<vmem>>)
      %dma_wait3A_444 = arith.constant 12 : i32
      %dma_wait3A_445 = arith.constant 0 : i32
      %dma_wait3A_446 = tpu.memref_slice %arg10[%dma_wait3A_444, %dma_wait3A_445] : memref<16x128xi32, #tpu.memory_space<vmem>> -> memref<1x128xi32, #tpu.memory_space<vmem>>
      %dma_wait3A_447 = tpu.memref_squeeze %dma_wait3A_446 : memref<1x128xi32, #tpu.memory_space<vmem>> -> memref<128xi32, #tpu.memory_space<vmem>>
      %dma_wait3A_448 = arith.constant 0 : i32
      %dma_wait3A_449 = arith.constant 0 : i32
      %dma_wait3A_450 = tpu.memref_slice %arg6[%dma_wait3A_448, %dma_wait3A_449] : memref<10240x128xf32, #tpu.memory_space<vmem_shared>> -> memref<10240x128xf32, #tpu.memory_space<vmem_shared>>
      tpu.wait_indirect_dma semaphore(%arg13 : memref<!tpu.dma_semaphore, #tpu.memory_space<semaphore_mem>>) src(%arg7 : memref<128x128xf32, #tpu.memory_space<vmem>>) dst(%dma_wait3A_450 : memref<10240x128xf32, #tpu.memory_space<vmem_shared>>)
      %dma_start3A_451 = arith.constant 14 : i32
      %dma_start3A_452 = arith.constant 0 : i32
      %dma_start3A_453 = tpu.memref_slice %arg9[%dma_start3A_451, %dma_start3A_452] : memref<16x128xi32, #tpu.memory_space<vmem>> -> memref<1x128xi32, #tpu.memory_space<vmem>>
      %dma_start3A_454 = tpu.memref_squeeze %dma_start3A_453 : memref<1x128xi32, #tpu.memory_space<vmem>> -> memref<128xi32, #tpu.memory_space<vmem>>
      %dma_start3A_455 = arith.constant 0 : i32
      %dma_start3A_456 = arith.constant 0 : i32
      %dma_start3A_457 = tpu.memref_slice %arg2[%dma_start3A_455, %dma_start3A_456] : memref<10240x128xf32, #tpu.memory_space<hbm>> -> memref<10240x128xf32, #tpu.memory_space<hbm>>
      tpu.enqueue_indirect_dma source(%dma_start3A_457 : memref<10240x128xf32, #tpu.memory_space<hbm>>) target(%arg7 : memref<128x128xf32, #tpu.memory_space<vmem>>) offsets(%dma_start3A_454 : memref<128xi32, #tpu.memory_space<vmem>>) semaphore(%arg11 : memref<!tpu.dma_semaphore, #tpu.memory_space<semaphore_mem>>)
      %dma_start3A_458 = arith.constant 13 : i32
      %dma_start3A_459 = arith.constant 0 : i32
      %dma_start3A_460 = tpu.memref_slice %arg10[%dma_start3A_458, %dma_start3A_459] : memref<16x128xi32, #tpu.memory_space<vmem>> -> memref<1x128xi32, #tpu.memory_space<vmem>>
      %dma_start3A_461 = tpu.memref_squeeze %dma_start3A_460 : memref<1x128xi32, #tpu.memory_space<vmem>> -> memref<128xi32, #tpu.memory_space<vmem>>
      %dma_start3A_462 = arith.constant 0 : i32
      %dma_start3A_463 = arith.constant 0 : i32
      %dma_start3A_464 = tpu.memref_slice %arg6[%dma_start3A_462, %dma_start3A_463] : memref<10240x128xf32, #tpu.memory_space<vmem_shared>> -> memref<10240x128xf32, #tpu.memory_space<vmem_shared>>
      tpu.enqueue_indirect_dma source(%arg8 : memref<128x128xf32, #tpu.memory_space<vmem>>) target(%dma_start3A_464 : memref<10240x128xf32, #tpu.memory_space<vmem_shared>>) offsets(%dma_start3A_461 : memref<128xi32, #tpu.memory_space<vmem>>) semaphore(%arg14 : memref<!tpu.dma_semaphore, #tpu.memory_space<semaphore_mem>>) {add = true}
      %dma_wait3A_465 = arith.constant 14 : i32
      %dma_wait3A_466 = arith.constant 0 : i32
      %dma_wait3A_467 = tpu.memref_slice %arg9[%dma_wait3A_465, %dma_wait3A_466] : memref<16x128xi32, #tpu.memory_space<vmem>> -> memref<1x128xi32, #tpu.memory_space<vmem>>
      %dma_wait3A_468 = tpu.memref_squeeze %dma_wait3A_467 : memref<1x128xi32, #tpu.memory_space<vmem>> -> memref<128xi32, #tpu.memory_space<vmem>>
      %dma_wait3A_469 = arith.constant 0 : i32
      %dma_wait3A_470 = arith.constant 0 : i32
      %dma_wait3A_471 = tpu.memref_slice %arg2[%dma_wait3A_469, %dma_wait3A_470] : memref<10240x128xf32, #tpu.memory_space<hbm>> -> memref<10240x128xf32, #tpu.memory_space<hbm>>
      tpu.wait_indirect_dma semaphore(%arg11 : memref<!tpu.dma_semaphore, #tpu.memory_space<semaphore_mem>>) src(%dma_wait3A_471 : memref<10240x128xf32, #tpu.memory_space<hbm>>) dst(%arg7 : memref<128x128xf32, #tpu.memory_space<vmem>>)
      %dma_wait3A_472 = arith.constant 13 : i32
      %dma_wait3A_473 = arith.constant 0 : i32
      %dma_wait3A_474 = tpu.memref_slice %arg10[%dma_wait3A_472, %dma_wait3A_473] : memref<16x128xi32, #tpu.memory_space<vmem>> -> memref<1x128xi32, #tpu.memory_space<vmem>>
      %dma_wait3A_475 = tpu.memref_squeeze %dma_wait3A_474 : memref<1x128xi32, #tpu.memory_space<vmem>> -> memref<128xi32, #tpu.memory_space<vmem>>
      %dma_wait3A_476 = arith.constant 0 : i32
      %dma_wait3A_477 = arith.constant 0 : i32
      %dma_wait3A_478 = tpu.memref_slice %arg6[%dma_wait3A_476, %dma_wait3A_477] : memref<10240x128xf32, #tpu.memory_space<vmem_shared>> -> memref<10240x128xf32, #tpu.memory_space<vmem_shared>>
      tpu.wait_indirect_dma semaphore(%arg14 : memref<!tpu.dma_semaphore, #tpu.memory_space<semaphore_mem>>) src(%arg8 : memref<128x128xf32, #tpu.memory_space<vmem>>) dst(%dma_wait3A_478 : memref<10240x128xf32, #tpu.memory_space<vmem_shared>>)
      %dma_start3A_479 = arith.constant 15 : i32
      %dma_start3A_480 = arith.constant 0 : i32
      %dma_start3A_481 = tpu.memref_slice %arg9[%dma_start3A_479, %dma_start3A_480] : memref<16x128xi32, #tpu.memory_space<vmem>> -> memref<1x128xi32, #tpu.memory_space<vmem>>
      %dma_start3A_482 = tpu.memref_squeeze %dma_start3A_481 : memref<1x128xi32, #tpu.memory_space<vmem>> -> memref<128xi32, #tpu.memory_space<vmem>>
      %dma_start3A_483 = arith.constant 0 : i32
      %dma_start3A_484 = arith.constant 0 : i32
      %dma_start3A_485 = tpu.memref_slice %arg2[%dma_start3A_483, %dma_start3A_484] : memref<10240x128xf32, #tpu.memory_space<hbm>> -> memref<10240x128xf32, #tpu.memory_space<hbm>>
      tpu.enqueue_indirect_dma source(%dma_start3A_485 : memref<10240x128xf32, #tpu.memory_space<hbm>>) target(%arg8 : memref<128x128xf32, #tpu.memory_space<vmem>>) offsets(%dma_start3A_482 : memref<128xi32, #tpu.memory_space<vmem>>) semaphore(%arg12 : memref<!tpu.dma_semaphore, #tpu.memory_space<semaphore_mem>>)
      %dma_start3A_486 = arith.constant 14 : i32
      %dma_start3A_487 = arith.constant 0 : i32
      %dma_start3A_488 = tpu.memref_slice %arg10[%dma_start3A_486, %dma_start3A_487] : memref<16x128xi32, #tpu.memory_space<vmem>> -> memref<1x128xi32, #tpu.memory_space<vmem>>
      %dma_start3A_489 = tpu.memref_squeeze %dma_start3A_488 : memref<1x128xi32, #tpu.memory_space<vmem>> -> memref<128xi32, #tpu.memory_space<vmem>>
      %dma_start3A_490 = arith.constant 0 : i32
      %dma_start3A_491 = arith.constant 0 : i32
      %dma_start3A_492 = tpu.memref_slice %arg6[%dma_start3A_490, %dma_start3A_491] : memref<10240x128xf32, #tpu.memory_space<vmem_shared>> -> memref<10240x128xf32, #tpu.memory_space<vmem_shared>>
      tpu.enqueue_indirect_dma source(%arg7 : memref<128x128xf32, #tpu.memory_space<vmem>>) target(%dma_start3A_492 : memref<10240x128xf32, #tpu.memory_space<vmem_shared>>) offsets(%dma_start3A_489 : memref<128xi32, #tpu.memory_space<vmem>>) semaphore(%arg13 : memref<!tpu.dma_semaphore, #tpu.memory_space<semaphore_mem>>) {add = true}
      %dma_wait3A_493 = arith.constant 15 : i32
      %dma_wait3A_494 = arith.constant 0 : i32
      %dma_wait3A_495 = tpu.memref_slice %arg9[%dma_wait3A_493, %dma_wait3A_494] : memref<16x128xi32, #tpu.memory_space<vmem>> -> memref<1x128xi32, #tpu.memory_space<vmem>>
      %dma_wait3A_496 = tpu.memref_squeeze %dma_wait3A_495 : memref<1x128xi32, #tpu.memory_space<vmem>> -> memref<128xi32, #tpu.memory_space<vmem>>
      %dma_wait3A_497 = arith.constant 0 : i32
      %dma_wait3A_498 = arith.constant 0 : i32
      %dma_wait3A_499 = tpu.memref_slice %arg2[%dma_wait3A_497, %dma_wait3A_498] : memref<10240x128xf32, #tpu.memory_space<hbm>> -> memref<10240x128xf32, #tpu.memory_space<hbm>>
      tpu.wait_indirect_dma semaphore(%arg12 : memref<!tpu.dma_semaphore, #tpu.memory_space<semaphore_mem>>) src(%dma_wait3A_499 : memref<10240x128xf32, #tpu.memory_space<hbm>>) dst(%arg8 : memref<128x128xf32, #tpu.memory_space<vmem>>)
      %dma_start3A_500 = arith.constant 15 : i32
      %dma_start3A_501 = arith.constant 0 : i32
      %dma_start3A_502 = tpu.memref_slice %arg10[%dma_start3A_500, %dma_start3A_501] : memref<16x128xi32, #tpu.memory_space<vmem>> -> memref<1x128xi32, #tpu.memory_space<vmem>>
      %dma_start3A_503 = tpu.memref_squeeze %dma_start3A_502 : memref<1x128xi32, #tpu.memory_space<vmem>> -> memref<128xi32, #tpu.memory_space<vmem>>
      %dma_start3A_504 = arith.constant 0 : i32
      %dma_start3A_505 = arith.constant 0 : i32
      %dma_start3A_506 = tpu.memref_slice %arg6[%dma_start3A_504, %dma_start3A_505] : memref<10240x128xf32, #tpu.memory_space<vmem_shared>> -> memref<10240x128xf32, #tpu.memory_space<vmem_shared>>
      tpu.enqueue_indirect_dma source(%arg8 : memref<128x128xf32, #tpu.memory_space<vmem>>) target(%dma_start3A_506 : memref<10240x128xf32, #tpu.memory_space<vmem_shared>>) offsets(%dma_start3A_503 : memref<128xi32, #tpu.memory_space<vmem>>) semaphore(%arg14 : memref<!tpu.dma_semaphore, #tpu.memory_space<semaphore_mem>>) {add = true}
      %dma_wait3A_507 = arith.constant 14 : i32
      %dma_wait3A_508 = arith.constant 0 : i32
      %dma_wait3A_509 = tpu.memref_slice %arg10[%dma_wait3A_507, %dma_wait3A_508] : memref<16x128xi32, #tpu.memory_space<vmem>> -> memref<1x128xi32, #tpu.memory_space<vmem>>
      %dma_wait3A_510 = tpu.memref_squeeze %dma_wait3A_509 : memref<1x128xi32, #tpu.memory_space<vmem>> -> memref<128xi32, #tpu.memory_space<vmem>>
      %dma_wait3A_511 = arith.constant 0 : i32
      %dma_wait3A_512 = arith.constant 0 : i32
      %dma_wait3A_513 = tpu.memref_slice %arg6[%dma_wait3A_511, %dma_wait3A_512] : memref<10240x128xf32, #tpu.memory_space<vmem_shared>> -> memref<10240x128xf32, #tpu.memory_space<vmem_shared>>
      tpu.wait_indirect_dma semaphore(%arg13 : memref<!tpu.dma_semaphore, #tpu.memory_space<semaphore_mem>>) src(%arg7 : memref<128x128xf32, #tpu.memory_space<vmem>>) dst(%dma_wait3A_513 : memref<10240x128xf32, #tpu.memory_space<vmem_shared>>)
      %dma_wait3A_514 = arith.constant 15 : i32
      %dma_wait3A_515 = arith.constant 0 : i32
      %dma_wait3A_516 = tpu.memref_slice %arg10[%dma_wait3A_514, %dma_wait3A_515] : memref<16x128xi32, #tpu.memory_space<vmem>> -> memref<1x128xi32, #tpu.memory_space<vmem>>
      %dma_wait3A_517 = tpu.memref_squeeze %dma_wait3A_516 : memref<1x128xi32, #tpu.memory_space<vmem>> -> memref<128xi32, #tpu.memory_space<vmem>>
      %dma_wait3A_518 = arith.constant 0 : i32
      %dma_wait3A_519 = arith.constant 0 : i32
      %dma_wait3A_520 = tpu.memref_slice %arg6[%dma_wait3A_518, %dma_wait3A_519] : memref<10240x128xf32, #tpu.memory_space<vmem_shared>> -> memref<10240x128xf32, #tpu.memory_space<vmem_shared>>
      tpu.wait_indirect_dma semaphore(%arg14 : memref<!tpu.dma_semaphore, #tpu.memory_space<semaphore_mem>>) src(%arg8 : memref<128x128xf32, #tpu.memory_space<vmem>>) dst(%dma_wait3A_520 : memref<10240x128xf32, #tpu.memory_space<vmem_shared>>)
    }
    %barrier3A_64 = arith.constant 0 : index
    tpu.barrier barrier_id(%barrier3A_64)
    %mul3A_65 = arith.constant 640 : i32
    %mul3A_66 = arith.muli %arg1, %mul3A_65 : i32
    %mul3A_67 = arith.constant 640 : i32
    %mul3A_68 = arith.muli %arg1, %mul3A_67 : i32
    "tpu.region"() ({
      %run_scoped3A = tpu.sem_alloc : memref<!tpu.dma_semaphore, #tpu.memory_space<semaphore_mem>>
      %dma_start3A = arith.constant 0 : i32
      %dma_start3A_69 = tpu.memref_slice %arg5[%arg0, %mul3A_68, %dma_start3A] : memref<2x10240x128xf32, #tpu.memory_space<hbm>> -> memref<1x640x128xf32, #tpu.memory_space<hbm>>
      %dma_start3A_70 = tpu.memref_squeeze %dma_start3A_69 : memref<1x640x128xf32, #tpu.memory_space<hbm>> -> memref<640x128xf32, #tpu.memory_space<hbm>>
      %dma_start3A_71 = arith.constant 0 : i32
      %dma_start3A_72 = tpu.memref_slice %arg6[%mul3A_66, %dma_start3A_71] : memref<10240x128xf32, #tpu.memory_space<vmem_shared>> -> memref<640x128xf32, #tpu.memory_space<vmem_shared>>
      tpu.enqueue_dma source(%dma_start3A_72 : memref<640x128xf32, #tpu.memory_space<vmem_shared>>) target(%dma_start3A_70 : memref<640x128xf32, #tpu.memory_space<hbm>>) target_semaphore(%run_scoped3A : memref<!tpu.dma_semaphore, #tpu.memory_space<semaphore_mem>>)
      %dma_wait3A = arith.constant 0 : i32
      %dma_wait3A_73 = tpu.memref_slice %arg5[%arg0, %mul3A_68, %dma_wait3A] : memref<2x10240x128xf32, #tpu.memory_space<hbm>> -> memref<1x640x128xf32, #tpu.memory_space<hbm>>
      %dma_wait3A_74 = tpu.memref_squeeze %dma_wait3A_73 : memref<1x640x128xf32, #tpu.memory_space<hbm>> -> memref<640x128xf32, #tpu.memory_space<hbm>>
      %dma_wait3A_75 = arith.constant 0 : i32
      %dma_wait3A_76 = tpu.memref_slice %arg6[%mul3A_66, %dma_wait3A_75] : memref<10240x128xf32, #tpu.memory_space<vmem_shared>> -> memref<640x128xf32, #tpu.memory_space<vmem_shared>>
      tpu.wait_dma2 semaphore(%run_scoped3A : memref<!tpu.dma_semaphore, #tpu.memory_space<semaphore_mem>>) src(%dma_wait3A_76 : memref<640x128xf32, #tpu.memory_space<vmem_shared>>) dst(%dma_wait3A_74 : memref<640x128xf32, #tpu.memory_space<hbm>>)
      tpu.yield
    }) : () -> ()
    return
  }
}

module attributes {stable_mosaic.version = 14 : i64} {
  func.func @_matmul_body(%arg0: i32, %arg1: memref<1024x128xf32, #tpu.memory_space<vmem>>, %arg2: memref<128x128xf32, #tpu.memory_space<vmem>>, %arg3: memref<1024x128xf32, #tpu.memory_space<vmem>>) attributes {dimension_semantics = [#tpu.dimension_semantics<arbitrary>], iteration_bounds = array<i64: 10>, scalar_prefetch = 0 : i64, scratch_operands = 0 : i64, tpu.core_type = #tpu.core_type<tc>, window_params = [{transform_indices = @transform_0, window_bounds = array<i64: 1024, 128>}, {pipeline_mode = #tpu.pipeline_mode<synchronous>, transform_indices = @transform_1, window_bounds = array<i64: 128, 128>}, {transform_indices = @transform_2, window_bounds = array<i64: 1024, 128>}]} {
    %get3A = arith.constant 0 : index
    %get3A_0 = arith.constant 0 : index
    %get3A_1 = vector.load %arg1[%get3A, %get3A_0] : memref<1024x128xf32, #tpu.memory_space<vmem>>, vector<1024x128xf32>
    %get3A_2 = arith.constant 0 : index
    %get3A_3 = arith.constant 0 : index
    %get3A_4 = vector.load %arg2[%get3A_2, %get3A_3] : memref<128x128xf32, #tpu.memory_space<vmem>>, vector<128x128xf32>
    %dot_general3A = arith.constant dense<0.000000e+00> : vector<1024x128xf32>
    %dot_general3A_5 = tpu.matmul %get3A_1, %get3A_4, %dot_general3A {dimension_numbers = #tpu.dot_dimension_numbers<[1], [0], [0], [1], [0, 0, 1, 1], [], []>, transpose_lhs_hint = false} : vector<1024x128xf32>, vector<128x128xf32>, vector<1024x128xf32> -> vector<1024x128xf32>
    %swap3A = arith.constant 0 : index
    %swap3A_6 = arith.constant 0 : index
    %swap3A_7 = vector.load %arg3[%swap3A, %swap3A_6] : memref<1024x128xf32, #tpu.memory_space<vmem>>, vector<1024x128xf32>
    tpu.vector_store %arg3[%swap3A, %swap3A_6], %dot_general3A_5 {strides = array<i32>} : memref<1024x128xf32, #tpu.memory_space<vmem>>, vector<1024x128xf32>,
    return
  }
  func.func @transform_0(%arg0: i32) -> (i32, i32) {
    %c0_i32 = arith.constant 0 : i32
    %c0_i32_0 = arith.constant 0 : i32
    return %arg0, %c0_i32 : i32, i32
  }
  func.func @transform_1(%arg0: i32) -> (i32, i32) {
    %c0_i32 = arith.constant 0 : i32
    %c0_i32_0 = arith.constant 0 : i32
    %c0_i32_1 = arith.constant 0 : i32
    return %c0_i32, %c0_i32_0 : i32, i32
  }
  func.func @transform_2(%arg0: i32) -> (i32, i32) {
    %c0_i32 = arith.constant 0 : i32
    %c0_i32_0 = arith.constant 0 : i32
    return %arg0, %c0_i32 : i32, i32
  }
}

module attributes {stable_mosaic.version = 14 : i64} {
  func.func @_scale_body(%arg0: i32, %arg1: memref<1024x128xf32, #tpu.memory_space<vmem>>, %arg2: memref<1024x1xf32, #tpu.memory_space<vmem>>, %arg3: memref<1024x1xf32, #tpu.memory_space<vmem>>, %arg4: memref<1024x128xf32, #tpu.memory_space<vmem>>, %arg5: memref<1024x1xf32, #tpu.memory_space<vmem>>) attributes {dimension_semantics = [#tpu.dimension_semantics<arbitrary>], iteration_bounds = array<i64: 10>, scalar_prefetch = 0 : i64, scratch_operands = 0 : i64, tpu.core_type = #tpu.core_type<tc>, window_params = [{transform_indices = @transform_0, window_bounds = array<i64: 1024, 128>}, {transform_indices = @transform_1, window_bounds = array<i64: 1024, 1>}, {transform_indices = @transform_2, window_bounds = array<i64: 1024, 1>}, {transform_indices = @transform_3, window_bounds = array<i64: 1024, 128>}, {transform_indices = @transform_4, window_bounds = array<i64: 1024, 1>}]} {
    %get3A = arith.constant 0 : index
    %get3A_0 = arith.constant 0 : index
    %get3A_1 = vector.load %arg2[%get3A, %get3A_0] : memref<1024x1xf32, #tpu.memory_space<vmem>>, vector<1024x1xf32>
    %get3A_2 = arith.constant 0 : index
    %get3A_3 = arith.constant 0 : index
    %get3A_4 = vector.load %arg3[%get3A_2, %get3A_3] : memref<1024x1xf32, #tpu.memory_space<vmem>>, vector<1024x1xf32>
    %add3A = arith.addf %get3A_1, %get3A_4 : vector<1024x1xf32>
    %add3A_5 = arith.constant 1.000000e+00 : f32
    %add3A_6 = vector.broadcast %add3A_5 : f32 to vector<1024x1xf32>
    %add3A_7 = arith.addf %add3A, %add3A_6 : vector<1024x1xf32>
    %max3A = arith.constant 1.000000e+00 : f32
    %max3A_8 = vector.broadcast %max3A : f32 to vector<1024x1xf32>
    %max3A_9 = arith.maximumf %add3A_7, %max3A_8 : vector<1024x1xf32>
    %rsqrt3A = math.rsqrt %max3A_9 : vector<1024x1xf32>
    %swap3A = arith.constant 0 : index
    %swap3A_10 = arith.constant 0 : index
    %swap3A_11 = vector.load %arg5[%swap3A, %swap3A_10] : memref<1024x1xf32, #tpu.memory_space<vmem>>, vector<1024x1xf32>
    tpu.vector_store %arg5[%swap3A, %swap3A_10], %rsqrt3A {strides = array<i32>} : memref<1024x1xf32, #tpu.memory_space<vmem>>, vector<1024x1xf32>,
    %get3A_12 = arith.constant 0 : index
    %get3A_13 = arith.constant 0 : index
    %get3A_14 = vector.load %arg1[%get3A_12, %get3A_13] : memref<1024x128xf32, #tpu.memory_space<vmem>>, vector<1024x128xf32>
    %mul3A = vector.broadcast %rsqrt3A : vector<1024x1xf32> to vector<1024x128xf32>
    %mul3A_15 = arith.mulf %get3A_14, %mul3A : vector<1024x128xf32>
    %swap3A_16 = arith.constant 0 : index
    %swap3A_17 = arith.constant 0 : index
    %swap3A_18 = vector.load %arg4[%swap3A_16, %swap3A_17] : memref<1024x128xf32, #tpu.memory_space<vmem>>, vector<1024x128xf32>
    tpu.vector_store %arg4[%swap3A_16, %swap3A_17], %mul3A_15 {strides = array<i32>} : memref<1024x128xf32, #tpu.memory_space<vmem>>, vector<1024x128xf32>,
    return
  }
  func.func @transform_0(%arg0: i32) -> (i32, i32) {
    %c0_i32 = arith.constant 0 : i32
    %c0_i32_0 = arith.constant 0 : i32
    return %arg0, %c0_i32 : i32, i32
  }
  func.func @transform_1(%arg0: i32) -> (i32, i32) {
    %c0_i32 = arith.constant 0 : i32
    %c0_i32_0 = arith.constant 0 : i32
    return %arg0, %c0_i32 : i32, i32
  }
  func.func @transform_2(%arg0: i32) -> (i32, i32) {
    %c0_i32 = arith.constant 0 : i32
    %c0_i32_0 = arith.constant 0 : i32
    return %arg0, %c0_i32 : i32, i32
  }
  func.func @transform_3(%arg0: i32) -> (i32, i32) {
    %c0_i32 = arith.constant 0 : i32
    %c0_i32_0 = arith.constant 0 : i32
    return %arg0, %c0_i32 : i32, i32
  }
  func.func @transform_4(%arg0: i32) -> (i32, i32) {
    %c0_i32 = arith.constant 0 : i32
    %c0_i32_0 = arith.constant 0 : i32
    return %arg0, %c0_i32 : i32, i32
  }
}

module attributes {stable_mosaic.version = 14 : i64} {
  func.func @_mid_body(%arg0: i32, %arg1: memref<1024x128xf32, #tpu.memory_space<vmem>>, %arg2: memref<1024x128xf32, #tpu.memory_space<vmem>>, %arg3: memref<1024x128xf32, #tpu.memory_space<vmem>>, %arg4: memref<1024x1xf32, #tpu.memory_space<vmem>>, %arg5: memref<1x128xf32, #tpu.memory_space<vmem>>, %arg6: memref<128x128xf32, #tpu.memory_space<vmem>>, %arg7: memref<1024x128xf32, #tpu.memory_space<vmem>>) attributes {dimension_semantics = [#tpu.dimension_semantics<arbitrary>], iteration_bounds = array<i64: 10>, scalar_prefetch = 0 : i64, scratch_operands = 0 : i64, tpu.core_type = #tpu.core_type<tc>, window_params = [{transform_indices = @transform_0, window_bounds = array<i64: 1024, 128>}, {transform_indices = @transform_1, window_bounds = array<i64: 1024, 128>}, {transform_indices = @transform_2, window_bounds = array<i64: 1024, 128>}, {transform_indices = @transform_3, window_bounds = array<i64: 1024, 1>}, {pipeline_mode = #tpu.pipeline_mode<synchronous>, transform_indices = @transform_4, window_bounds = array<i64: 1, 128>}, {pipeline_mode = #tpu.pipeline_mode<synchronous>, transform_indices = @transform_5, window_bounds = array<i64: 128, 128>}, {transform_indices = @transform_6, window_bounds = array<i64: 1024, 128>}]} {
    %get3A = arith.constant 0 : index
    %get3A_0 = arith.constant 0 : index
    %get3A_1 = vector.load %arg4[%get3A, %get3A_0] : memref<1024x1xf32, #tpu.memory_space<vmem>>, vector<1024x1xf32>
    %get3A_2 = arith.constant 0 : index
    %get3A_3 = arith.constant 0 : index
    %get3A_4 = vector.load %arg1[%get3A_2, %get3A_3] : memref<1024x128xf32, #tpu.memory_space<vmem>>, vector<1024x128xf32>
    %get3A_5 = arith.constant 0 : index
    %get3A_6 = arith.constant 0 : index
    %get3A_7 = vector.load %arg2[%get3A_5, %get3A_6] : memref<1024x128xf32, #tpu.memory_space<vmem>>, vector<1024x128xf32>
    %add3A = arith.addf %get3A_4, %get3A_7 : vector<1024x128xf32>
    %get3A_8 = arith.constant 0 : index
    %get3A_9 = arith.constant 0 : index
    %get3A_10 = vector.load %arg3[%get3A_8, %get3A_9] : memref<1024x128xf32, #tpu.memory_space<vmem>>, vector<1024x128xf32>
    %add3A_11 = arith.addf %add3A, %get3A_10 : vector<1024x128xf32>
    %mul3A = vector.broadcast %get3A_1 : vector<1024x1xf32> to vector<1024x128xf32>
    %mul3A_12 = arith.mulf %add3A_11, %mul3A : vector<1024x128xf32>
    %get3A_13 = arith.constant 0 : index
    %get3A_14 = arith.constant 0 : index
    %get3A_15 = vector.load %arg5[%get3A_13, %get3A_14] : memref<1x128xf32, #tpu.memory_space<vmem>>, vector<1x128xf32>
    %add3A_16 = vector.broadcast %get3A_15 : vector<1x128xf32> to vector<1024x128xf32>
    %add3A_17 = arith.addf %mul3A_12, %add3A_16 : vector<1024x128xf32>
    %max3A = arith.constant 0.000000e+00 : f32
    %max3A_18 = vector.broadcast %max3A : f32 to vector<1024x128xf32>
    %max3A_19 = arith.maximumf %add3A_17, %max3A_18 : vector<1024x128xf32>
    %get3A_20 = arith.constant 0 : index
    %get3A_21 = arith.constant 0 : index
    %get3A_22 = vector.load %arg6[%get3A_20, %get3A_21] : memref<128x128xf32, #tpu.memory_space<vmem>>, vector<128x128xf32>
    %dot_general3A = arith.constant dense<0.000000e+00> : vector<1024x128xf32>
    %dot_general3A_23 = tpu.matmul %max3A_19, %get3A_22, %dot_general3A {dimension_numbers = #tpu.dot_dimension_numbers<[1], [0], [0], [1], [0, 0, 1, 1], [], []>, transpose_lhs_hint = false} : vector<1024x128xf32>, vector<128x128xf32>, vector<1024x128xf32> -> vector<1024x128xf32>
    %mul3A_24 = vector.broadcast %get3A_1 : vector<1024x1xf32> to vector<1024x128xf32>
    %mul3A_25 = arith.mulf %dot_general3A_23, %mul3A_24 : vector<1024x128xf32>
    %swap3A = arith.constant 0 : index
    %swap3A_26 = arith.constant 0 : index
    %swap3A_27 = vector.load %arg7[%swap3A, %swap3A_26] : memref<1024x128xf32, #tpu.memory_space<vmem>>, vector<1024x128xf32>
    tpu.vector_store %arg7[%swap3A, %swap3A_26], %mul3A_25 {strides = array<i32>} : memref<1024x128xf32, #tpu.memory_space<vmem>>, vector<1024x128xf32>,
    return
  }
  func.func @transform_0(%arg0: i32) -> (i32, i32) {
    %c0_i32 = arith.constant 0 : i32
    %c0_i32_0 = arith.constant 0 : i32
    return %arg0, %c0_i32 : i32, i32
  }
  func.func @transform_1(%arg0: i32) -> (i32, i32) {
    %c0_i32 = arith.constant 0 : i32
    %c0_i32_0 = arith.constant 0 : i32
    return %arg0, %c0_i32 : i32, i32
  }
  func.func @transform_2(%arg0: i32) -> (i32, i32) {
    %c0_i32 = arith.constant 0 : i32
    %c0_i32_0 = arith.constant 0 : i32
    return %arg0, %c0_i32 : i32, i32
  }
  func.func @transform_3(%arg0: i32) -> (i32, i32) {
    %c0_i32 = arith.constant 0 : i32
    %c0_i32_0 = arith.constant 0 : i32
    return %arg0, %c0_i32 : i32, i32
  }
  func.func @transform_4(%arg0: i32) -> (i32, i32) {
    %c0_i32 = arith.constant 0 : i32
    %c0_i32_0 = arith.constant 0 : i32
    %c0_i32_1 = arith.constant 0 : i32
    return %c0_i32, %c0_i32_0 : i32, i32
  }
  func.func @transform_5(%arg0: i32) -> (i32, i32) {
    %c0_i32 = arith.constant 0 : i32
    %c0_i32_0 = arith.constant 0 : i32
    %c0_i32_1 = arith.constant 0 : i32
    return %c0_i32, %c0_i32_0 : i32, i32
  }
  func.func @transform_6(%arg0: i32) -> (i32, i32) {
    %c0_i32 = arith.constant 0 : i32
    %c0_i32_0 = arith.constant 0 : i32
    return %arg0, %c0_i32 : i32, i32
  }
}

module attributes {stable_mosaic.version = 14 : i64} {
  func.func @_final_body(%arg0: i32, %arg1: memref<1024x128xf32, #tpu.memory_space<vmem>>, %arg2: memref<1024x128xf32, #tpu.memory_space<vmem>>, %arg3: memref<1024x128xf32, #tpu.memory_space<vmem>>, %arg4: memref<1024x1xf32, #tpu.memory_space<vmem>>, %arg5: memref<1x128xf32, #tpu.memory_space<vmem>>, %arg6: memref<1024x128xf32, #tpu.memory_space<vmem>>) attributes {dimension_semantics = [#tpu.dimension_semantics<arbitrary>], iteration_bounds = array<i64: 10>, scalar_prefetch = 0 : i64, scratch_operands = 0 : i64, tpu.core_type = #tpu.core_type<tc>, window_params = [{transform_indices = @transform_0, window_bounds = array<i64: 1024, 128>}, {transform_indices = @transform_1, window_bounds = array<i64: 1024, 128>}, {transform_indices = @transform_2, window_bounds = array<i64: 1024, 128>}, {transform_indices = @transform_3, window_bounds = array<i64: 1024, 1>}, {pipeline_mode = #tpu.pipeline_mode<synchronous>, transform_indices = @transform_4, window_bounds = array<i64: 1, 128>}, {transform_indices = @transform_5, window_bounds = array<i64: 1024, 128>}]} {
    %get3A = arith.constant 0 : index
    %get3A_0 = arith.constant 0 : index
    %get3A_1 = vector.load %arg1[%get3A, %get3A_0] : memref<1024x128xf32, #tpu.memory_space<vmem>>, vector<1024x128xf32>
    %get3A_2 = arith.constant 0 : index
    %get3A_3 = arith.constant 0 : index
    %get3A_4 = vector.load %arg2[%get3A_2, %get3A_3] : memref<1024x128xf32, #tpu.memory_space<vmem>>, vector<1024x128xf32>
    %add3A = arith.addf %get3A_1, %get3A_4 : vector<1024x128xf32>
    %get3A_5 = arith.constant 0 : index
    %get3A_6 = arith.constant 0 : index
    %get3A_7 = vector.load %arg3[%get3A_5, %get3A_6] : memref<1024x128xf32, #tpu.memory_space<vmem>>, vector<1024x128xf32>
    %add3A_8 = arith.addf %add3A, %get3A_7 : vector<1024x128xf32>
    %get3A_9 = arith.constant 0 : index
    %get3A_10 = arith.constant 0 : index
    %get3A_11 = vector.load %arg4[%get3A_9, %get3A_10] : memref<1024x1xf32, #tpu.memory_space<vmem>>, vector<1024x1xf32>
    %mul3A = vector.broadcast %get3A_11 : vector<1024x1xf32> to vector<1024x128xf32>
    %mul3A_12 = arith.mulf %add3A_8, %mul3A : vector<1024x128xf32>
    %get3A_13 = arith.constant 0 : index
    %get3A_14 = arith.constant 0 : index
    %get3A_15 = vector.load %arg5[%get3A_13, %get3A_14] : memref<1x128xf32, #tpu.memory_space<vmem>>, vector<1x128xf32>
    %add3A_16 = vector.broadcast %get3A_15 : vector<1x128xf32> to vector<1024x128xf32>
    %add3A_17 = arith.addf %mul3A_12, %add3A_16 : vector<1024x128xf32>
    %max3A = arith.constant 0.000000e+00 : f32
    %max3A_18 = vector.broadcast %max3A : f32 to vector<1024x128xf32>
    %max3A_19 = arith.maximumf %add3A_17, %max3A_18 : vector<1024x128xf32>
    %swap3A = arith.constant 0 : index
    %swap3A_20 = arith.constant 0 : index
    %swap3A_21 = vector.load %arg6[%swap3A, %swap3A_20] : memref<1024x128xf32, #tpu.memory_space<vmem>>, vector<1024x128xf32>
    tpu.vector_store %arg6[%swap3A, %swap3A_20], %max3A_19 {strides = array<i32>} : memref<1024x128xf32, #tpu.memory_space<vmem>>, vector<1024x128xf32>,
    return
  }
  func.func @transform_0(%arg0: i32) -> (i32, i32) {
    %c0_i32 = arith.constant 0 : i32
    %c0_i32_0 = arith.constant 0 : i32
    return %arg0, %c0_i32 : i32, i32
  }
  func.func @transform_1(%arg0: i32) -> (i32, i32) {
    %c0_i32 = arith.constant 0 : i32
    %c0_i32_0 = arith.constant 0 : i32
    return %arg0, %c0_i32 : i32, i32
  }
  func.func @transform_2(%arg0: i32) -> (i32, i32) {
    %c0_i32 = arith.constant 0 : i32
    %c0_i32_0 = arith.constant 0 : i32
    return %arg0, %c0_i32 : i32, i32
  }
  func.func @transform_3(%arg0: i32) -> (i32, i32) {
    %c0_i32 = arith.constant 0 : i32
    %c0_i32_0 = arith.constant 0 : i32
    return %arg0, %c0_i32 : i32, i32
  }
  func.func @transform_4(%arg0: i32) -> (i32, i32) {
    %c0_i32 = arith.constant 0 : i32
    %c0_i32_0 = arith.constant 0 : i32
    %c0_i32_1 = arith.constant 0 : i32
    return %c0_i32, %c0_i32_0 : i32, i32
  }
  func.func @transform_5(%arg0: i32) -> (i32, i32) {
    %c0_i32 = arith.constant 0 : i32
    %c0_i32_0 = arith.constant 0 : i32
    return %arg0, %c0_i32 : i32, i32
  }
}

</mosaic_0001>

<sc_bundles>
// kernel: kernel.12.cloned.1.call-start
scs
__scs_entry_jumppad:
0x0: {  	(pc) =	sbr.rel $0x88, $3  }
0x1: {  	(tag) =	ssettag $0x0;
	lr =	simm.s32 $0x1  }
0x2: {  	[smem:$0x3F9B] =	sst lr;
	_ =	strace $0xD0000000  }
0x3: {  	_ = 	snop  }
0x4: {  	_ = 	snop  }
0x5: {  	_ = 	snop  }
0x6: {  	_ = 	snop  }
0x7: {  	_ = 	snop  }
__scs_overlays_trampoline_lowered:
0x8: {  	[smem:$0x3FAA] =	sst s0  }
0x9: {  	[smem:$0x3FAB] =	sst s1  }
0xa: {  	[smem:$0x3FAC] =	sst s2  }
0xb: {  	[smem:$0x3FAD] =	sst s3  }
0xc: {  	[smem:$0x3FAE] =	sst s4  }
0xd: {  	[smem:$0x3FAF] =	sst s5  }
0xe: {  	[smem:$0x3FB0] =	sst s6  }
0xf: {  	[smem:$0x3FB1] =	sst s7  }
0x10: {  	[smem:$0x3FB2] =	sst s8  }
0x11: {  	[smem:$0x3FB3] =	sst s9;
	s0 =	simm.s32 @!p0 $0x0  }
0x12: {  	s1 =	sld [smem:$0x3F99];
	s0 =	simm.s32 @p0 $0x1  }
0x13: {  	[smem:$0x3FB4] =	sst s0;
	s0 =	simm.s32 @!p1 $0x0  }
0x14: {  	s2 =	sld [smem:$0x3F98];
	s0 =	simm.s32 @p1 $0x1  }
0x15: {  	[smem:$0x3FB5] =	sst s0;
	s0 =	simm.s32 @!p2 $0x0  }
0x16: {  	s3 =	sld [smem:$0x3FDB];
	s0 =	simm.s32 @p2 $0x1  }
0x17: {  	s4 =	simm.s32 $0x1BF5;
	[smem:$0x3FB7] =	sst s0  }
0x18: {  	s0 =	sld [smem:$0x3F9A];
	_ =	swait.ge [sflag:s4], $0x0  }
0x19: {  	s7 =	sld [smem:$0x3F9B]  }
0x1a: {  	s8 =	sadd.s32 $0xFFFFE003, lr  }
0x1b: {  	s9 =	sadd.s32 $0xFFFFFEF7, lr;
	s5 =	simm.s32 $0xFFFFFFFF;
	p2 =	slt.u32 s8, $0xFFFFF086  }
0x1c: {  	p1 =	slt.u32 s9, $0xF7A;
	s5 =	simm.s32 @!p2 $0x0  }
0x1d: {  	s5 =	simm.s32 @p1 $0x1;
	p0 =	seq.s32 s7, s2  }
0x1e: {  	s7 =	smul.u32 @!p0 $0xF7A, s2;
	p2 =	seq.s32 @!p0 s5, $0x0  }
0x1f: {  	s9 =	smul.u32 $0xF7A, s1;
	s8 =	simm.s32 @!p0 $0x1BF5;
	p2 =	por !p2, p0  }
0x20: {  	[sflag:s8] =	ssyncset.s32 @!p0 $0xFFFFF086;
	s6 =	sadd.s32 @!p0 s3, s7;
	s7 =	simm.s32 @!p0 $0x108  }
0x21: {  	s3 =	sadd.s32 s3, s9;
	s6 =	sadd.s32 @!p0 $0x88, s6;
	s7 =	simm.s32 @p2 $0x1082  }
0x22: {  	[simem:s7], [sflag:s8] =	dma.local @!p0 [hbm:s6], $0xF7A  }
0x23: {  	s9 =	sor.u32 $0xD0000000, s2;
	s6 =	simm.s32 $0x108;
	_ =	swait.ge @!p0 [sflag:s8], $0x0  }
0x24: {  	s3 =	sadd.s32 $0x88, s3;
	s6 =	simm.s32 @!p1 $0x1082;
	[sflag:s4] =	ssyncset.s32 $0xFFFFF086  }
0x25: {  	[simem:s6], [sflag:s4] =	dma.local [hbm:s3], $0xF7A  }
0x26: {  	[smem:$0x3F9B] =	sst s1;
	(tag) =	ssettag s2;
	_ =	strace s9  }
0x27: {  	s1 =	sld [smem:$0x3FAB]  }
0x28: {  	s2 =	sld [smem:$0x3FAC]  }
0x29: {  	s4 =	sld [smem:$0x3FAE]  }
0x2a: {  	p0 =	seq.s32 s5, $0x0;
	s5 =	sld [smem:$0x3FAF]  }
0x2b: {  	s6 =	sld [smem:$0x3FB0]  }
0x2c: {  	s7 =	sld [smem:$0x3FB1]  }
0x2d: {  	s3 =	simm.s32 $0x108;
	s8 =	sld [smem:$0x3FB2]  }
0x2e: {  	s3 =	simm.s32 @!p0 $0x1082;
	s9 =	sld [smem:$0x3FB3]  }
0x2f: {  	lr =	sadd.s32 s0, s3;
	s0 =	sld [smem:$0x3FAA]  }
0x30: {  	s3 =	sld [smem:$0x3FAD]  }
0x31: {  	[smem:$0x3FB6] =	sst s10  }
0x32: {  	s10 =	sld [smem:$0x3FB4];
	_ =	sdelay $0x3  }
0x33: {  	p0 =	seq.s32 s10, $0x1;
	s10 =	sld [smem:$0x3FB6];
	_ =	sdelay $0x3  }
0x34: {  	[smem:$0x3FB6] =	sst s10  }
0x35: {  	s10 =	sld [smem:$0x3FB5];
	_ =	sdelay $0x3  }
0x36: {  	p1 =	seq.s32 s10, $0x1;
	s10 =	sld [smem:$0x3FB6];
	_ =	sdelay $0x3  }
0x37: {  	[smem:$0x3FB6] =	sst s10  }
0x38: {  	s10 =	sld [smem:$0x3FB7]  }
0x39: {  	_ = 	snop;
	(pc) =	sbr.ind lr, $3  }
0x3a: {  	_ = 	snop  }
0x3b: {  	_ = 	snop  }
0x3c: {  	p2 =	seq.s32 s10, $0x1;
	s10 =	sld [smem:$0x3FB6]  }
0x3d: {  	_ =	shalt  }
0x3e: {  	_ =	shalt  }
0x3f: {  	_ =	shalt  }
0x40: {  	_ =	shalt  }
0x41: {  	_ =	shalt  }
0x42: {  	_ =	shalt  }
0x43: {  	_ =	shalt  }
0x44: {  	_ =	shalt  }
0x45: {  	_ =	shalt  }
0x46: {  	_ =	shalt  }
0x47: {  	_ =	shalt  }
0x48: {  	_ =	shalt  }
0x49: {  	_ =	shalt  }
0x4a: {  	_ =	shalt  }
0x4b: {  	_ =	shalt  }
0x4c: {  	_ =	shalt  }
0x4d: {  	_ =	shalt  }
0x4e: {  	_ =	shalt  }
0x4f: {  	_ =	shalt  }
0x50: {  	_ =	shalt  }
0x51: {  	_ =	shalt  }
0x52: {  	_ =	shalt  }
0x53: {  	_ =	shalt  }
0x54: {  	_ =	shalt  }
0x55: {  	_ =	shalt  }
0x56: {  	_ =	shalt  }
0x57: {  	_ =	shalt  }
0x58: {  	_ =	shalt  }
0x59: {  	_ =	shalt  }
0x5a: {  	_ =	shalt  }
0x5b: {  	_ =	shalt  }
0x5c: {  	_ =	shalt  }
0x5d: {  	_ =	shalt  }
0x5e: {  	_ =	shalt  }
0x5f: {  	_ =	shalt  }
0x60: {  	_ =	shalt  }
0x61: {  	_ =	shalt  }
0x62: {  	_ =	shalt  }
0x63: {  	_ =	shalt  }
0x64: {  	_ =	shalt  }
0x65: {  	_ =	shalt  }
0x66: {  	_ =	shalt  }
0x67: {  	_ =	shalt  }
0x68: {  	_ =	shalt  }
0x69: {  	_ =	shalt  }
0x6a: {  	_ =	shalt  }
0x6b: {  	_ =	shalt  }
0x6c: {  	_ =	shalt  }
0x6d: {  	_ =	shalt  }
0x6e: {  	_ =	shalt  }
0x6f: {  	_ =	shalt  }
0x70: {  	_ =	shalt  }
0x71: {  	_ =	shalt  }
0x72: {  	_ =	shalt  }
0x73: {  	_ =	shalt  }
0x74: {  	_ =	shalt  }
0x75: {  	_ =	shalt  }
0x76: {  	_ =	shalt  }
0x77: {  	_ =	shalt  }
0x78: {  	_ =	shalt  }
0x79: {  	_ =	shalt  }
0x7a: {  	_ =	shalt  }
0x7b: {  	_ =	shalt  }
0x7c: {  	_ =	shalt  }
0x7d: {  	_ =	shalt  }
0x7e: {  	_ =	shalt  }
0x7f: {  	_ =	shalt  }
0x80: {  	_ =	shalt  }
0x81: {  	_ =	shalt  }
0x82: {  	_ =	shalt  }
0x83: {  	_ =	shalt  }
0x84: {  	_ =	shalt  }
0x85: {  	_ =	shalt  }
0x86: {  	_ =	shalt  }
0x87: {  	_ =	shalt  }
.Lfunc_end0:
.L_simem_size_0:
called_computation.1_lowered:
.L_overlay_start_0:
0x88: {  	s2 =	sld [smem:$0x3FD9]  }
0x89: {  	s3 =	sld [smem:$0x3FFE];
	_ =	sdelay $0x1  }
0x8a: {  	s1 =	srdreg.scid  }
0x8b: {  	s0 =	sand.u32 $0x1, s1  }
0x8c: {  	s17 =	sshll.u32 s0, $0xA;
	s2 =	sadd.s32 s3, s2  }
0x8d: {  	s2 =	sadd.s32 s2, s17  }
0x8e: {  	[smem:$0x3FC2] =	sst s2  }
0x8f: {  	_ = 	snop  }
0x90: {  	s2 =	sld [smem:$0x3FD0];
	(tm) =	ssettm $0x1  }
0x91: {  	s18 =	sld [smem:$0x3FFB];
	_ =	sdelay $0x3  }
0x92: {  	_ =	strace s18  }
0x93: {  	s3 =	sld [smem:$0x3FFC];
	_ =	sdelay $0x3  }
0x94: {  	_ =	strace s3  }
0x95: {  	s3 =	sld [smem:$0x3FFD];
	_ =	sdelay $0x3  }
0x96: {  	_ =	strace s3  }
0x97: {  	_ =	strace $0x8FFFFFFF  }
0x98: {  	s19 =	sld [smem:$0x3FDB];
	_ =	sdelay $0x1  }
0x99: {  	s4 =	simm.s32 $_scs_section_size  }
0x9a: {  	s5 =	simm.s32 $_size__tile_overlayer_lowered;
	s6 =	simm.s32 $_tile_overlayer_lowered  }
0x9b: {  	s22 =	simm.s32 $0x1BFF;
	s21 =	sshll.u32 s6, $0x1;
	s3 =	sadd.s32 s4, s19  }
0x9c: {  	s7 =	simm.s32 $0x0;
	s20 =	sshll.u32 s5, $0x1;
	s5 =	sadd.s32 s21, s3  }
0x9d: {  	[timem:s7], [sflag:s22] =	dma.local [hbm:s5], s20  }
0x9e: {  	_ =	swait.ge [sflag:s22], s20  }
0x9f: {  	s4 =	ssub.s32 $0x0, s20;
	[sflag:s22] =	ssyncset.done $0x0  }
0xa0: {  	[sflag:s22] =	ssyncadd.s32 s4;
	_ =	sdelay $0x1  }
0xa1: {  	s23 =	simm.s32 $0x1B8B  }
0xa2: {  	_ =	swait.ge [sflag:s23], $0x1  }
0xa3: {  	[sflag:s23] =	ssyncset.done $0x0  }
0xa4: {  	s25 =	simm.s32 $0x1B8E;
	s24 =	sld [smem:$0x3FFE];
	[sflag:s23] =	ssyncadd.s32 $0xFFFFFFFF  }
0xa5: {  	s26 =	simm.s32 $execute0_lowered;
	[smem:$0x3FD2] =	sst s25  }
0xa6: {  	s5 =	sshll.u32 s26, $0x1;
	_ =	strace $0x80000049;
	[dreg:$0x1] =	wrdreg $0xFFFFFFFF  }
0xa7: {  	s28 =	simm.s32 $_size_execute0_lowered;
	s3 =	sadd.s32 s3, s5;
	[dreg:$0x0] =	wrdreg $0x0  }
0xa8: {  	s5 =	sshll.u32 s28, $0x1;
	[dreg:$0x2] =	wrdreg s3  }
0xa9: {  	[dreg:$0x3] =	wrdreg s5  }
0xaa: {  	[dreg:$0x4] =	wrdreg $0xC0  }
0xab: {  	_ =	task [dreg:s7], $0x5FFFF  }
0xac: {  	[dreg:$0x1] =	wrdreg $0xFFFFFFFF  }
0xad: {  	[dreg:$0x0] =	wrdreg $0x60  }
0xae: {  	[dreg:$0x2] =	wrdreg s24  }
0xaf: {  	[dreg:$0x3] =	wrdreg s2  }
0xb0: {  	[dreg:$0x4] =	wrdreg $0x0  }
0xb1: {  	[dreg:$0x5] =	wrdreg $0x9  }
0xb2: {  	_ =	task.clear_ibuf [dreg:s7], $0x6FFFF;
	_ =	strace $0x90000049  }
0xb3: {  	s29 =	simm.s32 $0x9;
	_ =	strace $0x8000004B  }
0xb4: {  	_ =	swait.ge [sflag:s29], $0x1  }
0xb5: {  	[sflag:s29] =	ssyncadd.s32 $0xFFFFFFFF  }
0xb6: {  	_ =	strace $0x9000004B  }
0xb7: {  	_ =	sfence  }
0xb8: {  	s30 =	sld [smem:$0x0];
	_ =	sdelay $0x2  }
0xb9: {  	s31 =	sshll.u32 s1, $0xD;
	s1 =	sshrl.u32 s1, $0x2  }
0xba: {  	s3 =	sand.u32 $0x4000, s31;
	s1 =	sadd.s32 s1, s30  }
0xbb: {  	s0 =	sor.u32 s3, s0;
	s1 =	sshll.u32 s1, $0x11  }
0xbc: {  	s0 =	sor.u32 s1, s0  }
0xbd: {  	s0 =	sadd.s32 $0x8F2B, s0  }
0xbe: {  	[sflag:s0] =	ssyncadd.remote.s32 $0x1  }
0xbf: {  	_ =	sfence.sel $0xFFFF  }
0xc0: {  	[dreg:$0x0] =	wrdreg $0xFFFFFFFF;
	(pc) =	sbr.abs _section_cstart, $3  }
0xc1: {  	[dreg:$0x1] =	wrdreg $0xFFFFFFFF  }
0xc2: {  	_ =	task.clear_ibuf [dreg:s7], $0x2FFFF;
	_ =	strace $0x9FFFFFFF  }
0xc3: {  	(tm) =	ssettm $0x7FFFFFFF  }
tec
execute0_lowered:
.L_overlay_start_1:
0x0: {  	(tag) =	ssettag $0x1  }
0x1: {  	s0 =	rddreg [dreg:$0x0]  }
0x2: {  	s2 =	rddreg [dreg:$0x1]  }
0x3: {  	s1 =	rddreg [dreg:$0x2];
	s3 =	simm.s32 $0x0  }
0x4: {  	s4 =	srdreg.scid;
	s9 =	stileid.u32;
	s14 =	simm.s32 $0x14000  }
0x5: {  	s15 =	simm.s32 $0x5;
	s16 =	simm.s32 $0x1C000;
	s17 =	simm.s32 $0x1C800  }
0x6: {  	s13 =	simm.s32 $0x1CC00;
	s28 =	simm.s32 $0x1C600;
	s29 =	simm.s32 $0x1CD80  }
0x7: {  	s30 =	simm.s32 $0x1C680;
	s5 =	sand.u32 $0x1, s4;
	s4 =	smul.u32 $0x90, s9  }
0x8: {  	s31 =	simm.s32 $0x1CE00;
	[smem:$0x7FF] =	sst s3;
	s8 =	smul.u32 $0x14000, s9  }
0x9: {  	s6 =	sshll.u32 s9, $0x4;
	s9 =	smul.u32 $0x50000, s9;
	p0 =	seq.s32 s5, $0x0  }
0xa: {  	s6 =	sor.u32 $0x900, s6;
	s7 =	smul.u32 $0x140000, s5;
	_ =	strace $0x8000004A  }
0xb: {  	s18 =	ssub.s32 $0x2, s5;
	s6 =	smov.u32 @p0 s4;
	s4 =	sadd.s32 $0xD600, s0  }
0xc: {  	s9 =	sshrl.u32 s9, $0x2;
	s19 =	sshrl.u32 s18, $0x1;
	p0 =	sne.s32 s5, $0x0  }
0xd: {  	s5 =	simm.s32 $0x1C500;
	s6 =	sshll.u32 s6, $0x4;
	s7 =	sadd.s32 s8, s7  }
0xe: {  	s12 =	sadd.s32 s9, s1;
	s8 =	simm.s32 $0x1CF80;
	s10 =	sadd.s32 s6, s0  }
0xf: {  	s7 =	sshrl.u32 s7, $0x3;
	s20 =	sadd.s32 $0x4000, s12;
	[dreg:$0x4] =	wrdreg s12  }
0x10: {  	s21 =	sadd.s32 $0x8000, s12;
	s22 =	sadd.s32 $0xC000, s12;
	[dreg:$0x5] =	wrdreg s20  }
0x11: {  	s23 =	sadd.s32 $0x10000, s12;
	s26 =	sadd.s32 s6, s2;
	[dreg:$0x6] =	wrdreg s21  }
0x12: {  	s2 =	simm.s32 $0x1CE80;
	s6 =	simm.s32 $0x1C780;
	[dreg:$0x7] =	wrdreg s22  }
0x13: {  	s0 =	sadd.s32 s7, s0;
	s7 =	ssub.s32 s18, s19;
	[dreg:$0x8] =	wrdreg s23  }
0x14: {  	s25 =	sadd.s32 $0x3600, s10;
	[dreg:$0xc] =	wrdreg s26;
	s18 =	simm.s32 $0x80  }
0x15: {  	s19 =	simm.s32 $0x1;
	s21 =	simm.s32 $0x18000;
	s22 =	simm.s32 $0x2  }
0x16: {  	s23 =	simm.s32 $0x3;
	s26 =	simm.s32 $0x4;
	s20 =	simm.s32 $0x1CC80  }
0x17: {  	s0 =	sadd.s32 $0x5D600, s0;
	s24 =	smax.u32 s7, $0x1;
	[dreg:$0xb] =	wrdreg s25  }
0x18: {  	s25 =	simm.s32 $0x1CD00;
	s7 =	simm.s32 $0x1CF00;
	[dreg:$0x9] =	wrdreg s0  }
0x19: {  	v0 =	vimm.f32 $0.0e+00;
	[dreg:$0xa] =	wrdreg s24;
	s0 =	simm.s32 $0x0;
	s24 =	simm.s32 $0x1C580  }
.LBB2_1:
0x1a: {  	[dreg:$0xd] =	wrdreg s0;
	s9 =	simm.s32 $0x0;
	s10 =	simm.s32 $0x200  }
.LBB2_2:
0x1b: {  	p1 =	sne.s32 s10, $0xFE00;
	[tilespmem:s9+$0x14070] =	vst v0  }
0x1c: {  	[tilespmem:s9+$0x14000] =	vst v0  }
0x1d: {  	[tilespmem:s9+$0x14010] =	vst v0  }
.Ltmp0:
0x1e: {  	[tilespmem:s9+$0x14020] =	vst v0;
	(pc) =	sbr.rel @p1 .LBB2_2-.Ltmp0, $4  }
0x1f: {  	[tilespmem:s9+$0x14030] =	vst v0  }
0x20: {  	[tilespmem:s9+$0x14040] =	vst v0  }
0x21: {  	[tilespmem:s9+$0x14050] =	vst v0  }
0x22: {  	[tilespmem:s9+$0x14060] =	vst v0;
	s9 =	sshra.s32 s10, $0x2;
	s10 =	sadd.s32 $0x200, s10  }
0x23: {  	[tilespmem:s9+$0x14070] =	vst v0  }
0x24: {  	[tilespmem:s9+$0x14000] =	vst v0  }
0x25: {  	[tilespmem:s9+$0x14010] =	vst v0  }
0x26: {  	[tilespmem:s9+$0x14020] =	vst v0  }
0x27: {  	[tilespmem:s9+$0x14030] =	vst v0  }
0x28: {  	[tilespmem:s9+$0x14040] =	vst v0  }
0x29: {  	[tilespmem:s9+$0x14050] =	vst v0  }
0x2a: {  	[tilespmem:s9+$0x14060] =	vst v0  }
0x2b: {  	[spmem:s12] =	stream.linear.scatter [tilespmem:s14], [sflag:$0x5], $0x4000, $0x38;
	[tilespmem:$0x1D000] =	vst v63  }
0x2c: {  	_ =	swait.ge [sflag:s15], $0x4000  }
0x2d: {  	[sflag:s15] =	ssyncset.done $0x0  }
0x2e: {  	s0 =	rddreg [dreg:$0x5];
	[sflag:s15] =	ssyncadd.s32 $0xFFFFC000  }
0x2f: {  	[spmem:s0] =	stream.linear.scatter [tilespmem:s14], [sflag:$0x5], $0x4000, $0x38;
	[tilespmem:$0x1D000] =	vst v63  }
0x30: {  	_ =	swait.ge [sflag:s15], $0x4000  }
0x31: {  	[sflag:s15] =	ssyncset.done $0x0  }
0x32: {  	s10 =	rddreg [dreg:$0x6];
	[sflag:s15] =	ssyncadd.s32 $0xFFFFC000  }
0x33: {  	[spmem:s10] =	stream.linear.scatter [tilespmem:s14], [sflag:$0x5], $0x4000, $0x38;
	[tilespmem:$0x1D000] =	vst v63  }
0x34: {  	_ =	swait.ge [sflag:s15], $0x4000  }
0x35: {  	[sflag:s15] =	ssyncset.done $0x0  }
0x36: {  	s11 =	rddreg [dreg:$0x7];
	[sflag:s15] =	ssyncadd.s32 $0xFFFFC000  }
0x37: {  	[spmem:s11] =	stream.linear.scatter [tilespmem:s14], [sflag:$0x5], $0x4000, $0x38;
	[tilespmem:$0x1D000] =	vst v63  }
0x38: {  	_ =	swait.ge [sflag:s15], $0x4000  }
0x39: {  	[sflag:s15] =	ssyncset.done $0x0  }
0x3a: {  	s12 =	rddreg [dreg:$0x8];
	[sflag:s15] =	ssyncadd.s32 $0xFFFFC000  }
0x3b: {  	[spmem:s12] =	stream.linear.scatter [tilespmem:s14], [sflag:$0x5], $0x4000, $0x38;
	[tilespmem:$0x1D000] =	vst v63  }
0x3c: {  	_ =	swait.ge [sflag:s15], $0x4000  }
0x3d: {  	[sflag:s15] =	ssyncset.done $0x0  }
0x3e: {  	[sflag:s15] =	ssyncadd.s32 $0xFFFFC000  }
0x3f: {  	[bflag:$0x0] =	sbarrier.arrive $0xFFFF  }
0x40: {  	s9 =	rddreg [dreg:$0xc]  }
0x41: {  	s0 =	simm.s32 $0x1C700;
	s11 =	simm.s32 $0x0;
	s10 =	rddreg [dreg:$0xb]  }
.LBB2_4:
0x42: {  	[tilespmem:s16], [sflag:$0x5] =	stream.linear.gather [hbm4b:s9+s3], $0x800, $0x38;
	[tilespmem:$0x1D000] =	vst v63  }
0x43: {  	_ =	swait.ge [sflag:s15], $0x800  }
0x44: {  	[sflag:s15] =	ssyncset.done $0x0  }
0x45: {  	[sflag:s15] =	ssyncadd.s32 $0xFFFFF800  }
0x46: {  	[tilespmem:s17], [sflag:$0x5] =	stream.linear.gather [hbm4b:s10+s3], $0x800, $0x38;
	[tilespmem:$0x1D000] =	vst v63  }
0x47: {  	_ =	swait.ge [sflag:s15], $0x800  }
0x48: {  	[sflag:s15] =	ssyncset.done $0x0  }
0x49: {  	[sflag:s15] =	ssyncadd.s32 $0xFFFFF800  }
0x4a: {  	[tilespmem:s14], [sflag:$0x1] =	stream.indirect.gather [hbm4b:s4+s18], $0x80, s16, s18, $0xb8;
	[tilespmem:$0x1D000] =	vst v63  }
0x4b: {  	_ =	swait.ge [sflag:s19], $0x4000  }
0x4c: {  	[sflag:s19] =	ssyncset.done $0x0  }
0x4d: {  	s12 =	simm.s32 $0x1C080;
	[sflag:s19] =	ssyncadd.s32 $0xFFFFC000  }
0x4e: {  	[tilespmem:s21], [sflag:$0x2] =	stream.indirect.gather [hbm4b:s4+s18], $0x80, s12, s18, $0xb8;
	[tilespmem:$0x1D000] =	vst v63  }
0x4f: {  	_ = 	snop  }
0x50: {  	[spmem:s1] =	stream.indirect.scatter.add.f32 [tilespmem:s14], [sflag:$0x3], $0x80, s17, s18, $0xb8;
	[tilespmem:$0x1D000] =	vst v63  }
0x51: {  	_ =	swait.ge [sflag:s22], $0x4000  }
0x52: {  	[sflag:s22] =	ssyncset.done $0x0  }
0x53: {  	[sflag:s22] =	ssyncadd.s32 $0xFFFFC000  }
0x54: {  	_ =	swait.ge [sflag:s23], $0x4000  }
0x55: {  	[sflag:s23] =	ssyncset.done $0x0  }
0x56: {  	s12 =	simm.s32 $0x1C100;
	[sflag:s23] =	ssyncadd.s32 $0xFFFFC000  }
0x57: {  	[tilespmem:s14], [sflag:$0x1] =	stream.indirect.gather [hbm4b:s4+s18], $0x80, s12, s18, $0xb8;
	[tilespmem:$0x1D000] =	vst v63  }
0x58: {  	s12 =	simm.s32 $0x1C880  }
0x59: {  	[spmem:s1] =	stream.indirect.scatter.add.f32 [tilespmem:s21], [sflag:$0x4], $0x80, s12, s18, $0xb8;
	[tilespmem:$0x1D000] =	vst v63  }
0x5a: {  	_ =	swait.ge [sflag:s19], $0x4000  }
0x5b: {  	[sflag:s19] =	ssyncset.done $0x0  }
0x5c: {  	[sflag:s19] =	ssyncadd.s32 $0xFFFFC000  }
0x5d: {  	_ =	swait.ge [sflag:s26], $0x4000  }
0x5e: {  	[sflag:s26] =	ssyncset.done $0x0  }
0x5f: {  	s12 =	simm.s32 $0x1C180;
	[sflag:s26] =	ssyncadd.s32 $0xFFFFC000  }
0x60: {  	[tilespmem:s21], [sflag:$0x2] =	stream.indirect.gather [hbm4b:s4+s18], $0x80, s12, s18, $0xb8;
	[tilespmem:$0x1D000] =	vst v63  }
0x61: {  	s12 =	simm.s32 $0x1C900  }
0x62: {  	[spmem:s1] =	stream.indirect.scatter.add.f32 [tilespmem:s14], [sflag:$0x3], $0x80, s12, s18, $0xb8;
	[tilespmem:$0x1D000] =	vst v63  }
0x63: {  	_ =	swait.ge [sflag:s22], $0x4000  }
0x64: {  	[sflag:s22] =	ssyncset.done $0x0  }
0x65: {  	[sflag:s22] =	ssyncadd.s32 $0xFFFFC000  }
0x66: {  	_ =	swait.ge [sflag:s23], $0x4000  }
0x67: {  	[sflag:s23] =	ssyncset.done $0x0  }
0x68: {  	s12 =	simm.s32 $0x1C200;
	[sflag:s23] =	ssyncadd.s32 $0xFFFFC000  }
0x69: {  	[tilespmem:s14], [sflag:$0x1] =	stream.indirect.gather [hbm4b:s4+s18], $0x80, s12, s18, $0xb8;
	[tilespmem:$0x1D000] =	vst v63  }
0x6a: {  	s12 =	simm.s32 $0x1C980  }
0x6b: {  	[spmem:s1] =	stream.indirect.scatter.add.f32 [tilespmem:s21], [sflag:$0x4], $0x80, s12, s18, $0xb8;
	[tilespmem:$0x1D000] =	vst v63  }
0x6c: {  	_ =	swait.ge [sflag:s19], $0x4000  }
0x6d: {  	[sflag:s19] =	ssyncset.done $0x0  }
0x6e: {  	[sflag:s19] =	ssyncadd.s32 $0xFFFFC000  }
0x6f: {  	_ =	swait.ge [sflag:s26], $0x4000  }
0x70: {  	[sflag:s26] =	ssyncset.done $0x0  }
0x71: {  	s12 =	simm.s32 $0x1C280;
	[sflag:s26] =	ssyncadd.s32 $0xFFFFC000  }
0x72: {  	[tilespmem:s21], [sflag:$0x2] =	stream.indirect.gather [hbm4b:s4+s18], $0x80, s12, s18, $0xb8;
	[tilespmem:$0x1D000] =	vst v63  }
0x73: {  	s12 =	simm.s32 $0x1CA00  }
0x74: {  	[spmem:s1] =	stream.indirect.scatter.add.f32 [tilespmem:s14], [sflag:$0x3], $0x80, s12, s18, $0xb8;
	[tilespmem:$0x1D000] =	vst v63  }
0x75: {  	_ =	swait.ge [sflag:s22], $0x4000  }
0x76: {  	[sflag:s22] =	ssyncset.done $0x0  }
0x77: {  	[sflag:s22] =	ssyncadd.s32 $0xFFFFC000  }
0x78: {  	_ =	swait.ge [sflag:s23], $0x4000  }
0x79: {  	[sflag:s23] =	ssyncset.done $0x0  }
0x7a: {  	s12 =	simm.s32 $0x1C300;
	[sflag:s23] =	ssyncadd.s32 $0xFFFFC000  }
0x7b: {  	[tilespmem:s14], [sflag:$0x1] =	stream.indirect.gather [hbm4b:s4+s18], $0x80, s12, s18, $0xb8;
	[tilespmem:$0x1D000] =	vst v63  }
0x7c: {  	s12 =	simm.s32 $0x1CA80  }
0x7d: {  	[spmem:s1] =	stream.indirect.scatter.add.f32 [tilespmem:s21], [sflag:$0x4], $0x80, s12, s18, $0xb8;
	[tilespmem:$0x1D000] =	vst v63  }
0x7e: {  	_ =	swait.ge [sflag:s19], $0x4000  }
0x7f: {  	[sflag:s19] =	ssyncset.done $0x0  }
0x80: {  	[sflag:s19] =	ssyncadd.s32 $0xFFFFC000  }
0x81: {  	_ =	swait.ge [sflag:s26], $0x4000  }
0x82: {  	[sflag:s26] =	ssyncset.done $0x0  }
0x83: {  	s12 =	simm.s32 $0x1C380;
	[sflag:s26] =	ssyncadd.s32 $0xFFFFC000  }
0x84: {  	[tilespmem:s21], [sflag:$0x2] =	stream.indirect.gather [hbm4b:s4+s18], $0x80, s12, s18, $0xb8;
	[tilespmem:$0x1D000] =	vst v63  }
0x85: {  	s12 =	simm.s32 $0x1CB00  }
0x86: {  	[spmem:s1] =	stream.indirect.scatter.add.f32 [tilespmem:s14], [sflag:$0x3], $0x80, s12, s18, $0xb8;
	[tilespmem:$0x1D000] =	vst v63  }
0x87: {  	_ =	swait.ge [sflag:s22], $0x4000  }
0x88: {  	[sflag:s22] =	ssyncset.done $0x0  }
0x89: {  	[sflag:s22] =	ssyncadd.s32 $0xFFFFC000  }
0x8a: {  	_ =	swait.ge [sflag:s23], $0x4000  }
0x8b: {  	[sflag:s23] =	ssyncset.done $0x0  }
0x8c: {  	s12 =	simm.s32 $0x1C400;
	[sflag:s23] =	ssyncadd.s32 $0xFFFFC000  }
0x8d: {  	[tilespmem:s14], [sflag:$0x1] =	stream.indirect.gather [hbm4b:s4+s18], $0x80, s12, s18, $0xb8;
	[tilespmem:$0x1D000] =	vst v63  }
0x8e: {  	s12 =	simm.s32 $0x1CB80  }
0x8f: {  	[spmem:s1] =	stream.indirect.scatter.add.f32 [tilespmem:s21], [sflag:$0x4], $0x80, s12, s18, $0xb8;
	[tilespmem:$0x1D000] =	vst v63  }
0x90: {  	_ =	swait.ge [sflag:s19], $0x4000  }
0x91: {  	[sflag:s19] =	ssyncset.done $0x0  }
0x92: {  	[sflag:s19] =	ssyncadd.s32 $0xFFFFC000  }
0x93: {  	_ =	swait.ge [sflag:s26], $0x4000  }
0x94: {  	[sflag:s26] =	ssyncset.done $0x0  }
0x95: {  	s12 =	simm.s32 $0x1C480;
	[sflag:s26] =	ssyncadd.s32 $0xFFFFC000  }
0x96: {  	[tilespmem:s21], [sflag:$0x2] =	stream.indirect.gather [hbm4b:s4+s18], $0x80, s12, s18, $0xb8;
	[tilespmem:$0x1D000] =	vst v63  }
0x97: {  	_ = 	snop  }
0x98: {  	[spmem:s1] =	stream.indirect.scatter.add.f32 [tilespmem:s14], [sflag:$0x3], $0x80, s13, s18, $0xb8;
	[tilespmem:$0x1D000] =	vst v63  }
0x99: {  	_ =	swait.ge [sflag:s22], $0x4000  }
0x9a: {  	[sflag:s22] =	ssyncset.done $0x0  }
0x9b: {  	[sflag:s22] =	ssyncadd.s32 $0xFFFFC000  }
0x9c: {  	_ =	swait.ge [sflag:s23], $0x4000  }
0x9d: {  	[sflag:s23] =	ssyncset.done $0x0  }
0x9e: {  	[sflag:s23] =	ssyncadd.s32 $0xFFFFC000  }
0x9f: {  	[tilespmem:s14], [sflag:$0x1] =	stream.indirect.gather [hbm4b:s4+s18], $0x80, s5, s18, $0xb8;
	[tilespmem:$0x1D000] =	vst v63  }
0xa0: {  	_ = 	snop  }
0xa1: {  	[spmem:s1] =	stream.indirect.scatter.add.f32 [tilespmem:s21], [sflag:$0x4], $0x80, s20, s18, $0xb8;
	[tilespmem:$0x1D000] =	vst v63  }
0xa2: {  	_ =	swait.ge [sflag:s19], $0x4000  }
0xa3: {  	[sflag:s19] =	ssyncset.done $0x0  }
0xa4: {  	[sflag:s19] =	ssyncadd.s32 $0xFFFFC000  }
0xa5: {  	_ =	swait.ge [sflag:s26], $0x4000  }
0xa6: {  	[sflag:s26] =	ssyncset.done $0x0  }
0xa7: {  	[sflag:s26] =	ssyncadd.s32 $0xFFFFC000  }
0xa8: {  	[tilespmem:s21], [sflag:$0x2] =	stream.indirect.gather [hbm4b:s4+s18], $0x80, s24, s18, $0xb8;
	[tilespmem:$0x1D000] =	vst v63  }
0xa9: {  	_ = 	snop  }
0xaa: {  	[spmem:s1] =	stream.indirect.scatter.add.f32 [tilespmem:s14], [sflag:$0x3], $0x80, s25, s18, $0xb8;
	[tilespmem:$0x1D000] =	vst v63  }
0xab: {  	_ =	swait.ge [sflag:s22], $0x4000  }
0xac: {  	[sflag:s22] =	ssyncset.done $0x0  }
0xad: {  	[sflag:s22] =	ssyncadd.s32 $0xFFFFC000  }
0xae: {  	_ =	swait.ge [sflag:s23], $0x4000  }
0xaf: {  	[sflag:s23] =	ssyncset.done $0x0  }
0xb0: {  	[sflag:s23] =	ssyncadd.s32 $0xFFFFC000  }
0xb1: {  	[tilespmem:s14], [sflag:$0x1] =	stream.indirect.gather [hbm4b:s4+s18], $0x80, s28, s18, $0xb8;
	[tilespmem:$0x1D000] =	vst v63  }
0xb2: {  	_ = 	snop  }
0xb3: {  	[spmem:s1] =	stream.indirect.scatter.add.f32 [tilespmem:s21], [sflag:$0x4], $0x80, s29, s18, $0xb8;
	[tilespmem:$0x1D000] =	vst v63  }
0xb4: {  	_ =	swait.ge [sflag:s19], $0x4000  }
0xb5: {  	[sflag:s19] =	ssyncset.done $0x0  }
0xb6: {  	[sflag:s19] =	ssyncadd.s32 $0xFFFFC000  }
0xb7: {  	_ =	swait.ge [sflag:s26], $0x4000  }
0xb8: {  	[sflag:s26] =	ssyncset.done $0x0  }
0xb9: {  	[sflag:s26] =	ssyncadd.s32 $0xFFFFC000  }
0xba: {  	[tilespmem:s21], [sflag:$0x2] =	stream.indirect.gather [hbm4b:s4+s18], $0x80, s30, s18, $0xb8;
	[tilespmem:$0x1D000] =	vst v63  }
0xbb: {  	_ = 	snop  }
0xbc: {  	[spmem:s1] =	stream.indirect.scatter.add.f32 [tilespmem:s14], [sflag:$0x3], $0x80, s31, s18, $0xb8;
	[tilespmem:$0x1D000] =	vst v63  }
0xbd: {  	_ =	swait.ge [sflag:s22], $0x4000  }
0xbe: {  	[sflag:s22] =	ssyncset.done $0x0  }
0xbf: {  	[sflag:s22] =	ssyncadd.s32 $0xFFFFC000  }
0xc0: {  	_ =	swait.ge [sflag:s23], $0x4000  }
0xc1: {  	[sflag:s23] =	ssyncset.done $0x0  }
0xc2: {  	[sflag:s23] =	ssyncadd.s32 $0xFFFFC000  }
0xc3: {  	[tilespmem:s14], [sflag:$0x1] =	stream.indirect.gather [hbm4b:s4+s18], $0x80, s0, s18, $0xb8;
	[tilespmem:$0x1D000] =	vst v63  }
0xc4: {  	_ = 	snop  }
0xc5: {  	[spmem:s1] =	stream.indirect.scatter.add.f32 [tilespmem:s21], [sflag:$0x4], $0x80, s2, s18, $0xb8;
	[tilespmem:$0x1D000] =	vst v63  }
0xc6: {  	_ =	swait.ge [sflag:s19], $0x4000  }
0xc7: {  	[sflag:s19] =	ssyncset.done $0x0  }
0xc8: {  	[sflag:s19] =	ssyncadd.s32 $0xFFFFC000  }
0xc9: {  	_ =	swait.ge [sflag:s26], $0x4000  }
0xca: {  	[sflag:s26] =	ssyncset.done $0x0  }
0xcb: {  	[sflag:s26] =	ssyncadd.s32 $0xFFFFC000  }
0xcc: {  	[tilespmem:s21], [sflag:$0x2] =	stream.indirect.gather [hbm4b:s4+s18], $0x80, s6, s18, $0xb8;
	[tilespmem:$0x1D000] =	vst v63  }
0xcd: {  	_ = 	snop  }
0xce: {  	[spmem:s1] =	stream.indirect.scatter.add.f32 [tilespmem:s14], [sflag:$0x3], $0x80, s7, s18, $0xb8;
	[tilespmem:$0x1D000] =	vst v63  }
0xcf: {  	_ =	swait.ge [sflag:s22], $0x4000  }
0xd0: {  	[sflag:s22] =	ssyncset.done $0x0  }
0xd1: {  	p1 =	slt.u32 @!p0 s11, $0x8;
	[sflag:s22] =	ssyncadd.s32 $0xFFFFC000  }
0xd2: {  	[spmem:s1] =	stream.indirect.scatter.add.f32 [tilespmem:s21], [sflag:$0x4], $0x80, s8, s18, $0xb8;
	[tilespmem:$0x1D000] =	vst v63  }
0xd3: {  	p1 =	por p0, !p1;
	_ =	swait.ge [sflag:s23], $0x4000  }
.Ltmp1:
0xd4: {  	[sflag:s23] =	ssyncset.done $0x0;
	(pc) =	sbr.rel @!p1 .LBB2_4-.Ltmp1, $4  }
0xd5: {  	[sflag:s23] =	ssyncadd.s32 $0xFFFFC000  }
0xd6: {  	_ =	swait.ge [sflag:s26], $0x4000  }
0xd7: {  	s11 =	sadd.s32 $0x1, s11;
	[sflag:s26] =	ssyncset.done $0x0  }
0xd8: {  	s9 =	sadd.s32 $0x100, s9;
	s10 =	sadd.s32 $0x100, s10;
	[sflag:s26] =	ssyncadd.s32 $0xFFFFC000  }
0xd9: {  	s9 =	stileid.u32;
	[bflag:$0x0] =	sbarrier.arrive $0xFFFF  }
0xda: {  	s9 =	sshll.u32 s9, $0x6;
	s12 =	rddreg [dreg:$0x4]  }
0xdb: {  	s11 =	rddreg [dreg:$0x9];
	s9 =	sor.u32 $0x1C05, s9;
	s10 =	sshrl.u32 s12, $0x3  }
0xdc: {  	[hbm:s11], [sflag:s9] =	dma.local [spmem:s10], $0x2800  }
0xdd: {  	_ =	swait.ge [sflag:s15], $0x2800  }
0xde: {  	s0 =	rddreg [dreg:$0xd]  }
0xdf: {  	s11 =	rddreg [dreg:$0xa];
	s0 =	sadd.s32 $0x1, s0  }
0xe0: {  	p1 =	sne.s32 s0, s11  }
.Ltmp2:
0xe1: {  	_ = 	snop;
	(pc) =	sbr.rel @p1 .LBB2_1-.Ltmp2, $3  }
0xe2: {  	_ =	sdelay $0x1  }
0xe3: {  	[sflag:s15] =	ssyncset.done $0x0  }
0xe4: {  	[sflag:s15] =	ssyncadd.s32 $0xFFFFD800  }
0xe5: {  	_ =	sfence.sel $0x180000  }
0xe6: {  	[bflag:$0x0] =	sbarrier.arrive $0xFFFF  }
0xe7: {  	_ =	strace $0x9000004A  }
0xe8: {  	s0 =	stileid.u32;
	[bflag:$0x2] =	sbarrier.arrive $0xFFFF  }
0xe9: {  	p0 =	sne.s32 s0, $0x0;
	s0 =	rddreg [dreg:$0x3]  }
0xea: {  	s0 =	sadd.s32 @!p0 $0x100000, s0  }
0xeb: {  	[sflag:s0] =	ssyncadd.tile.s32 @!p0 $0x1;
	_ =	shalt  }
.Lfunc_end2:
_tile_overlayer_lowered:
.L_overlay_start_2:
0xec: {  	(tag) =	ssettag $0x2  }
0xed: {  	s0 =	rddreg [dreg:$0x0];
	s2 =	stileid.u32  }
0xee: {  	s1 =	rddreg [dreg:$0x1];
	p0 =	sne.s32 s2, $0x0  }
0xef: {  	s3 =	rddreg [dreg:$0x2];
	[bflag:$0x3] =	sbarrier.arrive $0xFFFF;
	s2 =	simm.s32 @!p0 $0x1C05  }
0xf0: {  	[timem:s3], [sflag:s2] =	dma.local @!p0 [hbm:s0], s1  }
0xf1: {  	s0 =	simm.s32 @!p0 $0x5  }
0xf2: {  	_ =	swait.ge @!p0 [sflag:s0], s1  }
0xf3: {  	s1 =	ssub.s32 @!p0 $0x0, s1;
	[sflag:s0] =	ssyncset.done @!p0 $0x0  }
0xf4: {  	[sflag:s0] =	ssyncadd.s32 @!p0 s1  }
0xf5: {  	[bflag:$0x3] =	sbarrier.arrive $0xFFFF  }
0xf6: {  	_ =	shalt  }

// kernel: kernel.15.cloned.1.call-start
scs
__scs_entry_jumppad:
0x0: {  	(pc) =	sbr.rel $0x88, $3  }
0x1: {  	(tag) =	ssettag $0x0;
	lr =	simm.s32 $0x1  }
0x2: {  	[smem:$0x3F9B] =	sst lr;
	_ =	strace $0xD0000000  }
0x3: {  	_ = 	snop  }
0x4: {  	_ = 	snop  }
0x5: {  	_ = 	snop  }
0x6: {  	_ = 	snop  }
0x7: {  	_ = 	snop  }
__scs_overlays_trampoline_lowered:
0x8: {  	[smem:$0x3FAA] =	sst s0  }
0x9: {  	[smem:$0x3FAB] =	sst s1  }
0xa: {  	[smem:$0x3FAC] =	sst s2  }
0xb: {  	[smem:$0x3FAD] =	sst s3  }
0xc: {  	[smem:$0x3FAE] =	sst s4  }
0xd: {  	[smem:$0x3FAF] =	sst s5  }
0xe: {  	[smem:$0x3FB0] =	sst s6  }
0xf: {  	[smem:$0x3FB1] =	sst s7  }
0x10: {  	[smem:$0x3FB2] =	sst s8  }
0x11: {  	[smem:$0x3FB3] =	sst s9;
	s0 =	simm.s32 @!p0 $0x0  }
0x12: {  	s1 =	sld [smem:$0x3F99];
	s0 =	simm.s32 @p0 $0x1  }
0x13: {  	[smem:$0x3FB4] =	sst s0;
	s0 =	simm.s32 @!p1 $0x0  }
0x14: {  	s2 =	sld [smem:$0x3F98];
	s0 =	simm.s32 @p1 $0x1  }
0x15: {  	[smem:$0x3FB5] =	sst s0;
	s0 =	simm.s32 @!p2 $0x0  }
0x16: {  	s3 =	sld [smem:$0x3FDB];
	s0 =	simm.s32 @p2 $0x1  }
0x17: {  	s4 =	simm.s32 $0x1BF5;
	[smem:$0x3FB7] =	sst s0  }
0x18: {  	s0 =	sld [smem:$0x3F9A];
	_ =	swait.ge [sflag:s4], $0x0  }
0x19: {  	s7 =	sld [smem:$0x3F9B]  }
0x1a: {  	s8 =	sadd.s32 $0xFFFFE003, lr  }
0x1b: {  	s9 =	sadd.s32 $0xFFFFFEF7, lr;
	s5 =	simm.s32 $0xFFFFFFFF;
	p2 =	slt.u32 s8, $0xFFFFF086  }
0x1c: {  	p1 =	slt.u32 s9, $0xF7A;
	s5 =	simm.s32 @!p2 $0x0  }
0x1d: {  	s5 =	simm.s32 @p1 $0x1;
	p0 =	seq.s32 s7, s2  }
0x1e: {  	s7 =	smul.u32 @!p0 $0xF7A, s2;
	p2 =	seq.s32 @!p0 s5, $0x0  }
0x1f: {  	s9 =	smul.u32 $0xF7A, s1;
	s8 =	simm.s32 @!p0 $0x1BF5;
	p2 =	por !p2, p0  }
0x20: {  	[sflag:s8] =	ssyncset.s32 @!p0 $0xFFFFF086;
	s6 =	sadd.s32 @!p0 s3, s7;
	s7 =	simm.s32 @!p0 $0x108  }
0x21: {  	s3 =	sadd.s32 s3, s9;
	s6 =	sadd.s32 @!p0 $0x88, s6;
	s7 =	simm.s32 @p2 $0x1082  }
0x22: {  	[simem:s7], [sflag:s8] =	dma.local @!p0 [hbm:s6], $0xF7A  }
0x23: {  	s9 =	sor.u32 $0xD0000000, s2;
	s6 =	simm.s32 $0x108;
	_ =	swait.ge @!p0 [sflag:s8], $0x0  }
0x24: {  	s3 =	sadd.s32 $0x88, s3;
	s6 =	simm.s32 @!p1 $0x1082;
	[sflag:s4] =	ssyncset.s32 $0xFFFFF086  }
0x25: {  	[simem:s6], [sflag:s4] =	dma.local [hbm:s3], $0xF7A  }
0x26: {  	[smem:$0x3F9B] =	sst s1;
	(tag) =	ssettag s2;
	_ =	strace s9  }
0x27: {  	s1 =	sld [smem:$0x3FAB]  }
0x28: {  	s2 =	sld [smem:$0x3FAC]  }
0x29: {  	s4 =	sld [smem:$0x3FAE]  }
0x2a: {  	p0 =	seq.s32 s5, $0x0;
	s5 =	sld [smem:$0x3FAF]  }
0x2b: {  	s6 =	sld [smem:$0x3FB0]  }
0x2c: {  	s7 =	sld [smem:$0x3FB1]  }
0x2d: {  	s3 =	simm.s32 $0x108;
	s8 =	sld [smem:$0x3FB2]  }
0x2e: {  	s3 =	simm.s32 @!p0 $0x1082;
	s9 =	sld [smem:$0x3FB3]  }
0x2f: {  	lr =	sadd.s32 s0, s3;
	s0 =	sld [smem:$0x3FAA]  }
0x30: {  	s3 =	sld [smem:$0x3FAD]  }
0x31: {  	[smem:$0x3FB6] =	sst s10  }
0x32: {  	s10 =	sld [smem:$0x3FB4];
	_ =	sdelay $0x3  }
0x33: {  	p0 =	seq.s32 s10, $0x1;
	s10 =	sld [smem:$0x3FB6];
	_ =	sdelay $0x3  }
0x34: {  	[smem:$0x3FB6] =	sst s10  }
0x35: {  	s10 =	sld [smem:$0x3FB5];
	_ =	sdelay $0x3  }
0x36: {  	p1 =	seq.s32 s10, $0x1;
	s10 =	sld [smem:$0x3FB6];
	_ =	sdelay $0x3  }
0x37: {  	[smem:$0x3FB6] =	sst s10  }
0x38: {  	s10 =	sld [smem:$0x3FB7]  }
0x39: {  	_ = 	snop;
	(pc) =	sbr.ind lr, $3  }
0x3a: {  	_ = 	snop  }
0x3b: {  	_ = 	snop  }
0x3c: {  	p2 =	seq.s32 s10, $0x1;
	s10 =	sld [smem:$0x3FB6]  }
0x3d: {  	_ =	shalt  }
0x3e: {  	_ =	shalt  }
0x3f: {  	_ =	shalt  }
0x40: {  	_ =	shalt  }
0x41: {  	_ =	shalt  }
0x42: {  	_ =	shalt  }
0x43: {  	_ =	shalt  }
0x44: {  	_ =	shalt  }
0x45: {  	_ =	shalt  }
0x46: {  	_ =	shalt  }
0x47: {  	_ =	shalt  }
0x48: {  	_ =	shalt  }
0x49: {  	_ =	shalt  }
0x4a: {  	_ =	shalt  }
0x4b: {  	_ =	shalt  }
0x4c: {  	_ =	shalt  }
0x4d: {  	_ =	shalt  }
0x4e: {  	_ =	shalt  }
0x4f: {  	_ =	shalt  }
0x50: {  	_ =	shalt  }
0x51: {  	_ =	shalt  }
0x52: {  	_ =	shalt  }
0x53: {  	_ =	shalt  }
0x54: {  	_ =	shalt  }
0x55: {  	_ =	shalt  }
0x56: {  	_ =	shalt  }
0x57: {  	_ =	shalt  }
0x58: {  	_ =	shalt  }
0x59: {  	_ =	shalt  }
0x5a: {  	_ =	shalt  }
0x5b: {  	_ =	shalt  }
0x5c: {  	_ =	shalt  }
0x5d: {  	_ =	shalt  }
0x5e: {  	_ =	shalt  }
0x5f: {  	_ =	shalt  }
0x60: {  	_ =	shalt  }
0x61: {  	_ =	shalt  }
0x62: {  	_ =	shalt  }
0x63: {  	_ =	shalt  }
0x64: {  	_ =	shalt  }
0x65: {  	_ =	shalt  }
0x66: {  	_ =	shalt  }
0x67: {  	_ =	shalt  }
0x68: {  	_ =	shalt  }
0x69: {  	_ =	shalt  }
0x6a: {  	_ =	shalt  }
0x6b: {  	_ =	shalt  }
0x6c: {  	_ =	shalt  }
0x6d: {  	_ =	shalt  }
0x6e: {  	_ =	shalt  }
0x6f: {  	_ =	shalt  }
0x70: {  	_ =	shalt  }
0x71: {  	_ =	shalt  }
0x72: {  	_ =	shalt  }
0x73: {  	_ =	shalt  }
0x74: {  	_ =	shalt  }
0x75: {  	_ =	shalt  }
0x76: {  	_ =	shalt  }
0x77: {  	_ =	shalt  }
0x78: {  	_ =	shalt  }
0x79: {  	_ =	shalt  }
0x7a: {  	_ =	shalt  }
0x7b: {  	_ =	shalt  }
0x7c: {  	_ =	shalt  }
0x7d: {  	_ =	shalt  }
0x7e: {  	_ =	shalt  }
0x7f: {  	_ =	shalt  }
0x80: {  	_ =	shalt  }
0x81: {  	_ =	shalt  }
0x82: {  	_ =	shalt  }
0x83: {  	_ =	shalt  }
0x84: {  	_ =	shalt  }
0x85: {  	_ =	shalt  }
0x86: {  	_ =	shalt  }
0x87: {  	_ =	shalt  }
.Lfunc_end0:
.L_simem_size_0:
called_computation.2_lowered:
.L_overlay_start_0:
0x88: {  	s2 =	sld [smem:$0x3FD9]  }
0x89: {  	s3 =	sld [smem:$0x3FFE];
	_ =	sdelay $0x1  }
0x8a: {  	s1 =	srdreg.scid  }
0x8b: {  	s0 =	sand.u32 $0x1, s1  }
0x8c: {  	s17 =	sshll.u32 s0, $0xA;
	s2 =	sadd.s32 s3, s2  }
0x8d: {  	s2 =	sadd.s32 s2, s17  }
0x8e: {  	[smem:$0x3FC2] =	sst s2  }
0x8f: {  	_ = 	snop  }
0x90: {  	s2 =	sld [smem:$0x3FD0];
	(tm) =	ssettm $0x1  }
0x91: {  	s18 =	sld [smem:$0x3FFB];
	_ =	sdelay $0x3  }
0x92: {  	_ =	strace s18  }
0x93: {  	s3 =	sld [smem:$0x3FFC];
	_ =	sdelay $0x3  }
0x94: {  	_ =	strace s3  }
0x95: {  	s3 =	sld [smem:$0x3FFD];
	_ =	sdelay $0x3  }
0x96: {  	_ =	strace s3  }
0x97: {  	_ =	strace $0x8FFFFFFF  }
0x98: {  	s19 =	sld [smem:$0x3FDB];
	_ =	sdelay $0x1  }
0x99: {  	s4 =	simm.s32 $_scs_section_size  }
0x9a: {  	s5 =	simm.s32 $_size__tile_overlayer_lowered;
	s6 =	simm.s32 $_tile_overlayer_lowered  }
0x9b: {  	s22 =	simm.s32 $0x1BFF;
	s21 =	sshll.u32 s6, $0x1;
	s3 =	sadd.s32 s4, s19  }
0x9c: {  	s7 =	simm.s32 $0x0;
	s20 =	sshll.u32 s5, $0x1;
	s5 =	sadd.s32 s21, s3  }
0x9d: {  	[timem:s7], [sflag:s22] =	dma.local [hbm:s5], s20  }
0x9e: {  	_ =	swait.ge [sflag:s22], s20  }
0x9f: {  	s4 =	ssub.s32 $0x0, s20;
	[sflag:s22] =	ssyncset.done $0x0  }
0xa0: {  	[sflag:s22] =	ssyncadd.s32 s4;
	_ =	sdelay $0x1  }
0xa1: {  	s23 =	simm.s32 $0x1B8B  }
0xa2: {  	_ =	swait.ge [sflag:s23], $0x1  }
0xa3: {  	[sflag:s23] =	ssyncset.done $0x0  }
0xa4: {  	s25 =	simm.s32 $0x1B8E;
	s24 =	sld [smem:$0x3FFE];
	[sflag:s23] =	ssyncadd.s32 $0xFFFFFFFF  }
0xa5: {  	s26 =	simm.s32 $execute0_lowered;
	[smem:$0x3FD2] =	sst s25  }
0xa6: {  	s5 =	sshll.u32 s26, $0x1;
	_ =	strace $0x8000004C;
	[dreg:$0x1] =	wrdreg $0xFFFFFFFF  }
0xa7: {  	s28 =	simm.s32 $_size_execute0_lowered;
	s3 =	sadd.s32 s3, s5;
	[dreg:$0x0] =	wrdreg $0x0  }
0xa8: {  	s5 =	sshll.u32 s28, $0x1;
	[dreg:$0x2] =	wrdreg s3  }
0xa9: {  	[dreg:$0x3] =	wrdreg s5  }
0xaa: {  	[dreg:$0x4] =	wrdreg $0xC0  }
0xab: {  	_ =	task [dreg:s7], $0x5FFFF  }
0xac: {  	[dreg:$0x1] =	wrdreg $0xFFFFFFFF  }
0xad: {  	[dreg:$0x0] =	wrdreg $0x60  }
0xae: {  	[dreg:$0x2] =	wrdreg s24  }
0xaf: {  	[dreg:$0x3] =	wrdreg s2  }
0xb0: {  	[dreg:$0x4] =	wrdreg $0x0  }
0xb1: {  	[dreg:$0x5] =	wrdreg $0x9  }
0xb2: {  	_ =	task.clear_ibuf [dreg:s7], $0x6FFFF;
	_ =	strace $0x9000004C  }
0xb3: {  	s29 =	simm.s32 $0x9;
	_ =	strace $0x8000004E  }
0xb4: {  	_ =	swait.ge [sflag:s29], $0x1  }
0xb5: {  	[sflag:s29] =	ssyncadd.s32 $0xFFFFFFFF  }
0xb6: {  	_ =	strace $0x9000004E  }
0xb7: {  	_ =	sfence  }
0xb8: {  	s30 =	sld [smem:$0x0];
	_ =	sdelay $0x2  }
0xb9: {  	s31 =	sshll.u32 s1, $0xD;
	s1 =	sshrl.u32 s1, $0x2  }
0xba: {  	s3 =	sand.u32 $0x4000, s31;
	s1 =	sadd.s32 s1, s30  }
0xbb: {  	s0 =	sor.u32 s3, s0;
	s1 =	sshll.u32 s1, $0x11  }
0xbc: {  	s0 =	sor.u32 s1, s0  }
0xbd: {  	s0 =	sadd.s32 $0x8F2B, s0  }
0xbe: {  	[sflag:s0] =	ssyncadd.remote.s32 $0x1  }
0xbf: {  	_ =	sfence.sel $0xFFFF  }
0xc0: {  	[dreg:$0x0] =	wrdreg $0xFFFFFFFF;
	(pc) =	sbr.abs _section_cstart, $3  }
0xc1: {  	[dreg:$0x1] =	wrdreg $0xFFFFFFFF  }
0xc2: {  	_ =	task.clear_ibuf [dreg:s7], $0x2FFFF;
	_ =	strace $0x9FFFFFFF  }
0xc3: {  	(tm) =	ssettm $0x7FFFFFFF  }
tec
execute0_lowered:
.L_overlay_start_1:
0x0: {  	(tag) =	ssettag $0x1  }
0x1: {  	s0 =	rddreg [dreg:$0x0]  }
0x2: {  	s2 =	rddreg [dreg:$0x1]  }
0x3: {  	s1 =	rddreg [dreg:$0x2];
	s3 =	simm.s32 $0x0  }
0x4: {  	s4 =	srdreg.scid;
	s9 =	stileid.u32;
	s14 =	simm.s32 $0x14000  }
0x5: {  	s15 =	simm.s32 $0x5;
	s16 =	simm.s32 $0x1C000;
	s17 =	simm.s32 $0x1C800  }
0x6: {  	s13 =	simm.s32 $0x1CC00;
	s28 =	simm.s32 $0x1C600;
	s29 =	simm.s32 $0x1CD80  }
0x7: {  	s30 =	simm.s32 $0x1C680;
	s5 =	sand.u32 $0x1, s4;
	s4 =	smul.u32 $0x90, s9  }
0x8: {  	s31 =	simm.s32 $0x1CE00;
	[smem:$0x7FF] =	sst s3;
	s8 =	smul.u32 $0x14000, s9  }
0x9: {  	s6 =	sshll.u32 s9, $0x4;
	s9 =	smul.u32 $0x50000, s9;
	p0 =	seq.s32 s5, $0x0  }
0xa: {  	s6 =	sor.u32 $0x900, s6;
	s7 =	smul.u32 $0x140000, s5;
	_ =	strace $0x8000004D  }
0xb: {  	s18 =	ssub.s32 $0x2, s5;
	s6 =	smov.u32 @p0 s4;
	s4 =	sadd.s32 $0xD600, s0  }
0xc: {  	s9 =	sshrl.u32 s9, $0x2;
	s19 =	sshrl.u32 s18, $0x1;
	p0 =	sne.s32 s5, $0x0  }
0xd: {  	s5 =	simm.s32 $0x1C500;
	s6 =	sshll.u32 s6, $0x4;
	s7 =	sadd.s32 s8, s7  }
0xe: {  	s12 =	sadd.s32 s9, s1;
	s8 =	simm.s32 $0x1CF80;
	s10 =	sadd.s32 s6, s0  }
0xf: {  	s7 =	sshrl.u32 s7, $0x3;
	s20 =	sadd.s32 $0x4000, s12;
	[dreg:$0x4] =	wrdreg s12  }
0x10: {  	s21 =	sadd.s32 $0x8000, s12;
	s22 =	sadd.s32 $0xC000, s12;
	[dreg:$0x5] =	wrdreg s20  }
0x11: {  	s23 =	sadd.s32 $0x10000, s12;
	s26 =	sadd.s32 s6, s2;
	[dreg:$0x6] =	wrdreg s21  }
0x12: {  	s2 =	simm.s32 $0x1CE80;
	s6 =	simm.s32 $0x1C780;
	[dreg:$0x7] =	wrdreg s22  }
0x13: {  	s0 =	sadd.s32 s7, s0;
	s7 =	ssub.s32 s18, s19;
	[dreg:$0x8] =	wrdreg s23  }
0x14: {  	s25 =	sadd.s32 $0x3600, s10;
	[dreg:$0xc] =	wrdreg s26;
	s18 =	simm.s32 $0x80  }
0x15: {  	s19 =	simm.s32 $0x1;
	s21 =	simm.s32 $0x18000;
	s22 =	simm.s32 $0x2  }
0x16: {  	s23 =	simm.s32 $0x3;
	s26 =	simm.s32 $0x4;
	s20 =	simm.s32 $0x1CC80  }
0x17: {  	s0 =	sadd.s32 $0x5D600, s0;
	s24 =	smax.u32 s7, $0x1;
	[dreg:$0xb] =	wrdreg s25  }
0x18: {  	s25 =	simm.s32 $0x1CD00;
	s7 =	simm.s32 $0x1CF00;
	[dreg:$0x9] =	wrdreg s0  }
0x19: {  	v0 =	vimm.f32 $0.0e+00;
	[dreg:$0xa] =	wrdreg s24;
	s0 =	simm.s32 $0x0;
	s24 =	simm.s32 $0x1C580  }
.LBB2_1:
0x1a: {  	[dreg:$0xd] =	wrdreg s0;
	s9 =	simm.s32 $0x0;
	s10 =	simm.s32 $0x200  }
.LBB2_2:
0x1b: {  	p1 =	sne.s32 s10, $0xFE00;
	[tilespmem:s9+$0x14070] =	vst v0  }
0x1c: {  	[tilespmem:s9+$0x14000] =	vst v0  }
0x1d: {  	[tilespmem:s9+$0x14010] =	vst v0  }
.Ltmp0:
0x1e: {  	[tilespmem:s9+$0x14020] =	vst v0;
	(pc) =	sbr.rel @p1 .LBB2_2-.Ltmp0, $4  }
0x1f: {  	[tilespmem:s9+$0x14030] =	vst v0  }
0x20: {  	[tilespmem:s9+$0x14040] =	vst v0  }
0x21: {  	[tilespmem:s9+$0x14050] =	vst v0  }
0x22: {  	[tilespmem:s9+$0x14060] =	vst v0;
	s9 =	sshra.s32 s10, $0x2;
	s10 =	sadd.s32 $0x200, s10  }
0x23: {  	[tilespmem:s9+$0x14070] =	vst v0  }
0x24: {  	[tilespmem:s9+$0x14000] =	vst v0  }
0x25: {  	[tilespmem:s9+$0x14010] =	vst v0  }
0x26: {  	[tilespmem:s9+$0x14020] =	vst v0  }
0x27: {  	[tilespmem:s9+$0x14030] =	vst v0  }
0x28: {  	[tilespmem:s9+$0x14040] =	vst v0  }
0x29: {  	[tilespmem:s9+$0x14050] =	vst v0  }
0x2a: {  	[tilespmem:s9+$0x14060] =	vst v0  }
0x2b: {  	[spmem:s12] =	stream.linear.scatter [tilespmem:s14], [sflag:$0x5], $0x4000, $0x38;
	[tilespmem:$0x1D000] =	vst v63  }
0x2c: {  	_ =	swait.ge [sflag:s15], $0x4000  }
0x2d: {  	[sflag:s15] =	ssyncset.done $0x0  }
0x2e: {  	s0 =	rddreg [dreg:$0x5];
	[sflag:s15] =	ssyncadd.s32 $0xFFFFC000  }
0x2f: {  	[spmem:s0] =	stream.linear.scatter [tilespmem:s14], [sflag:$0x5], $0x4000, $0x38;
	[tilespmem:$0x1D000] =	vst v63  }
0x30: {  	_ =	swait.ge [sflag:s15], $0x4000  }
0x31: {  	[sflag:s15] =	ssyncset.done $0x0  }
0x32: {  	s10 =	rddreg [dreg:$0x6];
	[sflag:s15] =	ssyncadd.s32 $0xFFFFC000  }
0x33: {  	[spmem:s10] =	stream.linear.scatter [tilespmem:s14], [sflag:$0x5], $0x4000, $0x38;
	[tilespmem:$0x1D000] =	vst v63  }
0x34: {  	_ =	swait.ge [sflag:s15], $0x4000  }
0x35: {  	[sflag:s15] =	ssyncset.done $0x0  }
0x36: {  	s11 =	rddreg [dreg:$0x7];
	[sflag:s15] =	ssyncadd.s32 $0xFFFFC000  }
0x37: {  	[spmem:s11] =	stream.linear.scatter [tilespmem:s14], [sflag:$0x5], $0x4000, $0x38;
	[tilespmem:$0x1D000] =	vst v63  }
0x38: {  	_ =	swait.ge [sflag:s15], $0x4000  }
0x39: {  	[sflag:s15] =	ssyncset.done $0x0  }
0x3a: {  	s12 =	rddreg [dreg:$0x8];
	[sflag:s15] =	ssyncadd.s32 $0xFFFFC000  }
0x3b: {  	[spmem:s12] =	stream.linear.scatter [tilespmem:s14], [sflag:$0x5], $0x4000, $0x38;
	[tilespmem:$0x1D000] =	vst v63  }
0x3c: {  	_ =	swait.ge [sflag:s15], $0x4000  }
0x3d: {  	[sflag:s15] =	ssyncset.done $0x0  }
0x3e: {  	[sflag:s15] =	ssyncadd.s32 $0xFFFFC000  }
0x3f: {  	[bflag:$0x0] =	sbarrier.arrive $0xFFFF  }
0x40: {  	s9 =	rddreg [dreg:$0xc]  }
0x41: {  	s0 =	simm.s32 $0x1C700;
	s11 =	simm.s32 $0x0;
	s10 =	rddreg [dreg:$0xb]  }
.LBB2_4:
0x42: {  	[tilespmem:s16], [sflag:$0x5] =	stream.linear.gather [hbm4b:s9+s3], $0x800, $0x38;
	[tilespmem:$0x1D000] =	vst v63  }
0x43: {  	_ =	swait.ge [sflag:s15], $0x800  }
0x44: {  	[sflag:s15] =	ssyncset.done $0x0  }
0x45: {  	[sflag:s15] =	ssyncadd.s32 $0xFFFFF800  }
0x46: {  	[tilespmem:s17], [sflag:$0x5] =	stream.linear.gather [hbm4b:s10+s3], $0x800, $0x38;
	[tilespmem:$0x1D000] =	vst v63  }
0x47: {  	_ =	swait.ge [sflag:s15], $0x800  }
0x48: {  	[sflag:s15] =	ssyncset.done $0x0  }
0x49: {  	[sflag:s15] =	ssyncadd.s32 $0xFFFFF800  }
0x4a: {  	[tilespmem:s14], [sflag:$0x1] =	stream.indirect.gather [hbm4b:s4+s18], $0x80, s16, s18, $0xb8;
	[tilespmem:$0x1D000] =	vst v63  }
0x4b: {  	_ =	swait.ge [sflag:s19], $0x4000  }
0x4c: {  	[sflag:s19] =	ssyncset.done $0x0  }
0x4d: {  	s12 =	simm.s32 $0x1C080;
	[sflag:s19] =	ssyncadd.s32 $0xFFFFC000  }
0x4e: {  	[tilespmem:s21], [sflag:$0x2] =	stream.indirect.gather [hbm4b:s4+s18], $0x80, s12, s18, $0xb8;
	[tilespmem:$0x1D000] =	vst v63  }
0x4f: {  	_ = 	snop  }
0x50: {  	[spmem:s1] =	stream.indirect.scatter.add.f32 [tilespmem:s14], [sflag:$0x3], $0x80, s17, s18, $0xb8;
	[tilespmem:$0x1D000] =	vst v63  }
0x51: {  	_ =	swait.ge [sflag:s22], $0x4000  }
0x52: {  	[sflag:s22] =	ssyncset.done $0x0  }
0x53: {  	[sflag:s22] =	ssyncadd.s32 $0xFFFFC000  }
0x54: {  	_ =	swait.ge [sflag:s23], $0x4000  }
0x55: {  	[sflag:s23] =	ssyncset.done $0x0  }
0x56: {  	s12 =	simm.s32 $0x1C100;
	[sflag:s23] =	ssyncadd.s32 $0xFFFFC000  }
0x57: {  	[tilespmem:s14], [sflag:$0x1] =	stream.indirect.gather [hbm4b:s4+s18], $0x80, s12, s18, $0xb8;
	[tilespmem:$0x1D000] =	vst v63  }
0x58: {  	s12 =	simm.s32 $0x1C880  }
0x59: {  	[spmem:s1] =	stream.indirect.scatter.add.f32 [tilespmem:s21], [sflag:$0x4], $0x80, s12, s18, $0xb8;
	[tilespmem:$0x1D000] =	vst v63  }
0x5a: {  	_ =	swait.ge [sflag:s19], $0x4000  }
0x5b: {  	[sflag:s19] =	ssyncset.done $0x0  }
0x5c: {  	[sflag:s19] =	ssyncadd.s32 $0xFFFFC000  }
0x5d: {  	_ =	swait.ge [sflag:s26], $0x4000  }
0x5e: {  	[sflag:s26] =	ssyncset.done $0x0  }
0x5f: {  	s12 =	simm.s32 $0x1C180;
	[sflag:s26] =	ssyncadd.s32 $0xFFFFC000  }
0x60: {  	[tilespmem:s21], [sflag:$0x2] =	stream.indirect.gather [hbm4b:s4+s18], $0x80, s12, s18, $0xb8;
	[tilespmem:$0x1D000] =	vst v63  }
0x61: {  	s12 =	simm.s32 $0x1C900  }
0x62: {  	[spmem:s1] =	stream.indirect.scatter.add.f32 [tilespmem:s14], [sflag:$0x3], $0x80, s12, s18, $0xb8;
	[tilespmem:$0x1D000] =	vst v63  }
0x63: {  	_ =	swait.ge [sflag:s22], $0x4000  }
0x64: {  	[sflag:s22] =	ssyncset.done $0x0  }
0x65: {  	[sflag:s22] =	ssyncadd.s32 $0xFFFFC000  }
0x66: {  	_ =	swait.ge [sflag:s23], $0x4000  }
0x67: {  	[sflag:s23] =	ssyncset.done $0x0  }
0x68: {  	s12 =	simm.s32 $0x1C200;
	[sflag:s23] =	ssyncadd.s32 $0xFFFFC000  }
0x69: {  	[tilespmem:s14], [sflag:$0x1] =	stream.indirect.gather [hbm4b:s4+s18], $0x80, s12, s18, $0xb8;
	[tilespmem:$0x1D000] =	vst v63  }
0x6a: {  	s12 =	simm.s32 $0x1C980  }
0x6b: {  	[spmem:s1] =	stream.indirect.scatter.add.f32 [tilespmem:s21], [sflag:$0x4], $0x80, s12, s18, $0xb8;
	[tilespmem:$0x1D000] =	vst v63  }
0x6c: {  	_ =	swait.ge [sflag:s19], $0x4000  }
0x6d: {  	[sflag:s19] =	ssyncset.done $0x0  }
0x6e: {  	[sflag:s19] =	ssyncadd.s32 $0xFFFFC000  }
0x6f: {  	_ =	swait.ge [sflag:s26], $0x4000  }
0x70: {  	[sflag:s26] =	ssyncset.done $0x0  }
0x71: {  	s12 =	simm.s32 $0x1C280;
	[sflag:s26] =	ssyncadd.s32 $0xFFFFC000  }
0x72: {  	[tilespmem:s21], [sflag:$0x2] =	stream.indirect.gather [hbm4b:s4+s18], $0x80, s12, s18, $0xb8;
	[tilespmem:$0x1D000] =	vst v63  }
0x73: {  	s12 =	simm.s32 $0x1CA00  }
0x74: {  	[spmem:s1] =	stream.indirect.scatter.add.f32 [tilespmem:s14], [sflag:$0x3], $0x80, s12, s18, $0xb8;
	[tilespmem:$0x1D000] =	vst v63  }
0x75: {  	_ =	swait.ge [sflag:s22], $0x4000  }
0x76: {  	[sflag:s22] =	ssyncset.done $0x0  }
0x77: {  	[sflag:s22] =	ssyncadd.s32 $0xFFFFC000  }
0x78: {  	_ =	swait.ge [sflag:s23], $0x4000  }
0x79: {  	[sflag:s23] =	ssyncset.done $0x0  }
0x7a: {  	s12 =	simm.s32 $0x1C300;
	[sflag:s23] =	ssyncadd.s32 $0xFFFFC000  }
0x7b: {  	[tilespmem:s14], [sflag:$0x1] =	stream.indirect.gather [hbm4b:s4+s18], $0x80, s12, s18, $0xb8;
	[tilespmem:$0x1D000] =	vst v63  }
0x7c: {  	s12 =	simm.s32 $0x1CA80  }
0x7d: {  	[spmem:s1] =	stream.indirect.scatter.add.f32 [tilespmem:s21], [sflag:$0x4], $0x80, s12, s18, $0xb8;
	[tilespmem:$0x1D000] =	vst v63  }
0x7e: {  	_ =	swait.ge [sflag:s19], $0x4000  }
0x7f: {  	[sflag:s19] =	ssyncset.done $0x0  }
0x80: {  	[sflag:s19] =	ssyncadd.s32 $0xFFFFC000  }
0x81: {  	_ =	swait.ge [sflag:s26], $0x4000  }
0x82: {  	[sflag:s26] =	ssyncset.done $0x0  }
0x83: {  	s12 =	simm.s32 $0x1C380;
	[sflag:s26] =	ssyncadd.s32 $0xFFFFC000  }
0x84: {  	[tilespmem:s21], [sflag:$0x2] =	stream.indirect.gather [hbm4b:s4+s18], $0x80, s12, s18, $0xb8;
	[tilespmem:$0x1D000] =	vst v63  }
0x85: {  	s12 =	simm.s32 $0x1CB00  }
0x86: {  	[spmem:s1] =	stream.indirect.scatter.add.f32 [tilespmem:s14], [sflag:$0x3], $0x80, s12, s18, $0xb8;
	[tilespmem:$0x1D000] =	vst v63  }
0x87: {  	_ =	swait.ge [sflag:s22], $0x4000  }
0x88: {  	[sflag:s22] =	ssyncset.done $0x0  }
0x89: {  	[sflag:s22] =	ssyncadd.s32 $0xFFFFC000  }
0x8a: {  	_ =	swait.ge [sflag:s23], $0x4000  }
0x8b: {  	[sflag:s23] =	ssyncset.done $0x0  }
0x8c: {  	s12 =	simm.s32 $0x1C400;
	[sflag:s23] =	ssyncadd.s32 $0xFFFFC000  }
0x8d: {  	[tilespmem:s14], [sflag:$0x1] =	stream.indirect.gather [hbm4b:s4+s18], $0x80, s12, s18, $0xb8;
	[tilespmem:$0x1D000] =	vst v63  }
0x8e: {  	s12 =	simm.s32 $0x1CB80  }
0x8f: {  	[spmem:s1] =	stream.indirect.scatter.add.f32 [tilespmem:s21], [sflag:$0x4], $0x80, s12, s18, $0xb8;
	[tilespmem:$0x1D000] =	vst v63  }
0x90: {  	_ =	swait.ge [sflag:s19], $0x4000  }
0x91: {  	[sflag:s19] =	ssyncset.done $0x0  }
0x92: {  	[sflag:s19] =	ssyncadd.s32 $0xFFFFC000  }
0x93: {  	_ =	swait.ge [sflag:s26], $0x4000  }
0x94: {  	[sflag:s26] =	ssyncset.done $0x0  }
0x95: {  	s12 =	simm.s32 $0x1C480;
	[sflag:s26] =	ssyncadd.s32 $0xFFFFC000  }
0x96: {  	[tilespmem:s21], [sflag:$0x2] =	stream.indirect.gather [hbm4b:s4+s18], $0x80, s12, s18, $0xb8;
	[tilespmem:$0x1D000] =	vst v63  }
0x97: {  	_ = 	snop  }
0x98: {  	[spmem:s1] =	stream.indirect.scatter.add.f32 [tilespmem:s14], [sflag:$0x3], $0x80, s13, s18, $0xb8;
	[tilespmem:$0x1D000] =	vst v63  }
0x99: {  	_ =	swait.ge [sflag:s22], $0x4000  }
0x9a: {  	[sflag:s22] =	ssyncset.done $0x0  }
0x9b: {  	[sflag:s22] =	ssyncadd.s32 $0xFFFFC000  }
0x9c: {  	_ =	swait.ge [sflag:s23], $0x4000  }
0x9d: {  	[sflag:s23] =	ssyncset.done $0x0  }
0x9e: {  	[sflag:s23] =	ssyncadd.s32 $0xFFFFC000  }
0x9f: {  	[tilespmem:s14], [sflag:$0x1] =	stream.indirect.gather [hbm4b:s4+s18], $0x80, s5, s18, $0xb8;
	[tilespmem:$0x1D000] =	vst v63  }
0xa0: {  	_ = 	snop  }
0xa1: {  	[spmem:s1] =	stream.indirect.scatter.add.f32 [tilespmem:s21], [sflag:$0x4], $0x80, s20, s18, $0xb8;
	[tilespmem:$0x1D000] =	vst v63  }
0xa2: {  	_ =	swait.ge [sflag:s19], $0x4000  }
0xa3: {  	[sflag:s19] =	ssyncset.done $0x0  }
0xa4: {  	[sflag:s19] =	ssyncadd.s32 $0xFFFFC000  }
0xa5: {  	_ =	swait.ge [sflag:s26], $0x4000  }
0xa6: {  	[sflag:s26] =	ssyncset.done $0x0  }
0xa7: {  	[sflag:s26] =	ssyncadd.s32 $0xFFFFC000  }
0xa8: {  	[tilespmem:s21], [sflag:$0x2] =	stream.indirect.gather [hbm4b:s4+s18], $0x80, s24, s18, $0xb8;
	[tilespmem:$0x1D000] =	vst v63  }
0xa9: {  	_ = 	snop  }
0xaa: {  	[spmem:s1] =	stream.indirect.scatter.add.f32 [tilespmem:s14], [sflag:$0x3], $0x80, s25, s18, $0xb8;
	[tilespmem:$0x1D000] =	vst v63  }
0xab: {  	_ =	swait.ge [sflag:s22], $0x4000  }
0xac: {  	[sflag:s22] =	ssyncset.done $0x0  }
0xad: {  	[sflag:s22] =	ssyncadd.s32 $0xFFFFC000  }
0xae: {  	_ =	swait.ge [sflag:s23], $0x4000  }
0xaf: {  	[sflag:s23] =	ssyncset.done $0x0  }
0xb0: {  	[sflag:s23] =	ssyncadd.s32 $0xFFFFC000  }
0xb1: {  	[tilespmem:s14], [sflag:$0x1] =	stream.indirect.gather [hbm4b:s4+s18], $0x80, s28, s18, $0xb8;
	[tilespmem:$0x1D000] =	vst v63  }
0xb2: {  	_ = 	snop  }
0xb3: {  	[spmem:s1] =	stream.indirect.scatter.add.f32 [tilespmem:s21], [sflag:$0x4], $0x80, s29, s18, $0xb8;
	[tilespmem:$0x1D000] =	vst v63  }
0xb4: {  	_ =	swait.ge [sflag:s19], $0x4000  }
0xb5: {  	[sflag:s19] =	ssyncset.done $0x0  }
0xb6: {  	[sflag:s19] =	ssyncadd.s32 $0xFFFFC000  }
0xb7: {  	_ =	swait.ge [sflag:s26], $0x4000  }
0xb8: {  	[sflag:s26] =	ssyncset.done $0x0  }
0xb9: {  	[sflag:s26] =	ssyncadd.s32 $0xFFFFC000  }
0xba: {  	[tilespmem:s21], [sflag:$0x2] =	stream.indirect.gather [hbm4b:s4+s18], $0x80, s30, s18, $0xb8;
	[tilespmem:$0x1D000] =	vst v63  }
0xbb: {  	_ = 	snop  }
0xbc: {  	[spmem:s1] =	stream.indirect.scatter.add.f32 [tilespmem:s14], [sflag:$0x3], $0x80, s31, s18, $0xb8;
	[tilespmem:$0x1D000] =	vst v63  }
0xbd: {  	_ =	swait.ge [sflag:s22], $0x4000  }
0xbe: {  	[sflag:s22] =	ssyncset.done $0x0  }
0xbf: {  	[sflag:s22] =	ssyncadd.s32 $0xFFFFC000  }
0xc0: {  	_ =	swait.ge [sflag:s23], $0x4000  }
0xc1: {  	[sflag:s23] =	ssyncset.done $0x0  }
0xc2: {  	[sflag:s23] =	ssyncadd.s32 $0xFFFFC000  }
0xc3: {  	[tilespmem:s14], [sflag:$0x1] =	stream.indirect.gather [hbm4b:s4+s18], $0x80, s0, s18, $0xb8;
	[tilespmem:$0x1D000] =	vst v63  }
0xc4: {  	_ = 	snop  }
0xc5: {  	[spmem:s1] =	stream.indirect.scatter.add.f32 [tilespmem:s21], [sflag:$0x4], $0x80, s2, s18, $0xb8;
	[tilespmem:$0x1D000] =	vst v63  }
0xc6: {  	_ =	swait.ge [sflag:s19], $0x4000  }
0xc7: {  	[sflag:s19] =	ssyncset.done $0x0  }
0xc8: {  	[sflag:s19] =	ssyncadd.s32 $0xFFFFC000  }
0xc9: {  	_ =	swait.ge [sflag:s26], $0x4000  }
0xca: {  	[sflag:s26] =	ssyncset.done $0x0  }
0xcb: {  	[sflag:s26] =	ssyncadd.s32 $0xFFFFC000  }
0xcc: {  	[tilespmem:s21], [sflag:$0x2] =	stream.indirect.gather [hbm4b:s4+s18], $0x80, s6, s18, $0xb8;
	[tilespmem:$0x1D000] =	vst v63  }
0xcd: {  	_ = 	snop  }
0xce: {  	[spmem:s1] =	stream.indirect.scatter.add.f32 [tilespmem:s14], [sflag:$0x3], $0x80, s7, s18, $0xb8;
	[tilespmem:$0x1D000] =	vst v63  }
0xcf: {  	_ =	swait.ge [sflag:s22], $0x4000  }
0xd0: {  	[sflag:s22] =	ssyncset.done $0x0  }
0xd1: {  	p1 =	slt.u32 @!p0 s11, $0x8;
	[sflag:s22] =	ssyncadd.s32 $0xFFFFC000  }
0xd2: {  	[spmem:s1] =	stream.indirect.scatter.add.f32 [tilespmem:s21], [sflag:$0x4], $0x80, s8, s18, $0xb8;
	[tilespmem:$0x1D000] =	vst v63  }
0xd3: {  	p1 =	por p0, !p1;
	_ =	swait.ge [sflag:s23], $0x4000  }
.Ltmp1:
0xd4: {  	[sflag:s23] =	ssyncset.done $0x0;
	(pc) =	sbr.rel @!p1 .LBB2_4-.Ltmp1, $4  }
0xd5: {  	[sflag:s23] =	ssyncadd.s32 $0xFFFFC000  }
0xd6: {  	_ =	swait.ge [sflag:s26], $0x4000  }
0xd7: {  	s11 =	sadd.s32 $0x1, s11;
	[sflag:s26] =	ssyncset.done $0x0  }
0xd8: {  	s9 =	sadd.s32 $0x100, s9;
	s10 =	sadd.s32 $0x100, s10;
	[sflag:s26] =	ssyncadd.s32 $0xFFFFC000  }
0xd9: {  	s9 =	stileid.u32;
	[bflag:$0x0] =	sbarrier.arrive $0xFFFF  }
0xda: {  	s9 =	sshll.u32 s9, $0x6;
	s12 =	rddreg [dreg:$0x4]  }
0xdb: {  	s11 =	rddreg [dreg:$0x9];
	s9 =	sor.u32 $0x1C05, s9;
	s10 =	sshrl.u32 s12, $0x3  }
0xdc: {  	[hbm:s11], [sflag:s9] =	dma.local [spmem:s10], $0x2800  }
0xdd: {  	_ =	swait.ge [sflag:s15], $0x2800  }
0xde: {  	s0 =	rddreg [dreg:$0xd]  }
0xdf: {  	s11 =	rddreg [dreg:$0xa];
	s0 =	sadd.s32 $0x1, s0  }
0xe0: {  	p1 =	sne.s32 s0, s11  }
.Ltmp2:
0xe1: {  	_ = 	snop;
	(pc) =	sbr.rel @p1 .LBB2_1-.Ltmp2, $3  }
0xe2: {  	_ =	sdelay $0x1  }
0xe3: {  	[sflag:s15] =	ssyncset.done $0x0  }
0xe4: {  	[sflag:s15] =	ssyncadd.s32 $0xFFFFD800  }
0xe5: {  	_ =	sfence.sel $0x180000  }
0xe6: {  	[bflag:$0x0] =	sbarrier.arrive $0xFFFF  }
0xe7: {  	_ =	strace $0x9000004D  }
0xe8: {  	s0 =	stileid.u32;
	[bflag:$0x2] =	sbarrier.arrive $0xFFFF  }
0xe9: {  	p0 =	sne.s32 s0, $0x0;
	s0 =	rddreg [dreg:$0x3]  }
0xea: {  	s0 =	sadd.s32 @!p0 $0x100000, s0  }
0xeb: {  	[sflag:s0] =	ssyncadd.tile.s32 @!p0 $0x1;
	_ =	shalt  }
.Lfunc_end2:
_tile_overlayer_lowered:
.L_overlay_start_2:
0xec: {  	(tag) =	ssettag $0x2  }
0xed: {  	s0 =	rddreg [dreg:$0x0];
	s2 =	stileid.u32  }
0xee: {  	s1 =	rddreg [dreg:$0x1];
	p0 =	sne.s32 s2, $0x0  }
0xef: {  	s3 =	rddreg [dreg:$0x2];
	[bflag:$0x3] =	sbarrier.arrive $0xFFFF;
	s2 =	simm.s32 @!p0 $0x1C05  }
0xf0: {  	[timem:s3], [sflag:s2] =	dma.local @!p0 [hbm:s0], s1  }
0xf1: {  	s0 =	simm.s32 @!p0 $0x5  }
0xf2: {  	_ =	swait.ge @!p0 [sflag:s0], s1  }
0xf3: {  	s1 =	ssub.s32 @!p0 $0x0, s1;
	[sflag:s0] =	ssyncset.done @!p0 $0x0  }
0xf4: {  	[sflag:s0] =	ssyncadd.s32 @!p0 s1  }
0xf5: {  	[bflag:$0x3] =	sbarrier.arrive $0xFFFF  }
0xf6: {  	_ =	shalt  }

// kernel: kernel.9.cloned.1.call-start
scs
__scs_entry_jumppad:
0x0: {  	(pc) =	sbr.rel $0x88, $3  }
0x1: {  	(tag) =	ssettag $0x0;
	lr =	simm.s32 $0x1  }
0x2: {  	[smem:$0x3F9B] =	sst lr;
	_ =	strace $0xD0000000  }
0x3: {  	_ = 	snop  }
0x4: {  	_ = 	snop  }
0x5: {  	_ = 	snop  }
0x6: {  	_ = 	snop  }
0x7: {  	_ = 	snop  }
__scs_overlays_trampoline_lowered:
0x8: {  	[smem:$0x3FAA] =	sst s0  }
0x9: {  	[smem:$0x3FAB] =	sst s1  }
0xa: {  	[smem:$0x3FAC] =	sst s2  }
0xb: {  	[smem:$0x3FAD] =	sst s3  }
0xc: {  	[smem:$0x3FAE] =	sst s4  }
0xd: {  	[smem:$0x3FAF] =	sst s5  }
0xe: {  	[smem:$0x3FB0] =	sst s6  }
0xf: {  	[smem:$0x3FB1] =	sst s7  }
0x10: {  	[smem:$0x3FB2] =	sst s8  }
0x11: {  	[smem:$0x3FB3] =	sst s9;
	s0 =	simm.s32 @!p0 $0x0  }
0x12: {  	s1 =	sld [smem:$0x3F99];
	s0 =	simm.s32 @p0 $0x1  }
0x13: {  	[smem:$0x3FB4] =	sst s0;
	s0 =	simm.s32 @!p1 $0x0  }
0x14: {  	s2 =	sld [smem:$0x3F98];
	s0 =	simm.s32 @p1 $0x1  }
0x15: {  	[smem:$0x3FB5] =	sst s0;
	s0 =	simm.s32 @!p2 $0x0  }
0x16: {  	s3 =	sld [smem:$0x3FDB];
	s0 =	simm.s32 @p2 $0x1  }
0x17: {  	s4 =	simm.s32 $0x1BF5;
	[smem:$0x3FB7] =	sst s0  }
0x18: {  	s0 =	sld [smem:$0x3F9A];
	_ =	swait.ge [sflag:s4], $0x0  }
0x19: {  	s7 =	sld [smem:$0x3F9B]  }
0x1a: {  	s8 =	sadd.s32 $0xFFFFE003, lr  }
0x1b: {  	s9 =	sadd.s32 $0xFFFFFEF7, lr;
	s5 =	simm.s32 $0xFFFFFFFF;
	p2 =	slt.u32 s8, $0xFFFFF086  }
0x1c: {  	p1 =	slt.u32 s9, $0xF7A;
	s5 =	simm.s32 @!p2 $0x0  }
0x1d: {  	s5 =	simm.s32 @p1 $0x1;
	p0 =	seq.s32 s7, s2  }
0x1e: {  	s7 =	smul.u32 @!p0 $0xF7A, s2;
	p2 =	seq.s32 @!p0 s5, $0x0  }
0x1f: {  	s9 =	smul.u32 $0xF7A, s1;
	s8 =	simm.s32 @!p0 $0x1BF5;
	p2 =	por !p2, p0  }
0x20: {  	[sflag:s8] =	ssyncset.s32 @!p0 $0xFFFFF086;
	s6 =	sadd.s32 @!p0 s3, s7;
	s7 =	simm.s32 @!p0 $0x108  }
0x21: {  	s3 =	sadd.s32 s3, s9;
	s6 =	sadd.s32 @!p0 $0x88, s6;
	s7 =	simm.s32 @p2 $0x1082  }
0x22: {  	[simem:s7], [sflag:s8] =	dma.local @!p0 [hbm:s6], $0xF7A  }
0x23: {  	s9 =	sor.u32 $0xD0000000, s2;
	s6 =	simm.s32 $0x108;
	_ =	swait.ge @!p0 [sflag:s8], $0x0  }
0x24: {  	s3 =	sadd.s32 $0x88, s3;
	s6 =	simm.s32 @!p1 $0x1082;
	[sflag:s4] =	ssyncset.s32 $0xFFFFF086  }
0x25: {  	[simem:s6], [sflag:s4] =	dma.local [hbm:s3], $0xF7A  }
0x26: {  	[smem:$0x3F9B] =	sst s1;
	(tag) =	ssettag s2;
	_ =	strace s9  }
0x27: {  	s1 =	sld [smem:$0x3FAB]  }
0x28: {  	s2 =	sld [smem:$0x3FAC]  }
0x29: {  	s4 =	sld [smem:$0x3FAE]  }
0x2a: {  	p0 =	seq.s32 s5, $0x0;
	s5 =	sld [smem:$0x3FAF]  }
0x2b: {  	s6 =	sld [smem:$0x3FB0]  }
0x2c: {  	s7 =	sld [smem:$0x3FB1]  }
0x2d: {  	s3 =	simm.s32 $0x108;
	s8 =	sld [smem:$0x3FB2]  }
0x2e: {  	s3 =	simm.s32 @!p0 $0x1082;
	s9 =	sld [smem:$0x3FB3]  }
0x2f: {  	lr =	sadd.s32 s0, s3;
	s0 =	sld [smem:$0x3FAA]  }
0x30: {  	s3 =	sld [smem:$0x3FAD]  }
0x31: {  	[smem:$0x3FB6] =	sst s10  }
0x32: {  	s10 =	sld [smem:$0x3FB4];
	_ =	sdelay $0x3  }
0x33: {  	p0 =	seq.s32 s10, $0x1;
	s10 =	sld [smem:$0x3FB6];
	_ =	sdelay $0x3  }
0x34: {  	[smem:$0x3FB6] =	sst s10  }
0x35: {  	s10 =	sld [smem:$0x3FB5];
	_ =	sdelay $0x3  }
0x36: {  	p1 =	seq.s32 s10, $0x1;
	s10 =	sld [smem:$0x3FB6];
	_ =	sdelay $0x3  }
0x37: {  	[smem:$0x3FB6] =	sst s10  }
0x38: {  	s10 =	sld [smem:$0x3FB7]  }
0x39: {  	_ = 	snop;
	(pc) =	sbr.ind lr, $3  }
0x3a: {  	_ = 	snop  }
0x3b: {  	_ = 	snop  }
0x3c: {  	p2 =	seq.s32 s10, $0x1;
	s10 =	sld [smem:$0x3FB6]  }
0x3d: {  	_ =	shalt  }
0x3e: {  	_ =	shalt  }
0x3f: {  	_ =	shalt  }
0x40: {  	_ =	shalt  }
0x41: {  	_ =	shalt  }
0x42: {  	_ =	shalt  }
0x43: {  	_ =	shalt  }
0x44: {  	_ =	shalt  }
0x45: {  	_ =	shalt  }
0x46: {  	_ =	shalt  }
0x47: {  	_ =	shalt  }
0x48: {  	_ =	shalt  }
0x49: {  	_ =	shalt  }
0x4a: {  	_ =	shalt  }
0x4b: {  	_ =	shalt  }
0x4c: {  	_ =	shalt  }
0x4d: {  	_ =	shalt  }
0x4e: {  	_ =	shalt  }
0x4f: {  	_ =	shalt  }
0x50: {  	_ =	shalt  }
0x51: {  	_ =	shalt  }
0x52: {  	_ =	shalt  }
0x53: {  	_ =	shalt  }
0x54: {  	_ =	shalt  }
0x55: {  	_ =	shalt  }
0x56: {  	_ =	shalt  }
0x57: {  	_ =	shalt  }
0x58: {  	_ =	shalt  }
0x59: {  	_ =	shalt  }
0x5a: {  	_ =	shalt  }
0x5b: {  	_ =	shalt  }
0x5c: {  	_ =	shalt  }
0x5d: {  	_ =	shalt  }
0x5e: {  	_ =	shalt  }
0x5f: {  	_ =	shalt  }
0x60: {  	_ =	shalt  }
0x61: {  	_ =	shalt  }
0x62: {  	_ =	shalt  }
0x63: {  	_ =	shalt  }
0x64: {  	_ =	shalt  }
0x65: {  	_ =	shalt  }
0x66: {  	_ =	shalt  }
0x67: {  	_ =	shalt  }
0x68: {  	_ =	shalt  }
0x69: {  	_ =	shalt  }
0x6a: {  	_ =	shalt  }
0x6b: {  	_ =	shalt  }
0x6c: {  	_ =	shalt  }
0x6d: {  	_ =	shalt  }
0x6e: {  	_ =	shalt  }
0x6f: {  	_ =	shalt  }
0x70: {  	_ =	shalt  }
0x71: {  	_ =	shalt  }
0x72: {  	_ =	shalt  }
0x73: {  	_ =	shalt  }
0x74: {  	_ =	shalt  }
0x75: {  	_ =	shalt  }
0x76: {  	_ =	shalt  }
0x77: {  	_ =	shalt  }
0x78: {  	_ =	shalt  }
0x79: {  	_ =	shalt  }
0x7a: {  	_ =	shalt  }
0x7b: {  	_ =	shalt  }
0x7c: {  	_ =	shalt  }
0x7d: {  	_ =	shalt  }
0x7e: {  	_ =	shalt  }
0x7f: {  	_ =	shalt  }
0x80: {  	_ =	shalt  }
0x81: {  	_ =	shalt  }
0x82: {  	_ =	shalt  }
0x83: {  	_ =	shalt  }
0x84: {  	_ =	shalt  }
0x85: {  	_ =	shalt  }
0x86: {  	_ =	shalt  }
0x87: {  	_ =	shalt  }
.Lfunc_end0:
.L_simem_size_0:
called_computation_lowered:
.L_overlay_start_0:
0x88: {  	s2 =	sld [smem:$0x3FD9]  }
0x89: {  	s3 =	sld [smem:$0x3FFE];
	_ =	sdelay $0x1  }
0x8a: {  	s1 =	srdreg.scid  }
0x8b: {  	s0 =	sand.u32 $0x1, s1  }
0x8c: {  	s16 =	sshll.u32 s0, $0xA;
	s2 =	sadd.s32 s3, s2  }
0x8d: {  	s2 =	sadd.s32 s2, s16  }
0x8e: {  	[smem:$0x3FC2] =	sst s2  }
0x8f: {  	_ = 	snop  }
0x90: {  	(tm) =	ssettm $0x1  }
0x91: {  	s17 =	sld [smem:$0x3FFB];
	_ =	sdelay $0x3  }
0x92: {  	_ =	strace s17  }
0x93: {  	s2 =	sld [smem:$0x3FFC];
	_ =	sdelay $0x3  }
0x94: {  	_ =	strace s2  }
0x95: {  	s2 =	sld [smem:$0x3FFD];
	_ =	sdelay $0x3  }
0x96: {  	_ =	strace s2  }
0x97: {  	_ =	strace $0x8FFFFFFF  }
0x98: {  	s18 =	sld [smem:$0x3FDB];
	_ =	sdelay $0x1  }
0x99: {  	s19 =	simm.s32 $_scs_section_size  }
0x9a: {  	s4 =	simm.s32 $_size__tile_overlayer_lowered;
	s5 =	simm.s32 $_tile_overlayer_lowered  }
0x9b: {  	s22 =	simm.s32 $0x1BFF;
	s21 =	sshll.u32 s5, $0x1;
	s2 =	sadd.s32 s19, s18  }
0x9c: {  	s6 =	simm.s32 $0x0;
	s20 =	sshll.u32 s4, $0x1;
	s4 =	sadd.s32 s21, s2  }
0x9d: {  	[timem:s6], [sflag:s22] =	dma.local [hbm:s4], s20  }
0x9e: {  	_ =	swait.ge [sflag:s22], s20  }
0x9f: {  	s3 =	ssub.s32 $0x0, s20;
	[sflag:s22] =	ssyncset.done $0x0  }
0xa0: {  	[sflag:s22] =	ssyncadd.s32 s3;
	_ =	sdelay $0x1  }
0xa1: {  	s23 =	simm.s32 $0x1B8B  }
0xa2: {  	_ =	swait.ge [sflag:s23], $0x1  }
0xa3: {  	[sflag:s23] =	ssyncset.done $0x0  }
0xa4: {  	s25 =	simm.s32 $0x1B8E;
	s24 =	sld [smem:$0x3FFE];
	[sflag:s23] =	ssyncadd.s32 $0xFFFFFFFF  }
0xa5: {  	s26 =	simm.s32 $execute0_lowered;
	[smem:$0x3FD2] =	sst s25  }
0xa6: {  	s4 =	sshll.u32 s26, $0x1;
	_ =	strace $0x80000046;
	[dreg:$0x1] =	wrdreg $0xFFFFFFFF  }
0xa7: {  	s28 =	simm.s32 $_size_execute0_lowered;
	s2 =	sadd.s32 s2, s4;
	[dreg:$0x0] =	wrdreg $0x0  }
0xa8: {  	s4 =	sshll.u32 s28, $0x1;
	[dreg:$0x2] =	wrdreg s2  }
0xa9: {  	[dreg:$0x3] =	wrdreg s4  }
0xaa: {  	[dreg:$0x4] =	wrdreg $0xC0  }
0xab: {  	_ =	task [dreg:s6], $0x5FFFF  }
0xac: {  	[dreg:$0x1] =	wrdreg $0xFFFFFFFF  }
0xad: {  	[dreg:$0x0] =	wrdreg $0x60  }
0xae: {  	[dreg:$0x2] =	wrdreg s24  }
0xaf: {  	[dreg:$0x3] =	wrdreg $0x0  }
0xb0: {  	[dreg:$0x4] =	wrdreg $0x9  }
0xb1: {  	_ =	task.clear_ibuf [dreg:s6], $0x5FFFF;
	_ =	strace $0x90000046  }
0xb2: {  	s29 =	simm.s32 $0x9;
	_ =	strace $0x80000048  }
0xb3: {  	_ =	swait.ge [sflag:s29], $0x1  }
0xb4: {  	[sflag:s29] =	ssyncadd.s32 $0xFFFFFFFF  }
0xb5: {  	_ =	strace $0x90000048  }
0xb6: {  	_ =	sfence  }
0xb7: {  	s30 =	sld [smem:$0x0];
	_ =	sdelay $0x2  }
0xb8: {  	s31 =	sshll.u32 s1, $0xD;
	s1 =	sshrl.u32 s1, $0x2  }
0xb9: {  	s3 =	sand.u32 $0x4000, s31;
	s1 =	sadd.s32 s1, s30  }
0xba: {  	s0 =	sor.u32 s3, s0;
	s1 =	sshll.u32 s1, $0x11  }
0xbb: {  	s0 =	sor.u32 s1, s0  }
0xbc: {  	s0 =	sadd.s32 $0x8F2B, s0  }
0xbd: {  	[sflag:s0] =	ssyncadd.remote.s32 $0x1  }
0xbe: {  	_ =	sfence.sel $0xFFFF  }
0xbf: {  	[dreg:$0x0] =	wrdreg $0xFFFFFFFF;
	(pc) =	sbr.abs _section_cstart, $3  }
0xc0: {  	[dreg:$0x1] =	wrdreg $0xFFFFFFFF  }
0xc1: {  	_ =	task.clear_ibuf [dreg:s6], $0x2FFFF;
	_ =	strace $0x9FFFFFFF  }
0xc2: {  	(tm) =	ssettm $0x7FFFFFFF  }
0xc3: {  	_ =	shalt  }
tec
execute0_lowered:
.L_overlay_start_1:
0x0: {  	(tag) =	ssettag $0x1  }
0x1: {  	s0 =	srdreg.scid  }
0x2: {  	s7 =	stileid.u32;
	s1 =	rddreg [dreg:$0x0]  }
0x3: {  	s2 =	rddreg [dreg:$0x1];
	s3 =	simm.s32 $0x0;
	s10 =	simm.s32 $0x14000  }
0x4: {  	s11 =	simm.s32 $0x3;
	s12 =	simm.s32 $0x1C800;
	s13 =	simm.s32 $0x80  }
0x5: {  	s28 =	simm.s32 $0x1CF00;
	s29 =	simm.s32 $0x1CF80;
	s30 =	simm.s32 $0x1C000  }
0x6: {  	s31 =	simm.s32 $0x1C080;
	s8 =	simm.s32 $0x1C380;
	s9 =	simm.s32 $0x1C400  }
0x7: {  	s14 =	simm.s32 $0x1C500;
	s15 =	simm.s32 $0x1C580;
	s4 =	smul.u32 $0x5000, s7  }
0x8: {  	s16 =	simm.s32 $0x1C600;
	s17 =	simm.s32 $0x1C680;
	s21 =	smul.u32 $0x14000, s7  }
0x9: {  	s18 =	simm.s32 $0x1C700;
	s0 =	sand.u32 $0x1, s0;
	s7 =	smul.u32 $0x50000, s7  }
0xa: {  	s19 =	simm.s32 $0x1C780;
	[smem:$0x7FF] =	sst s3;
	s5 =	smul.u32 $0x2800, s0  }
0xb: {  	s6 =	smul.u32 $0x140000, s0;
	_ =	strace $0x80000047;
	s0 =	ssub.s32 $0x2, s0  }
0xc: {  	s22 =	sshrl.u32 s7, $0x2;
	s23 =	sshrl.u32 s0, $0x1;
	s7 =	simm.s32 $0x1C300  }
0xd: {  	s4 =	sadd.s32 s5, s4;
	s5 =	sadd.s32 s21, s6;
	s22 =	sadd.s32 s22, s2  }
0xe: {  	s0 =	ssub.s32 s0, s23;
	s23 =	simm.s32 $0x1C880;
	s6 =	simm.s32 $0x1C280  }
0xf: {  	s21 =	simm.s32 $0x0;
	s4 =	sshrl.u32 s4, $0x3;
	s5 =	sshrl.u32 s5, $0x3  }
0x10: {  	s24 =	sadd.s32 $0x8000, s22;
	s25 =	sadd.s32 $0x10000, s22;
	[dreg:$0x3] =	wrdreg s22  }
0x11: {  	s0 =	smax.u32 s0, $0x1;
	s4 =	sadd.s32 s4, s1;
	[dreg:$0x4] =	wrdreg s24  }
.Ltmp0:
0x12: {  	s1 =	sadd.s32 s5, s1;
	[dreg:$0x5] =	wrdreg s25;
	(pc) =	sbr.rel .LBB2_1-.Ltmp0, $4  }
0x13: {  	[dreg:$0x7] =	wrdreg s0;
	s24 =	simm.s32 $0x1CD80;
	s25 =	simm.s32 $0x1CE00  }
0x14: {  	s0 =	simm.s32 $0x1C180;
	s5 =	simm.s32 $0x1C200;
	s1 =	sadd.s32 $0xD600, s1  }
0x15: {  	s26 =	sadd.s32 $0x3600, s4;
	s4 =	simm.s32 $0x1C480;
	[dreg:$0x6] =	wrdreg s1  }
0x16: {  	v0 =	vimm.f32 $0.0e+00;
	v1 =	vimm.f32 $1.000000000e+00;
	[dreg:$0x8] =	wrdreg s26;
	s26 =	simm.s32 $0x1CE80;
	s1 =	simm.s32 $0x1C100  }
.LBB2_10:
0x17: {  	s20 =	stileid.u32;
	[bflag:$0x0] =	sbarrier.arrive $0xFFFF  }
0x18: {  	s20 =	sshll.u32 s20, $0x6;
	s22 =	rddreg [dreg:$0x3]  }
0x19: {  	s23 =	rddreg [dreg:$0x6];
	s20 =	sor.u32 $0x1C03, s20;
	s21 =	sshrl.u32 s22, $0x3  }
0x1a: {  	[hbm:s23], [sflag:s20] =	dma.local [spmem:s21], $0x2800  }
0x1b: {  	_ =	swait.ge [sflag:s11], $0x2800  }
0x1c: {  	s20 =	rddreg [dreg:$0x9]  }
0x1d: {  	s21 =	sadd.s32 $0x1, s20;
	s20 =	rddreg [dreg:$0x7]  }
0x1e: {  	p0 =	sne.s32 s21, s20  }
.Ltmp1:
0x1f: {  	_ = 	snop;
	(pc) =	sbr.rel @!p0 .LBB2_11-.Ltmp1, $3  }
0x20: {  	_ =	sdelay $0x1  }
0x21: {  	[sflag:s11] =	ssyncset.done $0x0  }
0x22: {  	s23 =	simm.s32 $0x1C880;
	[sflag:s11] =	ssyncadd.s32 $0xFFFFD800  }
.LBB2_1:
0x23: {  	[dreg:$0x9] =	wrdreg s21;
	s20 =	simm.s32 $0x0;
	s21 =	simm.s32 $0x200  }
.LBB2_2:
0x24: {  	p0 =	sne.s32 s21, $0x1FE00;
	[tilespmem:s20+$0x14070] =	vst v0  }
0x25: {  	[tilespmem:s20+$0x14000] =	vst v0  }
0x26: {  	[tilespmem:s20+$0x14010] =	vst v0  }
.Ltmp2:
0x27: {  	[tilespmem:s20+$0x14020] =	vst v0;
	(pc) =	sbr.rel @p0 .LBB2_2-.Ltmp2, $4  }
0x28: {  	[tilespmem:s20+$0x14030] =	vst v0  }
0x29: {  	[tilespmem:s20+$0x14040] =	vst v0  }
0x2a: {  	[tilespmem:s20+$0x14050] =	vst v0  }
0x2b: {  	[tilespmem:s20+$0x14060] =	vst v0;
	s20 =	sshra.s32 s21, $0x2;
	s21 =	sadd.s32 $0x200, s21  }
0x2c: {  	[tilespmem:s20+$0x14070] =	vst v0  }
0x2d: {  	[tilespmem:s20+$0x14000] =	vst v0  }
0x2e: {  	[tilespmem:s20+$0x14010] =	vst v0  }
0x2f: {  	[tilespmem:s20+$0x14020] =	vst v0  }
0x30: {  	[tilespmem:s20+$0x14030] =	vst v0  }
0x31: {  	[tilespmem:s20+$0x14040] =	vst v0  }
0x32: {  	[tilespmem:s20+$0x14050] =	vst v0  }
0x33: {  	[tilespmem:s20+$0x14060] =	vst v0  }
0x34: {  	[spmem:s22] =	stream.linear.scatter [tilespmem:s10], [sflag:$0x3], $0x8000, $0x38;
	[tilespmem:$0x1D000] =	vst v63  }
0x35: {  	_ =	swait.ge [sflag:s11], $0x8000  }
0x36: {  	[sflag:s11] =	ssyncset.done $0x0  }
0x37: {  	s21 =	rddreg [dreg:$0x4];
	[sflag:s11] =	ssyncadd.s32 $0xFFFF8000  }
0x38: {  	[spmem:s21] =	stream.linear.scatter [tilespmem:s10], [sflag:$0x3], $0x8000, $0x38;
	[tilespmem:$0x1D000] =	vst v63  }
0x39: {  	_ =	swait.ge [sflag:s11], $0x8000  }
0x3a: {  	[sflag:s11] =	ssyncset.done $0x0  }
0x3b: {  	s22 =	rddreg [dreg:$0x5];
	[sflag:s11] =	ssyncadd.s32 $0xFFFF8000  }
0x3c: {  	[spmem:s22] =	stream.linear.scatter [tilespmem:s10], [sflag:$0x3], $0x4000, $0x38;
	[tilespmem:$0x1D000] =	vst v63  }
0x3d: {  	_ =	swait.ge [sflag:s11], $0x4000  }
0x3e: {  	[sflag:s11] =	ssyncset.done $0x0  }
0x3f: {  	s20 =	simm.s32 $0x0;
	s21 =	simm.s32 $0x200;
	[sflag:s11] =	ssyncadd.s32 $0xFFFFC000  }
.LBB2_4:
0x40: {  	p0 =	sne.s32 s21, $0xFE00;
	[tilespmem:s20+$0x14070] =	vst v1  }
0x41: {  	[tilespmem:s20+$0x14000] =	vst v1  }
0x42: {  	[tilespmem:s20+$0x14010] =	vst v1  }
.Ltmp3:
0x43: {  	[tilespmem:s20+$0x14020] =	vst v1;
	(pc) =	sbr.rel @p0 .LBB2_4-.Ltmp3, $4  }
0x44: {  	[tilespmem:s20+$0x14030] =	vst v1  }
0x45: {  	[tilespmem:s20+$0x14040] =	vst v1  }
0x46: {  	[tilespmem:s20+$0x14050] =	vst v1  }
0x47: {  	[tilespmem:s20+$0x14060] =	vst v1;
	s20 =	sshra.s32 s21, $0x2;
	s21 =	sadd.s32 $0x200, s21  }
0x48: {  	[tilespmem:s20+$0x14070] =	vst v1  }
0x49: {  	[tilespmem:s20+$0x14000] =	vst v1  }
0x4a: {  	[tilespmem:s20+$0x14010] =	vst v1  }
0x4b: {  	[tilespmem:s20+$0x14020] =	vst v1  }
0x4c: {  	[tilespmem:s20+$0x14030] =	vst v1  }
.Ltmp4:
0x4d: {  	[tilespmem:s20+$0x14040] =	vst v1;
	(pc) =	sbr.rel .LBB2_6-.Ltmp4, $4  }
0x4e: {  	[tilespmem:s20+$0x14050] =	vst v1  }
0x4f: {  	[tilespmem:s20+$0x14060] =	vst v1  }
0x50: {  	[bflag:$0x0] =	sbarrier.arrive $0xFFFF  }
0x51: {  	s20 =	simm.s32 $0x0;
	s21 =	rddreg [dreg:$0x8]  }
.LBB2_8:
0x52: {  	[tilespmem:s12], [sflag:$0x3] =	stream.linear.gather [hbm4b:s21+s3], $0x800, $0x38;
	[tilespmem:$0x1D000] =	vst v63  }
0x53: {  	_ =	swait.ge [sflag:s11], $0x800  }
0x54: {  	[sflag:s11] =	ssyncset.done $0x0  }
0x55: {  	[sflag:s11] =	ssyncadd.s32 $0xFFFFF800  }
0x56: {  	[spmem:s2] =	stream.indirect.scatter.add.f32 [tilespmem:s10], [sflag:$0x2], $0x80, s12, s13, $0xb8;
	[tilespmem:$0x1D000] =	vst v63  }
0x57: {  	_ = 	snop  }
0x58: {  	[spmem:s2] =	stream.indirect.scatter.add.f32 [tilespmem:s10], [sflag:$0x2], $0x80, s23, s13, $0xb8;
	[tilespmem:$0x1D000] =	vst v63  }
0x59: {  	s22 =	simm.s32 $0x1C900  }
0x5a: {  	[spmem:s2] =	stream.indirect.scatter.add.f32 [tilespmem:s10], [sflag:$0x2], $0x80, s22, s13, $0xb8;
	[tilespmem:$0x1D000] =	vst v63  }
0x5b: {  	s22 =	simm.s32 $0x1C980  }
0x5c: {  	[spmem:s2] =	stream.indirect.scatter.add.f32 [tilespmem:s10], [sflag:$0x2], $0x80, s22, s13, $0xb8;
	[tilespmem:$0x1D000] =	vst v63  }
0x5d: {  	s22 =	simm.s32 $0x1CA00  }
0x5e: {  	[spmem:s2] =	stream.indirect.scatter.add.f32 [tilespmem:s10], [sflag:$0x2], $0x80, s22, s13, $0xb8;
	[tilespmem:$0x1D000] =	vst v63  }
0x5f: {  	s22 =	simm.s32 $0x1CA80  }
0x60: {  	[spmem:s2] =	stream.indirect.scatter.add.f32 [tilespmem:s10], [sflag:$0x2], $0x80, s22, s13, $0xb8;
	[tilespmem:$0x1D000] =	vst v63  }
0x61: {  	s22 =	simm.s32 $0x1CB00  }
0x62: {  	[spmem:s2] =	stream.indirect.scatter.add.f32 [tilespmem:s10], [sflag:$0x2], $0x80, s22, s13, $0xb8;
	[tilespmem:$0x1D000] =	vst v63  }
0x63: {  	s22 =	simm.s32 $0x1CB80  }
0x64: {  	[spmem:s2] =	stream.indirect.scatter.add.f32 [tilespmem:s10], [sflag:$0x2], $0x80, s22, s13, $0xb8;
	[tilespmem:$0x1D000] =	vst v63  }
0x65: {  	s22 =	simm.s32 $0x1CC00  }
0x66: {  	[spmem:s2] =	stream.indirect.scatter.add.f32 [tilespmem:s10], [sflag:$0x2], $0x80, s22, s13, $0xb8;
	[tilespmem:$0x1D000] =	vst v63  }
0x67: {  	s22 =	simm.s32 $0x1CC80  }
0x68: {  	[spmem:s2] =	stream.indirect.scatter.add.f32 [tilespmem:s10], [sflag:$0x2], $0x80, s22, s13, $0xb8;
	[tilespmem:$0x1D000] =	vst v63  }
0x69: {  	s22 =	simm.s32 $0x1CD00  }
0x6a: {  	[spmem:s2] =	stream.indirect.scatter.add.f32 [tilespmem:s10], [sflag:$0x2], $0x80, s22, s13, $0xb8;
	[tilespmem:$0x1D000] =	vst v63  }
0x6b: {  	_ = 	snop  }
0x6c: {  	[spmem:s2] =	stream.indirect.scatter.add.f32 [tilespmem:s10], [sflag:$0x2], $0x80, s24, s13, $0xb8;
	[tilespmem:$0x1D000] =	vst v63  }
0x6d: {  	_ = 	snop  }
0x6e: {  	[spmem:s2] =	stream.indirect.scatter.add.f32 [tilespmem:s10], [sflag:$0x2], $0x80, s25, s13, $0xb8;
	[tilespmem:$0x1D000] =	vst v63  }
0x6f: {  	_ = 	snop  }
0x70: {  	[spmem:s2] =	stream.indirect.scatter.add.f32 [tilespmem:s10], [sflag:$0x2], $0x80, s26, s13, $0xb8;
	[tilespmem:$0x1D000] =	vst v63  }
0x71: {  	_ = 	snop  }
0x72: {  	[spmem:s2] =	stream.indirect.scatter.add.f32 [tilespmem:s10], [sflag:$0x2], $0x80, s28, s13, $0xb8;
	[tilespmem:$0x1D000] =	vst v63  }
0x73: {  	s22 =	simm.s32 $0x2  }
0x74: {  	[spmem:s2] =	stream.indirect.scatter.add.f32 [tilespmem:s10], [sflag:$0x2], $0x80, s29, s13, $0xb8;
	[tilespmem:$0x1D000] =	vst v63  }
.LBB2_9:
0x75: {  	_ =	swait.ge [sflag:s22], $0x4000  }
0x76: {  	[sflag:s22] =	ssyncset.done $0x0  }
0x77: {  	[sflag:s22] =	ssyncadd.s32 $0xFFFFC000  }
0x78: {  	_ =	swait.ge [sflag:s22], $0x4000  }
0x79: {  	[sflag:s22] =	ssyncset.done $0x0  }
0x7a: {  	[sflag:s22] =	ssyncadd.s32 $0xFFFFC000  }
0x7b: {  	_ =	swait.ge [sflag:s22], $0x4000  }
0x7c: {  	[sflag:s22] =	ssyncset.done $0x0  }
0x7d: {  	[sflag:s22] =	ssyncadd.s32 $0xFFFFC000  }
0x7e: {  	_ =	swait.ge [sflag:s22], $0x4000  }
0x7f: {  	[sflag:s22] =	ssyncset.done $0x0  }
0x80: {  	[sflag:s22] =	ssyncadd.s32 $0xFFFFC000  }
0x81: {  	_ =	swait.ge [sflag:s22], $0x4000  }
0x82: {  	[sflag:s22] =	ssyncset.done $0x0  }
0x83: {  	[sflag:s22] =	ssyncadd.s32 $0xFFFFC000  }
0x84: {  	_ =	swait.ge [sflag:s22], $0x4000  }
0x85: {  	[sflag:s22] =	ssyncset.done $0x0  }
0x86: {  	[sflag:s22] =	ssyncadd.s32 $0xFFFFC000  }
0x87: {  	_ =	swait.ge [sflag:s22], $0x4000  }
0x88: {  	[sflag:s22] =	ssyncset.done $0x0  }
0x89: {  	[sflag:s22] =	ssyncadd.s32 $0xFFFFC000  }
0x8a: {  	_ =	swait.ge [sflag:s22], $0x4000  }
0x8b: {  	[sflag:s22] =	ssyncset.done $0x0  }
0x8c: {  	[sflag:s22] =	ssyncadd.s32 $0xFFFFC000  }
0x8d: {  	_ =	swait.ge [sflag:s22], $0x4000  }
0x8e: {  	[sflag:s22] =	ssyncset.done $0x0  }
0x8f: {  	[sflag:s22] =	ssyncadd.s32 $0xFFFFC000  }
0x90: {  	_ =	swait.ge [sflag:s22], $0x4000  }
0x91: {  	[sflag:s22] =	ssyncset.done $0x0  }
0x92: {  	[sflag:s22] =	ssyncadd.s32 $0xFFFFC000  }
0x93: {  	_ =	swait.ge [sflag:s22], $0x4000  }
0x94: {  	[sflag:s22] =	ssyncset.done $0x0  }
0x95: {  	[sflag:s22] =	ssyncadd.s32 $0xFFFFC000  }
0x96: {  	_ =	swait.ge [sflag:s22], $0x4000  }
0x97: {  	[sflag:s22] =	ssyncset.done $0x0  }
0x98: {  	[sflag:s22] =	ssyncadd.s32 $0xFFFFC000  }
0x99: {  	_ =	swait.ge [sflag:s22], $0x4000  }
0x9a: {  	[sflag:s22] =	ssyncset.done $0x0  }
0x9b: {  	[sflag:s22] =	ssyncadd.s32 $0xFFFFC000  }
0x9c: {  	_ =	swait.ge [sflag:s22], $0x4000  }
0x9d: {  	[sflag:s22] =	ssyncset.done $0x0  }
0x9e: {  	s20 =	sadd.s32 $0x1, s20;
	[sflag:s22] =	ssyncadd.s32 $0xFFFFC000  }
0x9f: {  	p0 =	sne.s32 s20, $0x5;
	_ =	swait.ge [sflag:s22], $0x4000  }
.Ltmp5:
0xa0: {  	[sflag:s22] =	ssyncset.done $0x0;
	(pc) =	sbr.rel @!p0 .LBB2_10-.Ltmp5, $4  }
0xa1: {  	[sflag:s22] =	ssyncadd.s32 $0xFFFFC000  }
0xa2: {  	_ =	swait.ge [sflag:s22], $0x4000  }
0xa3: {  	[sflag:s22] =	ssyncset.done $0x0  }
0xa4: {  	s21 =	sadd.s32 $0x100, s21;
	[sflag:s22] =	ssyncadd.s32 $0xFFFFC000  }
.LBB2_6:
0xa5: {  	s22 =	sand.u32 $0x1, s20  }
0xa6: {  	p0 =	seq.s32 s22, $0x1  }
.Ltmp6:
0xa7: {  	_ = 	snop;
	(pc) =	sbr.rel @p0 .LBB2_8-.Ltmp6, $1  }
0xa8: {  	_ =	sdelay $0x3  }
0xa9: {  	[tilespmem:s30], [sflag:$0x3] =	stream.linear.gather [hbm4b:s21+s3], $0x800, $0x38;
	[tilespmem:$0x1D000] =	vst v63  }
0xaa: {  	_ =	swait.ge [sflag:s11], $0x800  }
0xab: {  	[sflag:s11] =	ssyncset.done $0x0  }
0xac: {  	[sflag:s11] =	ssyncadd.s32 $0xFFFFF800  }
0xad: {  	[spmem:s2] =	stream.indirect.scatter.add.f32 [tilespmem:s10], [sflag:$0x1], $0x80, s30, s13, $0xb8;
	[tilespmem:$0x1D000] =	vst v63  }
0xae: {  	_ = 	snop  }
0xaf: {  	[spmem:s2] =	stream.indirect.scatter.add.f32 [tilespmem:s10], [sflag:$0x1], $0x80, s31, s13, $0xb8;
	[tilespmem:$0x1D000] =	vst v63  }
0xb0: {  	_ = 	snop  }
0xb1: {  	[spmem:s2] =	stream.indirect.scatter.add.f32 [tilespmem:s10], [sflag:$0x1], $0x80, s1, s13, $0xb8;
	[tilespmem:$0x1D000] =	vst v63  }
0xb2: {  	_ = 	snop  }
0xb3: {  	[spmem:s2] =	stream.indirect.scatter.add.f32 [tilespmem:s10], [sflag:$0x1], $0x80, s0, s13, $0xb8;
	[tilespmem:$0x1D000] =	vst v63  }
0xb4: {  	_ = 	snop  }
0xb5: {  	[spmem:s2] =	stream.indirect.scatter.add.f32 [tilespmem:s10], [sflag:$0x1], $0x80, s5, s13, $0xb8;
	[tilespmem:$0x1D000] =	vst v63  }
0xb6: {  	_ = 	snop  }
0xb7: {  	[spmem:s2] =	stream.indirect.scatter.add.f32 [tilespmem:s10], [sflag:$0x1], $0x80, s6, s13, $0xb8;
	[tilespmem:$0x1D000] =	vst v63  }
0xb8: {  	_ = 	snop  }
0xb9: {  	[spmem:s2] =	stream.indirect.scatter.add.f32 [tilespmem:s10], [sflag:$0x1], $0x80, s7, s13, $0xb8;
	[tilespmem:$0x1D000] =	vst v63  }
0xba: {  	_ = 	snop  }
0xbb: {  	[spmem:s2] =	stream.indirect.scatter.add.f32 [tilespmem:s10], [sflag:$0x1], $0x80, s8, s13, $0xb8;
	[tilespmem:$0x1D000] =	vst v63  }
0xbc: {  	_ = 	snop  }
0xbd: {  	[spmem:s2] =	stream.indirect.scatter.add.f32 [tilespmem:s10], [sflag:$0x1], $0x80, s9, s13, $0xb8;
	[tilespmem:$0x1D000] =	vst v63  }
0xbe: {  	_ = 	snop  }
0xbf: {  	[spmem:s2] =	stream.indirect.scatter.add.f32 [tilespmem:s10], [sflag:$0x1], $0x80, s4, s13, $0xb8;
	[tilespmem:$0x1D000] =	vst v63  }
0xc0: {  	_ = 	snop  }
0xc1: {  	[spmem:s2] =	stream.indirect.scatter.add.f32 [tilespmem:s10], [sflag:$0x1], $0x80, s14, s13, $0xb8;
	[tilespmem:$0x1D000] =	vst v63  }
0xc2: {  	_ = 	snop  }
0xc3: {  	[spmem:s2] =	stream.indirect.scatter.add.f32 [tilespmem:s10], [sflag:$0x1], $0x80, s15, s13, $0xb8;
	[tilespmem:$0x1D000] =	vst v63  }
0xc4: {  	_ = 	snop  }
0xc5: {  	[spmem:s2] =	stream.indirect.scatter.add.f32 [tilespmem:s10], [sflag:$0x1], $0x80, s16, s13, $0xb8;
	[tilespmem:$0x1D000] =	vst v63  }
0xc6: {  	_ = 	snop  }
0xc7: {  	[spmem:s2] =	stream.indirect.scatter.add.f32 [tilespmem:s10], [sflag:$0x1], $0x80, s17, s13, $0xb8;
	[tilespmem:$0x1D000] =	vst v63  }
.Ltmp7:
0xc8: {  	_ = 	snop;
	(pc) =	sbr.rel .LBB2_9-.Ltmp7, $4  }
0xc9: {  	_ = 	snop  }
0xca: {  	[spmem:s2] =	stream.indirect.scatter.add.f32 [tilespmem:s10], [sflag:$0x1], $0x80, s18, s13, $0xb8;
	[tilespmem:$0x1D000] =	vst v63  }
0xcb: {  	s22 =	simm.s32 $0x1  }
0xcc: {  	[spmem:s2] =	stream.indirect.scatter.add.f32 [tilespmem:s10], [sflag:$0x1], $0x80, s19, s13, $0xb8;
	[tilespmem:$0x1D000] =	vst v63  }
.LBB2_11:
0xcd: {  	_ =	sfence.sel $0x180000  }
0xce: {  	[bflag:$0x0] =	sbarrier.arrive $0xFFFF  }
0xcf: {  	_ =	strace $0x90000047  }
0xd0: {  	s0 =	stileid.u32;
	[bflag:$0x2] =	sbarrier.arrive $0xFFFF  }
0xd1: {  	p0 =	sne.s32 s0, $0x0;
	s0 =	rddreg [dreg:$0x2]  }
0xd2: {  	s0 =	sadd.s32 @!p0 $0x100000, s0  }
0xd3: {  	[sflag:s0] =	ssyncadd.tile.s32 @!p0 $0x1;
	_ =	shalt  }
.Lfunc_end2:
_tile_overlayer_lowered:
.L_overlay_start_2:
0xd4: {  	(tag) =	ssettag $0x2  }
0xd5: {  	s0 =	rddreg [dreg:$0x0];
	s2 =	stileid.u32  }
0xd6: {  	s1 =	rddreg [dreg:$0x1];
	p0 =	sne.s32 s2, $0x0  }
0xd7: {  	s3 =	rddreg [dreg:$0x2];
	[bflag:$0x3] =	sbarrier.arrive $0xFFFF;
	s2 =	simm.s32 @!p0 $0x1C03  }
0xd8: {  	[timem:s3], [sflag:s2] =	dma.local @!p0 [hbm:s0], s1  }
0xd9: {  	s0 =	simm.s32 @!p0 $0x3  }
0xda: {  	_ =	swait.ge @!p0 [sflag:s0], s1  }
0xdb: {  	s1 =	ssub.s32 @!p0 $0x0, s1;
	[sflag:s0] =	ssyncset.done @!p0 $0x0  }
0xdc: {  	[sflag:s0] =	ssyncadd.s32 @!p0 s1  }
0xdd: {  	[bflag:$0x3] =	sbarrier.arrive $0xFFFF  }
0xde: {  	_ =	shalt  }

</sc_bundles>
